<compile_context>
chip_gen: v7x
topology: tpu7x:2x2x1
jax: 0.10.2.dev20260603
libtpu: 0.0.44.dev20260713+nightly
codegen_flags: <defaults>
</compile_context>

<pallas_src>
import jax
import jax.numpy as jnp
from jax import lax
from jax.experimental import pallas as pl
from jax.experimental.pallas import tpu as pltpu
from jax.experimental.pallas import tpu_sc as plsc

SEQ = 200
HID = 64
BATCH = 4096

_info = plsc.get_sparse_core_info()
NC, NS = _info.num_cores, _info.num_subcores
NW = NC * NS
BT = BATCH // NW
NBUF = 4
LAG = 3
HT = HID // 8
NBT = BATCH // 128
TILE = 8 * 128


def _emb_body(xt_hbm, bpe_hbm, pos_hbm, out_hbm, xt_v, pos_v, *bufs):
    rows = bufs[:NBUF]
    tbuf = bufs[NBUF:2 * NBUF]
    gsem = bufs[2 * NBUF:3 * NBUF]
    osem = bufs[3 * NBUF:4 * NBUF]

    wid = lax.axis_index("s") * NC + lax.axis_index("c")
    c0 = wid * BT

    pltpu.sync_copy(xt_hbm.at[:, wid], xt_v)
    pltpu.sync_copy(pos_hbm.at[pl.ds(0, SEQ)], pos_v)

    biota = lax.iota(jnp.int32, 16)

    def start_gather(slot, buf):
        pltpu.async_copy(
            bpe_hbm.at[xt_v.at[slot // 8, slot % 8]], rows[buf], gsem[buf])

    for k in range(LAG):
        start_gather(k, k % NBUF)

    def outer(i, _):
        for b in range(NBUF):
            s = i * NBUF + b
            bp = (b + LAG) % NBUF

            @pl.when(s + LAG < SEQ)
            def _():
                start_gather(s + LAG, bp)

            pltpu.make_async_copy(
                bpe_hbm.at[xt_v.at[s]], rows[b], gsem[b]).wait()

            @pl.when(s >= NBUF)
            def _():
                for ht in range(HT):
                    pltpu.make_async_copy(
                        tbuf[b].at[pl.ds(0, 8), :128],
                        out_hbm.at[0, ht, 0], osem[b]).wait()

            pos_g = [pos_v[s, pl.ds(g * 16, 16)] for g in range(HID // 16)]
            row_g = [biota + g * 16 for g in range(HID // 16)]

            @plsc.parallel_loop(0, BT, unroll=12)
            def _(r):
                rvec = jnp.broadcast_to(jnp.int32(r), (16,))
                for g in range(HID // 16):
                    v = rows[b][r, pl.ds(g * 16, 16)] + pos_g[g]
                    plsc.store_scatter(tbuf[b], [row_g[g], rvec], v)

            for ht in range(HT):
                pltpu.async_copy(
                    tbuf[b].at[pl.ds(ht * 8, 8), :128],
                    out_hbm.at[s, ht, wid], osem[b])
        return 0

    lax.fori_loop(0, SEQ // NBUF, outer, 0)

    for b in range(NBUF):
        for ht in range(HT):
            pltpu.make_async_copy(
                tbuf[b].at[pl.ds(0, 8), :128],
                out_hbm.at[0, ht, 0], osem[b]).wait()


@jax.jit
def _emb(x, bpe_table, pos_table):
    mesh = plsc.VectorSubcoreMesh(core_axis_name="c", subcore_axis_name="s")
    f = pl.kernel(
        _emb_body,
        out_type=jax.ShapeDtypeStruct((SEQ, HT, NBT, 8, 128), jnp.float32),
        mesh=mesh,
        scratch_types=(
            [pltpu.VMEM((SEQ // 8, 8, 128), jnp.int32),
             pltpu.VMEM((SEQ, HID), jnp.float32)]
            + [pltpu.VMEM((BT, HID), jnp.float32) for _ in range(NBUF)]
            + [pltpu.VMEM((HID, BT + 1), jnp.float32) for _ in range(NBUF)]
            + [pltpu.SemaphoreType.DMA for _ in range(2 * NBUF)]
        ),
        compiler_params=pltpu.CompilerParams(
            use_tc_tiling_on_sc=False, needs_layout_passes=False),
    )
    x_tiled = x.T.reshape(SEQ // 8, 8, NBT, 128).transpose(0, 2, 1, 3)
    phys = f(x_tiled, bpe_table, pos_table)
    return phys.transpose(2, 4, 0, 1, 3).reshape(BATCH, SEQ, HID)


def kernel(x, bpe_table, pos_table):
    return _emb(x, bpe_table, pos_table)

# --- scband reference (transcript-rebuilt; emitter-appended) ---
"""Pipeline reference for scband-embedding-layer-48404281426236 (READ-ONLY COPY).

The authoritative reference and input builder live on the scoring server;
editing this copy changes nothing except your own understanding.
"""

import jax, jax.numpy as jnp
import numpy as np

SEQ_LEN = 200
VOCAB = 100000
POS_VOCAB = 512
HIDDEN = 64
BATCH = 4096

def setup_inputs(seed: int = 0) -> dict:
    key = jax.random.key(seed)
    k1, k2, k3 = jax.random.split(key, 3)
    x = jax.random.randint(k1, (BATCH, SEQ_LEN), 0, VOCAB, dtype=jnp.int64 if jax.config.jax_enable_x64 else jnp.int32).astype(jnp.int32)
    bpe_table = jax.random.normal(k2, (VOCAB, HIDDEN), dtype=jnp.float32)
    pos_table = jax.random.normal(k3, (POS_VOCAB, HIDDEN), dtype=jnp.float32)
    return {"x": x, "bpe_table": bpe_table, "pos_table": pos_table}

def reference(x, bpe_table, pos_table):
    # bpe embedding lookup
    bpe = jnp.take(bpe_table, x, axis=0)  # [B, S, H]
    # positional indices expanded to x's shape
    pos_idx = jnp.broadcast_to(jnp.arange(SEQ_LEN, dtype=x.dtype)[None, :], x.shape)
    pos = jnp.take(pos_table, pos_idx, axis=0)  # [B, S, H]
    emb = bpe + pos
    return emb

if __name__ == "__main__":
    import jax
    _d = setup_inputs()
    print(jax.jit(kernel)(*tuple(_d.values())))

</pallas_src>

<mosaic_0001>
#map = affine_map<(d0, d1) -> (0, 0, 0, 0)>
#map1 = affine_map<(d0, d1) -> (0, 0)>
#map2 = affine_map<(d0, d1) -> (0, 0, 0, 0, 0)>
module attributes {stable_mosaic.version = 14 : i64} {
  func.func @_emb_body(%arg0: i32, %arg1: i32, %arg2: memref<25x32x8x128xi32, #tpu.memory_space<hbm>>, %arg3: memref<100000x64xf32, #tpu.memory_space<hbm>>, %arg4: memref<512x64xf32, #tpu.memory_space<hbm>>, %arg5: memref<200x8x32x8x128xf32, #tpu.memory_space<hbm>>, %arg6: memref<25x8x128xi32, #tpu.memory_space<vmem>>, %arg7: memref<200x64xf32, #tpu.memory_space<vmem>>, %arg8: memref<128x64xf32, #tpu.memory_space<vmem>>, %arg9: memref<128x64xf32, #tpu.memory_space<vmem>>, %arg10: memref<128x64xf32, #tpu.memory_space<vmem>>, %arg11: memref<128x64xf32, #tpu.memory_space<vmem>>, %arg12: memref<64x129xf32, #tpu.memory_space<vmem>>, %arg13: memref<64x129xf32, #tpu.memory_space<vmem>>, %arg14: memref<64x129xf32, #tpu.memory_space<vmem>>, %arg15: memref<64x129xf32, #tpu.memory_space<vmem>>, %arg16: memref<!tpu.dma_semaphore, #tpu.memory_space<semaphore_mem>>, %arg17: memref<!tpu.dma_semaphore, #tpu.memory_space<semaphore_mem>>, %arg18: memref<!tpu.dma_semaphore, #tpu.memory_space<semaphore_mem>>, %arg19: memref<!tpu.dma_semaphore, #tpu.memory_space<semaphore_mem>>, %arg20: memref<!tpu.dma_semaphore, #tpu.memory_space<semaphore_mem>>, %arg21: memref<!tpu.dma_semaphore, #tpu.memory_space<semaphore_mem>>, %arg22: memref<!tpu.dma_semaphore, #tpu.memory_space<semaphore_mem>>, %arg23: memref<!tpu.dma_semaphore, #tpu.memory_space<semaphore_mem>>) attributes {dimension_semantics = [#tpu.dimension_semantics<core_parallel>, #tpu.dimension_semantics<subcore_parallel>], iteration_bounds = array<i64: 2, 16>, scalar_prefetch = 0 : i64, scratch_operands = 18 : i64, tpu.core_type = #tpu.core_type<sc_vector_subcore>, window_params = [{transform_indices = #map}, {transform_indices = #map1}, {transform_indices = #map1}, {transform_indices = #map2}]} {
    %mul3A = arith.constant 2 : i32
    %mul3A_0 = arith.muli %arg1, %mul3A : i32
    %add3A = arith.addi %mul3A_0, %arg0 : i32
    %mul3A_1 = arith.constant 128 : i32
    %mul3A_2 = arith.muli %add3A, %mul3A_1 : i32
    "tpu.region"() ({
      %run_scoped3A = tpu.sem_alloc : memref<!tpu.dma_semaphore, #tpu.memory_space<semaphore_mem>>
      %dma_start3A_575 = arith.constant 0 : i32
      %dma_start3A_576 = arith.constant 0 : i32
      %dma_start3A_577 = arith.constant 0 : i32
      %dma_start3A_578 = tpu.memref_slice %arg2[%dma_start3A_575, %add3A, %dma_start3A_576, %dma_start3A_577] : memref<25x32x8x128xi32, #tpu.memory_space<hbm>> -> memref<25x1x8x128xi32, #tpu.memory_space<hbm>>
      %dma_start3A_579 = tpu.memref_squeeze %dma_start3A_578 : memref<25x1x8x128xi32, #tpu.memory_space<hbm>> -> memref<25x8x128xi32, #tpu.memory_space<hbm>>
      %dma_start3A_580 = arith.constant 0 : i32
      %dma_start3A_581 = arith.constant 0 : i32
      %dma_start3A_582 = arith.constant 0 : i32
      %dma_start3A_583 = tpu.memref_slice %arg2[%dma_start3A_580, %add3A, %dma_start3A_581, %dma_start3A_582] : memref<25x32x8x128xi32, #tpu.memory_space<hbm>> -> memref<25x1x8x128xi32, #tpu.memory_space<hbm>>
      %dma_start3A_584 = tpu.memref_squeeze %dma_start3A_583 : memref<25x1x8x128xi32, #tpu.memory_space<hbm>> -> memref<25x8x128xi32, #tpu.memory_space<hbm>>
      tpu.enqueue_dma source(%dma_start3A_584 : memref<25x8x128xi32, #tpu.memory_space<hbm>>) target(%arg6 : memref<25x8x128xi32, #tpu.memory_space<vmem>>) target_semaphore(%run_scoped3A : memref<!tpu.dma_semaphore, #tpu.memory_space<semaphore_mem>>)
      %dma_wait3A_585 = arith.constant 0 : i32
      %dma_wait3A_586 = arith.constant 0 : i32
      %dma_wait3A_587 = arith.constant 0 : i32
      %dma_wait3A_588 = tpu.memref_slice %arg2[%dma_wait3A_585, %add3A, %dma_wait3A_586, %dma_wait3A_587] : memref<25x32x8x128xi32, #tpu.memory_space<hbm>> -> memref<25x1x8x128xi32, #tpu.memory_space<hbm>>
      %dma_wait3A_589 = tpu.memref_squeeze %dma_wait3A_588 : memref<25x1x8x128xi32, #tpu.memory_space<hbm>> -> memref<25x8x128xi32, #tpu.memory_space<hbm>>
      %dma_wait3A_590 = arith.constant 0 : i32
      %dma_wait3A_591 = arith.constant 0 : i32
      %dma_wait3A_592 = arith.constant 0 : i32
      %dma_wait3A_593 = tpu.memref_slice %arg2[%dma_wait3A_590, %add3A, %dma_wait3A_591, %dma_wait3A_592] : memref<25x32x8x128xi32, #tpu.memory_space<hbm>> -> memref<25x1x8x128xi32, #tpu.memory_space<hbm>>
      %dma_wait3A_594 = tpu.memref_squeeze %dma_wait3A_593 : memref<25x1x8x128xi32, #tpu.memory_space<hbm>> -> memref<25x8x128xi32, #tpu.memory_space<hbm>>
      tpu.wait_dma2 semaphore(%run_scoped3A : memref<!tpu.dma_semaphore, #tpu.memory_space<semaphore_mem>>) src(%dma_wait3A_594 : memref<25x8x128xi32, #tpu.memory_space<hbm>>) dst(%arg6 : memref<25x8x128xi32, #tpu.memory_space<vmem>>)
      tpu.yield
    }) : () -> ()
    "tpu.region"() ({
      %run_scoped3A = tpu.sem_alloc : memref<!tpu.dma_semaphore, #tpu.memory_space<semaphore_mem>>
      %dma_start3A_575 = arith.constant 0 : i32
      %dma_start3A_576 = arith.constant 0 : i32
      %dma_start3A_577 = tpu.memref_slice %arg4[%dma_start3A_575, %dma_start3A_576] : memref<512x64xf32, #tpu.memory_space<hbm>> -> memref<200x64xf32, #tpu.memory_space<hbm>>
      %dma_start3A_578 = arith.constant 0 : i32
      %dma_start3A_579 = arith.constant 0 : i32
      %dma_start3A_580 = tpu.memref_slice %arg4[%dma_start3A_578, %dma_start3A_579] : memref<512x64xf32, #tpu.memory_space<hbm>> -> memref<200x64xf32, #tpu.memory_space<hbm>>
      tpu.enqueue_dma source(%dma_start3A_580 : memref<200x64xf32, #tpu.memory_space<hbm>>) target(%arg7 : memref<200x64xf32, #tpu.memory_space<vmem>>) target_semaphore(%run_scoped3A : memref<!tpu.dma_semaphore, #tpu.memory_space<semaphore_mem>>)
      %dma_wait3A_581 = arith.constant 0 : i32
      %dma_wait3A_582 = arith.constant 0 : i32
      %dma_wait3A_583 = tpu.memref_slice %arg4[%dma_wait3A_581, %dma_wait3A_582] : memref<512x64xf32, #tpu.memory_space<hbm>> -> memref<200x64xf32, #tpu.memory_space<hbm>>
      %dma_wait3A_584 = arith.constant 0 : i32
      %dma_wait3A_585 = arith.constant 0 : i32
      %dma_wait3A_586 = tpu.memref_slice %arg4[%dma_wait3A_584, %dma_wait3A_585] : memref<512x64xf32, #tpu.memory_space<hbm>> -> memref<200x64xf32, #tpu.memory_space<hbm>>
      tpu.wait_dma2 semaphore(%run_scoped3A : memref<!tpu.dma_semaphore, #tpu.memory_space<semaphore_mem>>) src(%dma_wait3A_586 : memref<200x64xf32, #tpu.memory_space<hbm>>) dst(%arg7 : memref<200x64xf32, #tpu.memory_space<vmem>>)
      tpu.yield
    }) : () -> ()
    %iota3A = tpu.iota {dimensions = array<i32: 0>} : vector<16xi32>
    %dma_start3A = arith.constant 0 : i32
    %dma_start3A_3 = arith.constant 0 : i32
    %dma_start3A_4 = arith.constant 0 : i32
    %dma_start3A_5 = tpu.memref_slice %arg6[%dma_start3A, %dma_start3A_3, %dma_start3A_4] : memref<25x8x128xi32, #tpu.memory_space<vmem>> -> memref<1x1x128xi32, #tpu.memory_space<vmem>>
    %dma_start3A_6 = tpu.memref_squeeze %dma_start3A_5 : memref<1x1x128xi32, #tpu.memory_space<vmem>> -> memref<128xi32, #tpu.memory_space<vmem>>
    %dma_start3A_7 = arith.constant 0 : i32
    %dma_start3A_8 = arith.constant 0 : i32
    %dma_start3A_9 = tpu.memref_slice %arg3[%dma_start3A_7, %dma_start3A_8] : memref<100000x64xf32, #tpu.memory_space<hbm>> -> memref<100000x64xf32, #tpu.memory_space<hbm>>
    tpu.enqueue_indirect_dma source(%dma_start3A_9 : memref<100000x64xf32, #tpu.memory_space<hbm>>) target(%arg8 : memref<128x64xf32, #tpu.memory_space<vmem>>) offsets(%dma_start3A_6 : memref<128xi32, #tpu.memory_space<vmem>>) semaphore(%arg16 : memref<!tpu.dma_semaphore, #tpu.memory_space<semaphore_mem>>)
    %dma_start3A_10 = arith.constant 0 : i32
    %dma_start3A_11 = arith.constant 1 : i32
    %dma_start3A_12 = arith.constant 0 : i32
    %dma_start3A_13 = tpu.memref_slice %arg6[%dma_start3A_10, %dma_start3A_11, %dma_start3A_12] : memref<25x8x128xi32, #tpu.memory_space<vmem>> -> memref<1x1x128xi32, #tpu.memory_space<vmem>>
    %dma_start3A_14 = tpu.memref_squeeze %dma_start3A_13 : memref<1x1x128xi32, #tpu.memory_space<vmem>> -> memref<128xi32, #tpu.memory_space<vmem>>
    %dma_start3A_15 = arith.constant 0 : i32
    %dma_start3A_16 = arith.constant 0 : i32
    %dma_start3A_17 = tpu.memref_slice %arg3[%dma_start3A_15, %dma_start3A_16] : memref<100000x64xf32, #tpu.memory_space<hbm>> -> memref<100000x64xf32, #tpu.memory_space<hbm>>
    tpu.enqueue_indirect_dma source(%dma_start3A_17 : memref<100000x64xf32, #tpu.memory_space<hbm>>) target(%arg9 : memref<128x64xf32, #tpu.memory_space<vmem>>) offsets(%dma_start3A_14 : memref<128xi32, #tpu.memory_space<vmem>>) semaphore(%arg17 : memref<!tpu.dma_semaphore, #tpu.memory_space<semaphore_mem>>)
    %dma_start3A_18 = arith.constant 0 : i32
    %dma_start3A_19 = arith.constant 2 : i32
    %dma_start3A_20 = arith.constant 0 : i32
    %dma_start3A_21 = tpu.memref_slice %arg6[%dma_start3A_18, %dma_start3A_19, %dma_start3A_20] : memref<25x8x128xi32, #tpu.memory_space<vmem>> -> memref<1x1x128xi32, #tpu.memory_space<vmem>>
    %dma_start3A_22 = tpu.memref_squeeze %dma_start3A_21 : memref<1x1x128xi32, #tpu.memory_space<vmem>> -> memref<128xi32, #tpu.memory_space<vmem>>
    %dma_start3A_23 = arith.constant 0 : i32
    %dma_start3A_24 = arith.constant 0 : i32
    %dma_start3A_25 = tpu.memref_slice %arg3[%dma_start3A_23, %dma_start3A_24] : memref<100000x64xf32, #tpu.memory_space<hbm>> -> memref<100000x64xf32, #tpu.memory_space<hbm>>
    tpu.enqueue_indirect_dma source(%dma_start3A_25 : memref<100000x64xf32, #tpu.memory_space<hbm>>) target(%arg10 : memref<128x64xf32, #tpu.memory_space<vmem>>) offsets(%dma_start3A_22 : memref<128xi32, #tpu.memory_space<vmem>>) semaphore(%arg18 : memref<!tpu.dma_semaphore, #tpu.memory_space<semaphore_mem>>)
    %scan3A = arith.constant 0 : i32
    %scan3A_26 = arith.constant 0 : i32
    %scan3A_27 = arith.constant 50 : i32
    %scan3A_28 = arith.addi %scan3A_26, %scan3A_27 : i32
    %scan3A_29 = arith.constant 1 : i32
    %scan3A_30 = scf.for %scan3A_575 = %scan3A_26 to %scan3A_28 step %scan3A_29 iter_args(%scan3A_576 = %scan3A) -> (i32)  : i32 {
      %mul3A_577 = arith.constant 4 : i32
      %mul3A_578 = arith.muli %scan3A_575, %mul3A_577 : i32
      %add3A_579 = arith.constant 0 : i32
      %add3A_580 = arith.addi %mul3A_578, %add3A_579 : i32
      %add3A_581 = arith.constant 3 : i32
      %add3A_582 = arith.addi %add3A_580, %add3A_581 : i32
      %lt3A = arith.constant 200 : i32
      %lt3A_583 = arith.cmpi slt, %add3A_582, %lt3A : i32
      %convert_element_type3A = arith.extui %lt3A_583 : i1 to i32
      %cond3A = arith.constant 0 : i32
      %cond3A_584 = arith.cmpi ne, %convert_element_type3A, %cond3A : i32
      scf.if %cond3A_584 {
        %add3A_1252 = arith.constant 3 : i32
        %add3A_1253 = arith.addi %add3A_580, %add3A_1252 : i32
        %jit3A = arith.constant 8 : i32
        %div3A = arith.divsi %add3A_1253, %jit3A : i32
        %sign3A = arith.constant 0 : i32
        %sign3A_1254 = arith.cmpi sgt, %add3A_1253, %sign3A : i32
        %sign3A_1255 = arith.extui %sign3A_1254 : i1 to i32
        %sign3A_1256 = arith.constant 0 : i32
        %sign3A_1257 = arith.cmpi slt, %add3A_1253, %sign3A_1256 : i32
        %sign3A_1258 = arith.extui %sign3A_1257 : i1 to i32
        %sign3A_1259 = arith.subi %sign3A_1255, %sign3A_1258 : i32
        %sign3A_1260 = arith.constant 0 : i32
        %sign3A_1261 = arith.cmpi sgt, %jit3A, %sign3A_1260 : i32
        %sign3A_1262 = arith.extui %sign3A_1261 : i1 to i32
        %sign3A_1263 = arith.constant 0 : i32
        %sign3A_1264 = arith.cmpi slt, %jit3A, %sign3A_1263 : i32
        %sign3A_1265 = arith.extui %sign3A_1264 : i1 to i32
        %sign3A_1266 = arith.subi %sign3A_1262, %sign3A_1265 : i32
        %ne3A = arith.cmpi ne, %sign3A_1259, %sign3A_1266 : i32
        %rem3A = arith.remsi %add3A_1253, %jit3A : i32
        %ne3A_1267 = arith.constant 0 : i32
        %ne3A_1268 = arith.cmpi ne, %rem3A, %ne3A_1267 : i32
        %and3A = arith.andi %ne3A, %ne3A_1268 : i1
        %sub3A = arith.constant 1 : i32
        %sub3A_1269 = arith.subi %div3A, %sub3A : i32
        %select_n3A = arith.select %and3A, %sub3A_1269, %div3A : i32
        %jit3A_1270 = arith.constant 8 : i32
        %eq3A = arith.constant 0 : i32
        %eq3A_1271 = arith.cmpi eq, %jit3A_1270, %eq3A : i32
        %jit3A_1272 = arith.constant 1 : i32
        %select_n3A_1273 = arith.select %eq3A_1271, %jit3A_1272, %jit3A_1270 : i32
        %rem3A_1274 = arith.remsi %add3A_1253, %select_n3A_1273 : i32
        %ne3A_1275 = arith.constant 0 : i32
        %ne3A_1276 = arith.cmpi ne, %rem3A_1274, %ne3A_1275 : i32
        %lt3A_1277 = arith.constant 0 : i32
        %lt3A_1278 = arith.cmpi slt, %rem3A_1274, %lt3A_1277 : i32
        %lt3A_1279 = arith.constant 0 : i32
        %lt3A_1280 = arith.cmpi slt, %select_n3A_1273, %lt3A_1279 : i32
        %ne3A_1281 = arith.xori %lt3A_1278, %lt3A_1280 : i1
        %and3A_1282 = arith.andi %ne3A_1281, %ne3A_1276 : i1
        %add3A_1283 = arith.addi %rem3A_1274, %select_n3A_1273 : i32
        %select_n3A_1284 = arith.select %and3A_1282, %add3A_1283, %rem3A_1274 : i32
        %dma_start3A_1285 = arith.constant 0 : i32
        %dma_start3A_1286 = tpu.memref_slice %arg6[%select_n3A, %select_n3A_1284, %dma_start3A_1285] : memref<25x8x128xi32, #tpu.memory_space<vmem>> -> memref<1x1x128xi32, #tpu.memory_space<vmem>>
        %dma_start3A_1287 = tpu.memref_squeeze %dma_start3A_1286 : memref<1x1x128xi32, #tpu.memory_space<vmem>> -> memref<128xi32, #tpu.memory_space<vmem>>
        %dma_start3A_1288 = arith.constant 0 : i32
        %dma_start3A_1289 = arith.constant 0 : i32
        %dma_start3A_1290 = tpu.memref_slice %arg3[%dma_start3A_1288, %dma_start3A_1289] : memref<100000x64xf32, #tpu.memory_space<hbm>> -> memref<100000x64xf32, #tpu.memory_space<hbm>>
        tpu.enqueue_indirect_dma source(%dma_start3A_1290 : memref<100000x64xf32, #tpu.memory_space<hbm>>) target(%arg11 : memref<128x64xf32, #tpu.memory_space<vmem>>) offsets(%dma_start3A_1287 : memref<128xi32, #tpu.memory_space<vmem>>) semaphore(%arg19 : memref<!tpu.dma_semaphore, #tpu.memory_space<semaphore_mem>>)
      } else {
      }
      %dma_wait3A_585 = arith.constant 0 : i32
      %dma_wait3A_586 = arith.constant 0 : i32
      %dma_wait3A_587 = tpu.memref_slice %arg6[%add3A_580, %dma_wait3A_585, %dma_wait3A_586] : memref<25x8x128xi32, #tpu.memory_space<vmem>> -> memref<1x8x128xi32, #tpu.memory_space<vmem>>
      %dma_wait3A_588 = tpu.memref_squeeze %dma_wait3A_587 : memref<1x8x128xi32, #tpu.memory_space<vmem>> -> memref<8x128xi32, #tpu.memory_space<vmem>>
      %dma_wait3A_589 = arith.constant 0 : i32
      %dma_wait3A_590 = arith.constant 0 : i32
      %dma_wait3A_591 = tpu.memref_slice %arg3[%dma_wait3A_589, %dma_wait3A_590] : memref<100000x64xf32, #tpu.memory_space<hbm>> -> memref<100000x64xf32, #tpu.memory_space<hbm>>
      tpu.wait_indirect_dma semaphore(%arg16 : memref<!tpu.dma_semaphore, #tpu.memory_space<semaphore_mem>>) src(%dma_wait3A_591 : memref<100000x64xf32, #tpu.memory_space<hbm>>) dst(%arg8 : memref<128x64xf32, #tpu.memory_space<vmem>>)
      %ge3A = arith.constant 4 : i32
      %ge3A_592 = arith.cmpi sge, %add3A_580, %ge3A : i32
      %convert_element_type3A_593 = arith.extui %ge3A_592 : i1 to i32
      %cond3A_594 = arith.constant 0 : i32
      %cond3A_595 = arith.cmpi ne, %convert_element_type3A_593, %cond3A_594 : i32
      scf.if %cond3A_595 {
        %dma_wait3A_1252 = arith.constant 0 : i32
        %dma_wait3A_1253 = arith.constant 0 : i32
        %dma_wait3A_1254 = arith.constant 0 : i32
        %dma_wait3A_1255 = arith.constant 0 : i32
        %dma_wait3A_1256 = arith.constant 0 : i32
        %dma_wait3A_1257 = tpu.memref_slice %arg12[%dma_wait3A_1255, %dma_wait3A_1256] : memref<64x129xf32, #tpu.memory_space<vmem>> -> memref<8x128xf32, #tpu.memory_space<vmem>>
        %dma_wait3A_1258 = arith.constant 0 : i32
        %dma_wait3A_1259 = arith.constant 0 : i32
        %dma_wait3A_1260 = tpu.memref_slice %arg5[%dma_wait3A_1252, %dma_wait3A_1253, %dma_wait3A_1254, %dma_wait3A_1258, %dma_wait3A_1259] : memref<200x8x32x8x128xf32, #tpu.memory_space<hbm>> -> memref<1x1x1x8x128xf32, #tpu.memory_space<hbm>>
        %dma_wait3A_1261 = tpu.memref_squeeze %dma_wait3A_1260 : memref<1x1x1x8x128xf32, #tpu.memory_space<hbm>> -> memref<8x128xf32, #tpu.memory_space<hbm>>
        %dma_wait3A_1262 = arith.constant 0 : i32
        %dma_wait3A_1263 = arith.constant 0 : i32
        %dma_wait3A_1264 = tpu.memref_slice %arg5[%dma_wait3A_1252, %dma_wait3A_1253, %dma_wait3A_1254, %dma_wait3A_1262, %dma_wait3A_1263] : memref<200x8x32x8x128xf32, #tpu.memory_space<hbm>> -> memref<1x1x1x8x128xf32, #tpu.memory_space<hbm>>
        %dma_wait3A_1265 = tpu.memref_squeeze %dma_wait3A_1264 : memref<1x1x1x8x128xf32, #tpu.memory_space<hbm>> -> memref<8x128xf32, #tpu.memory_space<hbm>>
        %dma_wait3A_1266 = arith.constant 0 : i32
        %dma_wait3A_1267 = arith.constant 0 : i32
        %dma_wait3A_1268 = tpu.memref_slice %arg12[%dma_wait3A_1266, %dma_wait3A_1267] : memref<64x129xf32, #tpu.memory_space<vmem>> -> memref<8x128xf32, #tpu.memory_space<vmem>>
        tpu.wait_dma2 semaphore(%arg20 : memref<!tpu.dma_semaphore, #tpu.memory_space<semaphore_mem>>) src(%dma_wait3A_1268 : memref<8x128xf32, #tpu.memory_space<vmem>>) dst(%dma_wait3A_1265 : memref<8x128xf32, #tpu.memory_space<hbm>>)
        %dma_wait3A_1269 = arith.constant 0 : i32
        %dma_wait3A_1270 = arith.constant 1 : i32
        %dma_wait3A_1271 = arith.constant 0 : i32
        %dma_wait3A_1272 = arith.constant 0 : i32
        %dma_wait3A_1273 = arith.constant 0 : i32
        %dma_wait3A_1274 = tpu.memref_slice %arg12[%dma_wait3A_1272, %dma_wait3A_1273] : memref<64x129xf32, #tpu.memory_space<vmem>> -> memref<8x128xf32, #tpu.memory_space<vmem>>
        %dma_wait3A_1275 = arith.constant 0 : i32
        %dma_wait3A_1276 = arith.constant 0 : i32
        %dma_wait3A_1277 = tpu.memref_slice %arg5[%dma_wait3A_1269, %dma_wait3A_1270, %dma_wait3A_1271, %dma_wait3A_1275, %dma_wait3A_1276] : memref<200x8x32x8x128xf32, #tpu.memory_space<hbm>> -> memref<1x1x1x8x128xf32, #tpu.memory_space<hbm>>
        %dma_wait3A_1278 = tpu.memref_squeeze %dma_wait3A_1277 : memref<1x1x1x8x128xf32, #tpu.memory_space<hbm>> -> memref<8x128xf32, #tpu.memory_space<hbm>>
        %dma_wait3A_1279 = arith.constant 0 : i32
        %dma_wait3A_1280 = arith.constant 0 : i32
        %dma_wait3A_1281 = tpu.memref_slice %arg5[%dma_wait3A_1269, %dma_wait3A_1270, %dma_wait3A_1271, %dma_wait3A_1279, %dma_wait3A_1280] : memref<200x8x32x8x128xf32, #tpu.memory_space<hbm>> -> memref<1x1x1x8x128xf32, #tpu.memory_space<hbm>>
        %dma_wait3A_1282 = tpu.memref_squeeze %dma_wait3A_1281 : memref<1x1x1x8x128xf32, #tpu.memory_space<hbm>> -> memref<8x128xf32, #tpu.memory_space<hbm>>
        %dma_wait3A_1283 = arith.constant 0 : i32
        %dma_wait3A_1284 = arith.constant 0 : i32
        %dma_wait3A_1285 = tpu.memref_slice %arg12[%dma_wait3A_1283, %dma_wait3A_1284] : memref<64x129xf32, #tpu.memory_space<vmem>> -> memref<8x128xf32, #tpu.memory_space<vmem>>
        tpu.wait_dma2 semaphore(%arg20 : memref<!tpu.dma_semaphore, #tpu.memory_space<semaphore_mem>>) src(%dma_wait3A_1285 : memref<8x128xf32, #tpu.memory_space<vmem>>) dst(%dma_wait3A_1282 : memref<8x128xf32, #tpu.memory_space<hbm>>)
        %dma_wait3A_1286 = arith.constant 0 : i32
        %dma_wait3A_1287 = arith.constant 2 : i32
        %dma_wait3A_1288 = arith.constant 0 : i32
        %dma_wait3A_1289 = arith.constant 0 : i32
        %dma_wait3A_1290 = arith.constant 0 : i32
        %dma_wait3A_1291 = tpu.memref_slice %arg12[%dma_wait3A_1289, %dma_wait3A_1290] : memref<64x129xf32, #tpu.memory_space<vmem>> -> memref<8x128xf32, #tpu.memory_space<vmem>>
        %dma_wait3A_1292 = arith.constant 0 : i32
        %dma_wait3A_1293 = arith.constant 0 : i32
        %dma_wait3A_1294 = tpu.memref_slice %arg5[%dma_wait3A_1286, %dma_wait3A_1287, %dma_wait3A_1288, %dma_wait3A_1292, %dma_wait3A_1293] : memref<200x8x32x8x128xf32, #tpu.memory_space<hbm>> -> memref<1x1x1x8x128xf32, #tpu.memory_space<hbm>>
        %dma_wait3A_1295 = tpu.memref_squeeze %dma_wait3A_1294 : memref<1x1x1x8x128xf32, #tpu.memory_space<hbm>> -> memref<8x128xf32, #tpu.memory_space<hbm>>
        %dma_wait3A_1296 = arith.constant 0 : i32
        %dma_wait3A_1297 = arith.constant 0 : i32
        %dma_wait3A_1298 = tpu.memref_slice %arg5[%dma_wait3A_1286, %dma_wait3A_1287, %dma_wait3A_1288, %dma_wait3A_1296, %dma_wait3A_1297] : memref<200x8x32x8x128xf32, #tpu.memory_space<hbm>> -> memref<1x1x1x8x128xf32, #tpu.memory_space<hbm>>
        %dma_wait3A_1299 = tpu.memref_squeeze %dma_wait3A_1298 : memref<1x1x1x8x128xf32, #tpu.memory_space<hbm>> -> memref<8x128xf32, #tpu.memory_space<hbm>>
        %dma_wait3A_1300 = arith.constant 0 : i32
        %dma_wait3A_1301 = arith.constant 0 : i32
        %dma_wait3A_1302 = tpu.memref_slice %arg12[%dma_wait3A_1300, %dma_wait3A_1301] : memref<64x129xf32, #tpu.memory_space<vmem>> -> memref<8x128xf32, #tpu.memory_space<vmem>>
        tpu.wait_dma2 semaphore(%arg20 : memref<!tpu.dma_semaphore, #tpu.memory_space<semaphore_mem>>) src(%dma_wait3A_1302 : memref<8x128xf32, #tpu.memory_space<vmem>>) dst(%dma_wait3A_1299 : memref<8x128xf32, #tpu.memory_space<hbm>>)
        %dma_wait3A_1303 = arith.constant 0 : i32
        %dma_wait3A_1304 = arith.constant 3 : i32
        %dma_wait3A_1305 = arith.constant 0 : i32
        %dma_wait3A_1306 = arith.constant 0 : i32
        %dma_wait3A_1307 = arith.constant 0 : i32
        %dma_wait3A_1308 = tpu.memref_slice %arg12[%dma_wait3A_1306, %dma_wait3A_1307] : memref<64x129xf32, #tpu.memory_space<vmem>> -> memref<8x128xf32, #tpu.memory_space<vmem>>
        %dma_wait3A_1309 = arith.constant 0 : i32
        %dma_wait3A_1310 = arith.constant 0 : i32
        %dma_wait3A_1311 = tpu.memref_slice %arg5[%dma_wait3A_1303, %dma_wait3A_1304, %dma_wait3A_1305, %dma_wait3A_1309, %dma_wait3A_1310] : memref<200x8x32x8x128xf32, #tpu.memory_space<hbm>> -> memref<1x1x1x8x128xf32, #tpu.memory_space<hbm>>
        %dma_wait3A_1312 = tpu.memref_squeeze %dma_wait3A_1311 : memref<1x1x1x8x128xf32, #tpu.memory_space<hbm>> -> memref<8x128xf32, #tpu.memory_space<hbm>>
        %dma_wait3A_1313 = arith.constant 0 : i32
        %dma_wait3A_1314 = arith.constant 0 : i32
        %dma_wait3A_1315 = tpu.memref_slice %arg5[%dma_wait3A_1303, %dma_wait3A_1304, %dma_wait3A_1305, %dma_wait3A_1313, %dma_wait3A_1314] : memref<200x8x32x8x128xf32, #tpu.memory_space<hbm>> -> memref<1x1x1x8x128xf32, #tpu.memory_space<hbm>>
        %dma_wait3A_1316 = tpu.memref_squeeze %dma_wait3A_1315 : memref<1x1x1x8x128xf32, #tpu.memory_space<hbm>> -> memref<8x128xf32, #tpu.memory_space<hbm>>
        %dma_wait3A_1317 = arith.constant 0 : i32
        %dma_wait3A_1318 = arith.constant 0 : i32
        %dma_wait3A_1319 = tpu.memref_slice %arg12[%dma_wait3A_1317, %dma_wait3A_1318] : memref<64x129xf32, #tpu.memory_space<vmem>> -> memref<8x128xf32, #tpu.memory_space<vmem>>
        tpu.wait_dma2 semaphore(%arg20 : memref<!tpu.dma_semaphore, #tpu.memory_space<semaphore_mem>>) src(%dma_wait3A_1319 : memref<8x128xf32, #tpu.memory_space<vmem>>) dst(%dma_wait3A_1316 : memref<8x128xf32, #tpu.memory_space<hbm>>)
        %dma_wait3A_1320 = arith.constant 0 : i32
        %dma_wait3A_1321 = arith.constant 4 : i32
        %dma_wait3A_1322 = arith.constant 0 : i32
        %dma_wait3A_1323 = arith.constant 0 : i32
        %dma_wait3A_1324 = arith.constant 0 : i32
        %dma_wait3A_1325 = tpu.memref_slice %arg12[%dma_wait3A_1323, %dma_wait3A_1324] : memref<64x129xf32, #tpu.memory_space<vmem>> -> memref<8x128xf32, #tpu.memory_space<vmem>>
        %dma_wait3A_1326 = arith.constant 0 : i32
        %dma_wait3A_1327 = arith.constant 0 : i32
        %dma_wait3A_1328 = tpu.memref_slice %arg5[%dma_wait3A_1320, %dma_wait3A_1321, %dma_wait3A_1322, %dma_wait3A_1326, %dma_wait3A_1327] : memref<200x8x32x8x128xf32, #tpu.memory_space<hbm>> -> memref<1x1x1x8x128xf32, #tpu.memory_space<hbm>>
        %dma_wait3A_1329 = tpu.memref_squeeze %dma_wait3A_1328 : memref<1x1x1x8x128xf32, #tpu.memory_space<hbm>> -> memref<8x128xf32, #tpu.memory_space<hbm>>
        %dma_wait3A_1330 = arith.constant 0 : i32
        %dma_wait3A_1331 = arith.constant 0 : i32
        %dma_wait3A_1332 = tpu.memref_slice %arg5[%dma_wait3A_1320, %dma_wait3A_1321, %dma_wait3A_1322, %dma_wait3A_1330, %dma_wait3A_1331] : memref<200x8x32x8x128xf32, #tpu.memory_space<hbm>> -> memref<1x1x1x8x128xf32, #tpu.memory_space<hbm>>
        %dma_wait3A_1333 = tpu.memref_squeeze %dma_wait3A_1332 : memref<1x1x1x8x128xf32, #tpu.memory_space<hbm>> -> memref<8x128xf32, #tpu.memory_space<hbm>>
        %dma_wait3A_1334 = arith.constant 0 : i32
        %dma_wait3A_1335 = arith.constant 0 : i32
        %dma_wait3A_1336 = tpu.memref_slice %arg12[%dma_wait3A_1334, %dma_wait3A_1335] : memref<64x129xf32, #tpu.memory_space<vmem>> -> memref<8x128xf32, #tpu.memory_space<vmem>>
        tpu.wait_dma2 semaphore(%arg20 : memref<!tpu.dma_semaphore, #tpu.memory_space<semaphore_mem>>) src(%dma_wait3A_1336 : memref<8x128xf32, #tpu.memory_space<vmem>>) dst(%dma_wait3A_1333 : memref<8x128xf32, #tpu.memory_space<hbm>>)
        %dma_wait3A_1337 = arith.constant 0 : i32
        %dma_wait3A_1338 = arith.constant 5 : i32
        %dma_wait3A_1339 = arith.constant 0 : i32
        %dma_wait3A_1340 = arith.constant 0 : i32
        %dma_wait3A_1341 = arith.constant 0 : i32
        %dma_wait3A_1342 = tpu.memref_slice %arg12[%dma_wait3A_1340, %dma_wait3A_1341] : memref<64x129xf32, #tpu.memory_space<vmem>> -> memref<8x128xf32, #tpu.memory_space<vmem>>
        %dma_wait3A_1343 = arith.constant 0 : i32
        %dma_wait3A_1344 = arith.constant 0 : i32
        %dma_wait3A_1345 = tpu.memref_slice %arg5[%dma_wait3A_1337, %dma_wait3A_1338, %dma_wait3A_1339, %dma_wait3A_1343, %dma_wait3A_1344] : memref<200x8x32x8x128xf32, #tpu.memory_space<hbm>> -> memref<1x1x1x8x128xf32, #tpu.memory_space<hbm>>
        %dma_wait3A_1346 = tpu.memref_squeeze %dma_wait3A_1345 : memref<1x1x1x8x128xf32, #tpu.memory_space<hbm>> -> memref<8x128xf32, #tpu.memory_space<hbm>>
        %dma_wait3A_1347 = arith.constant 0 : i32
        %dma_wait3A_1348 = arith.constant 0 : i32
        %dma_wait3A_1349 = tpu.memref_slice %arg5[%dma_wait3A_1337, %dma_wait3A_1338, %dma_wait3A_1339, %dma_wait3A_1347, %dma_wait3A_1348] : memref<200x8x32x8x128xf32, #tpu.memory_space<hbm>> -> memref<1x1x1x8x128xf32, #tpu.memory_space<hbm>>
        %dma_wait3A_1350 = tpu.memref_squeeze %dma_wait3A_1349 : memref<1x1x1x8x128xf32, #tpu.memory_space<hbm>> -> memref<8x128xf32, #tpu.memory_space<hbm>>
        %dma_wait3A_1351 = arith.constant 0 : i32
        %dma_wait3A_1352 = arith.constant 0 : i32
        %dma_wait3A_1353 = tpu.memref_slice %arg12[%dma_wait3A_1351, %dma_wait3A_1352] : memref<64x129xf32, #tpu.memory_space<vmem>> -> memref<8x128xf32, #tpu.memory_space<vmem>>
        tpu.wait_dma2 semaphore(%arg20 : memref<!tpu.dma_semaphore, #tpu.memory_space<semaphore_mem>>) src(%dma_wait3A_1353 : memref<8x128xf32, #tpu.memory_space<vmem>>) dst(%dma_wait3A_1350 : memref<8x128xf32, #tpu.memory_space<hbm>>)
        %dma_wait3A_1354 = arith.constant 0 : i32
        %dma_wait3A_1355 = arith.constant 6 : i32
        %dma_wait3A_1356 = arith.constant 0 : i32
        %dma_wait3A_1357 = arith.constant 0 : i32
        %dma_wait3A_1358 = arith.constant 0 : i32
        %dma_wait3A_1359 = tpu.memref_slice %arg12[%dma_wait3A_1357, %dma_wait3A_1358] : memref<64x129xf32, #tpu.memory_space<vmem>> -> memref<8x128xf32, #tpu.memory_space<vmem>>
        %dma_wait3A_1360 = arith.constant 0 : i32
        %dma_wait3A_1361 = arith.constant 0 : i32
        %dma_wait3A_1362 = tpu.memref_slice %arg5[%dma_wait3A_1354, %dma_wait3A_1355, %dma_wait3A_1356, %dma_wait3A_1360, %dma_wait3A_1361] : memref<200x8x32x8x128xf32, #tpu.memory_space<hbm>> -> memref<1x1x1x8x128xf32, #tpu.memory_space<hbm>>
        %dma_wait3A_1363 = tpu.memref_squeeze %dma_wait3A_1362 : memref<1x1x1x8x128xf32, #tpu.memory_space<hbm>> -> memref<8x128xf32, #tpu.memory_space<hbm>>
        %dma_wait3A_1364 = arith.constant 0 : i32
        %dma_wait3A_1365 = arith.constant 0 : i32
        %dma_wait3A_1366 = tpu.memref_slice %arg5[%dma_wait3A_1354, %dma_wait3A_1355, %dma_wait3A_1356, %dma_wait3A_1364, %dma_wait3A_1365] : memref<200x8x32x8x128xf32, #tpu.memory_space<hbm>> -> memref<1x1x1x8x128xf32, #tpu.memory_space<hbm>>
        %dma_wait3A_1367 = tpu.memref_squeeze %dma_wait3A_1366 : memref<1x1x1x8x128xf32, #tpu.memory_space<hbm>> -> memref<8x128xf32, #tpu.memory_space<hbm>>
        %dma_wait3A_1368 = arith.constant 0 : i32
        %dma_wait3A_1369 = arith.constant 0 : i32
        %dma_wait3A_1370 = tpu.memref_slice %arg12[%dma_wait3A_1368, %dma_wait3A_1369] : memref<64x129xf32, #tpu.memory_space<vmem>> -> memref<8x128xf32, #tpu.memory_space<vmem>>
        tpu.wait_dma2 semaphore(%arg20 : memref<!tpu.dma_semaphore, #tpu.memory_space<semaphore_mem>>) src(%dma_wait3A_1370 : memref<8x128xf32, #tpu.memory_space<vmem>>) dst(%dma_wait3A_1367 : memref<8x128xf32, #tpu.memory_space<hbm>>)
        %dma_wait3A_1371 = arith.constant 0 : i32
        %dma_wait3A_1372 = arith.constant 7 : i32
        %dma_wait3A_1373 = arith.constant 0 : i32
        %dma_wait3A_1374 = arith.constant 0 : i32
        %dma_wait3A_1375 = arith.constant 0 : i32
        %dma_wait3A_1376 = tpu.memref_slice %arg12[%dma_wait3A_1374, %dma_wait3A_1375] : memref<64x129xf32, #tpu.memory_space<vmem>> -> memref<8x128xf32, #tpu.memory_space<vmem>>
        %dma_wait3A_1377 = arith.constant 0 : i32
        %dma_wait3A_1378 = arith.constant 0 : i32
        %dma_wait3A_1379 = tpu.memref_slice %arg5[%dma_wait3A_1371, %dma_wait3A_1372, %dma_wait3A_1373, %dma_wait3A_1377, %dma_wait3A_1378] : memref<200x8x32x8x128xf32, #tpu.memory_space<hbm>> -> memref<1x1x1x8x128xf32, #tpu.memory_space<hbm>>
        %dma_wait3A_1380 = tpu.memref_squeeze %dma_wait3A_1379 : memref<1x1x1x8x128xf32, #tpu.memory_space<hbm>> -> memref<8x128xf32, #tpu.memory_space<hbm>>
        %dma_wait3A_1381 = arith.constant 0 : i32
        %dma_wait3A_1382 = arith.constant 0 : i32
        %dma_wait3A_1383 = tpu.memref_slice %arg5[%dma_wait3A_1371, %dma_wait3A_1372, %dma_wait3A_1373, %dma_wait3A_1381, %dma_wait3A_1382] : memref<200x8x32x8x128xf32, #tpu.memory_space<hbm>> -> memref<1x1x1x8x128xf32, #tpu.memory_space<hbm>>
        %dma_wait3A_1384 = tpu.memref_squeeze %dma_wait3A_1383 : memref<1x1x1x8x128xf32, #tpu.memory_space<hbm>> -> memref<8x128xf32, #tpu.memory_space<hbm>>
        %dma_wait3A_1385 = arith.constant 0 : i32
        %dma_wait3A_1386 = arith.constant 0 : i32
        %dma_wait3A_1387 = tpu.memref_slice %arg12[%dma_wait3A_1385, %dma_wait3A_1386] : memref<64x129xf32, #tpu.memory_space<vmem>> -> memref<8x128xf32, #tpu.memory_space<vmem>>
        tpu.wait_dma2 semaphore(%arg20 : memref<!tpu.dma_semaphore, #tpu.memory_space<semaphore_mem>>) src(%dma_wait3A_1387 : memref<8x128xf32, #tpu.memory_space<vmem>>) dst(%dma_wait3A_1384 : memref<8x128xf32, #tpu.memory_space<hbm>>)
      } else {
      }
      %get3A = arith.index_cast %add3A_580 : i32 to index
      %get3A_596 = arith.constant 0 : index
      %get3A_597 = tpu.vector_load %arg7[%get3A, %get3A_596] {strides = array<i32>} : memref<200x64xf32, #tpu.memory_space<vmem>>, vector<16xf32>,
      %get3A_598 = arith.index_cast %add3A_580 : i32 to index
      %get3A_599 = arith.constant 16 : index
      %get3A_600 = tpu.vector_load %arg7[%get3A_598, %get3A_599] {strides = array<i32>} : memref<200x64xf32, #tpu.memory_space<vmem>>, vector<16xf32>,
      %get3A_601 = arith.index_cast %add3A_580 : i32 to index
      %get3A_602 = arith.constant 32 : index
      %get3A_603 = tpu.vector_load %arg7[%get3A_601, %get3A_602] {strides = array<i32>} : memref<200x64xf32, #tpu.memory_space<vmem>>, vector<16xf32>,
      %get3A_604 = arith.index_cast %add3A_580 : i32 to index
      %get3A_605 = arith.constant 48 : index
      %get3A_606 = tpu.vector_load %arg7[%get3A_604, %get3A_605] {strides = array<i32>} : memref<200x64xf32, #tpu.memory_space<vmem>>, vector<16xf32>,
      %add3A_607 = arith.constant 0 : i32
      %add3A_608 = vector.broadcast %add3A_607 : i32 to vector<16xi32>
      %add3A_609 = arith.addi %iota3A, %add3A_608 : vector<16xi32>
      %add3A_610 = arith.constant 16 : i32
      %add3A_611 = vector.broadcast %add3A_610 : i32 to vector<16xi32>
      %add3A_612 = arith.addi %iota3A, %add3A_611 : vector<16xi32>
      %add3A_613 = arith.constant 32 : i32
      %add3A_614 = vector.broadcast %add3A_613 : i32 to vector<16xi32>
      %add3A_615 = arith.addi %iota3A, %add3A_614 : vector<16xi32>
      %add3A_616 = arith.constant 48 : i32
      %add3A_617 = vector.broadcast %add3A_616 : i32 to vector<16xi32>
      %add3A_618 = arith.addi %iota3A, %add3A_617 : vector<16xi32>
      %parallel_loop3A = arith.constant 0 : i32
      %parallel_loop3A_619 = arith.constant 128 : i32
      %parallel_loop3A_620 = arith.constant 1 : i32
      scf.for %parallel_loop3A_1252 = %parallel_loop3A to %parallel_loop3A_619 step %parallel_loop3A_620  : i32 {
        %parallel_loop3A_1253 = vector.broadcast %parallel_loop3A_1252 : i32 to vector<16xi32>
        %parallel_loop3A_1254 = arith.index_cast %parallel_loop3A_1252 : i32 to index
        %parallel_loop3A_1255 = arith.constant 0 : index
        %parallel_loop3A_1256 = tpu.vector_load %arg8[%parallel_loop3A_1254, %parallel_loop3A_1255] {strides = array<i32>} : memref<128x64xf32, #tpu.memory_space<vmem>>, vector<16xf32>,
        %parallel_loop3A_1257 = arith.addf %parallel_loop3A_1256, %get3A_597 : vector<16xf32>
        tpu.vector_store_idx %arg12[%add3A_609, %parallel_loop3A_1253], %parallel_loop3A_1257 : memref<64x129xf32, #tpu.memory_space<vmem>>[vector<16xi32>, vector<16xi32>], vector<16xf32>,
        %parallel_loop3A_1258 = arith.index_cast %parallel_loop3A_1252 : i32 to index
        %parallel_loop3A_1259 = arith.constant 16 : index
        %parallel_loop3A_1260 = tpu.vector_load %arg8[%parallel_loop3A_1258, %parallel_loop3A_1259] {strides = array<i32>} : memref<128x64xf32, #tpu.memory_space<vmem>>, vector<16xf32>,
        %parallel_loop3A_1261 = arith.addf %parallel_loop3A_1260, %get3A_600 : vector<16xf32>
        tpu.vector_store_idx %arg12[%add3A_612, %parallel_loop3A_1253], %parallel_loop3A_1261 : memref<64x129xf32, #tpu.memory_space<vmem>>[vector<16xi32>, vector<16xi32>], vector<16xf32>,
        %parallel_loop3A_1262 = arith.index_cast %parallel_loop3A_1252 : i32 to index
        %parallel_loop3A_1263 = arith.constant 32 : index
        %parallel_loop3A_1264 = tpu.vector_load %arg8[%parallel_loop3A_1262, %parallel_loop3A_1263] {strides = array<i32>} : memref<128x64xf32, #tpu.memory_space<vmem>>, vector<16xf32>,
        %parallel_loop3A_1265 = arith.addf %parallel_loop3A_1264, %get3A_603 : vector<16xf32>
        tpu.vector_store_idx %arg12[%add3A_615, %parallel_loop3A_1253], %parallel_loop3A_1265 : memref<64x129xf32, #tpu.memory_space<vmem>>[vector<16xi32>, vector<16xi32>], vector<16xf32>,
        %parallel_loop3A_1266 = arith.index_cast %parallel_loop3A_1252 : i32 to index
        %parallel_loop3A_1267 = arith.constant 48 : index
        %parallel_loop3A_1268 = tpu.vector_load %arg8[%parallel_loop3A_1266, %parallel_loop3A_1267] {strides = array<i32>} : memref<128x64xf32, #tpu.memory_space<vmem>>, vector<16xf32>,
        %parallel_loop3A_1269 = arith.addf %parallel_loop3A_1268, %get3A_606 : vector<16xf32>
        tpu.vector_store_idx %arg12[%add3A_618, %parallel_loop3A_1253], %parallel_loop3A_1269 : memref<64x129xf32, #tpu.memory_space<vmem>>[vector<16xi32>, vector<16xi32>], vector<16xf32>,
      } {sc.loop_unroll_factor = 12 : i64, sc.parallel_access}
      %dma_start3A_621 = arith.constant 0 : i32
      %dma_start3A_622 = arith.constant 0 : i32
      %dma_start3A_623 = arith.constant 0 : i32
      %dma_start3A_624 = tpu.memref_slice %arg12[%dma_start3A_622, %dma_start3A_623] : memref<64x129xf32, #tpu.memory_space<vmem>> -> memref<8x128xf32, #tpu.memory_space<vmem>>
      %dma_start3A_625 = arith.constant 0 : i32
      %dma_start3A_626 = arith.constant 0 : i32
      %dma_start3A_627 = tpu.memref_slice %arg5[%add3A_580, %dma_start3A_621, %add3A, %dma_start3A_625, %dma_start3A_626] : memref<200x8x32x8x128xf32, #tpu.memory_space<hbm>> -> memref<1x1x1x8x128xf32, #tpu.memory_space<hbm>>
      %dma_start3A_628 = tpu.memref_squeeze %dma_start3A_627 : memref<1x1x1x8x128xf32, #tpu.memory_space<hbm>> -> memref<8x128xf32, #tpu.memory_space<hbm>>
      %dma_start3A_629 = arith.constant 0 : i32
      %dma_start3A_630 = arith.constant 0 : i32
      %dma_start3A_631 = tpu.memref_slice %arg5[%add3A_580, %dma_start3A_621, %add3A, %dma_start3A_629, %dma_start3A_630] : memref<200x8x32x8x128xf32, #tpu.memory_space<hbm>> -> memref<1x1x1x8x128xf32, #tpu.memory_space<hbm>>
      %dma_start3A_632 = tpu.memref_squeeze %dma_start3A_631 : memref<1x1x1x8x128xf32, #tpu.memory_space<hbm>> -> memref<8x128xf32, #tpu.memory_space<hbm>>
      %dma_start3A_633 = arith.constant 0 : i32
      %dma_start3A_634 = arith.constant 0 : i32
      %dma_start3A_635 = tpu.memref_slice %arg12[%dma_start3A_633, %dma_start3A_634] : memref<64x129xf32, #tpu.memory_space<vmem>> -> memref<8x128xf32, #tpu.memory_space<vmem>>
      tpu.enqueue_dma source(%dma_start3A_635 : memref<8x128xf32, #tpu.memory_space<vmem>>) target(%dma_start3A_632 : memref<8x128xf32, #tpu.memory_space<hbm>>) target_semaphore(%arg20 : memref<!tpu.dma_semaphore, #tpu.memory_space<semaphore_mem>>)
      %dma_start3A_636 = arith.constant 1 : i32
      %dma_start3A_637 = arith.constant 8 : i32
      %dma_start3A_638 = arith.constant 0 : i32
      %dma_start3A_639 = tpu.memref_slice %arg12[%dma_start3A_637, %dma_start3A_638] : memref<64x129xf32, #tpu.memory_space<vmem>> -> memref<8x128xf32, #tpu.memory_space<vmem>>
      %dma_start3A_640 = arith.constant 0 : i32
      %dma_start3A_641 = arith.constant 0 : i32
      %dma_start3A_642 = tpu.memref_slice %arg5[%add3A_580, %dma_start3A_636, %add3A, %dma_start3A_640, %dma_start3A_641] : memref<200x8x32x8x128xf32, #tpu.memory_space<hbm>> -> memref<1x1x1x8x128xf32, #tpu.memory_space<hbm>>
      %dma_start3A_643 = tpu.memref_squeeze %dma_start3A_642 : memref<1x1x1x8x128xf32, #tpu.memory_space<hbm>> -> memref<8x128xf32, #tpu.memory_space<hbm>>
      %dma_start3A_644 = arith.constant 0 : i32
      %dma_start3A_645 = arith.constant 0 : i32
      %dma_start3A_646 = tpu.memref_slice %arg5[%add3A_580, %dma_start3A_636, %add3A, %dma_start3A_644, %dma_start3A_645] : memref<200x8x32x8x128xf32, #tpu.memory_space<hbm>> -> memref<1x1x1x8x128xf32, #tpu.memory_space<hbm>>
      %dma_start3A_647 = tpu.memref_squeeze %dma_start3A_646 : memref<1x1x1x8x128xf32, #tpu.memory_space<hbm>> -> memref<8x128xf32, #tpu.memory_space<hbm>>
      %dma_start3A_648 = arith.constant 8 : i32
      %dma_start3A_649 = arith.constant 0 : i32
      %dma_start3A_650 = tpu.memref_slice %arg12[%dma_start3A_648, %dma_start3A_649] : memref<64x129xf32, #tpu.memory_space<vmem>> -> memref<8x128xf32, #tpu.memory_space<vmem>>
      tpu.enqueue_dma source(%dma_start3A_650 : memref<8x128xf32, #tpu.memory_space<vmem>>) target(%dma_start3A_647 : memref<8x128xf32, #tpu.memory_space<hbm>>) target_semaphore(%arg20 : memref<!tpu.dma_semaphore, #tpu.memory_space<semaphore_mem>>)
      %dma_start3A_651 = arith.constant 2 : i32
      %dma_start3A_652 = arith.constant 16 : i32
      %dma_start3A_653 = arith.constant 0 : i32
      %dma_start3A_654 = tpu.memref_slice %arg12[%dma_start3A_652, %dma_start3A_653] : memref<64x129xf32, #tpu.memory_space<vmem>> -> memref<8x128xf32, #tpu.memory_space<vmem>>
      %dma_start3A_655 = arith.constant 0 : i32
      %dma_start3A_656 = arith.constant 0 : i32
      %dma_start3A_657 = tpu.memref_slice %arg5[%add3A_580, %dma_start3A_651, %add3A, %dma_start3A_655, %dma_start3A_656] : memref<200x8x32x8x128xf32, #tpu.memory_space<hbm>> -> memref<1x1x1x8x128xf32, #tpu.memory_space<hbm>>
      %dma_start3A_658 = tpu.memref_squeeze %dma_start3A_657 : memref<1x1x1x8x128xf32, #tpu.memory_space<hbm>> -> memref<8x128xf32, #tpu.memory_space<hbm>>
      %dma_start3A_659 = arith.constant 0 : i32
      %dma_start3A_660 = arith.constant 0 : i32
      %dma_start3A_661 = tpu.memref_slice %arg5[%add3A_580, %dma_start3A_651, %add3A, %dma_start3A_659, %dma_start3A_660] : memref<200x8x32x8x128xf32, #tpu.memory_space<hbm>> -> memref<1x1x1x8x128xf32, #tpu.memory_space<hbm>>
      %dma_start3A_662 = tpu.memref_squeeze %dma_start3A_661 : memref<1x1x1x8x128xf32, #tpu.memory_space<hbm>> -> memref<8x128xf32, #tpu.memory_space<hbm>>
      %dma_start3A_663 = arith.constant 16 : i32
      %dma_start3A_664 = arith.constant 0 : i32
      %dma_start3A_665 = tpu.memref_slice %arg12[%dma_start3A_663, %dma_start3A_664] : memref<64x129xf32, #tpu.memory_space<vmem>> -> memref<8x128xf32, #tpu.memory_space<vmem>>
      tpu.enqueue_dma source(%dma_start3A_665 : memref<8x128xf32, #tpu.memory_space<vmem>>) target(%dma_start3A_662 : memref<8x128xf32, #tpu.memory_space<hbm>>) target_semaphore(%arg20 : memref<!tpu.dma_semaphore, #tpu.memory_space<semaphore_mem>>)
      %dma_start3A_666 = arith.constant 3 : i32
      %dma_start3A_667 = arith.constant 24 : i32
      %dma_start3A_668 = arith.constant 0 : i32
      %dma_start3A_669 = tpu.memref_slice %arg12[%dma_start3A_667, %dma_start3A_668] : memref<64x129xf32, #tpu.memory_space<vmem>> -> memref<8x128xf32, #tpu.memory_space<vmem>>
      %dma_start3A_670 = arith.constant 0 : i32
      %dma_start3A_671 = arith.constant 0 : i32
      %dma_start3A_672 = tpu.memref_slice %arg5[%add3A_580, %dma_start3A_666, %add3A, %dma_start3A_670, %dma_start3A_671] : memref<200x8x32x8x128xf32, #tpu.memory_space<hbm>> -> memref<1x1x1x8x128xf32, #tpu.memory_space<hbm>>
      %dma_start3A_673 = tpu.memref_squeeze %dma_start3A_672 : memref<1x1x1x8x128xf32, #tpu.memory_space<hbm>> -> memref<8x128xf32, #tpu.memory_space<hbm>>
      %dma_start3A_674 = arith.constant 0 : i32
      %dma_start3A_675 = arith.constant 0 : i32
      %dma_start3A_676 = tpu.memref_slice %arg5[%add3A_580, %dma_start3A_666, %add3A, %dma_start3A_674, %dma_start3A_675] : memref<200x8x32x8x128xf32, #tpu.memory_space<hbm>> -> memref<1x1x1x8x128xf32, #tpu.memory_space<hbm>>
      %dma_start3A_677 = tpu.memref_squeeze %dma_start3A_676 : memref<1x1x1x8x128xf32, #tpu.memory_space<hbm>> -> memref<8x128xf32, #tpu.memory_space<hbm>>
      %dma_start3A_678 = arith.constant 24 : i32
      %dma_start3A_679 = arith.constant 0 : i32
      %dma_start3A_680 = tpu.memref_slice %arg12[%dma_start3A_678, %dma_start3A_679] : memref<64x129xf32, #tpu.memory_space<vmem>> -> memref<8x128xf32, #tpu.memory_space<vmem>>
      tpu.enqueue_dma source(%dma_start3A_680 : memref<8x128xf32, #tpu.memory_space<vmem>>) target(%dma_start3A_677 : memref<8x128xf32, #tpu.memory_space<hbm>>) target_semaphore(%arg20 : memref<!tpu.dma_semaphore, #tpu.memory_space<semaphore_mem>>)
      %dma_start3A_681 = arith.constant 4 : i32
      %dma_start3A_682 = arith.constant 32 : i32
      %dma_start3A_683 = arith.constant 0 : i32
      %dma_start3A_684 = tpu.memref_slice %arg12[%dma_start3A_682, %dma_start3A_683] : memref<64x129xf32, #tpu.memory_space<vmem>> -> memref<8x128xf32, #tpu.memory_space<vmem>>
      %dma_start3A_685 = arith.constant 0 : i32
      %dma_start3A_686 = arith.constant 0 : i32
      %dma_start3A_687 = tpu.memref_slice %arg5[%add3A_580, %dma_start3A_681, %add3A, %dma_start3A_685, %dma_start3A_686] : memref<200x8x32x8x128xf32, #tpu.memory_space<hbm>> -> memref<1x1x1x8x128xf32, #tpu.memory_space<hbm>>
      %dma_start3A_688 = tpu.memref_squeeze %dma_start3A_687 : memref<1x1x1x8x128xf32, #tpu.memory_space<hbm>> -> memref<8x128xf32, #tpu.memory_space<hbm>>
      %dma_start3A_689 = arith.constant 0 : i32
      %dma_start3A_690 = arith.constant 0 : i32
      %dma_start3A_691 = tpu.memref_slice %arg5[%add3A_580, %dma_start3A_681, %add3A, %dma_start3A_689, %dma_start3A_690] : memref<200x8x32x8x128xf32, #tpu.memory_space<hbm>> -> memref<1x1x1x8x128xf32, #tpu.memory_space<hbm>>
      %dma_start3A_692 = tpu.memref_squeeze %dma_start3A_691 : memref<1x1x1x8x128xf32, #tpu.memory_space<hbm>> -> memref<8x128xf32, #tpu.memory_space<hbm>>
      %dma_start3A_693 = arith.constant 32 : i32
      %dma_start3A_694 = arith.constant 0 : i32
      %dma_start3A_695 = tpu.memref_slice %arg12[%dma_start3A_693, %dma_start3A_694] : memref<64x129xf32, #tpu.memory_space<vmem>> -> memref<8x128xf32, #tpu.memory_space<vmem>>
      tpu.enqueue_dma source(%dma_start3A_695 : memref<8x128xf32, #tpu.memory_space<vmem>>) target(%dma_start3A_692 : memref<8x128xf32, #tpu.memory_space<hbm>>) target_semaphore(%arg20 : memref<!tpu.dma_semaphore, #tpu.memory_space<semaphore_mem>>)
      %dma_start3A_696 = arith.constant 5 : i32
      %dma_start3A_697 = arith.constant 40 : i32
      %dma_start3A_698 = arith.constant 0 : i32
      %dma_start3A_699 = tpu.memref_slice %arg12[%dma_start3A_697, %dma_start3A_698] : memref<64x129xf32, #tpu.memory_space<vmem>> -> memref<8x128xf32, #tpu.memory_space<vmem>>
      %dma_start3A_700 = arith.constant 0 : i32
      %dma_start3A_701 = arith.constant 0 : i32
      %dma_start3A_702 = tpu.memref_slice %arg5[%add3A_580, %dma_start3A_696, %add3A, %dma_start3A_700, %dma_start3A_701] : memref<200x8x32x8x128xf32, #tpu.memory_space<hbm>> -> memref<1x1x1x8x128xf32, #tpu.memory_space<hbm>>
      %dma_start3A_703 = tpu.memref_squeeze %dma_start3A_702 : memref<1x1x1x8x128xf32, #tpu.memory_space<hbm>> -> memref<8x128xf32, #tpu.memory_space<hbm>>
      %dma_start3A_704 = arith.constant 0 : i32
      %dma_start3A_705 = arith.constant 0 : i32
      %dma_start3A_706 = tpu.memref_slice %arg5[%add3A_580, %dma_start3A_696, %add3A, %dma_start3A_704, %dma_start3A_705] : memref<200x8x32x8x128xf32, #tpu.memory_space<hbm>> -> memref<1x1x1x8x128xf32, #tpu.memory_space<hbm>>
      %dma_start3A_707 = tpu.memref_squeeze %dma_start3A_706 : memref<1x1x1x8x128xf32, #tpu.memory_space<hbm>> -> memref<8x128xf32, #tpu.memory_space<hbm>>
      %dma_start3A_708 = arith.constant 40 : i32
      %dma_start3A_709 = arith.constant 0 : i32
      %dma_start3A_710 = tpu.memref_slice %arg12[%dma_start3A_708, %dma_start3A_709] : memref<64x129xf32, #tpu.memory_space<vmem>> -> memref<8x128xf32, #tpu.memory_space<vmem>>
      tpu.enqueue_dma source(%dma_start3A_710 : memref<8x128xf32, #tpu.memory_space<vmem>>) target(%dma_start3A_707 : memref<8x128xf32, #tpu.memory_space<hbm>>) target_semaphore(%arg20 : memref<!tpu.dma_semaphore, #tpu.memory_space<semaphore_mem>>)
      %dma_start3A_711 = arith.constant 6 : i32
      %dma_start3A_712 = arith.constant 48 : i32
      %dma_start3A_713 = arith.constant 0 : i32
      %dma_start3A_714 = tpu.memref_slice %arg12[%dma_start3A_712, %dma_start3A_713] : memref<64x129xf32, #tpu.memory_space<vmem>> -> memref<8x128xf32, #tpu.memory_space<vmem>>
      %dma_start3A_715 = arith.constant 0 : i32
      %dma_start3A_716 = arith.constant 0 : i32
      %dma_start3A_717 = tpu.memref_slice %arg5[%add3A_580, %dma_start3A_711, %add3A, %dma_start3A_715, %dma_start3A_716] : memref<200x8x32x8x128xf32, #tpu.memory_space<hbm>> -> memref<1x1x1x8x128xf32, #tpu.memory_space<hbm>>
      %dma_start3A_718 = tpu.memref_squeeze %dma_start3A_717 : memref<1x1x1x8x128xf32, #tpu.memory_space<hbm>> -> memref<8x128xf32, #tpu.memory_space<hbm>>
      %dma_start3A_719 = arith.constant 0 : i32
      %dma_start3A_720 = arith.constant 0 : i32
      %dma_start3A_721 = tpu.memref_slice %arg5[%add3A_580, %dma_start3A_711, %add3A, %dma_start3A_719, %dma_start3A_720] : memref<200x8x32x8x128xf32, #tpu.memory_space<hbm>> -> memref<1x1x1x8x128xf32, #tpu.memory_space<hbm>>
      %dma_start3A_722 = tpu.memref_squeeze %dma_start3A_721 : memref<1x1x1x8x128xf32, #tpu.memory_space<hbm>> -> memref<8x128xf32, #tpu.memory_space<hbm>>
      %dma_start3A_723 = arith.constant 48 : i32
      %dma_start3A_724 = arith.constant 0 : i32
      %dma_start3A_725 = tpu.memref_slice %arg12[%dma_start3A_723, %dma_start3A_724] : memref<64x129xf32, #tpu.memory_space<vmem>> -> memref<8x128xf32, #tpu.memory_space<vmem>>
      tpu.enqueue_dma source(%dma_start3A_725 : memref<8x128xf32, #tpu.memory_space<vmem>>) target(%dma_start3A_722 : memref<8x128xf32, #tpu.memory_space<hbm>>) target_semaphore(%arg20 : memref<!tpu.dma_semaphore, #tpu.memory_space<semaphore_mem>>)
      %dma_start3A_726 = arith.constant 7 : i32
      %dma_start3A_727 = arith.constant 56 : i32
      %dma_start3A_728 = arith.constant 0 : i32
      %dma_start3A_729 = tpu.memref_slice %arg12[%dma_start3A_727, %dma_start3A_728] : memref<64x129xf32, #tpu.memory_space<vmem>> -> memref<8x128xf32, #tpu.memory_space<vmem>>
      %dma_start3A_730 = arith.constant 0 : i32
      %dma_start3A_731 = arith.constant 0 : i32
      %dma_start3A_732 = tpu.memref_slice %arg5[%add3A_580, %dma_start3A_726, %add3A, %dma_start3A_730, %dma_start3A_731] : memref<200x8x32x8x128xf32, #tpu.memory_space<hbm>> -> memref<1x1x1x8x128xf32, #tpu.memory_space<hbm>>
      %dma_start3A_733 = tpu.memref_squeeze %dma_start3A_732 : memref<1x1x1x8x128xf32, #tpu.memory_space<hbm>> -> memref<8x128xf32, #tpu.memory_space<hbm>>
      %dma_start3A_734 = arith.constant 0 : i32
      %dma_start3A_735 = arith.constant 0 : i32
      %dma_start3A_736 = tpu.memref_slice %arg5[%add3A_580, %dma_start3A_726, %add3A, %dma_start3A_734, %dma_start3A_735] : memref<200x8x32x8x128xf32, #tpu.memory_space<hbm>> -> memref<1x1x1x8x128xf32, #tpu.memory_space<hbm>>
      %dma_start3A_737 = tpu.memref_squeeze %dma_start3A_736 : memref<1x1x1x8x128xf32, #tpu.memory_space<hbm>> -> memref<8x128xf32, #tpu.memory_space<hbm>>
      %dma_start3A_738 = arith.constant 56 : i32
      %dma_start3A_739 = arith.constant 0 : i32
      %dma_start3A_740 = tpu.memref_slice %arg12[%dma_start3A_738, %dma_start3A_739] : memref<64x129xf32, #tpu.memory_space<vmem>> -> memref<8x128xf32, #tpu.memory_space<vmem>>
      tpu.enqueue_dma source(%dma_start3A_740 : memref<8x128xf32, #tpu.memory_space<vmem>>) target(%dma_start3A_737 : memref<8x128xf32, #tpu.memory_space<hbm>>) target_semaphore(%arg20 : memref<!tpu.dma_semaphore, #tpu.memory_space<semaphore_mem>>)
      %mul3A_741 = arith.constant 4 : i32
      %mul3A_742 = arith.muli %scan3A_575, %mul3A_741 : i32
      %add3A_743 = arith.constant 1 : i32
      %add3A_744 = arith.addi %mul3A_742, %add3A_743 : i32
      %add3A_745 = arith.constant 3 : i32
      %add3A_746 = arith.addi %add3A_744, %add3A_745 : i32
      %lt3A_747 = arith.constant 200 : i32
      %lt3A_748 = arith.cmpi slt, %add3A_746, %lt3A_747 : i32
      %convert_element_type3A_749 = arith.extui %lt3A_748 : i1 to i32
      %cond3A_750 = arith.constant 0 : i32
      %cond3A_751 = arith.cmpi ne, %convert_element_type3A_749, %cond3A_750 : i32
      scf.if %cond3A_751 {
        %add3A_1252 = arith.constant 3 : i32
        %add3A_1253 = arith.addi %add3A_744, %add3A_1252 : i32
        %jit3A = arith.constant 8 : i32
        %div3A = arith.divsi %add3A_1253, %jit3A : i32
        %sign3A = arith.constant 0 : i32
        %sign3A_1254 = arith.cmpi sgt, %add3A_1253, %sign3A : i32
        %sign3A_1255 = arith.extui %sign3A_1254 : i1 to i32
        %sign3A_1256 = arith.constant 0 : i32
        %sign3A_1257 = arith.cmpi slt, %add3A_1253, %sign3A_1256 : i32
        %sign3A_1258 = arith.extui %sign3A_1257 : i1 to i32
        %sign3A_1259 = arith.subi %sign3A_1255, %sign3A_1258 : i32
        %sign3A_1260 = arith.constant 0 : i32
        %sign3A_1261 = arith.cmpi sgt, %jit3A, %sign3A_1260 : i32
        %sign3A_1262 = arith.extui %sign3A_1261 : i1 to i32
        %sign3A_1263 = arith.constant 0 : i32
        %sign3A_1264 = arith.cmpi slt, %jit3A, %sign3A_1263 : i32
        %sign3A_1265 = arith.extui %sign3A_1264 : i1 to i32
        %sign3A_1266 = arith.subi %sign3A_1262, %sign3A_1265 : i32
        %ne3A = arith.cmpi ne, %sign3A_1259, %sign3A_1266 : i32
        %rem3A = arith.remsi %add3A_1253, %jit3A : i32
        %ne3A_1267 = arith.constant 0 : i32
        %ne3A_1268 = arith.cmpi ne, %rem3A, %ne3A_1267 : i32
        %and3A = arith.andi %ne3A, %ne3A_1268 : i1
        %sub3A = arith.constant 1 : i32
        %sub3A_1269 = arith.subi %div3A, %sub3A : i32
        %select_n3A = arith.select %and3A, %sub3A_1269, %div3A : i32
        %jit3A_1270 = arith.constant 8 : i32
        %eq3A = arith.constant 0 : i32
        %eq3A_1271 = arith.cmpi eq, %jit3A_1270, %eq3A : i32
        %jit3A_1272 = arith.constant 1 : i32
        %select_n3A_1273 = arith.select %eq3A_1271, %jit3A_1272, %jit3A_1270 : i32
        %rem3A_1274 = arith.remsi %add3A_1253, %select_n3A_1273 : i32
        %ne3A_1275 = arith.constant 0 : i32
        %ne3A_1276 = arith.cmpi ne, %rem3A_1274, %ne3A_1275 : i32
        %lt3A_1277 = arith.constant 0 : i32
        %lt3A_1278 = arith.cmpi slt, %rem3A_1274, %lt3A_1277 : i32
        %lt3A_1279 = arith.constant 0 : i32
        %lt3A_1280 = arith.cmpi slt, %select_n3A_1273, %lt3A_1279 : i32
        %ne3A_1281 = arith.xori %lt3A_1278, %lt3A_1280 : i1
        %and3A_1282 = arith.andi %ne3A_1281, %ne3A_1276 : i1
        %add3A_1283 = arith.addi %rem3A_1274, %select_n3A_1273 : i32
        %select_n3A_1284 = arith.select %and3A_1282, %add3A_1283, %rem3A_1274 : i32
        %dma_start3A_1285 = arith.constant 0 : i32
        %dma_start3A_1286 = tpu.memref_slice %arg6[%select_n3A, %select_n3A_1284, %dma_start3A_1285] : memref<25x8x128xi32, #tpu.memory_space<vmem>> -> memref<1x1x128xi32, #tpu.memory_space<vmem>>
        %dma_start3A_1287 = tpu.memref_squeeze %dma_start3A_1286 : memref<1x1x128xi32, #tpu.memory_space<vmem>> -> memref<128xi32, #tpu.memory_space<vmem>>
        %dma_start3A_1288 = arith.constant 0 : i32
        %dma_start3A_1289 = arith.constant 0 : i32
        %dma_start3A_1290 = tpu.memref_slice %arg3[%dma_start3A_1288, %dma_start3A_1289] : memref<100000x64xf32, #tpu.memory_space<hbm>> -> memref<100000x64xf32, #tpu.memory_space<hbm>>
        tpu.enqueue_indirect_dma source(%dma_start3A_1290 : memref<100000x64xf32, #tpu.memory_space<hbm>>) target(%arg8 : memref<128x64xf32, #tpu.memory_space<vmem>>) offsets(%dma_start3A_1287 : memref<128xi32, #tpu.memory_space<vmem>>) semaphore(%arg16 : memref<!tpu.dma_semaphore, #tpu.memory_space<semaphore_mem>>)
      } else {
      }
      %dma_wait3A_752 = arith.constant 0 : i32
      %dma_wait3A_753 = arith.constant 0 : i32
      %dma_wait3A_754 = tpu.memref_slice %arg6[%add3A_744, %dma_wait3A_752, %dma_wait3A_753] : memref<25x8x128xi32, #tpu.memory_space<vmem>> -> memref<1x8x128xi32, #tpu.memory_space<vmem>>
      %dma_wait3A_755 = tpu.memref_squeeze %dma_wait3A_754 : memref<1x8x128xi32, #tpu.memory_space<vmem>> -> memref<8x128xi32, #tpu.memory_space<vmem>>
      %dma_wait3A_756 = arith.constant 0 : i32
      %dma_wait3A_757 = arith.constant 0 : i32
      %dma_wait3A_758 = tpu.memref_slice %arg3[%dma_wait3A_756, %dma_wait3A_757] : memref<100000x64xf32, #tpu.memory_space<hbm>> -> memref<100000x64xf32, #tpu.memory_space<hbm>>
      tpu.wait_indirect_dma semaphore(%arg17 : memref<!tpu.dma_semaphore, #tpu.memory_space<semaphore_mem>>) src(%dma_wait3A_758 : memref<100000x64xf32, #tpu.memory_space<hbm>>) dst(%arg9 : memref<128x64xf32, #tpu.memory_space<vmem>>)
      %ge3A_759 = arith.constant 4 : i32
      %ge3A_760 = arith.cmpi sge, %add3A_744, %ge3A_759 : i32
      %convert_element_type3A_761 = arith.extui %ge3A_760 : i1 to i32
      %cond3A_762 = arith.constant 0 : i32
      %cond3A_763 = arith.cmpi ne, %convert_element_type3A_761, %cond3A_762 : i32
      scf.if %cond3A_763 {
        %dma_wait3A_1252 = arith.constant 0 : i32
        %dma_wait3A_1253 = arith.constant 0 : i32
        %dma_wait3A_1254 = arith.constant 0 : i32
        %dma_wait3A_1255 = arith.constant 0 : i32
        %dma_wait3A_1256 = arith.constant 0 : i32
        %dma_wait3A_1257 = tpu.memref_slice %arg13[%dma_wait3A_1255, %dma_wait3A_1256] : memref<64x129xf32, #tpu.memory_space<vmem>> -> memref<8x128xf32, #tpu.memory_space<vmem>>
        %dma_wait3A_1258 = arith.constant 0 : i32
        %dma_wait3A_1259 = arith.constant 0 : i32
        %dma_wait3A_1260 = tpu.memref_slice %arg5[%dma_wait3A_1252, %dma_wait3A_1253, %dma_wait3A_1254, %dma_wait3A_1258, %dma_wait3A_1259] : memref<200x8x32x8x128xf32, #tpu.memory_space<hbm>> -> memref<1x1x1x8x128xf32, #tpu.memory_space<hbm>>
        %dma_wait3A_1261 = tpu.memref_squeeze %dma_wait3A_1260 : memref<1x1x1x8x128xf32, #tpu.memory_space<hbm>> -> memref<8x128xf32, #tpu.memory_space<hbm>>
        %dma_wait3A_1262 = arith.constant 0 : i32
        %dma_wait3A_1263 = arith.constant 0 : i32
        %dma_wait3A_1264 = tpu.memref_slice %arg5[%dma_wait3A_1252, %dma_wait3A_1253, %dma_wait3A_1254, %dma_wait3A_1262, %dma_wait3A_1263] : memref<200x8x32x8x128xf32, #tpu.memory_space<hbm>> -> memref<1x1x1x8x128xf32, #tpu.memory_space<hbm>>
        %dma_wait3A_1265 = tpu.memref_squeeze %dma_wait3A_1264 : memref<1x1x1x8x128xf32, #tpu.memory_space<hbm>> -> memref<8x128xf32, #tpu.memory_space<hbm>>
        %dma_wait3A_1266 = arith.constant 0 : i32
        %dma_wait3A_1267 = arith.constant 0 : i32
        %dma_wait3A_1268 = tpu.memref_slice %arg13[%dma_wait3A_1266, %dma_wait3A_1267] : memref<64x129xf32, #tpu.memory_space<vmem>> -> memref<8x128xf32, #tpu.memory_space<vmem>>
        tpu.wait_dma2 semaphore(%arg21 : memref<!tpu.dma_semaphore, #tpu.memory_space<semaphore_mem>>) src(%dma_wait3A_1268 : memref<8x128xf32, #tpu.memory_space<vmem>>) dst(%dma_wait3A_1265 : memref<8x128xf32, #tpu.memory_space<hbm>>)
        %dma_wait3A_1269 = arith.constant 0 : i32
        %dma_wait3A_1270 = arith.constant 1 : i32
        %dma_wait3A_1271 = arith.constant 0 : i32
        %dma_wait3A_1272 = arith.constant 0 : i32
        %dma_wait3A_1273 = arith.constant 0 : i32
        %dma_wait3A_1274 = tpu.memref_slice %arg13[%dma_wait3A_1272, %dma_wait3A_1273] : memref<64x129xf32, #tpu.memory_space<vmem>> -> memref<8x128xf32, #tpu.memory_space<vmem>>
        %dma_wait3A_1275 = arith.constant 0 : i32
        %dma_wait3A_1276 = arith.constant 0 : i32
        %dma_wait3A_1277 = tpu.memref_slice %arg5[%dma_wait3A_1269, %dma_wait3A_1270, %dma_wait3A_1271, %dma_wait3A_1275, %dma_wait3A_1276] : memref<200x8x32x8x128xf32, #tpu.memory_space<hbm>> -> memref<1x1x1x8x128xf32, #tpu.memory_space<hbm>>
        %dma_wait3A_1278 = tpu.memref_squeeze %dma_wait3A_1277 : memref<1x1x1x8x128xf32, #tpu.memory_space<hbm>> -> memref<8x128xf32, #tpu.memory_space<hbm>>
        %dma_wait3A_1279 = arith.constant 0 : i32
        %dma_wait3A_1280 = arith.constant 0 : i32
        %dma_wait3A_1281 = tpu.memref_slice %arg5[%dma_wait3A_1269, %dma_wait3A_1270, %dma_wait3A_1271, %dma_wait3A_1279, %dma_wait3A_1280] : memref<200x8x32x8x128xf32, #tpu.memory_space<hbm>> -> memref<1x1x1x8x128xf32, #tpu.memory_space<hbm>>
        %dma_wait3A_1282 = tpu.memref_squeeze %dma_wait3A_1281 : memref<1x1x1x8x128xf32, #tpu.memory_space<hbm>> -> memref<8x128xf32, #tpu.memory_space<hbm>>
        %dma_wait3A_1283 = arith.constant 0 : i32
        %dma_wait3A_1284 = arith.constant 0 : i32
        %dma_wait3A_1285 = tpu.memref_slice %arg13[%dma_wait3A_1283, %dma_wait3A_1284] : memref<64x129xf32, #tpu.memory_space<vmem>> -> memref<8x128xf32, #tpu.memory_space<vmem>>
        tpu.wait_dma2 semaphore(%arg21 : memref<!tpu.dma_semaphore, #tpu.memory_space<semaphore_mem>>) src(%dma_wait3A_1285 : memref<8x128xf32, #tpu.memory_space<vmem>>) dst(%dma_wait3A_1282 : memref<8x128xf32, #tpu.memory_space<hbm>>)
        %dma_wait3A_1286 = arith.constant 0 : i32
        %dma_wait3A_1287 = arith.constant 2 : i32
        %dma_wait3A_1288 = arith.constant 0 : i32
        %dma_wait3A_1289 = arith.constant 0 : i32
        %dma_wait3A_1290 = arith.constant 0 : i32
        %dma_wait3A_1291 = tpu.memref_slice %arg13[%dma_wait3A_1289, %dma_wait3A_1290] : memref<64x129xf32, #tpu.memory_space<vmem>> -> memref<8x128xf32, #tpu.memory_space<vmem>>
        %dma_wait3A_1292 = arith.constant 0 : i32
        %dma_wait3A_1293 = arith.constant 0 : i32
        %dma_wait3A_1294 = tpu.memref_slice %arg5[%dma_wait3A_1286, %dma_wait3A_1287, %dma_wait3A_1288, %dma_wait3A_1292, %dma_wait3A_1293] : memref<200x8x32x8x128xf32, #tpu.memory_space<hbm>> -> memref<1x1x1x8x128xf32, #tpu.memory_space<hbm>>
        %dma_wait3A_1295 = tpu.memref_squeeze %dma_wait3A_1294 : memref<1x1x1x8x128xf32, #tpu.memory_space<hbm>> -> memref<8x128xf32, #tpu.memory_space<hbm>>
        %dma_wait3A_1296 = arith.constant 0 : i32
        %dma_wait3A_1297 = arith.constant 0 : i32
        %dma_wait3A_1298 = tpu.memref_slice %arg5[%dma_wait3A_1286, %dma_wait3A_1287, %dma_wait3A_1288, %dma_wait3A_1296, %dma_wait3A_1297] : memref<200x8x32x8x128xf32, #tpu.memory_space<hbm>> -> memref<1x1x1x8x128xf32, #tpu.memory_space<hbm>>
        %dma_wait3A_1299 = tpu.memref_squeeze %dma_wait3A_1298 : memref<1x1x1x8x128xf32, #tpu.memory_space<hbm>> -> memref<8x128xf32, #tpu.memory_space<hbm>>
        %dma_wait3A_1300 = arith.constant 0 : i32
        %dma_wait3A_1301 = arith.constant 0 : i32
        %dma_wait3A_1302 = tpu.memref_slice %arg13[%dma_wait3A_1300, %dma_wait3A_1301] : memref<64x129xf32, #tpu.memory_space<vmem>> -> memref<8x128xf32, #tpu.memory_space<vmem>>
        tpu.wait_dma2 semaphore(%arg21 : memref<!tpu.dma_semaphore, #tpu.memory_space<semaphore_mem>>) src(%dma_wait3A_1302 : memref<8x128xf32, #tpu.memory_space<vmem>>) dst(%dma_wait3A_1299 : memref<8x128xf32, #tpu.memory_space<hbm>>)
        %dma_wait3A_1303 = arith.constant 0 : i32
        %dma_wait3A_1304 = arith.constant 3 : i32
        %dma_wait3A_1305 = arith.constant 0 : i32
        %dma_wait3A_1306 = arith.constant 0 : i32
        %dma_wait3A_1307 = arith.constant 0 : i32
        %dma_wait3A_1308 = tpu.memref_slice %arg13[%dma_wait3A_1306, %dma_wait3A_1307] : memref<64x129xf32, #tpu.memory_space<vmem>> -> memref<8x128xf32, #tpu.memory_space<vmem>>
        %dma_wait3A_1309 = arith.constant 0 : i32
        %dma_wait3A_1310 = arith.constant 0 : i32
        %dma_wait3A_1311 = tpu.memref_slice %arg5[%dma_wait3A_1303, %dma_wait3A_1304, %dma_wait3A_1305, %dma_wait3A_1309, %dma_wait3A_1310] : memref<200x8x32x8x128xf32, #tpu.memory_space<hbm>> -> memref<1x1x1x8x128xf32, #tpu.memory_space<hbm>>
        %dma_wait3A_1312 = tpu.memref_squeeze %dma_wait3A_1311 : memref<1x1x1x8x128xf32, #tpu.memory_space<hbm>> -> memref<8x128xf32, #tpu.memory_space<hbm>>
        %dma_wait3A_1313 = arith.constant 0 : i32
        %dma_wait3A_1314 = arith.constant 0 : i32
        %dma_wait3A_1315 = tpu.memref_slice %arg5[%dma_wait3A_1303, %dma_wait3A_1304, %dma_wait3A_1305, %dma_wait3A_1313, %dma_wait3A_1314] : memref<200x8x32x8x128xf32, #tpu.memory_space<hbm>> -> memref<1x1x1x8x128xf32, #tpu.memory_space<hbm>>
        %dma_wait3A_1316 = tpu.memref_squeeze %dma_wait3A_1315 : memref<1x1x1x8x128xf32, #tpu.memory_space<hbm>> -> memref<8x128xf32, #tpu.memory_space<hbm>>
        %dma_wait3A_1317 = arith.constant 0 : i32
        %dma_wait3A_1318 = arith.constant 0 : i32
        %dma_wait3A_1319 = tpu.memref_slice %arg13[%dma_wait3A_1317, %dma_wait3A_1318] : memref<64x129xf32, #tpu.memory_space<vmem>> -> memref<8x128xf32, #tpu.memory_space<vmem>>
        tpu.wait_dma2 semaphore(%arg21 : memref<!tpu.dma_semaphore, #tpu.memory_space<semaphore_mem>>) src(%dma_wait3A_1319 : memref<8x128xf32, #tpu.memory_space<vmem>>) dst(%dma_wait3A_1316 : memref<8x128xf32, #tpu.memory_space<hbm>>)
        %dma_wait3A_1320 = arith.constant 0 : i32
        %dma_wait3A_1321 = arith.constant 4 : i32
        %dma_wait3A_1322 = arith.constant 0 : i32
        %dma_wait3A_1323 = arith.constant 0 : i32
        %dma_wait3A_1324 = arith.constant 0 : i32
        %dma_wait3A_1325 = tpu.memref_slice %arg13[%dma_wait3A_1323, %dma_wait3A_1324] : memref<64x129xf32, #tpu.memory_space<vmem>> -> memref<8x128xf32, #tpu.memory_space<vmem>>
        %dma_wait3A_1326 = arith.constant 0 : i32
        %dma_wait3A_1327 = arith.constant 0 : i32
        %dma_wait3A_1328 = tpu.memref_slice %arg5[%dma_wait3A_1320, %dma_wait3A_1321, %dma_wait3A_1322, %dma_wait3A_1326, %dma_wait3A_1327] : memref<200x8x32x8x128xf32, #tpu.memory_space<hbm>> -> memref<1x1x1x8x128xf32, #tpu.memory_space<hbm>>
        %dma_wait3A_1329 = tpu.memref_squeeze %dma_wait3A_1328 : memref<1x1x1x8x128xf32, #tpu.memory_space<hbm>> -> memref<8x128xf32, #tpu.memory_space<hbm>>
        %dma_wait3A_1330 = arith.constant 0 : i32
        %dma_wait3A_1331 = arith.constant 0 : i32
        %dma_wait3A_1332 = tpu.memref_slice %arg5[%dma_wait3A_1320, %dma_wait3A_1321, %dma_wait3A_1322, %dma_wait3A_1330, %dma_wait3A_1331] : memref<200x8x32x8x128xf32, #tpu.memory_space<hbm>> -> memref<1x1x1x8x128xf32, #tpu.memory_space<hbm>>
        %dma_wait3A_1333 = tpu.memref_squeeze %dma_wait3A_1332 : memref<1x1x1x8x128xf32, #tpu.memory_space<hbm>> -> memref<8x128xf32, #tpu.memory_space<hbm>>
        %dma_wait3A_1334 = arith.constant 0 : i32
        %dma_wait3A_1335 = arith.constant 0 : i32
        %dma_wait3A_1336 = tpu.memref_slice %arg13[%dma_wait3A_1334, %dma_wait3A_1335] : memref<64x129xf32, #tpu.memory_space<vmem>> -> memref<8x128xf32, #tpu.memory_space<vmem>>
        tpu.wait_dma2 semaphore(%arg21 : memref<!tpu.dma_semaphore, #tpu.memory_space<semaphore_mem>>) src(%dma_wait3A_1336 : memref<8x128xf32, #tpu.memory_space<vmem>>) dst(%dma_wait3A_1333 : memref<8x128xf32, #tpu.memory_space<hbm>>)
        %dma_wait3A_1337 = arith.constant 0 : i32
        %dma_wait3A_1338 = arith.constant 5 : i32
        %dma_wait3A_1339 = arith.constant 0 : i32
        %dma_wait3A_1340 = arith.constant 0 : i32
        %dma_wait3A_1341 = arith.constant 0 : i32
        %dma_wait3A_1342 = tpu.memref_slice %arg13[%dma_wait3A_1340, %dma_wait3A_1341] : memref<64x129xf32, #tpu.memory_space<vmem>> -> memref<8x128xf32, #tpu.memory_space<vmem>>
        %dma_wait3A_1343 = arith.constant 0 : i32
        %dma_wait3A_1344 = arith.constant 0 : i32
        %dma_wait3A_1345 = tpu.memref_slice %arg5[%dma_wait3A_1337, %dma_wait3A_1338, %dma_wait3A_1339, %dma_wait3A_1343, %dma_wait3A_1344] : memref<200x8x32x8x128xf32, #tpu.memory_space<hbm>> -> memref<1x1x1x8x128xf32, #tpu.memory_space<hbm>>
        %dma_wait3A_1346 = tpu.memref_squeeze %dma_wait3A_1345 : memref<1x1x1x8x128xf32, #tpu.memory_space<hbm>> -> memref<8x128xf32, #tpu.memory_space<hbm>>
        %dma_wait3A_1347 = arith.constant 0 : i32
        %dma_wait3A_1348 = arith.constant 0 : i32
        %dma_wait3A_1349 = tpu.memref_slice %arg5[%dma_wait3A_1337, %dma_wait3A_1338, %dma_wait3A_1339, %dma_wait3A_1347, %dma_wait3A_1348] : memref<200x8x32x8x128xf32, #tpu.memory_space<hbm>> -> memref<1x1x1x8x128xf32, #tpu.memory_space<hbm>>
        %dma_wait3A_1350 = tpu.memref_squeeze %dma_wait3A_1349 : memref<1x1x1x8x128xf32, #tpu.memory_space<hbm>> -> memref<8x128xf32, #tpu.memory_space<hbm>>
        %dma_wait3A_1351 = arith.constant 0 : i32
        %dma_wait3A_1352 = arith.constant 0 : i32
        %dma_wait3A_1353 = tpu.memref_slice %arg13[%dma_wait3A_1351, %dma_wait3A_1352] : memref<64x129xf32, #tpu.memory_space<vmem>> -> memref<8x128xf32, #tpu.memory_space<vmem>>
        tpu.wait_dma2 semaphore(%arg21 : memref<!tpu.dma_semaphore, #tpu.memory_space<semaphore_mem>>) src(%dma_wait3A_1353 : memref<8x128xf32, #tpu.memory_space<vmem>>) dst(%dma_wait3A_1350 : memref<8x128xf32, #tpu.memory_space<hbm>>)
        %dma_wait3A_1354 = arith.constant 0 : i32
        %dma_wait3A_1355 = arith.constant 6 : i32
        %dma_wait3A_1356 = arith.constant 0 : i32
        %dma_wait3A_1357 = arith.constant 0 : i32
        %dma_wait3A_1358 = arith.constant 0 : i32
        %dma_wait3A_1359 = tpu.memref_slice %arg13[%dma_wait3A_1357, %dma_wait3A_1358] : memref<64x129xf32, #tpu.memory_space<vmem>> -> memref<8x128xf32, #tpu.memory_space<vmem>>
        %dma_wait3A_1360 = arith.constant 0 : i32
        %dma_wait3A_1361 = arith.constant 0 : i32
        %dma_wait3A_1362 = tpu.memref_slice %arg5[%dma_wait3A_1354, %dma_wait3A_1355, %dma_wait3A_1356, %dma_wait3A_1360, %dma_wait3A_1361] : memref<200x8x32x8x128xf32, #tpu.memory_space<hbm>> -> memref<1x1x1x8x128xf32, #tpu.memory_space<hbm>>
        %dma_wait3A_1363 = tpu.memref_squeeze %dma_wait3A_1362 : memref<1x1x1x8x128xf32, #tpu.memory_space<hbm>> -> memref<8x128xf32, #tpu.memory_space<hbm>>
        %dma_wait3A_1364 = arith.constant 0 : i32
        %dma_wait3A_1365 = arith.constant 0 : i32
        %dma_wait3A_1366 = tpu.memref_slice %arg5[%dma_wait3A_1354, %dma_wait3A_1355, %dma_wait3A_1356, %dma_wait3A_1364, %dma_wait3A_1365] : memref<200x8x32x8x128xf32, #tpu.memory_space<hbm>> -> memref<1x1x1x8x128xf32, #tpu.memory_space<hbm>>
        %dma_wait3A_1367 = tpu.memref_squeeze %dma_wait3A_1366 : memref<1x1x1x8x128xf32, #tpu.memory_space<hbm>> -> memref<8x128xf32, #tpu.memory_space<hbm>>
        %dma_wait3A_1368 = arith.constant 0 : i32
        %dma_wait3A_1369 = arith.constant 0 : i32
        %dma_wait3A_1370 = tpu.memref_slice %arg13[%dma_wait3A_1368, %dma_wait3A_1369] : memref<64x129xf32, #tpu.memory_space<vmem>> -> memref<8x128xf32, #tpu.memory_space<vmem>>
        tpu.wait_dma2 semaphore(%arg21 : memref<!tpu.dma_semaphore, #tpu.memory_space<semaphore_mem>>) src(%dma_wait3A_1370 : memref<8x128xf32, #tpu.memory_space<vmem>>) dst(%dma_wait3A_1367 : memref<8x128xf32, #tpu.memory_space<hbm>>)
        %dma_wait3A_1371 = arith.constant 0 : i32
        %dma_wait3A_1372 = arith.constant 7 : i32
        %dma_wait3A_1373 = arith.constant 0 : i32
        %dma_wait3A_1374 = arith.constant 0 : i32
        %dma_wait3A_1375 = arith.constant 0 : i32
        %dma_wait3A_1376 = tpu.memref_slice %arg13[%dma_wait3A_1374, %dma_wait3A_1375] : memref<64x129xf32, #tpu.memory_space<vmem>> -> memref<8x128xf32, #tpu.memory_space<vmem>>
        %dma_wait3A_1377 = arith.constant 0 : i32
        %dma_wait3A_1378 = arith.constant 0 : i32
        %dma_wait3A_1379 = tpu.memref_slice %arg5[%dma_wait3A_1371, %dma_wait3A_1372, %dma_wait3A_1373, %dma_wait3A_1377, %dma_wait3A_1378] : memref<200x8x32x8x128xf32, #tpu.memory_space<hbm>> -> memref<1x1x1x8x128xf32, #tpu.memory_space<hbm>>
        %dma_wait3A_1380 = tpu.memref_squeeze %dma_wait3A_1379 : memref<1x1x1x8x128xf32, #tpu.memory_space<hbm>> -> memref<8x128xf32, #tpu.memory_space<hbm>>
        %dma_wait3A_1381 = arith.constant 0 : i32
        %dma_wait3A_1382 = arith.constant 0 : i32
        %dma_wait3A_1383 = tpu.memref_slice %arg5[%dma_wait3A_1371, %dma_wait3A_1372, %dma_wait3A_1373, %dma_wait3A_1381, %dma_wait3A_1382] : memref<200x8x32x8x128xf32, #tpu.memory_space<hbm>> -> memref<1x1x1x8x128xf32, #tpu.memory_space<hbm>>
        %dma_wait3A_1384 = tpu.memref_squeeze %dma_wait3A_1383 : memref<1x1x1x8x128xf32, #tpu.memory_space<hbm>> -> memref<8x128xf32, #tpu.memory_space<hbm>>
        %dma_wait3A_1385 = arith.constant 0 : i32
        %dma_wait3A_1386 = arith.constant 0 : i32
        %dma_wait3A_1387 = tpu.memref_slice %arg13[%dma_wait3A_1385, %dma_wait3A_1386] : memref<64x129xf32, #tpu.memory_space<vmem>> -> memref<8x128xf32, #tpu.memory_space<vmem>>
        tpu.wait_dma2 semaphore(%arg21 : memref<!tpu.dma_semaphore, #tpu.memory_space<semaphore_mem>>) src(%dma_wait3A_1387 : memref<8x128xf32, #tpu.memory_space<vmem>>) dst(%dma_wait3A_1384 : memref<8x128xf32, #tpu.memory_space<hbm>>)
      } else {
      }
      %get3A_764 = arith.index_cast %add3A_744 : i32 to index
      %get3A_765 = arith.constant 0 : index
      %get3A_766 = tpu.vector_load %arg7[%get3A_764, %get3A_765] {strides = array<i32>} : memref<200x64xf32, #tpu.memory_space<vmem>>, vector<16xf32>,
      %get3A_767 = arith.index_cast %add3A_744 : i32 to index
      %get3A_768 = arith.constant 16 : index
      %get3A_769 = tpu.vector_load %arg7[%get3A_767, %get3A_768] {strides = array<i32>} : memref<200x64xf32, #tpu.memory_space<vmem>>, vector<16xf32>,
      %get3A_770 = arith.index_cast %add3A_744 : i32 to index
      %get3A_771 = arith.constant 32 : index
      %get3A_772 = tpu.vector_load %arg7[%get3A_770, %get3A_771] {strides = array<i32>} : memref<200x64xf32, #tpu.memory_space<vmem>>, vector<16xf32>,
      %get3A_773 = arith.index_cast %add3A_744 : i32 to index
      %get3A_774 = arith.constant 48 : index
      %get3A_775 = tpu.vector_load %arg7[%get3A_773, %get3A_774] {strides = array<i32>} : memref<200x64xf32, #tpu.memory_space<vmem>>, vector<16xf32>,
      %add3A_776 = arith.constant 0 : i32
      %add3A_777 = vector.broadcast %add3A_776 : i32 to vector<16xi32>
      %add3A_778 = arith.addi %iota3A, %add3A_777 : vector<16xi32>
      %add3A_779 = arith.constant 16 : i32
      %add3A_780 = vector.broadcast %add3A_779 : i32 to vector<16xi32>
      %add3A_781 = arith.addi %iota3A, %add3A_780 : vector<16xi32>
      %add3A_782 = arith.constant 32 : i32
      %add3A_783 = vector.broadcast %add3A_782 : i32 to vector<16xi32>
      %add3A_784 = arith.addi %iota3A, %add3A_783 : vector<16xi32>
      %add3A_785 = arith.constant 48 : i32
      %add3A_786 = vector.broadcast %add3A_785 : i32 to vector<16xi32>
      %add3A_787 = arith.addi %iota3A, %add3A_786 : vector<16xi32>
      %parallel_loop3A_788 = arith.constant 0 : i32
      %parallel_loop3A_789 = arith.constant 128 : i32
      %parallel_loop3A_790 = arith.constant 1 : i32
      scf.for %parallel_loop3A_1252 = %parallel_loop3A_788 to %parallel_loop3A_789 step %parallel_loop3A_790  : i32 {
        %parallel_loop3A_1253 = vector.broadcast %parallel_loop3A_1252 : i32 to vector<16xi32>
        %parallel_loop3A_1254 = arith.index_cast %parallel_loop3A_1252 : i32 to index
        %parallel_loop3A_1255 = arith.constant 0 : index
        %parallel_loop3A_1256 = tpu.vector_load %arg9[%parallel_loop3A_1254, %parallel_loop3A_1255] {strides = array<i32>} : memref<128x64xf32, #tpu.memory_space<vmem>>, vector<16xf32>,
        %parallel_loop3A_1257 = arith.addf %parallel_loop3A_1256, %get3A_766 : vector<16xf32>
        tpu.vector_store_idx %arg13[%add3A_778, %parallel_loop3A_1253], %parallel_loop3A_1257 : memref<64x129xf32, #tpu.memory_space<vmem>>[vector<16xi32>, vector<16xi32>], vector<16xf32>,
        %parallel_loop3A_1258 = arith.index_cast %parallel_loop3A_1252 : i32 to index
        %parallel_loop3A_1259 = arith.constant 16 : index
        %parallel_loop3A_1260 = tpu.vector_load %arg9[%parallel_loop3A_1258, %parallel_loop3A_1259] {strides = array<i32>} : memref<128x64xf32, #tpu.memory_space<vmem>>, vector<16xf32>,
        %parallel_loop3A_1261 = arith.addf %parallel_loop3A_1260, %get3A_769 : vector<16xf32>
        tpu.vector_store_idx %arg13[%add3A_781, %parallel_loop3A_1253], %parallel_loop3A_1261 : memref<64x129xf32, #tpu.memory_space<vmem>>[vector<16xi32>, vector<16xi32>], vector<16xf32>,
        %parallel_loop3A_1262 = arith.index_cast %parallel_loop3A_1252 : i32 to index
        %parallel_loop3A_1263 = arith.constant 32 : index
        %parallel_loop3A_1264 = tpu.vector_load %arg9[%parallel_loop3A_1262, %parallel_loop3A_1263] {strides = array<i32>} : memref<128x64xf32, #tpu.memory_space<vmem>>, vector<16xf32>,
        %parallel_loop3A_1265 = arith.addf %parallel_loop3A_1264, %get3A_772 : vector<16xf32>
        tpu.vector_store_idx %arg13[%add3A_784, %parallel_loop3A_1253], %parallel_loop3A_1265 : memref<64x129xf32, #tpu.memory_space<vmem>>[vector<16xi32>, vector<16xi32>], vector<16xf32>,
        %parallel_loop3A_1266 = arith.index_cast %parallel_loop3A_1252 : i32 to index
        %parallel_loop3A_1267 = arith.constant 48 : index
        %parallel_loop3A_1268 = tpu.vector_load %arg9[%parallel_loop3A_1266, %parallel_loop3A_1267] {strides = array<i32>} : memref<128x64xf32, #tpu.memory_space<vmem>>, vector<16xf32>,
        %parallel_loop3A_1269 = arith.addf %parallel_loop3A_1268, %get3A_775 : vector<16xf32>
        tpu.vector_store_idx %arg13[%add3A_787, %parallel_loop3A_1253], %parallel_loop3A_1269 : memref<64x129xf32, #tpu.memory_space<vmem>>[vector<16xi32>, vector<16xi32>], vector<16xf32>,
      } {sc.loop_unroll_factor = 12 : i64, sc.parallel_access}
      %dma_start3A_791 = arith.constant 0 : i32
      %dma_start3A_792 = arith.constant 0 : i32
      %dma_start3A_793 = arith.constant 0 : i32
      %dma_start3A_794 = tpu.memref_slice %arg13[%dma_start3A_792, %dma_start3A_793] : memref<64x129xf32, #tpu.memory_space<vmem>> -> memref<8x128xf32, #tpu.memory_space<vmem>>
      %dma_start3A_795 = arith.constant 0 : i32
      %dma_start3A_796 = arith.constant 0 : i32
      %dma_start3A_797 = tpu.memref_slice %arg5[%add3A_744, %dma_start3A_791, %add3A, %dma_start3A_795, %dma_start3A_796] : memref<200x8x32x8x128xf32, #tpu.memory_space<hbm>> -> memref<1x1x1x8x128xf32, #tpu.memory_space<hbm>>
      %dma_start3A_798 = tpu.memref_squeeze %dma_start3A_797 : memref<1x1x1x8x128xf32, #tpu.memory_space<hbm>> -> memref<8x128xf32, #tpu.memory_space<hbm>>
      %dma_start3A_799 = arith.constant 0 : i32
      %dma_start3A_800 = arith.constant 0 : i32
      %dma_start3A_801 = tpu.memref_slice %arg5[%add3A_744, %dma_start3A_791, %add3A, %dma_start3A_799, %dma_start3A_800] : memref<200x8x32x8x128xf32, #tpu.memory_space<hbm>> -> memref<1x1x1x8x128xf32, #tpu.memory_space<hbm>>
      %dma_start3A_802 = tpu.memref_squeeze %dma_start3A_801 : memref<1x1x1x8x128xf32, #tpu.memory_space<hbm>> -> memref<8x128xf32, #tpu.memory_space<hbm>>
      %dma_start3A_803 = arith.constant 0 : i32
      %dma_start3A_804 = arith.constant 0 : i32
      %dma_start3A_805 = tpu.memref_slice %arg13[%dma_start3A_803, %dma_start3A_804] : memref<64x129xf32, #tpu.memory_space<vmem>> -> memref<8x128xf32, #tpu.memory_space<vmem>>
      tpu.enqueue_dma source(%dma_start3A_805 : memref<8x128xf32, #tpu.memory_space<vmem>>) target(%dma_start3A_802 : memref<8x128xf32, #tpu.memory_space<hbm>>) target_semaphore(%arg21 : memref<!tpu.dma_semaphore, #tpu.memory_space<semaphore_mem>>)
      %dma_start3A_806 = arith.constant 1 : i32
      %dma_start3A_807 = arith.constant 8 : i32
      %dma_start3A_808 = arith.constant 0 : i32
      %dma_start3A_809 = tpu.memref_slice %arg13[%dma_start3A_807, %dma_start3A_808] : memref<64x129xf32, #tpu.memory_space<vmem>> -> memref<8x128xf32, #tpu.memory_space<vmem>>
      %dma_start3A_810 = arith.constant 0 : i32
      %dma_start3A_811 = arith.constant 0 : i32
      %dma_start3A_812 = tpu.memref_slice %arg5[%add3A_744, %dma_start3A_806, %add3A, %dma_start3A_810, %dma_start3A_811] : memref<200x8x32x8x128xf32, #tpu.memory_space<hbm>> -> memref<1x1x1x8x128xf32, #tpu.memory_space<hbm>>
      %dma_start3A_813 = tpu.memref_squeeze %dma_start3A_812 : memref<1x1x1x8x128xf32, #tpu.memory_space<hbm>> -> memref<8x128xf32, #tpu.memory_space<hbm>>
      %dma_start3A_814 = arith.constant 0 : i32
      %dma_start3A_815 = arith.constant 0 : i32
      %dma_start3A_816 = tpu.memref_slice %arg5[%add3A_744, %dma_start3A_806, %add3A, %dma_start3A_814, %dma_start3A_815] : memref<200x8x32x8x128xf32, #tpu.memory_space<hbm>> -> memref<1x1x1x8x128xf32, #tpu.memory_space<hbm>>
      %dma_start3A_817 = tpu.memref_squeeze %dma_start3A_816 : memref<1x1x1x8x128xf32, #tpu.memory_space<hbm>> -> memref<8x128xf32, #tpu.memory_space<hbm>>
      %dma_start3A_818 = arith.constant 8 : i32
      %dma_start3A_819 = arith.constant 0 : i32
      %dma_start3A_820 = tpu.memref_slice %arg13[%dma_start3A_818, %dma_start3A_819] : memref<64x129xf32, #tpu.memory_space<vmem>> -> memref<8x128xf32, #tpu.memory_space<vmem>>
      tpu.enqueue_dma source(%dma_start3A_820 : memref<8x128xf32, #tpu.memory_space<vmem>>) target(%dma_start3A_817 : memref<8x128xf32, #tpu.memory_space<hbm>>) target_semaphore(%arg21 : memref<!tpu.dma_semaphore, #tpu.memory_space<semaphore_mem>>)
      %dma_start3A_821 = arith.constant 2 : i32
      %dma_start3A_822 = arith.constant 16 : i32
      %dma_start3A_823 = arith.constant 0 : i32
      %dma_start3A_824 = tpu.memref_slice %arg13[%dma_start3A_822, %dma_start3A_823] : memref<64x129xf32, #tpu.memory_space<vmem>> -> memref<8x128xf32, #tpu.memory_space<vmem>>
      %dma_start3A_825 = arith.constant 0 : i32
      %dma_start3A_826 = arith.constant 0 : i32
      %dma_start3A_827 = tpu.memref_slice %arg5[%add3A_744, %dma_start3A_821, %add3A, %dma_start3A_825, %dma_start3A_826] : memref<200x8x32x8x128xf32, #tpu.memory_space<hbm>> -> memref<1x1x1x8x128xf32, #tpu.memory_space<hbm>>
      %dma_start3A_828 = tpu.memref_squeeze %dma_start3A_827 : memref<1x1x1x8x128xf32, #tpu.memory_space<hbm>> -> memref<8x128xf32, #tpu.memory_space<hbm>>
      %dma_start3A_829 = arith.constant 0 : i32
      %dma_start3A_830 = arith.constant 0 : i32
      %dma_start3A_831 = tpu.memref_slice %arg5[%add3A_744, %dma_start3A_821, %add3A, %dma_start3A_829, %dma_start3A_830] : memref<200x8x32x8x128xf32, #tpu.memory_space<hbm>> -> memref<1x1x1x8x128xf32, #tpu.memory_space<hbm>>
      %dma_start3A_832 = tpu.memref_squeeze %dma_start3A_831 : memref<1x1x1x8x128xf32, #tpu.memory_space<hbm>> -> memref<8x128xf32, #tpu.memory_space<hbm>>
      %dma_start3A_833 = arith.constant 16 : i32
      %dma_start3A_834 = arith.constant 0 : i32
      %dma_start3A_835 = tpu.memref_slice %arg13[%dma_start3A_833, %dma_start3A_834] : memref<64x129xf32, #tpu.memory_space<vmem>> -> memref<8x128xf32, #tpu.memory_space<vmem>>
      tpu.enqueue_dma source(%dma_start3A_835 : memref<8x128xf32, #tpu.memory_space<vmem>>) target(%dma_start3A_832 : memref<8x128xf32, #tpu.memory_space<hbm>>) target_semaphore(%arg21 : memref<!tpu.dma_semaphore, #tpu.memory_space<semaphore_mem>>)
      %dma_start3A_836 = arith.constant 3 : i32
      %dma_start3A_837 = arith.constant 24 : i32
      %dma_start3A_838 = arith.constant 0 : i32
      %dma_start3A_839 = tpu.memref_slice %arg13[%dma_start3A_837, %dma_start3A_838] : memref<64x129xf32, #tpu.memory_space<vmem>> -> memref<8x128xf32, #tpu.memory_space<vmem>>
      %dma_start3A_840 = arith.constant 0 : i32
      %dma_start3A_841 = arith.constant 0 : i32
      %dma_start3A_842 = tpu.memref_slice %arg5[%add3A_744, %dma_start3A_836, %add3A, %dma_start3A_840, %dma_start3A_841] : memref<200x8x32x8x128xf32, #tpu.memory_space<hbm>> -> memref<1x1x1x8x128xf32, #tpu.memory_space<hbm>>
      %dma_start3A_843 = tpu.memref_squeeze %dma_start3A_842 : memref<1x1x1x8x128xf32, #tpu.memory_space<hbm>> -> memref<8x128xf32, #tpu.memory_space<hbm>>
      %dma_start3A_844 = arith.constant 0 : i32
      %dma_start3A_845 = arith.constant 0 : i32
      %dma_start3A_846 = tpu.memref_slice %arg5[%add3A_744, %dma_start3A_836, %add3A, %dma_start3A_844, %dma_start3A_845] : memref<200x8x32x8x128xf32, #tpu.memory_space<hbm>> -> memref<1x1x1x8x128xf32, #tpu.memory_space<hbm>>
      %dma_start3A_847 = tpu.memref_squeeze %dma_start3A_846 : memref<1x1x1x8x128xf32, #tpu.memory_space<hbm>> -> memref<8x128xf32, #tpu.memory_space<hbm>>
      %dma_start3A_848 = arith.constant 24 : i32
      %dma_start3A_849 = arith.constant 0 : i32
      %dma_start3A_850 = tpu.memref_slice %arg13[%dma_start3A_848, %dma_start3A_849] : memref<64x129xf32, #tpu.memory_space<vmem>> -> memref<8x128xf32, #tpu.memory_space<vmem>>
      tpu.enqueue_dma source(%dma_start3A_850 : memref<8x128xf32, #tpu.memory_space<vmem>>) target(%dma_start3A_847 : memref<8x128xf32, #tpu.memory_space<hbm>>) target_semaphore(%arg21 : memref<!tpu.dma_semaphore, #tpu.memory_space<semaphore_mem>>)
      %dma_start3A_851 = arith.constant 4 : i32
      %dma_start3A_852 = arith.constant 32 : i32
      %dma_start3A_853 = arith.constant 0 : i32
      %dma_start3A_854 = tpu.memref_slice %arg13[%dma_start3A_852, %dma_start3A_853] : memref<64x129xf32, #tpu.memory_space<vmem>> -> memref<8x128xf32, #tpu.memory_space<vmem>>
      %dma_start3A_855 = arith.constant 0 : i32
      %dma_start3A_856 = arith.constant 0 : i32
      %dma_start3A_857 = tpu.memref_slice %arg5[%add3A_744, %dma_start3A_851, %add3A, %dma_start3A_855, %dma_start3A_856] : memref<200x8x32x8x128xf32, #tpu.memory_space<hbm>> -> memref<1x1x1x8x128xf32, #tpu.memory_space<hbm>>
      %dma_start3A_858 = tpu.memref_squeeze %dma_start3A_857 : memref<1x1x1x8x128xf32, #tpu.memory_space<hbm>> -> memref<8x128xf32, #tpu.memory_space<hbm>>
      %dma_start3A_859 = arith.constant 0 : i32
      %dma_start3A_860 = arith.constant 0 : i32
      %dma_start3A_861 = tpu.memref_slice %arg5[%add3A_744, %dma_start3A_851, %add3A, %dma_start3A_859, %dma_start3A_860] : memref<200x8x32x8x128xf32, #tpu.memory_space<hbm>> -> memref<1x1x1x8x128xf32, #tpu.memory_space<hbm>>
      %dma_start3A_862 = tpu.memref_squeeze %dma_start3A_861 : memref<1x1x1x8x128xf32, #tpu.memory_space<hbm>> -> memref<8x128xf32, #tpu.memory_space<hbm>>
      %dma_start3A_863 = arith.constant 32 : i32
      %dma_start3A_864 = arith.constant 0 : i32
      %dma_start3A_865 = tpu.memref_slice %arg13[%dma_start3A_863, %dma_start3A_864] : memref<64x129xf32, #tpu.memory_space<vmem>> -> memref<8x128xf32, #tpu.memory_space<vmem>>
      tpu.enqueue_dma source(%dma_start3A_865 : memref<8x128xf32, #tpu.memory_space<vmem>>) target(%dma_start3A_862 : memref<8x128xf32, #tpu.memory_space<hbm>>) target_semaphore(%arg21 : memref<!tpu.dma_semaphore, #tpu.memory_space<semaphore_mem>>)
      %dma_start3A_866 = arith.constant 5 : i32
      %dma_start3A_867 = arith.constant 40 : i32
      %dma_start3A_868 = arith.constant 0 : i32
      %dma_start3A_869 = tpu.memref_slice %arg13[%dma_start3A_867, %dma_start3A_868] : memref<64x129xf32, #tpu.memory_space<vmem>> -> memref<8x128xf32, #tpu.memory_space<vmem>>
      %dma_start3A_870 = arith.constant 0 : i32
      %dma_start3A_871 = arith.constant 0 : i32
      %dma_start3A_872 = tpu.memref_slice %arg5[%add3A_744, %dma_start3A_866, %add3A, %dma_start3A_870, %dma_start3A_871] : memref<200x8x32x8x128xf32, #tpu.memory_space<hbm>> -> memref<1x1x1x8x128xf32, #tpu.memory_space<hbm>>
      %dma_start3A_873 = tpu.memref_squeeze %dma_start3A_872 : memref<1x1x1x8x128xf32, #tpu.memory_space<hbm>> -> memref<8x128xf32, #tpu.memory_space<hbm>>
      %dma_start3A_874 = arith.constant 0 : i32
      %dma_start3A_875 = arith.constant 0 : i32
      %dma_start3A_876 = tpu.memref_slice %arg5[%add3A_744, %dma_start3A_866, %add3A, %dma_start3A_874, %dma_start3A_875] : memref<200x8x32x8x128xf32, #tpu.memory_space<hbm>> -> memref<1x1x1x8x128xf32, #tpu.memory_space<hbm>>
      %dma_start3A_877 = tpu.memref_squeeze %dma_start3A_876 : memref<1x1x1x8x128xf32, #tpu.memory_space<hbm>> -> memref<8x128xf32, #tpu.memory_space<hbm>>
      %dma_start3A_878 = arith.constant 40 : i32
      %dma_start3A_879 = arith.constant 0 : i32
      %dma_start3A_880 = tpu.memref_slice %arg13[%dma_start3A_878, %dma_start3A_879] : memref<64x129xf32, #tpu.memory_space<vmem>> -> memref<8x128xf32, #tpu.memory_space<vmem>>
      tpu.enqueue_dma source(%dma_start3A_880 : memref<8x128xf32, #tpu.memory_space<vmem>>) target(%dma_start3A_877 : memref<8x128xf32, #tpu.memory_space<hbm>>) target_semaphore(%arg21 : memref<!tpu.dma_semaphore, #tpu.memory_space<semaphore_mem>>)
      %dma_start3A_881 = arith.constant 6 : i32
      %dma_start3A_882 = arith.constant 48 : i32
      %dma_start3A_883 = arith.constant 0 : i32
      %dma_start3A_884 = tpu.memref_slice %arg13[%dma_start3A_882, %dma_start3A_883] : memref<64x129xf32, #tpu.memory_space<vmem>> -> memref<8x128xf32, #tpu.memory_space<vmem>>
      %dma_start3A_885 = arith.constant 0 : i32
      %dma_start3A_886 = arith.constant 0 : i32
      %dma_start3A_887 = tpu.memref_slice %arg5[%add3A_744, %dma_start3A_881, %add3A, %dma_start3A_885, %dma_start3A_886] : memref<200x8x32x8x128xf32, #tpu.memory_space<hbm>> -> memref<1x1x1x8x128xf32, #tpu.memory_space<hbm>>
      %dma_start3A_888 = tpu.memref_squeeze %dma_start3A_887 : memref<1x1x1x8x128xf32, #tpu.memory_space<hbm>> -> memref<8x128xf32, #tpu.memory_space<hbm>>
      %dma_start3A_889 = arith.constant 0 : i32
      %dma_start3A_890 = arith.constant 0 : i32
      %dma_start3A_891 = tpu.memref_slice %arg5[%add3A_744, %dma_start3A_881, %add3A, %dma_start3A_889, %dma_start3A_890] : memref<200x8x32x8x128xf32, #tpu.memory_space<hbm>> -> memref<1x1x1x8x128xf32, #tpu.memory_space<hbm>>
      %dma_start3A_892 = tpu.memref_squeeze %dma_start3A_891 : memref<1x1x1x8x128xf32, #tpu.memory_space<hbm>> -> memref<8x128xf32, #tpu.memory_space<hbm>>
      %dma_start3A_893 = arith.constant 48 : i32
      %dma_start3A_894 = arith.constant 0 : i32
      %dma_start3A_895 = tpu.memref_slice %arg13[%dma_start3A_893, %dma_start3A_894] : memref<64x129xf32, #tpu.memory_space<vmem>> -> memref<8x128xf32, #tpu.memory_space<vmem>>
      tpu.enqueue_dma source(%dma_start3A_895 : memref<8x128xf32, #tpu.memory_space<vmem>>) target(%dma_start3A_892 : memref<8x128xf32, #tpu.memory_space<hbm>>) target_semaphore(%arg21 : memref<!tpu.dma_semaphore, #tpu.memory_space<semaphore_mem>>)
      %dma_start3A_896 = arith.constant 7 : i32
      %dma_start3A_897 = arith.constant 56 : i32
      %dma_start3A_898 = arith.constant 0 : i32
      %dma_start3A_899 = tpu.memref_slice %arg13[%dma_start3A_897, %dma_start3A_898] : memref<64x129xf32, #tpu.memory_space<vmem>> -> memref<8x128xf32, #tpu.memory_space<vmem>>
      %dma_start3A_900 = arith.constant 0 : i32
      %dma_start3A_901 = arith.constant 0 : i32
      %dma_start3A_902 = tpu.memref_slice %arg5[%add3A_744, %dma_start3A_896, %add3A, %dma_start3A_900, %dma_start3A_901] : memref<200x8x32x8x128xf32, #tpu.memory_space<hbm>> -> memref<1x1x1x8x128xf32, #tpu.memory_space<hbm>>
      %dma_start3A_903 = tpu.memref_squeeze %dma_start3A_902 : memref<1x1x1x8x128xf32, #tpu.memory_space<hbm>> -> memref<8x128xf32, #tpu.memory_space<hbm>>
      %dma_start3A_904 = arith.constant 0 : i32
      %dma_start3A_905 = arith.constant 0 : i32
      %dma_start3A_906 = tpu.memref_slice %arg5[%add3A_744, %dma_start3A_896, %add3A, %dma_start3A_904, %dma_start3A_905] : memref<200x8x32x8x128xf32, #tpu.memory_space<hbm>> -> memref<1x1x1x8x128xf32, #tpu.memory_space<hbm>>
      %dma_start3A_907 = tpu.memref_squeeze %dma_start3A_906 : memref<1x1x1x8x128xf32, #tpu.memory_space<hbm>> -> memref<8x128xf32, #tpu.memory_space<hbm>>
      %dma_start3A_908 = arith.constant 56 : i32
      %dma_start3A_909 = arith.constant 0 : i32
      %dma_start3A_910 = tpu.memref_slice %arg13[%dma_start3A_908, %dma_start3A_909] : memref<64x129xf32, #tpu.memory_space<vmem>> -> memref<8x128xf32, #tpu.memory_space<vmem>>
      tpu.enqueue_dma source(%dma_start3A_910 : memref<8x128xf32, #tpu.memory_space<vmem>>) target(%dma_start3A_907 : memref<8x128xf32, #tpu.memory_space<hbm>>) target_semaphore(%arg21 : memref<!tpu.dma_semaphore, #tpu.memory_space<semaphore_mem>>)
      %mul3A_911 = arith.constant 4 : i32
      %mul3A_912 = arith.muli %scan3A_575, %mul3A_911 : i32
      %add3A_913 = arith.constant 2 : i32
      %add3A_914 = arith.addi %mul3A_912, %add3A_913 : i32
      %add3A_915 = arith.constant 3 : i32
      %add3A_916 = arith.addi %add3A_914, %add3A_915 : i32
      %lt3A_917 = arith.constant 200 : i32
      %lt3A_918 = arith.cmpi slt, %add3A_916, %lt3A_917 : i32
      %convert_element_type3A_919 = arith.extui %lt3A_918 : i1 to i32
      %cond3A_920 = arith.constant 0 : i32
      %cond3A_921 = arith.cmpi ne, %convert_element_type3A_919, %cond3A_920 : i32
      scf.if %cond3A_921 {
        %add3A_1252 = arith.constant 3 : i32
        %add3A_1253 = arith.addi %add3A_914, %add3A_1252 : i32
        %jit3A = arith.constant 8 : i32
        %div3A = arith.divsi %add3A_1253, %jit3A : i32
        %sign3A = arith.constant 0 : i32
        %sign3A_1254 = arith.cmpi sgt, %add3A_1253, %sign3A : i32
        %sign3A_1255 = arith.extui %sign3A_1254 : i1 to i32
        %sign3A_1256 = arith.constant 0 : i32
        %sign3A_1257 = arith.cmpi slt, %add3A_1253, %sign3A_1256 : i32
        %sign3A_1258 = arith.extui %sign3A_1257 : i1 to i32
        %sign3A_1259 = arith.subi %sign3A_1255, %sign3A_1258 : i32
        %sign3A_1260 = arith.constant 0 : i32
        %sign3A_1261 = arith.cmpi sgt, %jit3A, %sign3A_1260 : i32
        %sign3A_1262 = arith.extui %sign3A_1261 : i1 to i32
        %sign3A_1263 = arith.constant 0 : i32
        %sign3A_1264 = arith.cmpi slt, %jit3A, %sign3A_1263 : i32
        %sign3A_1265 = arith.extui %sign3A_1264 : i1 to i32
        %sign3A_1266 = arith.subi %sign3A_1262, %sign3A_1265 : i32
        %ne3A = arith.cmpi ne, %sign3A_1259, %sign3A_1266 : i32
        %rem3A = arith.remsi %add3A_1253, %jit3A : i32
        %ne3A_1267 = arith.constant 0 : i32
        %ne3A_1268 = arith.cmpi ne, %rem3A, %ne3A_1267 : i32
        %and3A = arith.andi %ne3A, %ne3A_1268 : i1
        %sub3A = arith.constant 1 : i32
        %sub3A_1269 = arith.subi %div3A, %sub3A : i32
        %select_n3A = arith.select %and3A, %sub3A_1269, %div3A : i32
        %jit3A_1270 = arith.constant 8 : i32
        %eq3A = arith.constant 0 : i32
        %eq3A_1271 = arith.cmpi eq, %jit3A_1270, %eq3A : i32
        %jit3A_1272 = arith.constant 1 : i32
        %select_n3A_1273 = arith.select %eq3A_1271, %jit3A_1272, %jit3A_1270 : i32
        %rem3A_1274 = arith.remsi %add3A_1253, %select_n3A_1273 : i32
        %ne3A_1275 = arith.constant 0 : i32
        %ne3A_1276 = arith.cmpi ne, %rem3A_1274, %ne3A_1275 : i32
        %lt3A_1277 = arith.constant 0 : i32
        %lt3A_1278 = arith.cmpi slt, %rem3A_1274, %lt3A_1277 : i32
        %lt3A_1279 = arith.constant 0 : i32
        %lt3A_1280 = arith.cmpi slt, %select_n3A_1273, %lt3A_1279 : i32
        %ne3A_1281 = arith.xori %lt3A_1278, %lt3A_1280 : i1
        %and3A_1282 = arith.andi %ne3A_1281, %ne3A_1276 : i1
        %add3A_1283 = arith.addi %rem3A_1274, %select_n3A_1273 : i32
        %select_n3A_1284 = arith.select %and3A_1282, %add3A_1283, %rem3A_1274 : i32
        %dma_start3A_1285 = arith.constant 0 : i32
        %dma_start3A_1286 = tpu.memref_slice %arg6[%select_n3A, %select_n3A_1284, %dma_start3A_1285] : memref<25x8x128xi32, #tpu.memory_space<vmem>> -> memref<1x1x128xi32, #tpu.memory_space<vmem>>
        %dma_start3A_1287 = tpu.memref_squeeze %dma_start3A_1286 : memref<1x1x128xi32, #tpu.memory_space<vmem>> -> memref<128xi32, #tpu.memory_space<vmem>>
        %dma_start3A_1288 = arith.constant 0 : i32
        %dma_start3A_1289 = arith.constant 0 : i32
        %dma_start3A_1290 = tpu.memref_slice %arg3[%dma_start3A_1288, %dma_start3A_1289] : memref<100000x64xf32, #tpu.memory_space<hbm>> -> memref<100000x64xf32, #tpu.memory_space<hbm>>
        tpu.enqueue_indirect_dma source(%dma_start3A_1290 : memref<100000x64xf32, #tpu.memory_space<hbm>>) target(%arg9 : memref<128x64xf32, #tpu.memory_space<vmem>>) offsets(%dma_start3A_1287 : memref<128xi32, #tpu.memory_space<vmem>>) semaphore(%arg17 : memref<!tpu.dma_semaphore, #tpu.memory_space<semaphore_mem>>)
      } else {
      }
      %dma_wait3A_922 = arith.constant 0 : i32
      %dma_wait3A_923 = arith.constant 0 : i32
      %dma_wait3A_924 = tpu.memref_slice %arg6[%add3A_914, %dma_wait3A_922, %dma_wait3A_923] : memref<25x8x128xi32, #tpu.memory_space<vmem>> -> memref<1x8x128xi32, #tpu.memory_space<vmem>>
      %dma_wait3A_925 = tpu.memref_squeeze %dma_wait3A_924 : memref<1x8x128xi32, #tpu.memory_space<vmem>> -> memref<8x128xi32, #tpu.memory_space<vmem>>
      %dma_wait3A_926 = arith.constant 0 : i32
      %dma_wait3A_927 = arith.constant 0 : i32
      %dma_wait3A_928 = tpu.memref_slice %arg3[%dma_wait3A_926, %dma_wait3A_927] : memref<100000x64xf32, #tpu.memory_space<hbm>> -> memref<100000x64xf32, #tpu.memory_space<hbm>>
      tpu.wait_indirect_dma semaphore(%arg18 : memref<!tpu.dma_semaphore, #tpu.memory_space<semaphore_mem>>) src(%dma_wait3A_928 : memref<100000x64xf32, #tpu.memory_space<hbm>>) dst(%arg10 : memref<128x64xf32, #tpu.memory_space<vmem>>)
      %ge3A_929 = arith.constant 4 : i32
      %ge3A_930 = arith.cmpi sge, %add3A_914, %ge3A_929 : i32
      %convert_element_type3A_931 = arith.extui %ge3A_930 : i1 to i32
      %cond3A_932 = arith.constant 0 : i32
      %cond3A_933 = arith.cmpi ne, %convert_element_type3A_931, %cond3A_932 : i32
      scf.if %cond3A_933 {
        %dma_wait3A_1252 = arith.constant 0 : i32
        %dma_wait3A_1253 = arith.constant 0 : i32
        %dma_wait3A_1254 = arith.constant 0 : i32
        %dma_wait3A_1255 = arith.constant 0 : i32
        %dma_wait3A_1256 = arith.constant 0 : i32
        %dma_wait3A_1257 = tpu.memref_slice %arg14[%dma_wait3A_1255, %dma_wait3A_1256] : memref<64x129xf32, #tpu.memory_space<vmem>> -> memref<8x128xf32, #tpu.memory_space<vmem>>
        %dma_wait3A_1258 = arith.constant 0 : i32
        %dma_wait3A_1259 = arith.constant 0 : i32
        %dma_wait3A_1260 = tpu.memref_slice %arg5[%dma_wait3A_1252, %dma_wait3A_1253, %dma_wait3A_1254, %dma_wait3A_1258, %dma_wait3A_1259] : memref<200x8x32x8x128xf32, #tpu.memory_space<hbm>> -> memref<1x1x1x8x128xf32, #tpu.memory_space<hbm>>
        %dma_wait3A_1261 = tpu.memref_squeeze %dma_wait3A_1260 : memref<1x1x1x8x128xf32, #tpu.memory_space<hbm>> -> memref<8x128xf32, #tpu.memory_space<hbm>>
        %dma_wait3A_1262 = arith.constant 0 : i32
        %dma_wait3A_1263 = arith.constant 0 : i32
        %dma_wait3A_1264 = tpu.memref_slice %arg5[%dma_wait3A_1252, %dma_wait3A_1253, %dma_wait3A_1254, %dma_wait3A_1262, %dma_wait3A_1263] : memref<200x8x32x8x128xf32, #tpu.memory_space<hbm>> -> memref<1x1x1x8x128xf32, #tpu.memory_space<hbm>>
        %dma_wait3A_1265 = tpu.memref_squeeze %dma_wait3A_1264 : memref<1x1x1x8x128xf32, #tpu.memory_space<hbm>> -> memref<8x128xf32, #tpu.memory_space<hbm>>
        %dma_wait3A_1266 = arith.constant 0 : i32
        %dma_wait3A_1267 = arith.constant 0 : i32
        %dma_wait3A_1268 = tpu.memref_slice %arg14[%dma_wait3A_1266, %dma_wait3A_1267] : memref<64x129xf32, #tpu.memory_space<vmem>> -> memref<8x128xf32, #tpu.memory_space<vmem>>
        tpu.wait_dma2 semaphore(%arg22 : memref<!tpu.dma_semaphore, #tpu.memory_space<semaphore_mem>>) src(%dma_wait3A_1268 : memref<8x128xf32, #tpu.memory_space<vmem>>) dst(%dma_wait3A_1265 : memref<8x128xf32, #tpu.memory_space<hbm>>)
        %dma_wait3A_1269 = arith.constant 0 : i32
        %dma_wait3A_1270 = arith.constant 1 : i32
        %dma_wait3A_1271 = arith.constant 0 : i32
        %dma_wait3A_1272 = arith.constant 0 : i32
        %dma_wait3A_1273 = arith.constant 0 : i32
        %dma_wait3A_1274 = tpu.memref_slice %arg14[%dma_wait3A_1272, %dma_wait3A_1273] : memref<64x129xf32, #tpu.memory_space<vmem>> -> memref<8x128xf32, #tpu.memory_space<vmem>>
        %dma_wait3A_1275 = arith.constant 0 : i32
        %dma_wait3A_1276 = arith.constant 0 : i32
        %dma_wait3A_1277 = tpu.memref_slice %arg5[%dma_wait3A_1269, %dma_wait3A_1270, %dma_wait3A_1271, %dma_wait3A_1275, %dma_wait3A_1276] : memref<200x8x32x8x128xf32, #tpu.memory_space<hbm>> -> memref<1x1x1x8x128xf32, #tpu.memory_space<hbm>>
        %dma_wait3A_1278 = tpu.memref_squeeze %dma_wait3A_1277 : memref<1x1x1x8x128xf32, #tpu.memory_space<hbm>> -> memref<8x128xf32, #tpu.memory_space<hbm>>
        %dma_wait3A_1279 = arith.constant 0 : i32
        %dma_wait3A_1280 = arith.constant 0 : i32
        %dma_wait3A_1281 = tpu.memref_slice %arg5[%dma_wait3A_1269, %dma_wait3A_1270, %dma_wait3A_1271, %dma_wait3A_1279, %dma_wait3A_1280] : memref<200x8x32x8x128xf32, #tpu.memory_space<hbm>> -> memref<1x1x1x8x128xf32, #tpu.memory_space<hbm>>
        %dma_wait3A_1282 = tpu.memref_squeeze %dma_wait3A_1281 : memref<1x1x1x8x128xf32, #tpu.memory_space<hbm>> -> memref<8x128xf32, #tpu.memory_space<hbm>>
        %dma_wait3A_1283 = arith.constant 0 : i32
        %dma_wait3A_1284 = arith.constant 0 : i32
        %dma_wait3A_1285 = tpu.memref_slice %arg14[%dma_wait3A_1283, %dma_wait3A_1284] : memref<64x129xf32, #tpu.memory_space<vmem>> -> memref<8x128xf32, #tpu.memory_space<vmem>>
        tpu.wait_dma2 semaphore(%arg22 : memref<!tpu.dma_semaphore, #tpu.memory_space<semaphore_mem>>) src(%dma_wait3A_1285 : memref<8x128xf32, #tpu.memory_space<vmem>>) dst(%dma_wait3A_1282 : memref<8x128xf32, #tpu.memory_space<hbm>>)
        %dma_wait3A_1286 = arith.constant 0 : i32
        %dma_wait3A_1287 = arith.constant 2 : i32
        %dma_wait3A_1288 = arith.constant 0 : i32
        %dma_wait3A_1289 = arith.constant 0 : i32
        %dma_wait3A_1290 = arith.constant 0 : i32
        %dma_wait3A_1291 = tpu.memref_slice %arg14[%dma_wait3A_1289, %dma_wait3A_1290] : memref<64x129xf32, #tpu.memory_space<vmem>> -> memref<8x128xf32, #tpu.memory_space<vmem>>
        %dma_wait3A_1292 = arith.constant 0 : i32
        %dma_wait3A_1293 = arith.constant 0 : i32
        %dma_wait3A_1294 = tpu.memref_slice %arg5[%dma_wait3A_1286, %dma_wait3A_1287, %dma_wait3A_1288, %dma_wait3A_1292, %dma_wait3A_1293] : memref<200x8x32x8x128xf32, #tpu.memory_space<hbm>> -> memref<1x1x1x8x128xf32, #tpu.memory_space<hbm>>
        %dma_wait3A_1295 = tpu.memref_squeeze %dma_wait3A_1294 : memref<1x1x1x8x128xf32, #tpu.memory_space<hbm>> -> memref<8x128xf32, #tpu.memory_space<hbm>>
        %dma_wait3A_1296 = arith.constant 0 : i32
        %dma_wait3A_1297 = arith.constant 0 : i32
        %dma_wait3A_1298 = tpu.memref_slice %arg5[%dma_wait3A_1286, %dma_wait3A_1287, %dma_wait3A_1288, %dma_wait3A_1296, %dma_wait3A_1297] : memref<200x8x32x8x128xf32, #tpu.memory_space<hbm>> -> memref<1x1x1x8x128xf32, #tpu.memory_space<hbm>>
        %dma_wait3A_1299 = tpu.memref_squeeze %dma_wait3A_1298 : memref<1x1x1x8x128xf32, #tpu.memory_space<hbm>> -> memref<8x128xf32, #tpu.memory_space<hbm>>
        %dma_wait3A_1300 = arith.constant 0 : i32
        %dma_wait3A_1301 = arith.constant 0 : i32
        %dma_wait3A_1302 = tpu.memref_slice %arg14[%dma_wait3A_1300, %dma_wait3A_1301] : memref<64x129xf32, #tpu.memory_space<vmem>> -> memref<8x128xf32, #tpu.memory_space<vmem>>
        tpu.wait_dma2 semaphore(%arg22 : memref<!tpu.dma_semaphore, #tpu.memory_space<semaphore_mem>>) src(%dma_wait3A_1302 : memref<8x128xf32, #tpu.memory_space<vmem>>) dst(%dma_wait3A_1299 : memref<8x128xf32, #tpu.memory_space<hbm>>)
        %dma_wait3A_1303 = arith.constant 0 : i32
        %dma_wait3A_1304 = arith.constant 3 : i32
        %dma_wait3A_1305 = arith.constant 0 : i32
        %dma_wait3A_1306 = arith.constant 0 : i32
        %dma_wait3A_1307 = arith.constant 0 : i32
        %dma_wait3A_1308 = tpu.memref_slice %arg14[%dma_wait3A_1306, %dma_wait3A_1307] : memref<64x129xf32, #tpu.memory_space<vmem>> -> memref<8x128xf32, #tpu.memory_space<vmem>>
        %dma_wait3A_1309 = arith.constant 0 : i32
        %dma_wait3A_1310 = arith.constant 0 : i32
        %dma_wait3A_1311 = tpu.memref_slice %arg5[%dma_wait3A_1303, %dma_wait3A_1304, %dma_wait3A_1305, %dma_wait3A_1309, %dma_wait3A_1310] : memref<200x8x32x8x128xf32, #tpu.memory_space<hbm>> -> memref<1x1x1x8x128xf32, #tpu.memory_space<hbm>>
        %dma_wait3A_1312 = tpu.memref_squeeze %dma_wait3A_1311 : memref<1x1x1x8x128xf32, #tpu.memory_space<hbm>> -> memref<8x128xf32, #tpu.memory_space<hbm>>
        %dma_wait3A_1313 = arith.constant 0 : i32
        %dma_wait3A_1314 = arith.constant 0 : i32
        %dma_wait3A_1315 = tpu.memref_slice %arg5[%dma_wait3A_1303, %dma_wait3A_1304, %dma_wait3A_1305, %dma_wait3A_1313, %dma_wait3A_1314] : memref<200x8x32x8x128xf32, #tpu.memory_space<hbm>> -> memref<1x1x1x8x128xf32, #tpu.memory_space<hbm>>
        %dma_wait3A_1316 = tpu.memref_squeeze %dma_wait3A_1315 : memref<1x1x1x8x128xf32, #tpu.memory_space<hbm>> -> memref<8x128xf32, #tpu.memory_space<hbm>>
        %dma_wait3A_1317 = arith.constant 0 : i32
        %dma_wait3A_1318 = arith.constant 0 : i32
        %dma_wait3A_1319 = tpu.memref_slice %arg14[%dma_wait3A_1317, %dma_wait3A_1318] : memref<64x129xf32, #tpu.memory_space<vmem>> -> memref<8x128xf32, #tpu.memory_space<vmem>>
        tpu.wait_dma2 semaphore(%arg22 : memref<!tpu.dma_semaphore, #tpu.memory_space<semaphore_mem>>) src(%dma_wait3A_1319 : memref<8x128xf32, #tpu.memory_space<vmem>>) dst(%dma_wait3A_1316 : memref<8x128xf32, #tpu.memory_space<hbm>>)
        %dma_wait3A_1320 = arith.constant 0 : i32
        %dma_wait3A_1321 = arith.constant 4 : i32
        %dma_wait3A_1322 = arith.constant 0 : i32
        %dma_wait3A_1323 = arith.constant 0 : i32
        %dma_wait3A_1324 = arith.constant 0 : i32
        %dma_wait3A_1325 = tpu.memref_slice %arg14[%dma_wait3A_1323, %dma_wait3A_1324] : memref<64x129xf32, #tpu.memory_space<vmem>> -> memref<8x128xf32, #tpu.memory_space<vmem>>
        %dma_wait3A_1326 = arith.constant 0 : i32
        %dma_wait3A_1327 = arith.constant 0 : i32
        %dma_wait3A_1328 = tpu.memref_slice %arg5[%dma_wait3A_1320, %dma_wait3A_1321, %dma_wait3A_1322, %dma_wait3A_1326, %dma_wait3A_1327] : memref<200x8x32x8x128xf32, #tpu.memory_space<hbm>> -> memref<1x1x1x8x128xf32, #tpu.memory_space<hbm>>
        %dma_wait3A_1329 = tpu.memref_squeeze %dma_wait3A_1328 : memref<1x1x1x8x128xf32, #tpu.memory_space<hbm>> -> memref<8x128xf32, #tpu.memory_space<hbm>>
        %dma_wait3A_1330 = arith.constant 0 : i32
        %dma_wait3A_1331 = arith.constant 0 : i32
        %dma_wait3A_1332 = tpu.memref_slice %arg5[%dma_wait3A_1320, %dma_wait3A_1321, %dma_wait3A_1322, %dma_wait3A_1330, %dma_wait3A_1331] : memref<200x8x32x8x128xf32, #tpu.memory_space<hbm>> -> memref<1x1x1x8x128xf32, #tpu.memory_space<hbm>>
        %dma_wait3A_1333 = tpu.memref_squeeze %dma_wait3A_1332 : memref<1x1x1x8x128xf32, #tpu.memory_space<hbm>> -> memref<8x128xf32, #tpu.memory_space<hbm>>
        %dma_wait3A_1334 = arith.constant 0 : i32
        %dma_wait3A_1335 = arith.constant 0 : i32
        %dma_wait3A_1336 = tpu.memref_slice %arg14[%dma_wait3A_1334, %dma_wait3A_1335] : memref<64x129xf32, #tpu.memory_space<vmem>> -> memref<8x128xf32, #tpu.memory_space<vmem>>
        tpu.wait_dma2 semaphore(%arg22 : memref<!tpu.dma_semaphore, #tpu.memory_space<semaphore_mem>>) src(%dma_wait3A_1336 : memref<8x128xf32, #tpu.memory_space<vmem>>) dst(%dma_wait3A_1333 : memref<8x128xf32, #tpu.memory_space<hbm>>)
        %dma_wait3A_1337 = arith.constant 0 : i32
        %dma_wait3A_1338 = arith.constant 5 : i32
        %dma_wait3A_1339 = arith.constant 0 : i32
        %dma_wait3A_1340 = arith.constant 0 : i32
        %dma_wait3A_1341 = arith.constant 0 : i32
        %dma_wait3A_1342 = tpu.memref_slice %arg14[%dma_wait3A_1340, %dma_wait3A_1341] : memref<64x129xf32, #tpu.memory_space<vmem>> -> memref<8x128xf32, #tpu.memory_space<vmem>>
        %dma_wait3A_1343 = arith.constant 0 : i32
        %dma_wait3A_1344 = arith.constant 0 : i32
        %dma_wait3A_1345 = tpu.memref_slice %arg5[%dma_wait3A_1337, %dma_wait3A_1338, %dma_wait3A_1339, %dma_wait3A_1343, %dma_wait3A_1344] : memref<200x8x32x8x128xf32, #tpu.memory_space<hbm>> -> memref<1x1x1x8x128xf32, #tpu.memory_space<hbm>>
        %dma_wait3A_1346 = tpu.memref_squeeze %dma_wait3A_1345 : memref<1x1x1x8x128xf32, #tpu.memory_space<hbm>> -> memref<8x128xf32, #tpu.memory_space<hbm>>
        %dma_wait3A_1347 = arith.constant 0 : i32
        %dma_wait3A_1348 = arith.constant 0 : i32
        %dma_wait3A_1349 = tpu.memref_slice %arg5[%dma_wait3A_1337, %dma_wait3A_1338, %dma_wait3A_1339, %dma_wait3A_1347, %dma_wait3A_1348] : memref<200x8x32x8x128xf32, #tpu.memory_space<hbm>> -> memref<1x1x1x8x128xf32, #tpu.memory_space<hbm>>
        %dma_wait3A_1350 = tpu.memref_squeeze %dma_wait3A_1349 : memref<1x1x1x8x128xf32, #tpu.memory_space<hbm>> -> memref<8x128xf32, #tpu.memory_space<hbm>>
        %dma_wait3A_1351 = arith.constant 0 : i32
        %dma_wait3A_1352 = arith.constant 0 : i32
        %dma_wait3A_1353 = tpu.memref_slice %arg14[%dma_wait3A_1351, %dma_wait3A_1352] : memref<64x129xf32, #tpu.memory_space<vmem>> -> memref<8x128xf32, #tpu.memory_space<vmem>>
        tpu.wait_dma2 semaphore(%arg22 : memref<!tpu.dma_semaphore, #tpu.memory_space<semaphore_mem>>) src(%dma_wait3A_1353 : memref<8x128xf32, #tpu.memory_space<vmem>>) dst(%dma_wait3A_1350 : memref<8x128xf32, #tpu.memory_space<hbm>>)
        %dma_wait3A_1354 = arith.constant 0 : i32
        %dma_wait3A_1355 = arith.constant 6 : i32
        %dma_wait3A_1356 = arith.constant 0 : i32
        %dma_wait3A_1357 = arith.constant 0 : i32
        %dma_wait3A_1358 = arith.constant 0 : i32
        %dma_wait3A_1359 = tpu.memref_slice %arg14[%dma_wait3A_1357, %dma_wait3A_1358] : memref<64x129xf32, #tpu.memory_space<vmem>> -> memref<8x128xf32, #tpu.memory_space<vmem>>
        %dma_wait3A_1360 = arith.constant 0 : i32
        %dma_wait3A_1361 = arith.constant 0 : i32
        %dma_wait3A_1362 = tpu.memref_slice %arg5[%dma_wait3A_1354, %dma_wait3A_1355, %dma_wait3A_1356, %dma_wait3A_1360, %dma_wait3A_1361] : memref<200x8x32x8x128xf32, #tpu.memory_space<hbm>> -> memref<1x1x1x8x128xf32, #tpu.memory_space<hbm>>
        %dma_wait3A_1363 = tpu.memref_squeeze %dma_wait3A_1362 : memref<1x1x1x8x128xf32, #tpu.memory_space<hbm>> -> memref<8x128xf32, #tpu.memory_space<hbm>>
        %dma_wait3A_1364 = arith.constant 0 : i32
        %dma_wait3A_1365 = arith.constant 0 : i32
        %dma_wait3A_1366 = tpu.memref_slice %arg5[%dma_wait3A_1354, %dma_wait3A_1355, %dma_wait3A_1356, %dma_wait3A_1364, %dma_wait3A_1365] : memref<200x8x32x8x128xf32, #tpu.memory_space<hbm>> -> memref<1x1x1x8x128xf32, #tpu.memory_space<hbm>>
        %dma_wait3A_1367 = tpu.memref_squeeze %dma_wait3A_1366 : memref<1x1x1x8x128xf32, #tpu.memory_space<hbm>> -> memref<8x128xf32, #tpu.memory_space<hbm>>
        %dma_wait3A_1368 = arith.constant 0 : i32
        %dma_wait3A_1369 = arith.constant 0 : i32
        %dma_wait3A_1370 = tpu.memref_slice %arg14[%dma_wait3A_1368, %dma_wait3A_1369] : memref<64x129xf32, #tpu.memory_space<vmem>> -> memref<8x128xf32, #tpu.memory_space<vmem>>
        tpu.wait_dma2 semaphore(%arg22 : memref<!tpu.dma_semaphore, #tpu.memory_space<semaphore_mem>>) src(%dma_wait3A_1370 : memref<8x128xf32, #tpu.memory_space<vmem>>) dst(%dma_wait3A_1367 : memref<8x128xf32, #tpu.memory_space<hbm>>)
        %dma_wait3A_1371 = arith.constant 0 : i32
        %dma_wait3A_1372 = arith.constant 7 : i32
        %dma_wait3A_1373 = arith.constant 0 : i32
        %dma_wait3A_1374 = arith.constant 0 : i32
        %dma_wait3A_1375 = arith.constant 0 : i32
        %dma_wait3A_1376 = tpu.memref_slice %arg14[%dma_wait3A_1374, %dma_wait3A_1375] : memref<64x129xf32, #tpu.memory_space<vmem>> -> memref<8x128xf32, #tpu.memory_space<vmem>>
        %dma_wait3A_1377 = arith.constant 0 : i32
        %dma_wait3A_1378 = arith.constant 0 : i32
        %dma_wait3A_1379 = tpu.memref_slice %arg5[%dma_wait3A_1371, %dma_wait3A_1372, %dma_wait3A_1373, %dma_wait3A_1377, %dma_wait3A_1378] : memref<200x8x32x8x128xf32, #tpu.memory_space<hbm>> -> memref<1x1x1x8x128xf32, #tpu.memory_space<hbm>>
        %dma_wait3A_1380 = tpu.memref_squeeze %dma_wait3A_1379 : memref<1x1x1x8x128xf32, #tpu.memory_space<hbm>> -> memref<8x128xf32, #tpu.memory_space<hbm>>
        %dma_wait3A_1381 = arith.constant 0 : i32
        %dma_wait3A_1382 = arith.constant 0 : i32
        %dma_wait3A_1383 = tpu.memref_slice %arg5[%dma_wait3A_1371, %dma_wait3A_1372, %dma_wait3A_1373, %dma_wait3A_1381, %dma_wait3A_1382] : memref<200x8x32x8x128xf32, #tpu.memory_space<hbm>> -> memref<1x1x1x8x128xf32, #tpu.memory_space<hbm>>
        %dma_wait3A_1384 = tpu.memref_squeeze %dma_wait3A_1383 : memref<1x1x1x8x128xf32, #tpu.memory_space<hbm>> -> memref<8x128xf32, #tpu.memory_space<hbm>>
        %dma_wait3A_1385 = arith.constant 0 : i32
        %dma_wait3A_1386 = arith.constant 0 : i32
        %dma_wait3A_1387 = tpu.memref_slice %arg14[%dma_wait3A_1385, %dma_wait3A_1386] : memref<64x129xf32, #tpu.memory_space<vmem>> -> memref<8x128xf32, #tpu.memory_space<vmem>>
        tpu.wait_dma2 semaphore(%arg22 : memref<!tpu.dma_semaphore, #tpu.memory_space<semaphore_mem>>) src(%dma_wait3A_1387 : memref<8x128xf32, #tpu.memory_space<vmem>>) dst(%dma_wait3A_1384 : memref<8x128xf32, #tpu.memory_space<hbm>>)
      } else {
      }
      %get3A_934 = arith.index_cast %add3A_914 : i32 to index
      %get3A_935 = arith.constant 0 : index
      %get3A_936 = tpu.vector_load %arg7[%get3A_934, %get3A_935] {strides = array<i32>} : memref<200x64xf32, #tpu.memory_space<vmem>>, vector<16xf32>,
      %get3A_937 = arith.index_cast %add3A_914 : i32 to index
      %get3A_938 = arith.constant 16 : index
      %get3A_939 = tpu.vector_load %arg7[%get3A_937, %get3A_938] {strides = array<i32>} : memref<200x64xf32, #tpu.memory_space<vmem>>, vector<16xf32>,
      %get3A_940 = arith.index_cast %add3A_914 : i32 to index
      %get3A_941 = arith.constant 32 : index
      %get3A_942 = tpu.vector_load %arg7[%get3A_940, %get3A_941] {strides = array<i32>} : memref<200x64xf32, #tpu.memory_space<vmem>>, vector<16xf32>,
      %get3A_943 = arith.index_cast %add3A_914 : i32 to index
      %get3A_944 = arith.constant 48 : index
      %get3A_945 = tpu.vector_load %arg7[%get3A_943, %get3A_944] {strides = array<i32>} : memref<200x64xf32, #tpu.memory_space<vmem>>, vector<16xf32>,
      %add3A_946 = arith.constant 0 : i32
      %add3A_947 = vector.broadcast %add3A_946 : i32 to vector<16xi32>
      %add3A_948 = arith.addi %iota3A, %add3A_947 : vector<16xi32>
      %add3A_949 = arith.constant 16 : i32
      %add3A_950 = vector.broadcast %add3A_949 : i32 to vector<16xi32>
      %add3A_951 = arith.addi %iota3A, %add3A_950 : vector<16xi32>
      %add3A_952 = arith.constant 32 : i32
      %add3A_953 = vector.broadcast %add3A_952 : i32 to vector<16xi32>
      %add3A_954 = arith.addi %iota3A, %add3A_953 : vector<16xi32>
      %add3A_955 = arith.constant 48 : i32
      %add3A_956 = vector.broadcast %add3A_955 : i32 to vector<16xi32>
      %add3A_957 = arith.addi %iota3A, %add3A_956 : vector<16xi32>
      %parallel_loop3A_958 = arith.constant 0 : i32
      %parallel_loop3A_959 = arith.constant 128 : i32
      %parallel_loop3A_960 = arith.constant 1 : i32
      scf.for %parallel_loop3A_1252 = %parallel_loop3A_958 to %parallel_loop3A_959 step %parallel_loop3A_960  : i32 {
        %parallel_loop3A_1253 = vector.broadcast %parallel_loop3A_1252 : i32 to vector<16xi32>
        %parallel_loop3A_1254 = arith.index_cast %parallel_loop3A_1252 : i32 to index
        %parallel_loop3A_1255 = arith.constant 0 : index
        %parallel_loop3A_1256 = tpu.vector_load %arg10[%parallel_loop3A_1254, %parallel_loop3A_1255] {strides = array<i32>} : memref<128x64xf32, #tpu.memory_space<vmem>>, vector<16xf32>,
        %parallel_loop3A_1257 = arith.addf %parallel_loop3A_1256, %get3A_936 : vector<16xf32>
        tpu.vector_store_idx %arg14[%add3A_948, %parallel_loop3A_1253], %parallel_loop3A_1257 : memref<64x129xf32, #tpu.memory_space<vmem>>[vector<16xi32>, vector<16xi32>], vector<16xf32>,
        %parallel_loop3A_1258 = arith.index_cast %parallel_loop3A_1252 : i32 to index
        %parallel_loop3A_1259 = arith.constant 16 : index
        %parallel_loop3A_1260 = tpu.vector_load %arg10[%parallel_loop3A_1258, %parallel_loop3A_1259] {strides = array<i32>} : memref<128x64xf32, #tpu.memory_space<vmem>>, vector<16xf32>,
        %parallel_loop3A_1261 = arith.addf %parallel_loop3A_1260, %get3A_939 : vector<16xf32>
        tpu.vector_store_idx %arg14[%add3A_951, %parallel_loop3A_1253], %parallel_loop3A_1261 : memref<64x129xf32, #tpu.memory_space<vmem>>[vector<16xi32>, vector<16xi32>], vector<16xf32>,
        %parallel_loop3A_1262 = arith.index_cast %parallel_loop3A_1252 : i32 to index
        %parallel_loop3A_1263 = arith.constant 32 : index
        %parallel_loop3A_1264 = tpu.vector_load %arg10[%parallel_loop3A_1262, %parallel_loop3A_1263] {strides = array<i32>} : memref<128x64xf32, #tpu.memory_space<vmem>>, vector<16xf32>,
        %parallel_loop3A_1265 = arith.addf %parallel_loop3A_1264, %get3A_942 : vector<16xf32>
        tpu.vector_store_idx %arg14[%add3A_954, %parallel_loop3A_1253], %parallel_loop3A_1265 : memref<64x129xf32, #tpu.memory_space<vmem>>[vector<16xi32>, vector<16xi32>], vector<16xf32>,
        %parallel_loop3A_1266 = arith.index_cast %parallel_loop3A_1252 : i32 to index
        %parallel_loop3A_1267 = arith.constant 48 : index
        %parallel_loop3A_1268 = tpu.vector_load %arg10[%parallel_loop3A_1266, %parallel_loop3A_1267] {strides = array<i32>} : memref<128x64xf32, #tpu.memory_space<vmem>>, vector<16xf32>,
        %parallel_loop3A_1269 = arith.addf %parallel_loop3A_1268, %get3A_945 : vector<16xf32>
        tpu.vector_store_idx %arg14[%add3A_957, %parallel_loop3A_1253], %parallel_loop3A_1269 : memref<64x129xf32, #tpu.memory_space<vmem>>[vector<16xi32>, vector<16xi32>], vector<16xf32>,
      } {sc.loop_unroll_factor = 12 : i64, sc.parallel_access}
      %dma_start3A_961 = arith.constant 0 : i32
      %dma_start3A_962 = arith.constant 0 : i32
      %dma_start3A_963 = arith.constant 0 : i32
      %dma_start3A_964 = tpu.memref_slice %arg14[%dma_start3A_962, %dma_start3A_963] : memref<64x129xf32, #tpu.memory_space<vmem>> -> memref<8x128xf32, #tpu.memory_space<vmem>>
      %dma_start3A_965 = arith.constant 0 : i32
      %dma_start3A_966 = arith.constant 0 : i32
      %dma_start3A_967 = tpu.memref_slice %arg5[%add3A_914, %dma_start3A_961, %add3A, %dma_start3A_965, %dma_start3A_966] : memref<200x8x32x8x128xf32, #tpu.memory_space<hbm>> -> memref<1x1x1x8x128xf32, #tpu.memory_space<hbm>>
      %dma_start3A_968 = tpu.memref_squeeze %dma_start3A_967 : memref<1x1x1x8x128xf32, #tpu.memory_space<hbm>> -> memref<8x128xf32, #tpu.memory_space<hbm>>
      %dma_start3A_969 = arith.constant 0 : i32
      %dma_start3A_970 = arith.constant 0 : i32
      %dma_start3A_971 = tpu.memref_slice %arg5[%add3A_914, %dma_start3A_961, %add3A, %dma_start3A_969, %dma_start3A_970] : memref<200x8x32x8x128xf32, #tpu.memory_space<hbm>> -> memref<1x1x1x8x128xf32, #tpu.memory_space<hbm>>
      %dma_start3A_972 = tpu.memref_squeeze %dma_start3A_971 : memref<1x1x1x8x128xf32, #tpu.memory_space<hbm>> -> memref<8x128xf32, #tpu.memory_space<hbm>>
      %dma_start3A_973 = arith.constant 0 : i32
      %dma_start3A_974 = arith.constant 0 : i32
      %dma_start3A_975 = tpu.memref_slice %arg14[%dma_start3A_973, %dma_start3A_974] : memref<64x129xf32, #tpu.memory_space<vmem>> -> memref<8x128xf32, #tpu.memory_space<vmem>>
      tpu.enqueue_dma source(%dma_start3A_975 : memref<8x128xf32, #tpu.memory_space<vmem>>) target(%dma_start3A_972 : memref<8x128xf32, #tpu.memory_space<hbm>>) target_semaphore(%arg22 : memref<!tpu.dma_semaphore, #tpu.memory_space<semaphore_mem>>)
      %dma_start3A_976 = arith.constant 1 : i32
      %dma_start3A_977 = arith.constant 8 : i32
      %dma_start3A_978 = arith.constant 0 : i32
      %dma_start3A_979 = tpu.memref_slice %arg14[%dma_start3A_977, %dma_start3A_978] : memref<64x129xf32, #tpu.memory_space<vmem>> -> memref<8x128xf32, #tpu.memory_space<vmem>>
      %dma_start3A_980 = arith.constant 0 : i32
      %dma_start3A_981 = arith.constant 0 : i32
      %dma_start3A_982 = tpu.memref_slice %arg5[%add3A_914, %dma_start3A_976, %add3A, %dma_start3A_980, %dma_start3A_981] : memref<200x8x32x8x128xf32, #tpu.memory_space<hbm>> -> memref<1x1x1x8x128xf32, #tpu.memory_space<hbm>>
      %dma_start3A_983 = tpu.memref_squeeze %dma_start3A_982 : memref<1x1x1x8x128xf32, #tpu.memory_space<hbm>> -> memref<8x128xf32, #tpu.memory_space<hbm>>
      %dma_start3A_984 = arith.constant 0 : i32
      %dma_start3A_985 = arith.constant 0 : i32
      %dma_start3A_986 = tpu.memref_slice %arg5[%add3A_914, %dma_start3A_976, %add3A, %dma_start3A_984, %dma_start3A_985] : memref<200x8x32x8x128xf32, #tpu.memory_space<hbm>> -> memref<1x1x1x8x128xf32, #tpu.memory_space<hbm>>
      %dma_start3A_987 = tpu.memref_squeeze %dma_start3A_986 : memref<1x1x1x8x128xf32, #tpu.memory_space<hbm>> -> memref<8x128xf32, #tpu.memory_space<hbm>>
      %dma_start3A_988 = arith.constant 8 : i32
      %dma_start3A_989 = arith.constant 0 : i32
      %dma_start3A_990 = tpu.memref_slice %arg14[%dma_start3A_988, %dma_start3A_989] : memref<64x129xf32, #tpu.memory_space<vmem>> -> memref<8x128xf32, #tpu.memory_space<vmem>>
      tpu.enqueue_dma source(%dma_start3A_990 : memref<8x128xf32, #tpu.memory_space<vmem>>) target(%dma_start3A_987 : memref<8x128xf32, #tpu.memory_space<hbm>>) target_semaphore(%arg22 : memref<!tpu.dma_semaphore, #tpu.memory_space<semaphore_mem>>)
      %dma_start3A_991 = arith.constant 2 : i32
      %dma_start3A_992 = arith.constant 16 : i32
      %dma_start3A_993 = arith.constant 0 : i32
      %dma_start3A_994 = tpu.memref_slice %arg14[%dma_start3A_992, %dma_start3A_993] : memref<64x129xf32, #tpu.memory_space<vmem>> -> memref<8x128xf32, #tpu.memory_space<vmem>>
      %dma_start3A_995 = arith.constant 0 : i32
      %dma_start3A_996 = arith.constant 0 : i32
      %dma_start3A_997 = tpu.memref_slice %arg5[%add3A_914, %dma_start3A_991, %add3A, %dma_start3A_995, %dma_start3A_996] : memref<200x8x32x8x128xf32, #tpu.memory_space<hbm>> -> memref<1x1x1x8x128xf32, #tpu.memory_space<hbm>>
      %dma_start3A_998 = tpu.memref_squeeze %dma_start3A_997 : memref<1x1x1x8x128xf32, #tpu.memory_space<hbm>> -> memref<8x128xf32, #tpu.memory_space<hbm>>
      %dma_start3A_999 = arith.constant 0 : i32
      %dma_start3A_1000 = arith.constant 0 : i32
      %dma_start3A_1001 = tpu.memref_slice %arg5[%add3A_914, %dma_start3A_991, %add3A, %dma_start3A_999, %dma_start3A_1000] : memref<200x8x32x8x128xf32, #tpu.memory_space<hbm>> -> memref<1x1x1x8x128xf32, #tpu.memory_space<hbm>>
      %dma_start3A_1002 = tpu.memref_squeeze %dma_start3A_1001 : memref<1x1x1x8x128xf32, #tpu.memory_space<hbm>> -> memref<8x128xf32, #tpu.memory_space<hbm>>
      %dma_start3A_1003 = arith.constant 16 : i32
      %dma_start3A_1004 = arith.constant 0 : i32
      %dma_start3A_1005 = tpu.memref_slice %arg14[%dma_start3A_1003, %dma_start3A_1004] : memref<64x129xf32, #tpu.memory_space<vmem>> -> memref<8x128xf32, #tpu.memory_space<vmem>>
      tpu.enqueue_dma source(%dma_start3A_1005 : memref<8x128xf32, #tpu.memory_space<vmem>>) target(%dma_start3A_1002 : memref<8x128xf32, #tpu.memory_space<hbm>>) target_semaphore(%arg22 : memref<!tpu.dma_semaphore, #tpu.memory_space<semaphore_mem>>)
      %dma_start3A_1006 = arith.constant 3 : i32
      %dma_start3A_1007 = arith.constant 24 : i32
      %dma_start3A_1008 = arith.constant 0 : i32
      %dma_start3A_1009 = tpu.memref_slice %arg14[%dma_start3A_1007, %dma_start3A_1008] : memref<64x129xf32, #tpu.memory_space<vmem>> -> memref<8x128xf32, #tpu.memory_space<vmem>>
      %dma_start3A_1010 = arith.constant 0 : i32
      %dma_start3A_1011 = arith.constant 0 : i32
      %dma_start3A_1012 = tpu.memref_slice %arg5[%add3A_914, %dma_start3A_1006, %add3A, %dma_start3A_1010, %dma_start3A_1011] : memref<200x8x32x8x128xf32, #tpu.memory_space<hbm>> -> memref<1x1x1x8x128xf32, #tpu.memory_space<hbm>>
      %dma_start3A_1013 = tpu.memref_squeeze %dma_start3A_1012 : memref<1x1x1x8x128xf32, #tpu.memory_space<hbm>> -> memref<8x128xf32, #tpu.memory_space<hbm>>
      %dma_start3A_1014 = arith.constant 0 : i32
      %dma_start3A_1015 = arith.constant 0 : i32
      %dma_start3A_1016 = tpu.memref_slice %arg5[%add3A_914, %dma_start3A_1006, %add3A, %dma_start3A_1014, %dma_start3A_1015] : memref<200x8x32x8x128xf32, #tpu.memory_space<hbm>> -> memref<1x1x1x8x128xf32, #tpu.memory_space<hbm>>
      %dma_start3A_1017 = tpu.memref_squeeze %dma_start3A_1016 : memref<1x1x1x8x128xf32, #tpu.memory_space<hbm>> -> memref<8x128xf32, #tpu.memory_space<hbm>>
      %dma_start3A_1018 = arith.constant 24 : i32
      %dma_start3A_1019 = arith.constant 0 : i32
      %dma_start3A_1020 = tpu.memref_slice %arg14[%dma_start3A_1018, %dma_start3A_1019] : memref<64x129xf32, #tpu.memory_space<vmem>> -> memref<8x128xf32, #tpu.memory_space<vmem>>
      tpu.enqueue_dma source(%dma_start3A_1020 : memref<8x128xf32, #tpu.memory_space<vmem>>) target(%dma_start3A_1017 : memref<8x128xf32, #tpu.memory_space<hbm>>) target_semaphore(%arg22 : memref<!tpu.dma_semaphore, #tpu.memory_space<semaphore_mem>>)
      %dma_start3A_1021 = arith.constant 4 : i32
      %dma_start3A_1022 = arith.constant 32 : i32
      %dma_start3A_1023 = arith.constant 0 : i32
      %dma_start3A_1024 = tpu.memref_slice %arg14[%dma_start3A_1022, %dma_start3A_1023] : memref<64x129xf32, #tpu.memory_space<vmem>> -> memref<8x128xf32, #tpu.memory_space<vmem>>
      %dma_start3A_1025 = arith.constant 0 : i32
      %dma_start3A_1026 = arith.constant 0 : i32
      %dma_start3A_1027 = tpu.memref_slice %arg5[%add3A_914, %dma_start3A_1021, %add3A, %dma_start3A_1025, %dma_start3A_1026] : memref<200x8x32x8x128xf32, #tpu.memory_space<hbm>> -> memref<1x1x1x8x128xf32, #tpu.memory_space<hbm>>
      %dma_start3A_1028 = tpu.memref_squeeze %dma_start3A_1027 : memref<1x1x1x8x128xf32, #tpu.memory_space<hbm>> -> memref<8x128xf32, #tpu.memory_space<hbm>>
      %dma_start3A_1029 = arith.constant 0 : i32
      %dma_start3A_1030 = arith.constant 0 : i32
      %dma_start3A_1031 = tpu.memref_slice %arg5[%add3A_914, %dma_start3A_1021, %add3A, %dma_start3A_1029, %dma_start3A_1030] : memref<200x8x32x8x128xf32, #tpu.memory_space<hbm>> -> memref<1x1x1x8x128xf32, #tpu.memory_space<hbm>>
      %dma_start3A_1032 = tpu.memref_squeeze %dma_start3A_1031 : memref<1x1x1x8x128xf32, #tpu.memory_space<hbm>> -> memref<8x128xf32, #tpu.memory_space<hbm>>
      %dma_start3A_1033 = arith.constant 32 : i32
      %dma_start3A_1034 = arith.constant 0 : i32
      %dma_start3A_1035 = tpu.memref_slice %arg14[%dma_start3A_1033, %dma_start3A_1034] : memref<64x129xf32, #tpu.memory_space<vmem>> -> memref<8x128xf32, #tpu.memory_space<vmem>>
      tpu.enqueue_dma source(%dma_start3A_1035 : memref<8x128xf32, #tpu.memory_space<vmem>>) target(%dma_start3A_1032 : memref<8x128xf32, #tpu.memory_space<hbm>>) target_semaphore(%arg22 : memref<!tpu.dma_semaphore, #tpu.memory_space<semaphore_mem>>)
      %dma_start3A_1036 = arith.constant 5 : i32
      %dma_start3A_1037 = arith.constant 40 : i32
      %dma_start3A_1038 = arith.constant 0 : i32
      %dma_start3A_1039 = tpu.memref_slice %arg14[%dma_start3A_1037, %dma_start3A_1038] : memref<64x129xf32, #tpu.memory_space<vmem>> -> memref<8x128xf32, #tpu.memory_space<vmem>>
      %dma_start3A_1040 = arith.constant 0 : i32
      %dma_start3A_1041 = arith.constant 0 : i32
      %dma_start3A_1042 = tpu.memref_slice %arg5[%add3A_914, %dma_start3A_1036, %add3A, %dma_start3A_1040, %dma_start3A_1041] : memref<200x8x32x8x128xf32, #tpu.memory_space<hbm>> -> memref<1x1x1x8x128xf32, #tpu.memory_space<hbm>>
      %dma_start3A_1043 = tpu.memref_squeeze %dma_start3A_1042 : memref<1x1x1x8x128xf32, #tpu.memory_space<hbm>> -> memref<8x128xf32, #tpu.memory_space<hbm>>
      %dma_start3A_1044 = arith.constant 0 : i32
      %dma_start3A_1045 = arith.constant 0 : i32
      %dma_start3A_1046 = tpu.memref_slice %arg5[%add3A_914, %dma_start3A_1036, %add3A, %dma_start3A_1044, %dma_start3A_1045] : memref<200x8x32x8x128xf32, #tpu.memory_space<hbm>> -> memref<1x1x1x8x128xf32, #tpu.memory_space<hbm>>
      %dma_start3A_1047 = tpu.memref_squeeze %dma_start3A_1046 : memref<1x1x1x8x128xf32, #tpu.memory_space<hbm>> -> memref<8x128xf32, #tpu.memory_space<hbm>>
      %dma_start3A_1048 = arith.constant 40 : i32
      %dma_start3A_1049 = arith.constant 0 : i32
      %dma_start3A_1050 = tpu.memref_slice %arg14[%dma_start3A_1048, %dma_start3A_1049] : memref<64x129xf32, #tpu.memory_space<vmem>> -> memref<8x128xf32, #tpu.memory_space<vmem>>
      tpu.enqueue_dma source(%dma_start3A_1050 : memref<8x128xf32, #tpu.memory_space<vmem>>) target(%dma_start3A_1047 : memref<8x128xf32, #tpu.memory_space<hbm>>) target_semaphore(%arg22 : memref<!tpu.dma_semaphore, #tpu.memory_space<semaphore_mem>>)
      %dma_start3A_1051 = arith.constant 6 : i32
      %dma_start3A_1052 = arith.constant 48 : i32
      %dma_start3A_1053 = arith.constant 0 : i32
      %dma_start3A_1054 = tpu.memref_slice %arg14[%dma_start3A_1052, %dma_start3A_1053] : memref<64x129xf32, #tpu.memory_space<vmem>> -> memref<8x128xf32, #tpu.memory_space<vmem>>
      %dma_start3A_1055 = arith.constant 0 : i32
      %dma_start3A_1056 = arith.constant 0 : i32
      %dma_start3A_1057 = tpu.memref_slice %arg5[%add3A_914, %dma_start3A_1051, %add3A, %dma_start3A_1055, %dma_start3A_1056] : memref<200x8x32x8x128xf32, #tpu.memory_space<hbm>> -> memref<1x1x1x8x128xf32, #tpu.memory_space<hbm>>
      %dma_start3A_1058 = tpu.memref_squeeze %dma_start3A_1057 : memref<1x1x1x8x128xf32, #tpu.memory_space<hbm>> -> memref<8x128xf32, #tpu.memory_space<hbm>>
      %dma_start3A_1059 = arith.constant 0 : i32
      %dma_start3A_1060 = arith.constant 0 : i32
      %dma_start3A_1061 = tpu.memref_slice %arg5[%add3A_914, %dma_start3A_1051, %add3A, %dma_start3A_1059, %dma_start3A_1060] : memref<200x8x32x8x128xf32, #tpu.memory_space<hbm>> -> memref<1x1x1x8x128xf32, #tpu.memory_space<hbm>>
      %dma_start3A_1062 = tpu.memref_squeeze %dma_start3A_1061 : memref<1x1x1x8x128xf32, #tpu.memory_space<hbm>> -> memref<8x128xf32, #tpu.memory_space<hbm>>
      %dma_start3A_1063 = arith.constant 48 : i32
      %dma_start3A_1064 = arith.constant 0 : i32
      %dma_start3A_1065 = tpu.memref_slice %arg14[%dma_start3A_1063, %dma_start3A_1064] : memref<64x129xf32, #tpu.memory_space<vmem>> -> memref<8x128xf32, #tpu.memory_space<vmem>>
      tpu.enqueue_dma source(%dma_start3A_1065 : memref<8x128xf32, #tpu.memory_space<vmem>>) target(%dma_start3A_1062 : memref<8x128xf32, #tpu.memory_space<hbm>>) target_semaphore(%arg22 : memref<!tpu.dma_semaphore, #tpu.memory_space<semaphore_mem>>)
      %dma_start3A_1066 = arith.constant 7 : i32
      %dma_start3A_1067 = arith.constant 56 : i32
      %dma_start3A_1068 = arith.constant 0 : i32
      %dma_start3A_1069 = tpu.memref_slice %arg14[%dma_start3A_1067, %dma_start3A_1068] : memref<64x129xf32, #tpu.memory_space<vmem>> -> memref<8x128xf32, #tpu.memory_space<vmem>>
      %dma_start3A_1070 = arith.constant 0 : i32
      %dma_start3A_1071 = arith.constant 0 : i32
      %dma_start3A_1072 = tpu.memref_slice %arg5[%add3A_914, %dma_start3A_1066, %add3A, %dma_start3A_1070, %dma_start3A_1071] : memref<200x8x32x8x128xf32, #tpu.memory_space<hbm>> -> memref<1x1x1x8x128xf32, #tpu.memory_space<hbm>>
      %dma_start3A_1073 = tpu.memref_squeeze %dma_start3A_1072 : memref<1x1x1x8x128xf32, #tpu.memory_space<hbm>> -> memref<8x128xf32, #tpu.memory_space<hbm>>
      %dma_start3A_1074 = arith.constant 0 : i32
      %dma_start3A_1075 = arith.constant 0 : i32
      %dma_start3A_1076 = tpu.memref_slice %arg5[%add3A_914, %dma_start3A_1066, %add3A, %dma_start3A_1074, %dma_start3A_1075] : memref<200x8x32x8x128xf32, #tpu.memory_space<hbm>> -> memref<1x1x1x8x128xf32, #tpu.memory_space<hbm>>
      %dma_start3A_1077 = tpu.memref_squeeze %dma_start3A_1076 : memref<1x1x1x8x128xf32, #tpu.memory_space<hbm>> -> memref<8x128xf32, #tpu.memory_space<hbm>>
      %dma_start3A_1078 = arith.constant 56 : i32
      %dma_start3A_1079 = arith.constant 0 : i32
      %dma_start3A_1080 = tpu.memref_slice %arg14[%dma_start3A_1078, %dma_start3A_1079] : memref<64x129xf32, #tpu.memory_space<vmem>> -> memref<8x128xf32, #tpu.memory_space<vmem>>
      tpu.enqueue_dma source(%dma_start3A_1080 : memref<8x128xf32, #tpu.memory_space<vmem>>) target(%dma_start3A_1077 : memref<8x128xf32, #tpu.memory_space<hbm>>) target_semaphore(%arg22 : memref<!tpu.dma_semaphore, #tpu.memory_space<semaphore_mem>>)
      %mul3A_1081 = arith.constant 4 : i32
      %mul3A_1082 = arith.muli %scan3A_575, %mul3A_1081 : i32
      %add3A_1083 = arith.constant 3 : i32
      %add3A_1084 = arith.addi %mul3A_1082, %add3A_1083 : i32
      %add3A_1085 = arith.constant 3 : i32
      %add3A_1086 = arith.addi %add3A_1084, %add3A_1085 : i32
      %lt3A_1087 = arith.constant 200 : i32
      %lt3A_1088 = arith.cmpi slt, %add3A_1086, %lt3A_1087 : i32
      %convert_element_type3A_1089 = arith.extui %lt3A_1088 : i1 to i32
      %cond3A_1090 = arith.constant 0 : i32
      %cond3A_1091 = arith.cmpi ne, %convert_element_type3A_1089, %cond3A_1090 : i32
      scf.if %cond3A_1091 {
        %add3A_1252 = arith.constant 3 : i32
        %add3A_1253 = arith.addi %add3A_1084, %add3A_1252 : i32
        %jit3A = arith.constant 8 : i32
        %div3A = arith.divsi %add3A_1253, %jit3A : i32
        %sign3A = arith.constant 0 : i32
        %sign3A_1254 = arith.cmpi sgt, %add3A_1253, %sign3A : i32
        %sign3A_1255 = arith.extui %sign3A_1254 : i1 to i32
        %sign3A_1256 = arith.constant 0 : i32
        %sign3A_1257 = arith.cmpi slt, %add3A_1253, %sign3A_1256 : i32
        %sign3A_1258 = arith.extui %sign3A_1257 : i1 to i32
        %sign3A_1259 = arith.subi %sign3A_1255, %sign3A_1258 : i32
        %sign3A_1260 = arith.constant 0 : i32
        %sign3A_1261 = arith.cmpi sgt, %jit3A, %sign3A_1260 : i32
        %sign3A_1262 = arith.extui %sign3A_1261 : i1 to i32
        %sign3A_1263 = arith.constant 0 : i32
        %sign3A_1264 = arith.cmpi slt, %jit3A, %sign3A_1263 : i32
        %sign3A_1265 = arith.extui %sign3A_1264 : i1 to i32
        %sign3A_1266 = arith.subi %sign3A_1262, %sign3A_1265 : i32
        %ne3A = arith.cmpi ne, %sign3A_1259, %sign3A_1266 : i32
        %rem3A = arith.remsi %add3A_1253, %jit3A : i32
        %ne3A_1267 = arith.constant 0 : i32
        %ne3A_1268 = arith.cmpi ne, %rem3A, %ne3A_1267 : i32
        %and3A = arith.andi %ne3A, %ne3A_1268 : i1
        %sub3A = arith.constant 1 : i32
        %sub3A_1269 = arith.subi %div3A, %sub3A : i32
        %select_n3A = arith.select %and3A, %sub3A_1269, %div3A : i32
        %jit3A_1270 = arith.constant 8 : i32
        %eq3A = arith.constant 0 : i32
        %eq3A_1271 = arith.cmpi eq, %jit3A_1270, %eq3A : i32
        %jit3A_1272 = arith.constant 1 : i32
        %select_n3A_1273 = arith.select %eq3A_1271, %jit3A_1272, %jit3A_1270 : i32
        %rem3A_1274 = arith.remsi %add3A_1253, %select_n3A_1273 : i32
        %ne3A_1275 = arith.constant 0 : i32
        %ne3A_1276 = arith.cmpi ne, %rem3A_1274, %ne3A_1275 : i32
        %lt3A_1277 = arith.constant 0 : i32
        %lt3A_1278 = arith.cmpi slt, %rem3A_1274, %lt3A_1277 : i32
        %lt3A_1279 = arith.constant 0 : i32
        %lt3A_1280 = arith.cmpi slt, %select_n3A_1273, %lt3A_1279 : i32
        %ne3A_1281 = arith.xori %lt3A_1278, %lt3A_1280 : i1
        %and3A_1282 = arith.andi %ne3A_1281, %ne3A_1276 : i1
        %add3A_1283 = arith.addi %rem3A_1274, %select_n3A_1273 : i32
        %select_n3A_1284 = arith.select %and3A_1282, %add3A_1283, %rem3A_1274 : i32
        %dma_start3A_1285 = arith.constant 0 : i32
        %dma_start3A_1286 = tpu.memref_slice %arg6[%select_n3A, %select_n3A_1284, %dma_start3A_1285] : memref<25x8x128xi32, #tpu.memory_space<vmem>> -> memref<1x1x128xi32, #tpu.memory_space<vmem>>
        %dma_start3A_1287 = tpu.memref_squeeze %dma_start3A_1286 : memref<1x1x128xi32, #tpu.memory_space<vmem>> -> memref<128xi32, #tpu.memory_space<vmem>>
        %dma_start3A_1288 = arith.constant 0 : i32
        %dma_start3A_1289 = arith.constant 0 : i32
        %dma_start3A_1290 = tpu.memref_slice %arg3[%dma_start3A_1288, %dma_start3A_1289] : memref<100000x64xf32, #tpu.memory_space<hbm>> -> memref<100000x64xf32, #tpu.memory_space<hbm>>
        tpu.enqueue_indirect_dma source(%dma_start3A_1290 : memref<100000x64xf32, #tpu.memory_space<hbm>>) target(%arg10 : memref<128x64xf32, #tpu.memory_space<vmem>>) offsets(%dma_start3A_1287 : memref<128xi32, #tpu.memory_space<vmem>>) semaphore(%arg18 : memref<!tpu.dma_semaphore, #tpu.memory_space<semaphore_mem>>)
      } else {
      }
      %dma_wait3A_1092 = arith.constant 0 : i32
      %dma_wait3A_1093 = arith.constant 0 : i32
      %dma_wait3A_1094 = tpu.memref_slice %arg6[%add3A_1084, %dma_wait3A_1092, %dma_wait3A_1093] : memref<25x8x128xi32, #tpu.memory_space<vmem>> -> memref<1x8x128xi32, #tpu.memory_space<vmem>>
      %dma_wait3A_1095 = tpu.memref_squeeze %dma_wait3A_1094 : memref<1x8x128xi32, #tpu.memory_space<vmem>> -> memref<8x128xi32, #tpu.memory_space<vmem>>
      %dma_wait3A_1096 = arith.constant 0 : i32
      %dma_wait3A_1097 = arith.constant 0 : i32
      %dma_wait3A_1098 = tpu.memref_slice %arg3[%dma_wait3A_1096, %dma_wait3A_1097] : memref<100000x64xf32, #tpu.memory_space<hbm>> -> memref<100000x64xf32, #tpu.memory_space<hbm>>
      tpu.wait_indirect_dma semaphore(%arg19 : memref<!tpu.dma_semaphore, #tpu.memory_space<semaphore_mem>>) src(%dma_wait3A_1098 : memref<100000x64xf32, #tpu.memory_space<hbm>>) dst(%arg11 : memref<128x64xf32, #tpu.memory_space<vmem>>)
      %ge3A_1099 = arith.constant 4 : i32
      %ge3A_1100 = arith.cmpi sge, %add3A_1084, %ge3A_1099 : i32
      %convert_element_type3A_1101 = arith.extui %ge3A_1100 : i1 to i32
      %cond3A_1102 = arith.constant 0 : i32
      %cond3A_1103 = arith.cmpi ne, %convert_element_type3A_1101, %cond3A_1102 : i32
      scf.if %cond3A_1103 {
        %dma_wait3A_1252 = arith.constant 0 : i32
        %dma_wait3A_1253 = arith.constant 0 : i32
        %dma_wait3A_1254 = arith.constant 0 : i32
        %dma_wait3A_1255 = arith.constant 0 : i32
        %dma_wait3A_1256 = arith.constant 0 : i32
        %dma_wait3A_1257 = tpu.memref_slice %arg15[%dma_wait3A_1255, %dma_wait3A_1256] : memref<64x129xf32, #tpu.memory_space<vmem>> -> memref<8x128xf32, #tpu.memory_space<vmem>>
        %dma_wait3A_1258 = arith.constant 0 : i32
        %dma_wait3A_1259 = arith.constant 0 : i32
        %dma_wait3A_1260 = tpu.memref_slice %arg5[%dma_wait3A_1252, %dma_wait3A_1253, %dma_wait3A_1254, %dma_wait3A_1258, %dma_wait3A_1259] : memref<200x8x32x8x128xf32, #tpu.memory_space<hbm>> -> memref<1x1x1x8x128xf32, #tpu.memory_space<hbm>>
        %dma_wait3A_1261 = tpu.memref_squeeze %dma_wait3A_1260 : memref<1x1x1x8x128xf32, #tpu.memory_space<hbm>> -> memref<8x128xf32, #tpu.memory_space<hbm>>
        %dma_wait3A_1262 = arith.constant 0 : i32
        %dma_wait3A_1263 = arith.constant 0 : i32
        %dma_wait3A_1264 = tpu.memref_slice %arg5[%dma_wait3A_1252, %dma_wait3A_1253, %dma_wait3A_1254, %dma_wait3A_1262, %dma_wait3A_1263] : memref<200x8x32x8x128xf32, #tpu.memory_space<hbm>> -> memref<1x1x1x8x128xf32, #tpu.memory_space<hbm>>
        %dma_wait3A_1265 = tpu.memref_squeeze %dma_wait3A_1264 : memref<1x1x1x8x128xf32, #tpu.memory_space<hbm>> -> memref<8x128xf32, #tpu.memory_space<hbm>>
        %dma_wait3A_1266 = arith.constant 0 : i32
        %dma_wait3A_1267 = arith.constant 0 : i32
        %dma_wait3A_1268 = tpu.memref_slice %arg15[%dma_wait3A_1266, %dma_wait3A_1267] : memref<64x129xf32, #tpu.memory_space<vmem>> -> memref<8x128xf32, #tpu.memory_space<vmem>>
        tpu.wait_dma2 semaphore(%arg23 : memref<!tpu.dma_semaphore, #tpu.memory_space<semaphore_mem>>) src(%dma_wait3A_1268 : memref<8x128xf32, #tpu.memory_space<vmem>>) dst(%dma_wait3A_1265 : memref<8x128xf32, #tpu.memory_space<hbm>>)
        %dma_wait3A_1269 = arith.constant 0 : i32
        %dma_wait3A_1270 = arith.constant 1 : i32
        %dma_wait3A_1271 = arith.constant 0 : i32
        %dma_wait3A_1272 = arith.constant 0 : i32
        %dma_wait3A_1273 = arith.constant 0 : i32
        %dma_wait3A_1274 = tpu.memref_slice %arg15[%dma_wait3A_1272, %dma_wait3A_1273] : memref<64x129xf32, #tpu.memory_space<vmem>> -> memref<8x128xf32, #tpu.memory_space<vmem>>
        %dma_wait3A_1275 = arith.constant 0 : i32
        %dma_wait3A_1276 = arith.constant 0 : i32
        %dma_wait3A_1277 = tpu.memref_slice %arg5[%dma_wait3A_1269, %dma_wait3A_1270, %dma_wait3A_1271, %dma_wait3A_1275, %dma_wait3A_1276] : memref<200x8x32x8x128xf32, #tpu.memory_space<hbm>> -> memref<1x1x1x8x128xf32, #tpu.memory_space<hbm>>
        %dma_wait3A_1278 = tpu.memref_squeeze %dma_wait3A_1277 : memref<1x1x1x8x128xf32, #tpu.memory_space<hbm>> -> memref<8x128xf32, #tpu.memory_space<hbm>>
        %dma_wait3A_1279 = arith.constant 0 : i32
        %dma_wait3A_1280 = arith.constant 0 : i32
        %dma_wait3A_1281 = tpu.memref_slice %arg5[%dma_wait3A_1269, %dma_wait3A_1270, %dma_wait3A_1271, %dma_wait3A_1279, %dma_wait3A_1280] : memref<200x8x32x8x128xf32, #tpu.memory_space<hbm>> -> memref<1x1x1x8x128xf32, #tpu.memory_space<hbm>>
        %dma_wait3A_1282 = tpu.memref_squeeze %dma_wait3A_1281 : memref<1x1x1x8x128xf32, #tpu.memory_space<hbm>> -> memref<8x128xf32, #tpu.memory_space<hbm>>
        %dma_wait3A_1283 = arith.constant 0 : i32
        %dma_wait3A_1284 = arith.constant 0 : i32
        %dma_wait3A_1285 = tpu.memref_slice %arg15[%dma_wait3A_1283, %dma_wait3A_1284] : memref<64x129xf32, #tpu.memory_space<vmem>> -> memref<8x128xf32, #tpu.memory_space<vmem>>
        tpu.wait_dma2 semaphore(%arg23 : memref<!tpu.dma_semaphore, #tpu.memory_space<semaphore_mem>>) src(%dma_wait3A_1285 : memref<8x128xf32, #tpu.memory_space<vmem>>) dst(%dma_wait3A_1282 : memref<8x128xf32, #tpu.memory_space<hbm>>)
        %dma_wait3A_1286 = arith.constant 0 : i32
        %dma_wait3A_1287 = arith.constant 2 : i32
        %dma_wait3A_1288 = arith.constant 0 : i32
        %dma_wait3A_1289 = arith.constant 0 : i32
        %dma_wait3A_1290 = arith.constant 0 : i32
        %dma_wait3A_1291 = tpu.memref_slice %arg15[%dma_wait3A_1289, %dma_wait3A_1290] : memref<64x129xf32, #tpu.memory_space<vmem>> -> memref<8x128xf32, #tpu.memory_space<vmem>>
        %dma_wait3A_1292 = arith.constant 0 : i32
        %dma_wait3A_1293 = arith.constant 0 : i32
        %dma_wait3A_1294 = tpu.memref_slice %arg5[%dma_wait3A_1286, %dma_wait3A_1287, %dma_wait3A_1288, %dma_wait3A_1292, %dma_wait3A_1293] : memref<200x8x32x8x128xf32, #tpu.memory_space<hbm>> -> memref<1x1x1x8x128xf32, #tpu.memory_space<hbm>>
        %dma_wait3A_1295 = tpu.memref_squeeze %dma_wait3A_1294 : memref<1x1x1x8x128xf32, #tpu.memory_space<hbm>> -> memref<8x128xf32, #tpu.memory_space<hbm>>
        %dma_wait3A_1296 = arith.constant 0 : i32
        %dma_wait3A_1297 = arith.constant 0 : i32
        %dma_wait3A_1298 = tpu.memref_slice %arg5[%dma_wait3A_1286, %dma_wait3A_1287, %dma_wait3A_1288, %dma_wait3A_1296, %dma_wait3A_1297] : memref<200x8x32x8x128xf32, #tpu.memory_space<hbm>> -> memref<1x1x1x8x128xf32, #tpu.memory_space<hbm>>
        %dma_wait3A_1299 = tpu.memref_squeeze %dma_wait3A_1298 : memref<1x1x1x8x128xf32, #tpu.memory_space<hbm>> -> memref<8x128xf32, #tpu.memory_space<hbm>>
        %dma_wait3A_1300 = arith.constant 0 : i32
        %dma_wait3A_1301 = arith.constant 0 : i32
        %dma_wait3A_1302 = tpu.memref_slice %arg15[%dma_wait3A_1300, %dma_wait3A_1301] : memref<64x129xf32, #tpu.memory_space<vmem>> -> memref<8x128xf32, #tpu.memory_space<vmem>>
        tpu.wait_dma2 semaphore(%arg23 : memref<!tpu.dma_semaphore, #tpu.memory_space<semaphore_mem>>) src(%dma_wait3A_1302 : memref<8x128xf32, #tpu.memory_space<vmem>>) dst(%dma_wait3A_1299 : memref<8x128xf32, #tpu.memory_space<hbm>>)
        %dma_wait3A_1303 = arith.constant 0 : i32
        %dma_wait3A_1304 = arith.constant 3 : i32
        %dma_wait3A_1305 = arith.constant 0 : i32
        %dma_wait3A_1306 = arith.constant 0 : i32
        %dma_wait3A_1307 = arith.constant 0 : i32
        %dma_wait3A_1308 = tpu.memref_slice %arg15[%dma_wait3A_1306, %dma_wait3A_1307] : memref<64x129xf32, #tpu.memory_space<vmem>> -> memref<8x128xf32, #tpu.memory_space<vmem>>
        %dma_wait3A_1309 = arith.constant 0 : i32
        %dma_wait3A_1310 = arith.constant 0 : i32
        %dma_wait3A_1311 = tpu.memref_slice %arg5[%dma_wait3A_1303, %dma_wait3A_1304, %dma_wait3A_1305, %dma_wait3A_1309, %dma_wait3A_1310] : memref<200x8x32x8x128xf32, #tpu.memory_space<hbm>> -> memref<1x1x1x8x128xf32, #tpu.memory_space<hbm>>
        %dma_wait3A_1312 = tpu.memref_squeeze %dma_wait3A_1311 : memref<1x1x1x8x128xf32, #tpu.memory_space<hbm>> -> memref<8x128xf32, #tpu.memory_space<hbm>>
        %dma_wait3A_1313 = arith.constant 0 : i32
        %dma_wait3A_1314 = arith.constant 0 : i32
        %dma_wait3A_1315 = tpu.memref_slice %arg5[%dma_wait3A_1303, %dma_wait3A_1304, %dma_wait3A_1305, %dma_wait3A_1313, %dma_wait3A_1314] : memref<200x8x32x8x128xf32, #tpu.memory_space<hbm>> -> memref<1x1x1x8x128xf32, #tpu.memory_space<hbm>>
        %dma_wait3A_1316 = tpu.memref_squeeze %dma_wait3A_1315 : memref<1x1x1x8x128xf32, #tpu.memory_space<hbm>> -> memref<8x128xf32, #tpu.memory_space<hbm>>
        %dma_wait3A_1317 = arith.constant 0 : i32
        %dma_wait3A_1318 = arith.constant 0 : i32
        %dma_wait3A_1319 = tpu.memref_slice %arg15[%dma_wait3A_1317, %dma_wait3A_1318] : memref<64x129xf32, #tpu.memory_space<vmem>> -> memref<8x128xf32, #tpu.memory_space<vmem>>
        tpu.wait_dma2 semaphore(%arg23 : memref<!tpu.dma_semaphore, #tpu.memory_space<semaphore_mem>>) src(%dma_wait3A_1319 : memref<8x128xf32, #tpu.memory_space<vmem>>) dst(%dma_wait3A_1316 : memref<8x128xf32, #tpu.memory_space<hbm>>)
        %dma_wait3A_1320 = arith.constant 0 : i32
        %dma_wait3A_1321 = arith.constant 4 : i32
        %dma_wait3A_1322 = arith.constant 0 : i32
        %dma_wait3A_1323 = arith.constant 0 : i32
        %dma_wait3A_1324 = arith.constant 0 : i32
        %dma_wait3A_1325 = tpu.memref_slice %arg15[%dma_wait3A_1323, %dma_wait3A_1324] : memref<64x129xf32, #tpu.memory_space<vmem>> -> memref<8x128xf32, #tpu.memory_space<vmem>>
        %dma_wait3A_1326 = arith.constant 0 : i32
        %dma_wait3A_1327 = arith.constant 0 : i32
        %dma_wait3A_1328 = tpu.memref_slice %arg5[%dma_wait3A_1320, %dma_wait3A_1321, %dma_wait3A_1322, %dma_wait3A_1326, %dma_wait3A_1327] : memref<200x8x32x8x128xf32, #tpu.memory_space<hbm>> -> memref<1x1x1x8x128xf32, #tpu.memory_space<hbm>>
        %dma_wait3A_1329 = tpu.memref_squeeze %dma_wait3A_1328 : memref<1x1x1x8x128xf32, #tpu.memory_space<hbm>> -> memref<8x128xf32, #tpu.memory_space<hbm>>
        %dma_wait3A_1330 = arith.constant 0 : i32
        %dma_wait3A_1331 = arith.constant 0 : i32
        %dma_wait3A_1332 = tpu.memref_slice %arg5[%dma_wait3A_1320, %dma_wait3A_1321, %dma_wait3A_1322, %dma_wait3A_1330, %dma_wait3A_1331] : memref<200x8x32x8x128xf32, #tpu.memory_space<hbm>> -> memref<1x1x1x8x128xf32, #tpu.memory_space<hbm>>
        %dma_wait3A_1333 = tpu.memref_squeeze %dma_wait3A_1332 : memref<1x1x1x8x128xf32, #tpu.memory_space<hbm>> -> memref<8x128xf32, #tpu.memory_space<hbm>>
        %dma_wait3A_1334 = arith.constant 0 : i32
        %dma_wait3A_1335 = arith.constant 0 : i32
        %dma_wait3A_1336 = tpu.memref_slice %arg15[%dma_wait3A_1334, %dma_wait3A_1335] : memref<64x129xf32, #tpu.memory_space<vmem>> -> memref<8x128xf32, #tpu.memory_space<vmem>>
        tpu.wait_dma2 semaphore(%arg23 : memref<!tpu.dma_semaphore, #tpu.memory_space<semaphore_mem>>) src(%dma_wait3A_1336 : memref<8x128xf32, #tpu.memory_space<vmem>>) dst(%dma_wait3A_1333 : memref<8x128xf32, #tpu.memory_space<hbm>>)
        %dma_wait3A_1337 = arith.constant 0 : i32
        %dma_wait3A_1338 = arith.constant 5 : i32
        %dma_wait3A_1339 = arith.constant 0 : i32
        %dma_wait3A_1340 = arith.constant 0 : i32
        %dma_wait3A_1341 = arith.constant 0 : i32
        %dma_wait3A_1342 = tpu.memref_slice %arg15[%dma_wait3A_1340, %dma_wait3A_1341] : memref<64x129xf32, #tpu.memory_space<vmem>> -> memref<8x128xf32, #tpu.memory_space<vmem>>
        %dma_wait3A_1343 = arith.constant 0 : i32
        %dma_wait3A_1344 = arith.constant 0 : i32
        %dma_wait3A_1345 = tpu.memref_slice %arg5[%dma_wait3A_1337, %dma_wait3A_1338, %dma_wait3A_1339, %dma_wait3A_1343, %dma_wait3A_1344] : memref<200x8x32x8x128xf32, #tpu.memory_space<hbm>> -> memref<1x1x1x8x128xf32, #tpu.memory_space<hbm>>
        %dma_wait3A_1346 = tpu.memref_squeeze %dma_wait3A_1345 : memref<1x1x1x8x128xf32, #tpu.memory_space<hbm>> -> memref<8x128xf32, #tpu.memory_space<hbm>>
        %dma_wait3A_1347 = arith.constant 0 : i32
        %dma_wait3A_1348 = arith.constant 0 : i32
        %dma_wait3A_1349 = tpu.memref_slice %arg5[%dma_wait3A_1337, %dma_wait3A_1338, %dma_wait3A_1339, %dma_wait3A_1347, %dma_wait3A_1348] : memref<200x8x32x8x128xf32, #tpu.memory_space<hbm>> -> memref<1x1x1x8x128xf32, #tpu.memory_space<hbm>>
        %dma_wait3A_1350 = tpu.memref_squeeze %dma_wait3A_1349 : memref<1x1x1x8x128xf32, #tpu.memory_space<hbm>> -> memref<8x128xf32, #tpu.memory_space<hbm>>
        %dma_wait3A_1351 = arith.constant 0 : i32
        %dma_wait3A_1352 = arith.constant 0 : i32
        %dma_wait3A_1353 = tpu.memref_slice %arg15[%dma_wait3A_1351, %dma_wait3A_1352] : memref<64x129xf32, #tpu.memory_space<vmem>> -> memref<8x128xf32, #tpu.memory_space<vmem>>
        tpu.wait_dma2 semaphore(%arg23 : memref<!tpu.dma_semaphore, #tpu.memory_space<semaphore_mem>>) src(%dma_wait3A_1353 : memref<8x128xf32, #tpu.memory_space<vmem>>) dst(%dma_wait3A_1350 : memref<8x128xf32, #tpu.memory_space<hbm>>)
        %dma_wait3A_1354 = arith.constant 0 : i32
        %dma_wait3A_1355 = arith.constant 6 : i32
        %dma_wait3A_1356 = arith.constant 0 : i32
        %dma_wait3A_1357 = arith.constant 0 : i32
        %dma_wait3A_1358 = arith.constant 0 : i32
        %dma_wait3A_1359 = tpu.memref_slice %arg15[%dma_wait3A_1357, %dma_wait3A_1358] : memref<64x129xf32, #tpu.memory_space<vmem>> -> memref<8x128xf32, #tpu.memory_space<vmem>>
        %dma_wait3A_1360 = arith.constant 0 : i32
        %dma_wait3A_1361 = arith.constant 0 : i32
        %dma_wait3A_1362 = tpu.memref_slice %arg5[%dma_wait3A_1354, %dma_wait3A_1355, %dma_wait3A_1356, %dma_wait3A_1360, %dma_wait3A_1361] : memref<200x8x32x8x128xf32, #tpu.memory_space<hbm>> -> memref<1x1x1x8x128xf32, #tpu.memory_space<hbm>>
        %dma_wait3A_1363 = tpu.memref_squeeze %dma_wait3A_1362 : memref<1x1x1x8x128xf32, #tpu.memory_space<hbm>> -> memref<8x128xf32, #tpu.memory_space<hbm>>
        %dma_wait3A_1364 = arith.constant 0 : i32
        %dma_wait3A_1365 = arith.constant 0 : i32
        %dma_wait3A_1366 = tpu.memref_slice %arg5[%dma_wait3A_1354, %dma_wait3A_1355, %dma_wait3A_1356, %dma_wait3A_1364, %dma_wait3A_1365] : memref<200x8x32x8x128xf32, #tpu.memory_space<hbm>> -> memref<1x1x1x8x128xf32, #tpu.memory_space<hbm>>
        %dma_wait3A_1367 = tpu.memref_squeeze %dma_wait3A_1366 : memref<1x1x1x8x128xf32, #tpu.memory_space<hbm>> -> memref<8x128xf32, #tpu.memory_space<hbm>>
        %dma_wait3A_1368 = arith.constant 0 : i32
        %dma_wait3A_1369 = arith.constant 0 : i32
        %dma_wait3A_1370 = tpu.memref_slice %arg15[%dma_wait3A_1368, %dma_wait3A_1369] : memref<64x129xf32, #tpu.memory_space<vmem>> -> memref<8x128xf32, #tpu.memory_space<vmem>>
        tpu.wait_dma2 semaphore(%arg23 : memref<!tpu.dma_semaphore, #tpu.memory_space<semaphore_mem>>) src(%dma_wait3A_1370 : memref<8x128xf32, #tpu.memory_space<vmem>>) dst(%dma_wait3A_1367 : memref<8x128xf32, #tpu.memory_space<hbm>>)
        %dma_wait3A_1371 = arith.constant 0 : i32
        %dma_wait3A_1372 = arith.constant 7 : i32
        %dma_wait3A_1373 = arith.constant 0 : i32
        %dma_wait3A_1374 = arith.constant 0 : i32
        %dma_wait3A_1375 = arith.constant 0 : i32
        %dma_wait3A_1376 = tpu.memref_slice %arg15[%dma_wait3A_1374, %dma_wait3A_1375] : memref<64x129xf32, #tpu.memory_space<vmem>> -> memref<8x128xf32, #tpu.memory_space<vmem>>
        %dma_wait3A_1377 = arith.constant 0 : i32
        %dma_wait3A_1378 = arith.constant 0 : i32
        %dma_wait3A_1379 = tpu.memref_slice %arg5[%dma_wait3A_1371, %dma_wait3A_1372, %dma_wait3A_1373, %dma_wait3A_1377, %dma_wait3A_1378] : memref<200x8x32x8x128xf32, #tpu.memory_space<hbm>> -> memref<1x1x1x8x128xf32, #tpu.memory_space<hbm>>
        %dma_wait3A_1380 = tpu.memref_squeeze %dma_wait3A_1379 : memref<1x1x1x8x128xf32, #tpu.memory_space<hbm>> -> memref<8x128xf32, #tpu.memory_space<hbm>>
        %dma_wait3A_1381 = arith.constant 0 : i32
        %dma_wait3A_1382 = arith.constant 0 : i32
        %dma_wait3A_1383 = tpu.memref_slice %arg5[%dma_wait3A_1371, %dma_wait3A_1372, %dma_wait3A_1373, %dma_wait3A_1381, %dma_wait3A_1382] : memref<200x8x32x8x128xf32, #tpu.memory_space<hbm>> -> memref<1x1x1x8x128xf32, #tpu.memory_space<hbm>>
        %dma_wait3A_1384 = tpu.memref_squeeze %dma_wait3A_1383 : memref<1x1x1x8x128xf32, #tpu.memory_space<hbm>> -> memref<8x128xf32, #tpu.memory_space<hbm>>
        %dma_wait3A_1385 = arith.constant 0 : i32
        %dma_wait3A_1386 = arith.constant 0 : i32
        %dma_wait3A_1387 = tpu.memref_slice %arg15[%dma_wait3A_1385, %dma_wait3A_1386] : memref<64x129xf32, #tpu.memory_space<vmem>> -> memref<8x128xf32, #tpu.memory_space<vmem>>
        tpu.wait_dma2 semaphore(%arg23 : memref<!tpu.dma_semaphore, #tpu.memory_space<semaphore_mem>>) src(%dma_wait3A_1387 : memref<8x128xf32, #tpu.memory_space<vmem>>) dst(%dma_wait3A_1384 : memref<8x128xf32, #tpu.memory_space<hbm>>)
      } else {
      }
      %get3A_1104 = arith.index_cast %add3A_1084 : i32 to index
      %get3A_1105 = arith.constant 0 : index
      %get3A_1106 = tpu.vector_load %arg7[%get3A_1104, %get3A_1105] {strides = array<i32>} : memref<200x64xf32, #tpu.memory_space<vmem>>, vector<16xf32>,
      %get3A_1107 = arith.index_cast %add3A_1084 : i32 to index
      %get3A_1108 = arith.constant 16 : index
      %get3A_1109 = tpu.vector_load %arg7[%get3A_1107, %get3A_1108] {strides = array<i32>} : memref<200x64xf32, #tpu.memory_space<vmem>>, vector<16xf32>,
      %get3A_1110 = arith.index_cast %add3A_1084 : i32 to index
      %get3A_1111 = arith.constant 32 : index
      %get3A_1112 = tpu.vector_load %arg7[%get3A_1110, %get3A_1111] {strides = array<i32>} : memref<200x64xf32, #tpu.memory_space<vmem>>, vector<16xf32>,
      %get3A_1113 = arith.index_cast %add3A_1084 : i32 to index
      %get3A_1114 = arith.constant 48 : index
      %get3A_1115 = tpu.vector_load %arg7[%get3A_1113, %get3A_1114] {strides = array<i32>} : memref<200x64xf32, #tpu.memory_space<vmem>>, vector<16xf32>,
      %add3A_1116 = arith.constant 0 : i32
      %add3A_1117 = vector.broadcast %add3A_1116 : i32 to vector<16xi32>
      %add3A_1118 = arith.addi %iota3A, %add3A_1117 : vector<16xi32>
      %add3A_1119 = arith.constant 16 : i32
      %add3A_1120 = vector.broadcast %add3A_1119 : i32 to vector<16xi32>
      %add3A_1121 = arith.addi %iota3A, %add3A_1120 : vector<16xi32>
      %add3A_1122 = arith.constant 32 : i32
      %add3A_1123 = vector.broadcast %add3A_1122 : i32 to vector<16xi32>
      %add3A_1124 = arith.addi %iota3A, %add3A_1123 : vector<16xi32>
      %add3A_1125 = arith.constant 48 : i32
      %add3A_1126 = vector.broadcast %add3A_1125 : i32 to vector<16xi32>
      %add3A_1127 = arith.addi %iota3A, %add3A_1126 : vector<16xi32>
      %parallel_loop3A_1128 = arith.constant 0 : i32
      %parallel_loop3A_1129 = arith.constant 128 : i32
      %parallel_loop3A_1130 = arith.constant 1 : i32
      scf.for %parallel_loop3A_1252 = %parallel_loop3A_1128 to %parallel_loop3A_1129 step %parallel_loop3A_1130  : i32 {
        %parallel_loop3A_1253 = vector.broadcast %parallel_loop3A_1252 : i32 to vector<16xi32>
        %parallel_loop3A_1254 = arith.index_cast %parallel_loop3A_1252 : i32 to index
        %parallel_loop3A_1255 = arith.constant 0 : index
        %parallel_loop3A_1256 = tpu.vector_load %arg11[%parallel_loop3A_1254, %parallel_loop3A_1255] {strides = array<i32>} : memref<128x64xf32, #tpu.memory_space<vmem>>, vector<16xf32>,
        %parallel_loop3A_1257 = arith.addf %parallel_loop3A_1256, %get3A_1106 : vector<16xf32>
        tpu.vector_store_idx %arg15[%add3A_1118, %parallel_loop3A_1253], %parallel_loop3A_1257 : memref<64x129xf32, #tpu.memory_space<vmem>>[vector<16xi32>, vector<16xi32>], vector<16xf32>,
        %parallel_loop3A_1258 = arith.index_cast %parallel_loop3A_1252 : i32 to index
        %parallel_loop3A_1259 = arith.constant 16 : index
        %parallel_loop3A_1260 = tpu.vector_load %arg11[%parallel_loop3A_1258, %parallel_loop3A_1259] {strides = array<i32>} : memref<128x64xf32, #tpu.memory_space<vmem>>, vector<16xf32>,
        %parallel_loop3A_1261 = arith.addf %parallel_loop3A_1260, %get3A_1109 : vector<16xf32>
        tpu.vector_store_idx %arg15[%add3A_1121, %parallel_loop3A_1253], %parallel_loop3A_1261 : memref<64x129xf32, #tpu.memory_space<vmem>>[vector<16xi32>, vector<16xi32>], vector<16xf32>,
        %parallel_loop3A_1262 = arith.index_cast %parallel_loop3A_1252 : i32 to index
        %parallel_loop3A_1263 = arith.constant 32 : index
        %parallel_loop3A_1264 = tpu.vector_load %arg11[%parallel_loop3A_1262, %parallel_loop3A_1263] {strides = array<i32>} : memref<128x64xf32, #tpu.memory_space<vmem>>, vector<16xf32>,
        %parallel_loop3A_1265 = arith.addf %parallel_loop3A_1264, %get3A_1112 : vector<16xf32>
        tpu.vector_store_idx %arg15[%add3A_1124, %parallel_loop3A_1253], %parallel_loop3A_1265 : memref<64x129xf32, #tpu.memory_space<vmem>>[vector<16xi32>, vector<16xi32>], vector<16xf32>,
        %parallel_loop3A_1266 = arith.index_cast %parallel_loop3A_1252 : i32 to index
        %parallel_loop3A_1267 = arith.constant 48 : index
        %parallel_loop3A_1268 = tpu.vector_load %arg11[%parallel_loop3A_1266, %parallel_loop3A_1267] {strides = array<i32>} : memref<128x64xf32, #tpu.memory_space<vmem>>, vector<16xf32>,
        %parallel_loop3A_1269 = arith.addf %parallel_loop3A_1268, %get3A_1115 : vector<16xf32>
        tpu.vector_store_idx %arg15[%add3A_1127, %parallel_loop3A_1253], %parallel_loop3A_1269 : memref<64x129xf32, #tpu.memory_space<vmem>>[vector<16xi32>, vector<16xi32>], vector<16xf32>,
      } {sc.loop_unroll_factor = 12 : i64, sc.parallel_access}
      %dma_start3A_1131 = arith.constant 0 : i32
      %dma_start3A_1132 = arith.constant 0 : i32
      %dma_start3A_1133 = arith.constant 0 : i32
      %dma_start3A_1134 = tpu.memref_slice %arg15[%dma_start3A_1132, %dma_start3A_1133] : memref<64x129xf32, #tpu.memory_space<vmem>> -> memref<8x128xf32, #tpu.memory_space<vmem>>
      %dma_start3A_1135 = arith.constant 0 : i32
      %dma_start3A_1136 = arith.constant 0 : i32
      %dma_start3A_1137 = tpu.memref_slice %arg5[%add3A_1084, %dma_start3A_1131, %add3A, %dma_start3A_1135, %dma_start3A_1136] : memref<200x8x32x8x128xf32, #tpu.memory_space<hbm>> -> memref<1x1x1x8x128xf32, #tpu.memory_space<hbm>>
      %dma_start3A_1138 = tpu.memref_squeeze %dma_start3A_1137 : memref<1x1x1x8x128xf32, #tpu.memory_space<hbm>> -> memref<8x128xf32, #tpu.memory_space<hbm>>
      %dma_start3A_1139 = arith.constant 0 : i32
      %dma_start3A_1140 = arith.constant 0 : i32
      %dma_start3A_1141 = tpu.memref_slice %arg5[%add3A_1084, %dma_start3A_1131, %add3A, %dma_start3A_1139, %dma_start3A_1140] : memref<200x8x32x8x128xf32, #tpu.memory_space<hbm>> -> memref<1x1x1x8x128xf32, #tpu.memory_space<hbm>>
      %dma_start3A_1142 = tpu.memref_squeeze %dma_start3A_1141 : memref<1x1x1x8x128xf32, #tpu.memory_space<hbm>> -> memref<8x128xf32, #tpu.memory_space<hbm>>
      %dma_start3A_1143 = arith.constant 0 : i32
      %dma_start3A_1144 = arith.constant 0 : i32
      %dma_start3A_1145 = tpu.memref_slice %arg15[%dma_start3A_1143, %dma_start3A_1144] : memref<64x129xf32, #tpu.memory_space<vmem>> -> memref<8x128xf32, #tpu.memory_space<vmem>>
      tpu.enqueue_dma source(%dma_start3A_1145 : memref<8x128xf32, #tpu.memory_space<vmem>>) target(%dma_start3A_1142 : memref<8x128xf32, #tpu.memory_space<hbm>>) target_semaphore(%arg23 : memref<!tpu.dma_semaphore, #tpu.memory_space<semaphore_mem>>)
      %dma_start3A_1146 = arith.constant 1 : i32
      %dma_start3A_1147 = arith.constant 8 : i32
      %dma_start3A_1148 = arith.constant 0 : i32
      %dma_start3A_1149 = tpu.memref_slice %arg15[%dma_start3A_1147, %dma_start3A_1148] : memref<64x129xf32, #tpu.memory_space<vmem>> -> memref<8x128xf32, #tpu.memory_space<vmem>>
      %dma_start3A_1150 = arith.constant 0 : i32
      %dma_start3A_1151 = arith.constant 0 : i32
      %dma_start3A_1152 = tpu.memref_slice %arg5[%add3A_1084, %dma_start3A_1146, %add3A, %dma_start3A_1150, %dma_start3A_1151] : memref<200x8x32x8x128xf32, #tpu.memory_space<hbm>> -> memref<1x1x1x8x128xf32, #tpu.memory_space<hbm>>
      %dma_start3A_1153 = tpu.memref_squeeze %dma_start3A_1152 : memref<1x1x1x8x128xf32, #tpu.memory_space<hbm>> -> memref<8x128xf32, #tpu.memory_space<hbm>>
      %dma_start3A_1154 = arith.constant 0 : i32
      %dma_start3A_1155 = arith.constant 0 : i32
      %dma_start3A_1156 = tpu.memref_slice %arg5[%add3A_1084, %dma_start3A_1146, %add3A, %dma_start3A_1154, %dma_start3A_1155] : memref<200x8x32x8x128xf32, #tpu.memory_space<hbm>> -> memref<1x1x1x8x128xf32, #tpu.memory_space<hbm>>
      %dma_start3A_1157 = tpu.memref_squeeze %dma_start3A_1156 : memref<1x1x1x8x128xf32, #tpu.memory_space<hbm>> -> memref<8x128xf32, #tpu.memory_space<hbm>>
      %dma_start3A_1158 = arith.constant 8 : i32
      %dma_start3A_1159 = arith.constant 0 : i32
      %dma_start3A_1160 = tpu.memref_slice %arg15[%dma_start3A_1158, %dma_start3A_1159] : memref<64x129xf32, #tpu.memory_space<vmem>> -> memref<8x128xf32, #tpu.memory_space<vmem>>
      tpu.enqueue_dma source(%dma_start3A_1160 : memref<8x128xf32, #tpu.memory_space<vmem>>) target(%dma_start3A_1157 : memref<8x128xf32, #tpu.memory_space<hbm>>) target_semaphore(%arg23 : memref<!tpu.dma_semaphore, #tpu.memory_space<semaphore_mem>>)
      %dma_start3A_1161 = arith.constant 2 : i32
      %dma_start3A_1162 = arith.constant 16 : i32
      %dma_start3A_1163 = arith.constant 0 : i32
      %dma_start3A_1164 = tpu.memref_slice %arg15[%dma_start3A_1162, %dma_start3A_1163] : memref<64x129xf32, #tpu.memory_space<vmem>> -> memref<8x128xf32, #tpu.memory_space<vmem>>
      %dma_start3A_1165 = arith.constant 0 : i32
      %dma_start3A_1166 = arith.constant 0 : i32
      %dma_start3A_1167 = tpu.memref_slice %arg5[%add3A_1084, %dma_start3A_1161, %add3A, %dma_start3A_1165, %dma_start3A_1166] : memref<200x8x32x8x128xf32, #tpu.memory_space<hbm>> -> memref<1x1x1x8x128xf32, #tpu.memory_space<hbm>>
      %dma_start3A_1168 = tpu.memref_squeeze %dma_start3A_1167 : memref<1x1x1x8x128xf32, #tpu.memory_space<hbm>> -> memref<8x128xf32, #tpu.memory_space<hbm>>
      %dma_start3A_1169 = arith.constant 0 : i32
      %dma_start3A_1170 = arith.constant 0 : i32
      %dma_start3A_1171 = tpu.memref_slice %arg5[%add3A_1084, %dma_start3A_1161, %add3A, %dma_start3A_1169, %dma_start3A_1170] : memref<200x8x32x8x128xf32, #tpu.memory_space<hbm>> -> memref<1x1x1x8x128xf32, #tpu.memory_space<hbm>>
      %dma_start3A_1172 = tpu.memref_squeeze %dma_start3A_1171 : memref<1x1x1x8x128xf32, #tpu.memory_space<hbm>> -> memref<8x128xf32, #tpu.memory_space<hbm>>
      %dma_start3A_1173 = arith.constant 16 : i32
      %dma_start3A_1174 = arith.constant 0 : i32
      %dma_start3A_1175 = tpu.memref_slice %arg15[%dma_start3A_1173, %dma_start3A_1174] : memref<64x129xf32, #tpu.memory_space<vmem>> -> memref<8x128xf32, #tpu.memory_space<vmem>>
      tpu.enqueue_dma source(%dma_start3A_1175 : memref<8x128xf32, #tpu.memory_space<vmem>>) target(%dma_start3A_1172 : memref<8x128xf32, #tpu.memory_space<hbm>>) target_semaphore(%arg23 : memref<!tpu.dma_semaphore, #tpu.memory_space<semaphore_mem>>)
      %dma_start3A_1176 = arith.constant 3 : i32
      %dma_start3A_1177 = arith.constant 24 : i32
      %dma_start3A_1178 = arith.constant 0 : i32
      %dma_start3A_1179 = tpu.memref_slice %arg15[%dma_start3A_1177, %dma_start3A_1178] : memref<64x129xf32, #tpu.memory_space<vmem>> -> memref<8x128xf32, #tpu.memory_space<vmem>>
      %dma_start3A_1180 = arith.constant 0 : i32
      %dma_start3A_1181 = arith.constant 0 : i32
      %dma_start3A_1182 = tpu.memref_slice %arg5[%add3A_1084, %dma_start3A_1176, %add3A, %dma_start3A_1180, %dma_start3A_1181] : memref<200x8x32x8x128xf32, #tpu.memory_space<hbm>> -> memref<1x1x1x8x128xf32, #tpu.memory_space<hbm>>
      %dma_start3A_1183 = tpu.memref_squeeze %dma_start3A_1182 : memref<1x1x1x8x128xf32, #tpu.memory_space<hbm>> -> memref<8x128xf32, #tpu.memory_space<hbm>>
      %dma_start3A_1184 = arith.constant 0 : i32
      %dma_start3A_1185 = arith.constant 0 : i32
      %dma_start3A_1186 = tpu.memref_slice %arg5[%add3A_1084, %dma_start3A_1176, %add3A, %dma_start3A_1184, %dma_start3A_1185] : memref<200x8x32x8x128xf32, #tpu.memory_space<hbm>> -> memref<1x1x1x8x128xf32, #tpu.memory_space<hbm>>
      %dma_start3A_1187 = tpu.memref_squeeze %dma_start3A_1186 : memref<1x1x1x8x128xf32, #tpu.memory_space<hbm>> -> memref<8x128xf32, #tpu.memory_space<hbm>>
      %dma_start3A_1188 = arith.constant 24 : i32
      %dma_start3A_1189 = arith.constant 0 : i32
      %dma_start3A_1190 = tpu.memref_slice %arg15[%dma_start3A_1188, %dma_start3A_1189] : memref<64x129xf32, #tpu.memory_space<vmem>> -> memref<8x128xf32, #tpu.memory_space<vmem>>
      tpu.enqueue_dma source(%dma_start3A_1190 : memref<8x128xf32, #tpu.memory_space<vmem>>) target(%dma_start3A_1187 : memref<8x128xf32, #tpu.memory_space<hbm>>) target_semaphore(%arg23 : memref<!tpu.dma_semaphore, #tpu.memory_space<semaphore_mem>>)
      %dma_start3A_1191 = arith.constant 4 : i32
      %dma_start3A_1192 = arith.constant 32 : i32
      %dma_start3A_1193 = arith.constant 0 : i32
      %dma_start3A_1194 = tpu.memref_slice %arg15[%dma_start3A_1192, %dma_start3A_1193] : memref<64x129xf32, #tpu.memory_space<vmem>> -> memref<8x128xf32, #tpu.memory_space<vmem>>
      %dma_start3A_1195 = arith.constant 0 : i32
      %dma_start3A_1196 = arith.constant 0 : i32
      %dma_start3A_1197 = tpu.memref_slice %arg5[%add3A_1084, %dma_start3A_1191, %add3A, %dma_start3A_1195, %dma_start3A_1196] : memref<200x8x32x8x128xf32, #tpu.memory_space<hbm>> -> memref<1x1x1x8x128xf32, #tpu.memory_space<hbm>>
      %dma_start3A_1198 = tpu.memref_squeeze %dma_start3A_1197 : memref<1x1x1x8x128xf32, #tpu.memory_space<hbm>> -> memref<8x128xf32, #tpu.memory_space<hbm>>
      %dma_start3A_1199 = arith.constant 0 : i32
      %dma_start3A_1200 = arith.constant 0 : i32
      %dma_start3A_1201 = tpu.memref_slice %arg5[%add3A_1084, %dma_start3A_1191, %add3A, %dma_start3A_1199, %dma_start3A_1200] : memref<200x8x32x8x128xf32, #tpu.memory_space<hbm>> -> memref<1x1x1x8x128xf32, #tpu.memory_space<hbm>>
      %dma_start3A_1202 = tpu.memref_squeeze %dma_start3A_1201 : memref<1x1x1x8x128xf32, #tpu.memory_space<hbm>> -> memref<8x128xf32, #tpu.memory_space<hbm>>
      %dma_start3A_1203 = arith.constant 32 : i32
      %dma_start3A_1204 = arith.constant 0 : i32
      %dma_start3A_1205 = tpu.memref_slice %arg15[%dma_start3A_1203, %dma_start3A_1204] : memref<64x129xf32, #tpu.memory_space<vmem>> -> memref<8x128xf32, #tpu.memory_space<vmem>>
      tpu.enqueue_dma source(%dma_start3A_1205 : memref<8x128xf32, #tpu.memory_space<vmem>>) target(%dma_start3A_1202 : memref<8x128xf32, #tpu.memory_space<hbm>>) target_semaphore(%arg23 : memref<!tpu.dma_semaphore, #tpu.memory_space<semaphore_mem>>)
      %dma_start3A_1206 = arith.constant 5 : i32
      %dma_start3A_1207 = arith.constant 40 : i32
      %dma_start3A_1208 = arith.constant 0 : i32
      %dma_start3A_1209 = tpu.memref_slice %arg15[%dma_start3A_1207, %dma_start3A_1208] : memref<64x129xf32, #tpu.memory_space<vmem>> -> memref<8x128xf32, #tpu.memory_space<vmem>>
      %dma_start3A_1210 = arith.constant 0 : i32
      %dma_start3A_1211 = arith.constant 0 : i32
      %dma_start3A_1212 = tpu.memref_slice %arg5[%add3A_1084, %dma_start3A_1206, %add3A, %dma_start3A_1210, %dma_start3A_1211] : memref<200x8x32x8x128xf32, #tpu.memory_space<hbm>> -> memref<1x1x1x8x128xf32, #tpu.memory_space<hbm>>
      %dma_start3A_1213 = tpu.memref_squeeze %dma_start3A_1212 : memref<1x1x1x8x128xf32, #tpu.memory_space<hbm>> -> memref<8x128xf32, #tpu.memory_space<hbm>>
      %dma_start3A_1214 = arith.constant 0 : i32
      %dma_start3A_1215 = arith.constant 0 : i32
      %dma_start3A_1216 = tpu.memref_slice %arg5[%add3A_1084, %dma_start3A_1206, %add3A, %dma_start3A_1214, %dma_start3A_1215] : memref<200x8x32x8x128xf32, #tpu.memory_space<hbm>> -> memref<1x1x1x8x128xf32, #tpu.memory_space<hbm>>
      %dma_start3A_1217 = tpu.memref_squeeze %dma_start3A_1216 : memref<1x1x1x8x128xf32, #tpu.memory_space<hbm>> -> memref<8x128xf32, #tpu.memory_space<hbm>>
      %dma_start3A_1218 = arith.constant 40 : i32
      %dma_start3A_1219 = arith.constant 0 : i32
      %dma_start3A_1220 = tpu.memref_slice %arg15[%dma_start3A_1218, %dma_start3A_1219] : memref<64x129xf32, #tpu.memory_space<vmem>> -> memref<8x128xf32, #tpu.memory_space<vmem>>
      tpu.enqueue_dma source(%dma_start3A_1220 : memref<8x128xf32, #tpu.memory_space<vmem>>) target(%dma_start3A_1217 : memref<8x128xf32, #tpu.memory_space<hbm>>) target_semaphore(%arg23 : memref<!tpu.dma_semaphore, #tpu.memory_space<semaphore_mem>>)
      %dma_start3A_1221 = arith.constant 6 : i32
      %dma_start3A_1222 = arith.constant 48 : i32
      %dma_start3A_1223 = arith.constant 0 : i32
      %dma_start3A_1224 = tpu.memref_slice %arg15[%dma_start3A_1222, %dma_start3A_1223] : memref<64x129xf32, #tpu.memory_space<vmem>> -> memref<8x128xf32, #tpu.memory_space<vmem>>
      %dma_start3A_1225 = arith.constant 0 : i32
      %dma_start3A_1226 = arith.constant 0 : i32
      %dma_start3A_1227 = tpu.memref_slice %arg5[%add3A_1084, %dma_start3A_1221, %add3A, %dma_start3A_1225, %dma_start3A_1226] : memref<200x8x32x8x128xf32, #tpu.memory_space<hbm>> -> memref<1x1x1x8x128xf32, #tpu.memory_space<hbm>>
      %dma_start3A_1228 = tpu.memref_squeeze %dma_start3A_1227 : memref<1x1x1x8x128xf32, #tpu.memory_space<hbm>> -> memref<8x128xf32, #tpu.memory_space<hbm>>
      %dma_start3A_1229 = arith.constant 0 : i32
      %dma_start3A_1230 = arith.constant 0 : i32
      %dma_start3A_1231 = tpu.memref_slice %arg5[%add3A_1084, %dma_start3A_1221, %add3A, %dma_start3A_1229, %dma_start3A_1230] : memref<200x8x32x8x128xf32, #tpu.memory_space<hbm>> -> memref<1x1x1x8x128xf32, #tpu.memory_space<hbm>>
      %dma_start3A_1232 = tpu.memref_squeeze %dma_start3A_1231 : memref<1x1x1x8x128xf32, #tpu.memory_space<hbm>> -> memref<8x128xf32, #tpu.memory_space<hbm>>
      %dma_start3A_1233 = arith.constant 48 : i32
      %dma_start3A_1234 = arith.constant 0 : i32
      %dma_start3A_1235 = tpu.memref_slice %arg15[%dma_start3A_1233, %dma_start3A_1234] : memref<64x129xf32, #tpu.memory_space<vmem>> -> memref<8x128xf32, #tpu.memory_space<vmem>>
      tpu.enqueue_dma source(%dma_start3A_1235 : memref<8x128xf32, #tpu.memory_space<vmem>>) target(%dma_start3A_1232 : memref<8x128xf32, #tpu.memory_space<hbm>>) target_semaphore(%arg23 : memref<!tpu.dma_semaphore, #tpu.memory_space<semaphore_mem>>)
      %dma_start3A_1236 = arith.constant 7 : i32
      %dma_start3A_1237 = arith.constant 56 : i32
      %dma_start3A_1238 = arith.constant 0 : i32
      %dma_start3A_1239 = tpu.memref_slice %arg15[%dma_start3A_1237, %dma_start3A_1238] : memref<64x129xf32, #tpu.memory_space<vmem>> -> memref<8x128xf32, #tpu.memory_space<vmem>>
      %dma_start3A_1240 = arith.constant 0 : i32
      %dma_start3A_1241 = arith.constant 0 : i32
      %dma_start3A_1242 = tpu.memref_slice %arg5[%add3A_1084, %dma_start3A_1236, %add3A, %dma_start3A_1240, %dma_start3A_1241] : memref<200x8x32x8x128xf32, #tpu.memory_space<hbm>> -> memref<1x1x1x8x128xf32, #tpu.memory_space<hbm>>
      %dma_start3A_1243 = tpu.memref_squeeze %dma_start3A_1242 : memref<1x1x1x8x128xf32, #tpu.memory_space<hbm>> -> memref<8x128xf32, #tpu.memory_space<hbm>>
      %dma_start3A_1244 = arith.constant 0 : i32
      %dma_start3A_1245 = arith.constant 0 : i32
      %dma_start3A_1246 = tpu.memref_slice %arg5[%add3A_1084, %dma_start3A_1236, %add3A, %dma_start3A_1244, %dma_start3A_1245] : memref<200x8x32x8x128xf32, #tpu.memory_space<hbm>> -> memref<1x1x1x8x128xf32, #tpu.memory_space<hbm>>
      %dma_start3A_1247 = tpu.memref_squeeze %dma_start3A_1246 : memref<1x1x1x8x128xf32, #tpu.memory_space<hbm>> -> memref<8x128xf32, #tpu.memory_space<hbm>>
      %dma_start3A_1248 = arith.constant 56 : i32
      %dma_start3A_1249 = arith.constant 0 : i32
      %dma_start3A_1250 = tpu.memref_slice %arg15[%dma_start3A_1248, %dma_start3A_1249] : memref<64x129xf32, #tpu.memory_space<vmem>> -> memref<8x128xf32, #tpu.memory_space<vmem>>
      tpu.enqueue_dma source(%dma_start3A_1250 : memref<8x128xf32, #tpu.memory_space<vmem>>) target(%dma_start3A_1247 : memref<8x128xf32, #tpu.memory_space<hbm>>) target_semaphore(%arg23 : memref<!tpu.dma_semaphore, #tpu.memory_space<semaphore_mem>>)
      %scan3A_1251 = arith.constant 0 : i32
      scf.yield %scan3A_1251 : i32
    }
    %scan3A_31 = arith.constant 50 : i32
    %dma_wait3A = arith.constant 0 : i32
    %dma_wait3A_32 = arith.constant 0 : i32
    %dma_wait3A_33 = arith.constant 0 : i32
    %dma_wait3A_34 = arith.constant 0 : i32
    %dma_wait3A_35 = arith.constant 0 : i32
    %dma_wait3A_36 = tpu.memref_slice %arg12[%dma_wait3A_34, %dma_wait3A_35] : memref<64x129xf32, #tpu.memory_space<vmem>> -> memref<8x128xf32, #tpu.memory_space<vmem>>
    %dma_wait3A_37 = arith.constant 0 : i32
    %dma_wait3A_38 = arith.constant 0 : i32
    %dma_wait3A_39 = tpu.memref_slice %arg5[%dma_wait3A, %dma_wait3A_32, %dma_wait3A_33, %dma_wait3A_37, %dma_wait3A_38] : memref<200x8x32x8x128xf32, #tpu.memory_space<hbm>> -> memref<1x1x1x8x128xf32, #tpu.memory_space<hbm>>
    %dma_wait3A_40 = tpu.memref_squeeze %dma_wait3A_39 : memref<1x1x1x8x128xf32, #tpu.memory_space<hbm>> -> memref<8x128xf32, #tpu.memory_space<hbm>>
    %dma_wait3A_41 = arith.constant 0 : i32
    %dma_wait3A_42 = arith.constant 0 : i32
    %dma_wait3A_43 = tpu.memref_slice %arg5[%dma_wait3A, %dma_wait3A_32, %dma_wait3A_33, %dma_wait3A_41, %dma_wait3A_42] : memref<200x8x32x8x128xf32, #tpu.memory_space<hbm>> -> memref<1x1x1x8x128xf32, #tpu.memory_space<hbm>>
    %dma_wait3A_44 = tpu.memref_squeeze %dma_wait3A_43 : memref<1x1x1x8x128xf32, #tpu.memory_space<hbm>> -> memref<8x128xf32, #tpu.memory_space<hbm>>
    %dma_wait3A_45 = arith.constant 0 : i32
    %dma_wait3A_46 = arith.constant 0 : i32
    %dma_wait3A_47 = tpu.memref_slice %arg12[%dma_wait3A_45, %dma_wait3A_46] : memref<64x129xf32, #tpu.memory_space<vmem>> -> memref<8x128xf32, #tpu.memory_space<vmem>>
    tpu.wait_dma2 semaphore(%arg20 : memref<!tpu.dma_semaphore, #tpu.memory_space<semaphore_mem>>) src(%dma_wait3A_47 : memref<8x128xf32, #tpu.memory_space<vmem>>) dst(%dma_wait3A_44 : memref<8x128xf32, #tpu.memory_space<hbm>>)
    %dma_wait3A_48 = arith.constant 0 : i32
    %dma_wait3A_49 = arith.constant 1 : i32
    %dma_wait3A_50 = arith.constant 0 : i32
    %dma_wait3A_51 = arith.constant 0 : i32
    %dma_wait3A_52 = arith.constant 0 : i32
    %dma_wait3A_53 = tpu.memref_slice %arg12[%dma_wait3A_51, %dma_wait3A_52] : memref<64x129xf32, #tpu.memory_space<vmem>> -> memref<8x128xf32, #tpu.memory_space<vmem>>
    %dma_wait3A_54 = arith.constant 0 : i32
    %dma_wait3A_55 = arith.constant 0 : i32
    %dma_wait3A_56 = tpu.memref_slice %arg5[%dma_wait3A_48, %dma_wait3A_49, %dma_wait3A_50, %dma_wait3A_54, %dma_wait3A_55] : memref<200x8x32x8x128xf32, #tpu.memory_space<hbm>> -> memref<1x1x1x8x128xf32, #tpu.memory_space<hbm>>
    %dma_wait3A_57 = tpu.memref_squeeze %dma_wait3A_56 : memref<1x1x1x8x128xf32, #tpu.memory_space<hbm>> -> memref<8x128xf32, #tpu.memory_space<hbm>>
    %dma_wait3A_58 = arith.constant 0 : i32
    %dma_wait3A_59 = arith.constant 0 : i32
    %dma_wait3A_60 = tpu.memref_slice %arg5[%dma_wait3A_48, %dma_wait3A_49, %dma_wait3A_50, %dma_wait3A_58, %dma_wait3A_59] : memref<200x8x32x8x128xf32, #tpu.memory_space<hbm>> -> memref<1x1x1x8x128xf32, #tpu.memory_space<hbm>>
    %dma_wait3A_61 = tpu.memref_squeeze %dma_wait3A_60 : memref<1x1x1x8x128xf32, #tpu.memory_space<hbm>> -> memref<8x128xf32, #tpu.memory_space<hbm>>
    %dma_wait3A_62 = arith.constant 0 : i32
    %dma_wait3A_63 = arith.constant 0 : i32
    %dma_wait3A_64 = tpu.memref_slice %arg12[%dma_wait3A_62, %dma_wait3A_63] : memref<64x129xf32, #tpu.memory_space<vmem>> -> memref<8x128xf32, #tpu.memory_space<vmem>>
    tpu.wait_dma2 semaphore(%arg20 : memref<!tpu.dma_semaphore, #tpu.memory_space<semaphore_mem>>) src(%dma_wait3A_64 : memref<8x128xf32, #tpu.memory_space<vmem>>) dst(%dma_wait3A_61 : memref<8x128xf32, #tpu.memory_space<hbm>>)
    %dma_wait3A_65 = arith.constant 0 : i32
    %dma_wait3A_66 = arith.constant 2 : i32
    %dma_wait3A_67 = arith.constant 0 : i32
    %dma_wait3A_68 = arith.constant 0 : i32
    %dma_wait3A_69 = arith.constant 0 : i32
    %dma_wait3A_70 = tpu.memref_slice %arg12[%dma_wait3A_68, %dma_wait3A_69] : memref<64x129xf32, #tpu.memory_space<vmem>> -> memref<8x128xf32, #tpu.memory_space<vmem>>
    %dma_wait3A_71 = arith.constant 0 : i32
    %dma_wait3A_72 = arith.constant 0 : i32
    %dma_wait3A_73 = tpu.memref_slice %arg5[%dma_wait3A_65, %dma_wait3A_66, %dma_wait3A_67, %dma_wait3A_71, %dma_wait3A_72] : memref<200x8x32x8x128xf32, #tpu.memory_space<hbm>> -> memref<1x1x1x8x128xf32, #tpu.memory_space<hbm>>
    %dma_wait3A_74 = tpu.memref_squeeze %dma_wait3A_73 : memref<1x1x1x8x128xf32, #tpu.memory_space<hbm>> -> memref<8x128xf32, #tpu.memory_space<hbm>>
    %dma_wait3A_75 = arith.constant 0 : i32
    %dma_wait3A_76 = arith.constant 0 : i32
    %dma_wait3A_77 = tpu.memref_slice %arg5[%dma_wait3A_65, %dma_wait3A_66, %dma_wait3A_67, %dma_wait3A_75, %dma_wait3A_76] : memref<200x8x32x8x128xf32, #tpu.memory_space<hbm>> -> memref<1x1x1x8x128xf32, #tpu.memory_space<hbm>>
    %dma_wait3A_78 = tpu.memref_squeeze %dma_wait3A_77 : memref<1x1x1x8x128xf32, #tpu.memory_space<hbm>> -> memref<8x128xf32, #tpu.memory_space<hbm>>
    %dma_wait3A_79 = arith.constant 0 : i32
    %dma_wait3A_80 = arith.constant 0 : i32
    %dma_wait3A_81 = tpu.memref_slice %arg12[%dma_wait3A_79, %dma_wait3A_80] : memref<64x129xf32, #tpu.memory_space<vmem>> -> memref<8x128xf32, #tpu.memory_space<vmem>>
    tpu.wait_dma2 semaphore(%arg20 : memref<!tpu.dma_semaphore, #tpu.memory_space<semaphore_mem>>) src(%dma_wait3A_81 : memref<8x128xf32, #tpu.memory_space<vmem>>) dst(%dma_wait3A_78 : memref<8x128xf32, #tpu.memory_space<hbm>>)
    %dma_wait3A_82 = arith.constant 0 : i32
    %dma_wait3A_83 = arith.constant 3 : i32
    %dma_wait3A_84 = arith.constant 0 : i32
    %dma_wait3A_85 = arith.constant 0 : i32
    %dma_wait3A_86 = arith.constant 0 : i32
    %dma_wait3A_87 = tpu.memref_slice %arg12[%dma_wait3A_85, %dma_wait3A_86] : memref<64x129xf32, #tpu.memory_space<vmem>> -> memref<8x128xf32, #tpu.memory_space<vmem>>
    %dma_wait3A_88 = arith.constant 0 : i32
    %dma_wait3A_89 = arith.constant 0 : i32
    %dma_wait3A_90 = tpu.memref_slice %arg5[%dma_wait3A_82, %dma_wait3A_83, %dma_wait3A_84, %dma_wait3A_88, %dma_wait3A_89] : memref<200x8x32x8x128xf32, #tpu.memory_space<hbm>> -> memref<1x1x1x8x128xf32, #tpu.memory_space<hbm>>
    %dma_wait3A_91 = tpu.memref_squeeze %dma_wait3A_90 : memref<1x1x1x8x128xf32, #tpu.memory_space<hbm>> -> memref<8x128xf32, #tpu.memory_space<hbm>>
    %dma_wait3A_92 = arith.constant 0 : i32
    %dma_wait3A_93 = arith.constant 0 : i32
    %dma_wait3A_94 = tpu.memref_slice %arg5[%dma_wait3A_82, %dma_wait3A_83, %dma_wait3A_84, %dma_wait3A_92, %dma_wait3A_93] : memref<200x8x32x8x128xf32, #tpu.memory_space<hbm>> -> memref<1x1x1x8x128xf32, #tpu.memory_space<hbm>>
    %dma_wait3A_95 = tpu.memref_squeeze %dma_wait3A_94 : memref<1x1x1x8x128xf32, #tpu.memory_space<hbm>> -> memref<8x128xf32, #tpu.memory_space<hbm>>
    %dma_wait3A_96 = arith.constant 0 : i32
    %dma_wait3A_97 = arith.constant 0 : i32
    %dma_wait3A_98 = tpu.memref_slice %arg12[%dma_wait3A_96, %dma_wait3A_97] : memref<64x129xf32, #tpu.memory_space<vmem>> -> memref<8x128xf32, #tpu.memory_space<vmem>>
    tpu.wait_dma2 semaphore(%arg20 : memref<!tpu.dma_semaphore, #tpu.memory_space<semaphore_mem>>) src(%dma_wait3A_98 : memref<8x128xf32, #tpu.memory_space<vmem>>) dst(%dma_wait3A_95 : memref<8x128xf32, #tpu.memory_space<hbm>>)
    %dma_wait3A_99 = arith.constant 0 : i32
    %dma_wait3A_100 = arith.constant 4 : i32
    %dma_wait3A_101 = arith.constant 0 : i32
    %dma_wait3A_102 = arith.constant 0 : i32
    %dma_wait3A_103 = arith.constant 0 : i32
    %dma_wait3A_104 = tpu.memref_slice %arg12[%dma_wait3A_102, %dma_wait3A_103] : memref<64x129xf32, #tpu.memory_space<vmem>> -> memref<8x128xf32, #tpu.memory_space<vmem>>
    %dma_wait3A_105 = arith.constant 0 : i32
    %dma_wait3A_106 = arith.constant 0 : i32
    %dma_wait3A_107 = tpu.memref_slice %arg5[%dma_wait3A_99, %dma_wait3A_100, %dma_wait3A_101, %dma_wait3A_105, %dma_wait3A_106] : memref<200x8x32x8x128xf32, #tpu.memory_space<hbm>> -> memref<1x1x1x8x128xf32, #tpu.memory_space<hbm>>
    %dma_wait3A_108 = tpu.memref_squeeze %dma_wait3A_107 : memref<1x1x1x8x128xf32, #tpu.memory_space<hbm>> -> memref<8x128xf32, #tpu.memory_space<hbm>>
    %dma_wait3A_109 = arith.constant 0 : i32
    %dma_wait3A_110 = arith.constant 0 : i32
    %dma_wait3A_111 = tpu.memref_slice %arg5[%dma_wait3A_99, %dma_wait3A_100, %dma_wait3A_101, %dma_wait3A_109, %dma_wait3A_110] : memref<200x8x32x8x128xf32, #tpu.memory_space<hbm>> -> memref<1x1x1x8x128xf32, #tpu.memory_space<hbm>>
    %dma_wait3A_112 = tpu.memref_squeeze %dma_wait3A_111 : memref<1x1x1x8x128xf32, #tpu.memory_space<hbm>> -> memref<8x128xf32, #tpu.memory_space<hbm>>
    %dma_wait3A_113 = arith.constant 0 : i32
    %dma_wait3A_114 = arith.constant 0 : i32
    %dma_wait3A_115 = tpu.memref_slice %arg12[%dma_wait3A_113, %dma_wait3A_114] : memref<64x129xf32, #tpu.memory_space<vmem>> -> memref<8x128xf32, #tpu.memory_space<vmem>>
    tpu.wait_dma2 semaphore(%arg20 : memref<!tpu.dma_semaphore, #tpu.memory_space<semaphore_mem>>) src(%dma_wait3A_115 : memref<8x128xf32, #tpu.memory_space<vmem>>) dst(%dma_wait3A_112 : memref<8x128xf32, #tpu.memory_space<hbm>>)
    %dma_wait3A_116 = arith.constant 0 : i32
    %dma_wait3A_117 = arith.constant 5 : i32
    %dma_wait3A_118 = arith.constant 0 : i32
    %dma_wait3A_119 = arith.constant 0 : i32
    %dma_wait3A_120 = arith.constant 0 : i32
    %dma_wait3A_121 = tpu.memref_slice %arg12[%dma_wait3A_119, %dma_wait3A_120] : memref<64x129xf32, #tpu.memory_space<vmem>> -> memref<8x128xf32, #tpu.memory_space<vmem>>
    %dma_wait3A_122 = arith.constant 0 : i32
    %dma_wait3A_123 = arith.constant 0 : i32
    %dma_wait3A_124 = tpu.memref_slice %arg5[%dma_wait3A_116, %dma_wait3A_117, %dma_wait3A_118, %dma_wait3A_122, %dma_wait3A_123] : memref<200x8x32x8x128xf32, #tpu.memory_space<hbm>> -> memref<1x1x1x8x128xf32, #tpu.memory_space<hbm>>
    %dma_wait3A_125 = tpu.memref_squeeze %dma_wait3A_124 : memref<1x1x1x8x128xf32, #tpu.memory_space<hbm>> -> memref<8x128xf32, #tpu.memory_space<hbm>>
    %dma_wait3A_126 = arith.constant 0 : i32
    %dma_wait3A_127 = arith.constant 0 : i32
    %dma_wait3A_128 = tpu.memref_slice %arg5[%dma_wait3A_116, %dma_wait3A_117, %dma_wait3A_118, %dma_wait3A_126, %dma_wait3A_127] : memref<200x8x32x8x128xf32, #tpu.memory_space<hbm>> -> memref<1x1x1x8x128xf32, #tpu.memory_space<hbm>>
    %dma_wait3A_129 = tpu.memref_squeeze %dma_wait3A_128 : memref<1x1x1x8x128xf32, #tpu.memory_space<hbm>> -> memref<8x128xf32, #tpu.memory_space<hbm>>
    %dma_wait3A_130 = arith.constant 0 : i32
    %dma_wait3A_131 = arith.constant 0 : i32
    %dma_wait3A_132 = tpu.memref_slice %arg12[%dma_wait3A_130, %dma_wait3A_131] : memref<64x129xf32, #tpu.memory_space<vmem>> -> memref<8x128xf32, #tpu.memory_space<vmem>>
    tpu.wait_dma2 semaphore(%arg20 : memref<!tpu.dma_semaphore, #tpu.memory_space<semaphore_mem>>) src(%dma_wait3A_132 : memref<8x128xf32, #tpu.memory_space<vmem>>) dst(%dma_wait3A_129 : memref<8x128xf32, #tpu.memory_space<hbm>>)
    %dma_wait3A_133 = arith.constant 0 : i32
    %dma_wait3A_134 = arith.constant 6 : i32
    %dma_wait3A_135 = arith.constant 0 : i32
    %dma_wait3A_136 = arith.constant 0 : i32
    %dma_wait3A_137 = arith.constant 0 : i32
    %dma_wait3A_138 = tpu.memref_slice %arg12[%dma_wait3A_136, %dma_wait3A_137] : memref<64x129xf32, #tpu.memory_space<vmem>> -> memref<8x128xf32, #tpu.memory_space<vmem>>
    %dma_wait3A_139 = arith.constant 0 : i32
    %dma_wait3A_140 = arith.constant 0 : i32
    %dma_wait3A_141 = tpu.memref_slice %arg5[%dma_wait3A_133, %dma_wait3A_134, %dma_wait3A_135, %dma_wait3A_139, %dma_wait3A_140] : memref<200x8x32x8x128xf32, #tpu.memory_space<hbm>> -> memref<1x1x1x8x128xf32, #tpu.memory_space<hbm>>
    %dma_wait3A_142 = tpu.memref_squeeze %dma_wait3A_141 : memref<1x1x1x8x128xf32, #tpu.memory_space<hbm>> -> memref<8x128xf32, #tpu.memory_space<hbm>>
    %dma_wait3A_143 = arith.constant 0 : i32
    %dma_wait3A_144 = arith.constant 0 : i32
    %dma_wait3A_145 = tpu.memref_slice %arg5[%dma_wait3A_133, %dma_wait3A_134, %dma_wait3A_135, %dma_wait3A_143, %dma_wait3A_144] : memref<200x8x32x8x128xf32, #tpu.memory_space<hbm>> -> memref<1x1x1x8x128xf32, #tpu.memory_space<hbm>>
    %dma_wait3A_146 = tpu.memref_squeeze %dma_wait3A_145 : memref<1x1x1x8x128xf32, #tpu.memory_space<hbm>> -> memref<8x128xf32, #tpu.memory_space<hbm>>
    %dma_wait3A_147 = arith.constant 0 : i32
    %dma_wait3A_148 = arith.constant 0 : i32
    %dma_wait3A_149 = tpu.memref_slice %arg12[%dma_wait3A_147, %dma_wait3A_148] : memref<64x129xf32, #tpu.memory_space<vmem>> -> memref<8x128xf32, #tpu.memory_space<vmem>>
    tpu.wait_dma2 semaphore(%arg20 : memref<!tpu.dma_semaphore, #tpu.memory_space<semaphore_mem>>) src(%dma_wait3A_149 : memref<8x128xf32, #tpu.memory_space<vmem>>) dst(%dma_wait3A_146 : memref<8x128xf32, #tpu.memory_space<hbm>>)
    %dma_wait3A_150 = arith.constant 0 : i32
    %dma_wait3A_151 = arith.constant 7 : i32
    %dma_wait3A_152 = arith.constant 0 : i32
    %dma_wait3A_153 = arith.constant 0 : i32
    %dma_wait3A_154 = arith.constant 0 : i32
    %dma_wait3A_155 = tpu.memref_slice %arg12[%dma_wait3A_153, %dma_wait3A_154] : memref<64x129xf32, #tpu.memory_space<vmem>> -> memref<8x128xf32, #tpu.memory_space<vmem>>
    %dma_wait3A_156 = arith.constant 0 : i32
    %dma_wait3A_157 = arith.constant 0 : i32
    %dma_wait3A_158 = tpu.memref_slice %arg5[%dma_wait3A_150, %dma_wait3A_151, %dma_wait3A_152, %dma_wait3A_156, %dma_wait3A_157] : memref<200x8x32x8x128xf32, #tpu.memory_space<hbm>> -> memref<1x1x1x8x128xf32, #tpu.memory_space<hbm>>
    %dma_wait3A_159 = tpu.memref_squeeze %dma_wait3A_158 : memref<1x1x1x8x128xf32, #tpu.memory_space<hbm>> -> memref<8x128xf32, #tpu.memory_space<hbm>>
    %dma_wait3A_160 = arith.constant 0 : i32
    %dma_wait3A_161 = arith.constant 0 : i32
    %dma_wait3A_162 = tpu.memref_slice %arg5[%dma_wait3A_150, %dma_wait3A_151, %dma_wait3A_152, %dma_wait3A_160, %dma_wait3A_161] : memref<200x8x32x8x128xf32, #tpu.memory_space<hbm>> -> memref<1x1x1x8x128xf32, #tpu.memory_space<hbm>>
    %dma_wait3A_163 = tpu.memref_squeeze %dma_wait3A_162 : memref<1x1x1x8x128xf32, #tpu.memory_space<hbm>> -> memref<8x128xf32, #tpu.memory_space<hbm>>
    %dma_wait3A_164 = arith.constant 0 : i32
    %dma_wait3A_165 = arith.constant 0 : i32
    %dma_wait3A_166 = tpu.memref_slice %arg12[%dma_wait3A_164, %dma_wait3A_165] : memref<64x129xf32, #tpu.memory_space<vmem>> -> memref<8x128xf32, #tpu.memory_space<vmem>>
    tpu.wait_dma2 semaphore(%arg20 : memref<!tpu.dma_semaphore, #tpu.memory_space<semaphore_mem>>) src(%dma_wait3A_166 : memref<8x128xf32, #tpu.memory_space<vmem>>) dst(%dma_wait3A_163 : memref<8x128xf32, #tpu.memory_space<hbm>>)
    %dma_wait3A_167 = arith.constant 0 : i32
    %dma_wait3A_168 = arith.constant 0 : i32
    %dma_wait3A_169 = arith.constant 0 : i32
    %dma_wait3A_170 = arith.constant 0 : i32
    %dma_wait3A_171 = arith.constant 0 : i32
    %dma_wait3A_172 = tpu.memref_slice %arg13[%dma_wait3A_170, %dma_wait3A_171] : memref<64x129xf32, #tpu.memory_space<vmem>> -> memref<8x128xf32, #tpu.memory_space<vmem>>
    %dma_wait3A_173 = arith.constant 0 : i32
    %dma_wait3A_174 = arith.constant 0 : i32
    %dma_wait3A_175 = tpu.memref_slice %arg5[%dma_wait3A_167, %dma_wait3A_168, %dma_wait3A_169, %dma_wait3A_173, %dma_wait3A_174] : memref<200x8x32x8x128xf32, #tpu.memory_space<hbm>> -> memref<1x1x1x8x128xf32, #tpu.memory_space<hbm>>
    %dma_wait3A_176 = tpu.memref_squeeze %dma_wait3A_175 : memref<1x1x1x8x128xf32, #tpu.memory_space<hbm>> -> memref<8x128xf32, #tpu.memory_space<hbm>>
    %dma_wait3A_177 = arith.constant 0 : i32
    %dma_wait3A_178 = arith.constant 0 : i32
    %dma_wait3A_179 = tpu.memref_slice %arg5[%dma_wait3A_167, %dma_wait3A_168, %dma_wait3A_169, %dma_wait3A_177, %dma_wait3A_178] : memref<200x8x32x8x128xf32, #tpu.memory_space<hbm>> -> memref<1x1x1x8x128xf32, #tpu.memory_space<hbm>>
    %dma_wait3A_180 = tpu.memref_squeeze %dma_wait3A_179 : memref<1x1x1x8x128xf32, #tpu.memory_space<hbm>> -> memref<8x128xf32, #tpu.memory_space<hbm>>
    %dma_wait3A_181 = arith.constant 0 : i32
    %dma_wait3A_182 = arith.constant 0 : i32
    %dma_wait3A_183 = tpu.memref_slice %arg13[%dma_wait3A_181, %dma_wait3A_182] : memref<64x129xf32, #tpu.memory_space<vmem>> -> memref<8x128xf32, #tpu.memory_space<vmem>>
    tpu.wait_dma2 semaphore(%arg21 : memref<!tpu.dma_semaphore, #tpu.memory_space<semaphore_mem>>) src(%dma_wait3A_183 : memref<8x128xf32, #tpu.memory_space<vmem>>) dst(%dma_wait3A_180 : memref<8x128xf32, #tpu.memory_space<hbm>>)
    %dma_wait3A_184 = arith.constant 0 : i32
    %dma_wait3A_185 = arith.constant 1 : i32
    %dma_wait3A_186 = arith.constant 0 : i32
    %dma_wait3A_187 = arith.constant 0 : i32
    %dma_wait3A_188 = arith.constant 0 : i32
    %dma_wait3A_189 = tpu.memref_slice %arg13[%dma_wait3A_187, %dma_wait3A_188] : memref<64x129xf32, #tpu.memory_space<vmem>> -> memref<8x128xf32, #tpu.memory_space<vmem>>
    %dma_wait3A_190 = arith.constant 0 : i32
    %dma_wait3A_191 = arith.constant 0 : i32
    %dma_wait3A_192 = tpu.memref_slice %arg5[%dma_wait3A_184, %dma_wait3A_185, %dma_wait3A_186, %dma_wait3A_190, %dma_wait3A_191] : memref<200x8x32x8x128xf32, #tpu.memory_space<hbm>> -> memref<1x1x1x8x128xf32, #tpu.memory_space<hbm>>
    %dma_wait3A_193 = tpu.memref_squeeze %dma_wait3A_192 : memref<1x1x1x8x128xf32, #tpu.memory_space<hbm>> -> memref<8x128xf32, #tpu.memory_space<hbm>>
    %dma_wait3A_194 = arith.constant 0 : i32
    %dma_wait3A_195 = arith.constant 0 : i32
    %dma_wait3A_196 = tpu.memref_slice %arg5[%dma_wait3A_184, %dma_wait3A_185, %dma_wait3A_186, %dma_wait3A_194, %dma_wait3A_195] : memref<200x8x32x8x128xf32, #tpu.memory_space<hbm>> -> memref<1x1x1x8x128xf32, #tpu.memory_space<hbm>>
    %dma_wait3A_197 = tpu.memref_squeeze %dma_wait3A_196 : memref<1x1x1x8x128xf32, #tpu.memory_space<hbm>> -> memref<8x128xf32, #tpu.memory_space<hbm>>
    %dma_wait3A_198 = arith.constant 0 : i32
    %dma_wait3A_199 = arith.constant 0 : i32
    %dma_wait3A_200 = tpu.memref_slice %arg13[%dma_wait3A_198, %dma_wait3A_199] : memref<64x129xf32, #tpu.memory_space<vmem>> -> memref<8x128xf32, #tpu.memory_space<vmem>>
    tpu.wait_dma2 semaphore(%arg21 : memref<!tpu.dma_semaphore, #tpu.memory_space<semaphore_mem>>) src(%dma_wait3A_200 : memref<8x128xf32, #tpu.memory_space<vmem>>) dst(%dma_wait3A_197 : memref<8x128xf32, #tpu.memory_space<hbm>>)
    %dma_wait3A_201 = arith.constant 0 : i32
    %dma_wait3A_202 = arith.constant 2 : i32
    %dma_wait3A_203 = arith.constant 0 : i32
    %dma_wait3A_204 = arith.constant 0 : i32
    %dma_wait3A_205 = arith.constant 0 : i32
    %dma_wait3A_206 = tpu.memref_slice %arg13[%dma_wait3A_204, %dma_wait3A_205] : memref<64x129xf32, #tpu.memory_space<vmem>> -> memref<8x128xf32, #tpu.memory_space<vmem>>
    %dma_wait3A_207 = arith.constant 0 : i32
    %dma_wait3A_208 = arith.constant 0 : i32
    %dma_wait3A_209 = tpu.memref_slice %arg5[%dma_wait3A_201, %dma_wait3A_202, %dma_wait3A_203, %dma_wait3A_207, %dma_wait3A_208] : memref<200x8x32x8x128xf32, #tpu.memory_space<hbm>> -> memref<1x1x1x8x128xf32, #tpu.memory_space<hbm>>
    %dma_wait3A_210 = tpu.memref_squeeze %dma_wait3A_209 : memref<1x1x1x8x128xf32, #tpu.memory_space<hbm>> -> memref<8x128xf32, #tpu.memory_space<hbm>>
    %dma_wait3A_211 = arith.constant 0 : i32
    %dma_wait3A_212 = arith.constant 0 : i32
    %dma_wait3A_213 = tpu.memref_slice %arg5[%dma_wait3A_201, %dma_wait3A_202, %dma_wait3A_203, %dma_wait3A_211, %dma_wait3A_212] : memref<200x8x32x8x128xf32, #tpu.memory_space<hbm>> -> memref<1x1x1x8x128xf32, #tpu.memory_space<hbm>>
    %dma_wait3A_214 = tpu.memref_squeeze %dma_wait3A_213 : memref<1x1x1x8x128xf32, #tpu.memory_space<hbm>> -> memref<8x128xf32, #tpu.memory_space<hbm>>
    %dma_wait3A_215 = arith.constant 0 : i32
    %dma_wait3A_216 = arith.constant 0 : i32
    %dma_wait3A_217 = tpu.memref_slice %arg13[%dma_wait3A_215, %dma_wait3A_216] : memref<64x129xf32, #tpu.memory_space<vmem>> -> memref<8x128xf32, #tpu.memory_space<vmem>>
    tpu.wait_dma2 semaphore(%arg21 : memref<!tpu.dma_semaphore, #tpu.memory_space<semaphore_mem>>) src(%dma_wait3A_217 : memref<8x128xf32, #tpu.memory_space<vmem>>) dst(%dma_wait3A_214 : memref<8x128xf32, #tpu.memory_space<hbm>>)
    %dma_wait3A_218 = arith.constant 0 : i32
    %dma_wait3A_219 = arith.constant 3 : i32
    %dma_wait3A_220 = arith.constant 0 : i32
    %dma_wait3A_221 = arith.constant 0 : i32
    %dma_wait3A_222 = arith.constant 0 : i32
    %dma_wait3A_223 = tpu.memref_slice %arg13[%dma_wait3A_221, %dma_wait3A_222] : memref<64x129xf32, #tpu.memory_space<vmem>> -> memref<8x128xf32, #tpu.memory_space<vmem>>
    %dma_wait3A_224 = arith.constant 0 : i32
    %dma_wait3A_225 = arith.constant 0 : i32
    %dma_wait3A_226 = tpu.memref_slice %arg5[%dma_wait3A_218, %dma_wait3A_219, %dma_wait3A_220, %dma_wait3A_224, %dma_wait3A_225] : memref<200x8x32x8x128xf32, #tpu.memory_space<hbm>> -> memref<1x1x1x8x128xf32, #tpu.memory_space<hbm>>
    %dma_wait3A_227 = tpu.memref_squeeze %dma_wait3A_226 : memref<1x1x1x8x128xf32, #tpu.memory_space<hbm>> -> memref<8x128xf32, #tpu.memory_space<hbm>>
    %dma_wait3A_228 = arith.constant 0 : i32
    %dma_wait3A_229 = arith.constant 0 : i32
    %dma_wait3A_230 = tpu.memref_slice %arg5[%dma_wait3A_218, %dma_wait3A_219, %dma_wait3A_220, %dma_wait3A_228, %dma_wait3A_229] : memref<200x8x32x8x128xf32, #tpu.memory_space<hbm>> -> memref<1x1x1x8x128xf32, #tpu.memory_space<hbm>>
    %dma_wait3A_231 = tpu.memref_squeeze %dma_wait3A_230 : memref<1x1x1x8x128xf32, #tpu.memory_space<hbm>> -> memref<8x128xf32, #tpu.memory_space<hbm>>
    %dma_wait3A_232 = arith.constant 0 : i32
    %dma_wait3A_233 = arith.constant 0 : i32
    %dma_wait3A_234 = tpu.memref_slice %arg13[%dma_wait3A_232, %dma_wait3A_233] : memref<64x129xf32, #tpu.memory_space<vmem>> -> memref<8x128xf32, #tpu.memory_space<vmem>>
    tpu.wait_dma2 semaphore(%arg21 : memref<!tpu.dma_semaphore, #tpu.memory_space<semaphore_mem>>) src(%dma_wait3A_234 : memref<8x128xf32, #tpu.memory_space<vmem>>) dst(%dma_wait3A_231 : memref<8x128xf32, #tpu.memory_space<hbm>>)
    %dma_wait3A_235 = arith.constant 0 : i32
    %dma_wait3A_236 = arith.constant 4 : i32
    %dma_wait3A_237 = arith.constant 0 : i32
    %dma_wait3A_238 = arith.constant 0 : i32
    %dma_wait3A_239 = arith.constant 0 : i32
    %dma_wait3A_240 = tpu.memref_slice %arg13[%dma_wait3A_238, %dma_wait3A_239] : memref<64x129xf32, #tpu.memory_space<vmem>> -> memref<8x128xf32, #tpu.memory_space<vmem>>
    %dma_wait3A_241 = arith.constant 0 : i32
    %dma_wait3A_242 = arith.constant 0 : i32
    %dma_wait3A_243 = tpu.memref_slice %arg5[%dma_wait3A_235, %dma_wait3A_236, %dma_wait3A_237, %dma_wait3A_241, %dma_wait3A_242] : memref<200x8x32x8x128xf32, #tpu.memory_space<hbm>> -> memref<1x1x1x8x128xf32, #tpu.memory_space<hbm>>
    %dma_wait3A_244 = tpu.memref_squeeze %dma_wait3A_243 : memref<1x1x1x8x128xf32, #tpu.memory_space<hbm>> -> memref<8x128xf32, #tpu.memory_space<hbm>>
    %dma_wait3A_245 = arith.constant 0 : i32
    %dma_wait3A_246 = arith.constant 0 : i32
    %dma_wait3A_247 = tpu.memref_slice %arg5[%dma_wait3A_235, %dma_wait3A_236, %dma_wait3A_237, %dma_wait3A_245, %dma_wait3A_246] : memref<200x8x32x8x128xf32, #tpu.memory_space<hbm>> -> memref<1x1x1x8x128xf32, #tpu.memory_space<hbm>>
    %dma_wait3A_248 = tpu.memref_squeeze %dma_wait3A_247 : memref<1x1x1x8x128xf32, #tpu.memory_space<hbm>> -> memref<8x128xf32, #tpu.memory_space<hbm>>
    %dma_wait3A_249 = arith.constant 0 : i32
    %dma_wait3A_250 = arith.constant 0 : i32
    %dma_wait3A_251 = tpu.memref_slice %arg13[%dma_wait3A_249, %dma_wait3A_250] : memref<64x129xf32, #tpu.memory_space<vmem>> -> memref<8x128xf32, #tpu.memory_space<vmem>>
    tpu.wait_dma2 semaphore(%arg21 : memref<!tpu.dma_semaphore, #tpu.memory_space<semaphore_mem>>) src(%dma_wait3A_251 : memref<8x128xf32, #tpu.memory_space<vmem>>) dst(%dma_wait3A_248 : memref<8x128xf32, #tpu.memory_space<hbm>>)
    %dma_wait3A_252 = arith.constant 0 : i32
    %dma_wait3A_253 = arith.constant 5 : i32
    %dma_wait3A_254 = arith.constant 0 : i32
    %dma_wait3A_255 = arith.constant 0 : i32
    %dma_wait3A_256 = arith.constant 0 : i32
    %dma_wait3A_257 = tpu.memref_slice %arg13[%dma_wait3A_255, %dma_wait3A_256] : memref<64x129xf32, #tpu.memory_space<vmem>> -> memref<8x128xf32, #tpu.memory_space<vmem>>
    %dma_wait3A_258 = arith.constant 0 : i32
    %dma_wait3A_259 = arith.constant 0 : i32
    %dma_wait3A_260 = tpu.memref_slice %arg5[%dma_wait3A_252, %dma_wait3A_253, %dma_wait3A_254, %dma_wait3A_258, %dma_wait3A_259] : memref<200x8x32x8x128xf32, #tpu.memory_space<hbm>> -> memref<1x1x1x8x128xf32, #tpu.memory_space<hbm>>
    %dma_wait3A_261 = tpu.memref_squeeze %dma_wait3A_260 : memref<1x1x1x8x128xf32, #tpu.memory_space<hbm>> -> memref<8x128xf32, #tpu.memory_space<hbm>>
    %dma_wait3A_262 = arith.constant 0 : i32
    %dma_wait3A_263 = arith.constant 0 : i32
    %dma_wait3A_264 = tpu.memref_slice %arg5[%dma_wait3A_252, %dma_wait3A_253, %dma_wait3A_254, %dma_wait3A_262, %dma_wait3A_263] : memref<200x8x32x8x128xf32, #tpu.memory_space<hbm>> -> memref<1x1x1x8x128xf32, #tpu.memory_space<hbm>>
    %dma_wait3A_265 = tpu.memref_squeeze %dma_wait3A_264 : memref<1x1x1x8x128xf32, #tpu.memory_space<hbm>> -> memref<8x128xf32, #tpu.memory_space<hbm>>
    %dma_wait3A_266 = arith.constant 0 : i32
    %dma_wait3A_267 = arith.constant 0 : i32
    %dma_wait3A_268 = tpu.memref_slice %arg13[%dma_wait3A_266, %dma_wait3A_267] : memref<64x129xf32, #tpu.memory_space<vmem>> -> memref<8x128xf32, #tpu.memory_space<vmem>>
    tpu.wait_dma2 semaphore(%arg21 : memref<!tpu.dma_semaphore, #tpu.memory_space<semaphore_mem>>) src(%dma_wait3A_268 : memref<8x128xf32, #tpu.memory_space<vmem>>) dst(%dma_wait3A_265 : memref<8x128xf32, #tpu.memory_space<hbm>>)
    %dma_wait3A_269 = arith.constant 0 : i32
    %dma_wait3A_270 = arith.constant 6 : i32
    %dma_wait3A_271 = arith.constant 0 : i32
    %dma_wait3A_272 = arith.constant 0 : i32
    %dma_wait3A_273 = arith.constant 0 : i32
    %dma_wait3A_274 = tpu.memref_slice %arg13[%dma_wait3A_272, %dma_wait3A_273] : memref<64x129xf32, #tpu.memory_space<vmem>> -> memref<8x128xf32, #tpu.memory_space<vmem>>
    %dma_wait3A_275 = arith.constant 0 : i32
    %dma_wait3A_276 = arith.constant 0 : i32
    %dma_wait3A_277 = tpu.memref_slice %arg5[%dma_wait3A_269, %dma_wait3A_270, %dma_wait3A_271, %dma_wait3A_275, %dma_wait3A_276] : memref<200x8x32x8x128xf32, #tpu.memory_space<hbm>> -> memref<1x1x1x8x128xf32, #tpu.memory_space<hbm>>
    %dma_wait3A_278 = tpu.memref_squeeze %dma_wait3A_277 : memref<1x1x1x8x128xf32, #tpu.memory_space<hbm>> -> memref<8x128xf32, #tpu.memory_space<hbm>>
    %dma_wait3A_279 = arith.constant 0 : i32
    %dma_wait3A_280 = arith.constant 0 : i32
    %dma_wait3A_281 = tpu.memref_slice %arg5[%dma_wait3A_269, %dma_wait3A_270, %dma_wait3A_271, %dma_wait3A_279, %dma_wait3A_280] : memref<200x8x32x8x128xf32, #tpu.memory_space<hbm>> -> memref<1x1x1x8x128xf32, #tpu.memory_space<hbm>>
    %dma_wait3A_282 = tpu.memref_squeeze %dma_wait3A_281 : memref<1x1x1x8x128xf32, #tpu.memory_space<hbm>> -> memref<8x128xf32, #tpu.memory_space<hbm>>
    %dma_wait3A_283 = arith.constant 0 : i32
    %dma_wait3A_284 = arith.constant 0 : i32
    %dma_wait3A_285 = tpu.memref_slice %arg13[%dma_wait3A_283, %dma_wait3A_284] : memref<64x129xf32, #tpu.memory_space<vmem>> -> memref<8x128xf32, #tpu.memory_space<vmem>>
    tpu.wait_dma2 semaphore(%arg21 : memref<!tpu.dma_semaphore, #tpu.memory_space<semaphore_mem>>) src(%dma_wait3A_285 : memref<8x128xf32, #tpu.memory_space<vmem>>) dst(%dma_wait3A_282 : memref<8x128xf32, #tpu.memory_space<hbm>>)
    %dma_wait3A_286 = arith.constant 0 : i32
    %dma_wait3A_287 = arith.constant 7 : i32
    %dma_wait3A_288 = arith.constant 0 : i32
    %dma_wait3A_289 = arith.constant 0 : i32
    %dma_wait3A_290 = arith.constant 0 : i32
    %dma_wait3A_291 = tpu.memref_slice %arg13[%dma_wait3A_289, %dma_wait3A_290] : memref<64x129xf32, #tpu.memory_space<vmem>> -> memref<8x128xf32, #tpu.memory_space<vmem>>
    %dma_wait3A_292 = arith.constant 0 : i32
    %dma_wait3A_293 = arith.constant 0 : i32
    %dma_wait3A_294 = tpu.memref_slice %arg5[%dma_wait3A_286, %dma_wait3A_287, %dma_wait3A_288, %dma_wait3A_292, %dma_wait3A_293] : memref<200x8x32x8x128xf32, #tpu.memory_space<hbm>> -> memref<1x1x1x8x128xf32, #tpu.memory_space<hbm>>
    %dma_wait3A_295 = tpu.memref_squeeze %dma_wait3A_294 : memref<1x1x1x8x128xf32, #tpu.memory_space<hbm>> -> memref<8x128xf32, #tpu.memory_space<hbm>>
    %dma_wait3A_296 = arith.constant 0 : i32
    %dma_wait3A_297 = arith.constant 0 : i32
    %dma_wait3A_298 = tpu.memref_slice %arg5[%dma_wait3A_286, %dma_wait3A_287, %dma_wait3A_288, %dma_wait3A_296, %dma_wait3A_297] : memref<200x8x32x8x128xf32, #tpu.memory_space<hbm>> -> memref<1x1x1x8x128xf32, #tpu.memory_space<hbm>>
    %dma_wait3A_299 = tpu.memref_squeeze %dma_wait3A_298 : memref<1x1x1x8x128xf32, #tpu.memory_space<hbm>> -> memref<8x128xf32, #tpu.memory_space<hbm>>
    %dma_wait3A_300 = arith.constant 0 : i32
    %dma_wait3A_301 = arith.constant 0 : i32
    %dma_wait3A_302 = tpu.memref_slice %arg13[%dma_wait3A_300, %dma_wait3A_301] : memref<64x129xf32, #tpu.memory_space<vmem>> -> memref<8x128xf32, #tpu.memory_space<vmem>>
    tpu.wait_dma2 semaphore(%arg21 : memref<!tpu.dma_semaphore, #tpu.memory_space<semaphore_mem>>) src(%dma_wait3A_302 : memref<8x128xf32, #tpu.memory_space<vmem>>) dst(%dma_wait3A_299 : memref<8x128xf32, #tpu.memory_space<hbm>>)
    %dma_wait3A_303 = arith.constant 0 : i32
    %dma_wait3A_304 = arith.constant 0 : i32
    %dma_wait3A_305 = arith.constant 0 : i32
    %dma_wait3A_306 = arith.constant 0 : i32
    %dma_wait3A_307 = arith.constant 0 : i32
    %dma_wait3A_308 = tpu.memref_slice %arg14[%dma_wait3A_306, %dma_wait3A_307] : memref<64x129xf32, #tpu.memory_space<vmem>> -> memref<8x128xf32, #tpu.memory_space<vmem>>
    %dma_wait3A_309 = arith.constant 0 : i32
    %dma_wait3A_310 = arith.constant 0 : i32
    %dma_wait3A_311 = tpu.memref_slice %arg5[%dma_wait3A_303, %dma_wait3A_304, %dma_wait3A_305, %dma_wait3A_309, %dma_wait3A_310] : memref<200x8x32x8x128xf32, #tpu.memory_space<hbm>> -> memref<1x1x1x8x128xf32, #tpu.memory_space<hbm>>
    %dma_wait3A_312 = tpu.memref_squeeze %dma_wait3A_311 : memref<1x1x1x8x128xf32, #tpu.memory_space<hbm>> -> memref<8x128xf32, #tpu.memory_space<hbm>>
    %dma_wait3A_313 = arith.constant 0 : i32
    %dma_wait3A_314 = arith.constant 0 : i32
    %dma_wait3A_315 = tpu.memref_slice %arg5[%dma_wait3A_303, %dma_wait3A_304, %dma_wait3A_305, %dma_wait3A_313, %dma_wait3A_314] : memref<200x8x32x8x128xf32, #tpu.memory_space<hbm>> -> memref<1x1x1x8x128xf32, #tpu.memory_space<hbm>>
    %dma_wait3A_316 = tpu.memref_squeeze %dma_wait3A_315 : memref<1x1x1x8x128xf32, #tpu.memory_space<hbm>> -> memref<8x128xf32, #tpu.memory_space<hbm>>
    %dma_wait3A_317 = arith.constant 0 : i32
    %dma_wait3A_318 = arith.constant 0 : i32
    %dma_wait3A_319 = tpu.memref_slice %arg14[%dma_wait3A_317, %dma_wait3A_318] : memref<64x129xf32, #tpu.memory_space<vmem>> -> memref<8x128xf32, #tpu.memory_space<vmem>>
    tpu.wait_dma2 semaphore(%arg22 : memref<!tpu.dma_semaphore, #tpu.memory_space<semaphore_mem>>) src(%dma_wait3A_319 : memref<8x128xf32, #tpu.memory_space<vmem>>) dst(%dma_wait3A_316 : memref<8x128xf32, #tpu.memory_space<hbm>>)
    %dma_wait3A_320 = arith.constant 0 : i32
    %dma_wait3A_321 = arith.constant 1 : i32
    %dma_wait3A_322 = arith.constant 0 : i32
    %dma_wait3A_323 = arith.constant 0 : i32
    %dma_wait3A_324 = arith.constant 0 : i32
    %dma_wait3A_325 = tpu.memref_slice %arg14[%dma_wait3A_323, %dma_wait3A_324] : memref<64x129xf32, #tpu.memory_space<vmem>> -> memref<8x128xf32, #tpu.memory_space<vmem>>
    %dma_wait3A_326 = arith.constant 0 : i32
    %dma_wait3A_327 = arith.constant 0 : i32
    %dma_wait3A_328 = tpu.memref_slice %arg5[%dma_wait3A_320, %dma_wait3A_321, %dma_wait3A_322, %dma_wait3A_326, %dma_wait3A_327] : memref<200x8x32x8x128xf32, #tpu.memory_space<hbm>> -> memref<1x1x1x8x128xf32, #tpu.memory_space<hbm>>
    %dma_wait3A_329 = tpu.memref_squeeze %dma_wait3A_328 : memref<1x1x1x8x128xf32, #tpu.memory_space<hbm>> -> memref<8x128xf32, #tpu.memory_space<hbm>>
    %dma_wait3A_330 = arith.constant 0 : i32
    %dma_wait3A_331 = arith.constant 0 : i32
    %dma_wait3A_332 = tpu.memref_slice %arg5[%dma_wait3A_320, %dma_wait3A_321, %dma_wait3A_322, %dma_wait3A_330, %dma_wait3A_331] : memref<200x8x32x8x128xf32, #tpu.memory_space<hbm>> -> memref<1x1x1x8x128xf32, #tpu.memory_space<hbm>>
    %dma_wait3A_333 = tpu.memref_squeeze %dma_wait3A_332 : memref<1x1x1x8x128xf32, #tpu.memory_space<hbm>> -> memref<8x128xf32, #tpu.memory_space<hbm>>
    %dma_wait3A_334 = arith.constant 0 : i32
    %dma_wait3A_335 = arith.constant 0 : i32
    %dma_wait3A_336 = tpu.memref_slice %arg14[%dma_wait3A_334, %dma_wait3A_335] : memref<64x129xf32, #tpu.memory_space<vmem>> -> memref<8x128xf32, #tpu.memory_space<vmem>>
    tpu.wait_dma2 semaphore(%arg22 : memref<!tpu.dma_semaphore, #tpu.memory_space<semaphore_mem>>) src(%dma_wait3A_336 : memref<8x128xf32, #tpu.memory_space<vmem>>) dst(%dma_wait3A_333 : memref<8x128xf32, #tpu.memory_space<hbm>>)
    %dma_wait3A_337 = arith.constant 0 : i32
    %dma_wait3A_338 = arith.constant 2 : i32
    %dma_wait3A_339 = arith.constant 0 : i32
    %dma_wait3A_340 = arith.constant 0 : i32
    %dma_wait3A_341 = arith.constant 0 : i32
    %dma_wait3A_342 = tpu.memref_slice %arg14[%dma_wait3A_340, %dma_wait3A_341] : memref<64x129xf32, #tpu.memory_space<vmem>> -> memref<8x128xf32, #tpu.memory_space<vmem>>
    %dma_wait3A_343 = arith.constant 0 : i32
    %dma_wait3A_344 = arith.constant 0 : i32
    %dma_wait3A_345 = tpu.memref_slice %arg5[%dma_wait3A_337, %dma_wait3A_338, %dma_wait3A_339, %dma_wait3A_343, %dma_wait3A_344] : memref<200x8x32x8x128xf32, #tpu.memory_space<hbm>> -> memref<1x1x1x8x128xf32, #tpu.memory_space<hbm>>
    %dma_wait3A_346 = tpu.memref_squeeze %dma_wait3A_345 : memref<1x1x1x8x128xf32, #tpu.memory_space<hbm>> -> memref<8x128xf32, #tpu.memory_space<hbm>>
    %dma_wait3A_347 = arith.constant 0 : i32
    %dma_wait3A_348 = arith.constant 0 : i32
    %dma_wait3A_349 = tpu.memref_slice %arg5[%dma_wait3A_337, %dma_wait3A_338, %dma_wait3A_339, %dma_wait3A_347, %dma_wait3A_348] : memref<200x8x32x8x128xf32, #tpu.memory_space<hbm>> -> memref<1x1x1x8x128xf32, #tpu.memory_space<hbm>>
    %dma_wait3A_350 = tpu.memref_squeeze %dma_wait3A_349 : memref<1x1x1x8x128xf32, #tpu.memory_space<hbm>> -> memref<8x128xf32, #tpu.memory_space<hbm>>
    %dma_wait3A_351 = arith.constant 0 : i32
    %dma_wait3A_352 = arith.constant 0 : i32
    %dma_wait3A_353 = tpu.memref_slice %arg14[%dma_wait3A_351, %dma_wait3A_352] : memref<64x129xf32, #tpu.memory_space<vmem>> -> memref<8x128xf32, #tpu.memory_space<vmem>>
    tpu.wait_dma2 semaphore(%arg22 : memref<!tpu.dma_semaphore, #tpu.memory_space<semaphore_mem>>) src(%dma_wait3A_353 : memref<8x128xf32, #tpu.memory_space<vmem>>) dst(%dma_wait3A_350 : memref<8x128xf32, #tpu.memory_space<hbm>>)
    %dma_wait3A_354 = arith.constant 0 : i32
    %dma_wait3A_355 = arith.constant 3 : i32
    %dma_wait3A_356 = arith.constant 0 : i32
    %dma_wait3A_357 = arith.constant 0 : i32
    %dma_wait3A_358 = arith.constant 0 : i32
    %dma_wait3A_359 = tpu.memref_slice %arg14[%dma_wait3A_357, %dma_wait3A_358] : memref<64x129xf32, #tpu.memory_space<vmem>> -> memref<8x128xf32, #tpu.memory_space<vmem>>
    %dma_wait3A_360 = arith.constant 0 : i32
    %dma_wait3A_361 = arith.constant 0 : i32
    %dma_wait3A_362 = tpu.memref_slice %arg5[%dma_wait3A_354, %dma_wait3A_355, %dma_wait3A_356, %dma_wait3A_360, %dma_wait3A_361] : memref<200x8x32x8x128xf32, #tpu.memory_space<hbm>> -> memref<1x1x1x8x128xf32, #tpu.memory_space<hbm>>
    %dma_wait3A_363 = tpu.memref_squeeze %dma_wait3A_362 : memref<1x1x1x8x128xf32, #tpu.memory_space<hbm>> -> memref<8x128xf32, #tpu.memory_space<hbm>>
    %dma_wait3A_364 = arith.constant 0 : i32
    %dma_wait3A_365 = arith.constant 0 : i32
    %dma_wait3A_366 = tpu.memref_slice %arg5[%dma_wait3A_354, %dma_wait3A_355, %dma_wait3A_356, %dma_wait3A_364, %dma_wait3A_365] : memref<200x8x32x8x128xf32, #tpu.memory_space<hbm>> -> memref<1x1x1x8x128xf32, #tpu.memory_space<hbm>>
    %dma_wait3A_367 = tpu.memref_squeeze %dma_wait3A_366 : memref<1x1x1x8x128xf32, #tpu.memory_space<hbm>> -> memref<8x128xf32, #tpu.memory_space<hbm>>
    %dma_wait3A_368 = arith.constant 0 : i32
    %dma_wait3A_369 = arith.constant 0 : i32
    %dma_wait3A_370 = tpu.memref_slice %arg14[%dma_wait3A_368, %dma_wait3A_369] : memref<64x129xf32, #tpu.memory_space<vmem>> -> memref<8x128xf32, #tpu.memory_space<vmem>>
    tpu.wait_dma2 semaphore(%arg22 : memref<!tpu.dma_semaphore, #tpu.memory_space<semaphore_mem>>) src(%dma_wait3A_370 : memref<8x128xf32, #tpu.memory_space<vmem>>) dst(%dma_wait3A_367 : memref<8x128xf32, #tpu.memory_space<hbm>>)
    %dma_wait3A_371 = arith.constant 0 : i32
    %dma_wait3A_372 = arith.constant 4 : i32
    %dma_wait3A_373 = arith.constant 0 : i32
    %dma_wait3A_374 = arith.constant 0 : i32
    %dma_wait3A_375 = arith.constant 0 : i32
    %dma_wait3A_376 = tpu.memref_slice %arg14[%dma_wait3A_374, %dma_wait3A_375] : memref<64x129xf32, #tpu.memory_space<vmem>> -> memref<8x128xf32, #tpu.memory_space<vmem>>
    %dma_wait3A_377 = arith.constant 0 : i32
    %dma_wait3A_378 = arith.constant 0 : i32
    %dma_wait3A_379 = tpu.memref_slice %arg5[%dma_wait3A_371, %dma_wait3A_372, %dma_wait3A_373, %dma_wait3A_377, %dma_wait3A_378] : memref<200x8x32x8x128xf32, #tpu.memory_space<hbm>> -> memref<1x1x1x8x128xf32, #tpu.memory_space<hbm>>
    %dma_wait3A_380 = tpu.memref_squeeze %dma_wait3A_379 : memref<1x1x1x8x128xf32, #tpu.memory_space<hbm>> -> memref<8x128xf32, #tpu.memory_space<hbm>>
    %dma_wait3A_381 = arith.constant 0 : i32
    %dma_wait3A_382 = arith.constant 0 : i32
    %dma_wait3A_383 = tpu.memref_slice %arg5[%dma_wait3A_371, %dma_wait3A_372, %dma_wait3A_373, %dma_wait3A_381, %dma_wait3A_382] : memref<200x8x32x8x128xf32, #tpu.memory_space<hbm>> -> memref<1x1x1x8x128xf32, #tpu.memory_space<hbm>>
    %dma_wait3A_384 = tpu.memref_squeeze %dma_wait3A_383 : memref<1x1x1x8x128xf32, #tpu.memory_space<hbm>> -> memref<8x128xf32, #tpu.memory_space<hbm>>
    %dma_wait3A_385 = arith.constant 0 : i32
    %dma_wait3A_386 = arith.constant 0 : i32
    %dma_wait3A_387 = tpu.memref_slice %arg14[%dma_wait3A_385, %dma_wait3A_386] : memref<64x129xf32, #tpu.memory_space<vmem>> -> memref<8x128xf32, #tpu.memory_space<vmem>>
    tpu.wait_dma2 semaphore(%arg22 : memref<!tpu.dma_semaphore, #tpu.memory_space<semaphore_mem>>) src(%dma_wait3A_387 : memref<8x128xf32, #tpu.memory_space<vmem>>) dst(%dma_wait3A_384 : memref<8x128xf32, #tpu.memory_space<hbm>>)
    %dma_wait3A_388 = arith.constant 0 : i32
    %dma_wait3A_389 = arith.constant 5 : i32
    %dma_wait3A_390 = arith.constant 0 : i32
    %dma_wait3A_391 = arith.constant 0 : i32
    %dma_wait3A_392 = arith.constant 0 : i32
    %dma_wait3A_393 = tpu.memref_slice %arg14[%dma_wait3A_391, %dma_wait3A_392] : memref<64x129xf32, #tpu.memory_space<vmem>> -> memref<8x128xf32, #tpu.memory_space<vmem>>
    %dma_wait3A_394 = arith.constant 0 : i32
    %dma_wait3A_395 = arith.constant 0 : i32
    %dma_wait3A_396 = tpu.memref_slice %arg5[%dma_wait3A_388, %dma_wait3A_389, %dma_wait3A_390, %dma_wait3A_394, %dma_wait3A_395] : memref<200x8x32x8x128xf32, #tpu.memory_space<hbm>> -> memref<1x1x1x8x128xf32, #tpu.memory_space<hbm>>
    %dma_wait3A_397 = tpu.memref_squeeze %dma_wait3A_396 : memref<1x1x1x8x128xf32, #tpu.memory_space<hbm>> -> memref<8x128xf32, #tpu.memory_space<hbm>>
    %dma_wait3A_398 = arith.constant 0 : i32
    %dma_wait3A_399 = arith.constant 0 : i32
    %dma_wait3A_400 = tpu.memref_slice %arg5[%dma_wait3A_388, %dma_wait3A_389, %dma_wait3A_390, %dma_wait3A_398, %dma_wait3A_399] : memref<200x8x32x8x128xf32, #tpu.memory_space<hbm>> -> memref<1x1x1x8x128xf32, #tpu.memory_space<hbm>>
    %dma_wait3A_401 = tpu.memref_squeeze %dma_wait3A_400 : memref<1x1x1x8x128xf32, #tpu.memory_space<hbm>> -> memref<8x128xf32, #tpu.memory_space<hbm>>
    %dma_wait3A_402 = arith.constant 0 : i32
    %dma_wait3A_403 = arith.constant 0 : i32
    %dma_wait3A_404 = tpu.memref_slice %arg14[%dma_wait3A_402, %dma_wait3A_403] : memref<64x129xf32, #tpu.memory_space<vmem>> -> memref<8x128xf32, #tpu.memory_space<vmem>>
    tpu.wait_dma2 semaphore(%arg22 : memref<!tpu.dma_semaphore, #tpu.memory_space<semaphore_mem>>) src(%dma_wait3A_404 : memref<8x128xf32, #tpu.memory_space<vmem>>) dst(%dma_wait3A_401 : memref<8x128xf32, #tpu.memory_space<hbm>>)
    %dma_wait3A_405 = arith.constant 0 : i32
    %dma_wait3A_406 = arith.constant 6 : i32
    %dma_wait3A_407 = arith.constant 0 : i32
    %dma_wait3A_408 = arith.constant 0 : i32
    %dma_wait3A_409 = arith.constant 0 : i32
    %dma_wait3A_410 = tpu.memref_slice %arg14[%dma_wait3A_408, %dma_wait3A_409] : memref<64x129xf32, #tpu.memory_space<vmem>> -> memref<8x128xf32, #tpu.memory_space<vmem>>
    %dma_wait3A_411 = arith.constant 0 : i32
    %dma_wait3A_412 = arith.constant 0 : i32
    %dma_wait3A_413 = tpu.memref_slice %arg5[%dma_wait3A_405, %dma_wait3A_406, %dma_wait3A_407, %dma_wait3A_411, %dma_wait3A_412] : memref<200x8x32x8x128xf32, #tpu.memory_space<hbm>> -> memref<1x1x1x8x128xf32, #tpu.memory_space<hbm>>
    %dma_wait3A_414 = tpu.memref_squeeze %dma_wait3A_413 : memref<1x1x1x8x128xf32, #tpu.memory_space<hbm>> -> memref<8x128xf32, #tpu.memory_space<hbm>>
    %dma_wait3A_415 = arith.constant 0 : i32
    %dma_wait3A_416 = arith.constant 0 : i32
    %dma_wait3A_417 = tpu.memref_slice %arg5[%dma_wait3A_405, %dma_wait3A_406, %dma_wait3A_407, %dma_wait3A_415, %dma_wait3A_416] : memref<200x8x32x8x128xf32, #tpu.memory_space<hbm>> -> memref<1x1x1x8x128xf32, #tpu.memory_space<hbm>>
    %dma_wait3A_418 = tpu.memref_squeeze %dma_wait3A_417 : memref<1x1x1x8x128xf32, #tpu.memory_space<hbm>> -> memref<8x128xf32, #tpu.memory_space<hbm>>
    %dma_wait3A_419 = arith.constant 0 : i32
    %dma_wait3A_420 = arith.constant 0 : i32
    %dma_wait3A_421 = tpu.memref_slice %arg14[%dma_wait3A_419, %dma_wait3A_420] : memref<64x129xf32, #tpu.memory_space<vmem>> -> memref<8x128xf32, #tpu.memory_space<vmem>>
    tpu.wait_dma2 semaphore(%arg22 : memref<!tpu.dma_semaphore, #tpu.memory_space<semaphore_mem>>) src(%dma_wait3A_421 : memref<8x128xf32, #tpu.memory_space<vmem>>) dst(%dma_wait3A_418 : memref<8x128xf32, #tpu.memory_space<hbm>>)
    %dma_wait3A_422 = arith.constant 0 : i32
    %dma_wait3A_423 = arith.constant 7 : i32
    %dma_wait3A_424 = arith.constant 0 : i32
    %dma_wait3A_425 = arith.constant 0 : i32
    %dma_wait3A_426 = arith.constant 0 : i32
    %dma_wait3A_427 = tpu.memref_slice %arg14[%dma_wait3A_425, %dma_wait3A_426] : memref<64x129xf32, #tpu.memory_space<vmem>> -> memref<8x128xf32, #tpu.memory_space<vmem>>
    %dma_wait3A_428 = arith.constant 0 : i32
    %dma_wait3A_429 = arith.constant 0 : i32
    %dma_wait3A_430 = tpu.memref_slice %arg5[%dma_wait3A_422, %dma_wait3A_423, %dma_wait3A_424, %dma_wait3A_428, %dma_wait3A_429] : memref<200x8x32x8x128xf32, #tpu.memory_space<hbm>> -> memref<1x1x1x8x128xf32, #tpu.memory_space<hbm>>
    %dma_wait3A_431 = tpu.memref_squeeze %dma_wait3A_430 : memref<1x1x1x8x128xf32, #tpu.memory_space<hbm>> -> memref<8x128xf32, #tpu.memory_space<hbm>>
    %dma_wait3A_432 = arith.constant 0 : i32
    %dma_wait3A_433 = arith.constant 0 : i32
    %dma_wait3A_434 = tpu.memref_slice %arg5[%dma_wait3A_422, %dma_wait3A_423, %dma_wait3A_424, %dma_wait3A_432, %dma_wait3A_433] : memref<200x8x32x8x128xf32, #tpu.memory_space<hbm>> -> memref<1x1x1x8x128xf32, #tpu.memory_space<hbm>>
    %dma_wait3A_435 = tpu.memref_squeeze %dma_wait3A_434 : memref<1x1x1x8x128xf32, #tpu.memory_space<hbm>> -> memref<8x128xf32, #tpu.memory_space<hbm>>
    %dma_wait3A_436 = arith.constant 0 : i32
    %dma_wait3A_437 = arith.constant 0 : i32
    %dma_wait3A_438 = tpu.memref_slice %arg14[%dma_wait3A_436, %dma_wait3A_437] : memref<64x129xf32, #tpu.memory_space<vmem>> -> memref<8x128xf32, #tpu.memory_space<vmem>>
    tpu.wait_dma2 semaphore(%arg22 : memref<!tpu.dma_semaphore, #tpu.memory_space<semaphore_mem>>) src(%dma_wait3A_438 : memref<8x128xf32, #tpu.memory_space<vmem>>) dst(%dma_wait3A_435 : memref<8x128xf32, #tpu.memory_space<hbm>>)
    %dma_wait3A_439 = arith.constant 0 : i32
    %dma_wait3A_440 = arith.constant 0 : i32
    %dma_wait3A_441 = arith.constant 0 : i32
    %dma_wait3A_442 = arith.constant 0 : i32
    %dma_wait3A_443 = arith.constant 0 : i32
    %dma_wait3A_444 = tpu.memref_slice %arg15[%dma_wait3A_442, %dma_wait3A_443] : memref<64x129xf32, #tpu.memory_space<vmem>> -> memref<8x128xf32, #tpu.memory_space<vmem>>
    %dma_wait3A_445 = arith.constant 0 : i32
    %dma_wait3A_446 = arith.constant 0 : i32
    %dma_wait3A_447 = tpu.memref_slice %arg5[%dma_wait3A_439, %dma_wait3A_440, %dma_wait3A_441, %dma_wait3A_445, %dma_wait3A_446] : memref<200x8x32x8x128xf32, #tpu.memory_space<hbm>> -> memref<1x1x1x8x128xf32, #tpu.memory_space<hbm>>
    %dma_wait3A_448 = tpu.memref_squeeze %dma_wait3A_447 : memref<1x1x1x8x128xf32, #tpu.memory_space<hbm>> -> memref<8x128xf32, #tpu.memory_space<hbm>>
    %dma_wait3A_449 = arith.constant 0 : i32
    %dma_wait3A_450 = arith.constant 0 : i32
    %dma_wait3A_451 = tpu.memref_slice %arg5[%dma_wait3A_439, %dma_wait3A_440, %dma_wait3A_441, %dma_wait3A_449, %dma_wait3A_450] : memref<200x8x32x8x128xf32, #tpu.memory_space<hbm>> -> memref<1x1x1x8x128xf32, #tpu.memory_space<hbm>>
    %dma_wait3A_452 = tpu.memref_squeeze %dma_wait3A_451 : memref<1x1x1x8x128xf32, #tpu.memory_space<hbm>> -> memref<8x128xf32, #tpu.memory_space<hbm>>
    %dma_wait3A_453 = arith.constant 0 : i32
    %dma_wait3A_454 = arith.constant 0 : i32
    %dma_wait3A_455 = tpu.memref_slice %arg15[%dma_wait3A_453, %dma_wait3A_454] : memref<64x129xf32, #tpu.memory_space<vmem>> -> memref<8x128xf32, #tpu.memory_space<vmem>>
    tpu.wait_dma2 semaphore(%arg23 : memref<!tpu.dma_semaphore, #tpu.memory_space<semaphore_mem>>) src(%dma_wait3A_455 : memref<8x128xf32, #tpu.memory_space<vmem>>) dst(%dma_wait3A_452 : memref<8x128xf32, #tpu.memory_space<hbm>>)
    %dma_wait3A_456 = arith.constant 0 : i32
    %dma_wait3A_457 = arith.constant 1 : i32
    %dma_wait3A_458 = arith.constant 0 : i32
    %dma_wait3A_459 = arith.constant 0 : i32
    %dma_wait3A_460 = arith.constant 0 : i32
    %dma_wait3A_461 = tpu.memref_slice %arg15[%dma_wait3A_459, %dma_wait3A_460] : memref<64x129xf32, #tpu.memory_space<vmem>> -> memref<8x128xf32, #tpu.memory_space<vmem>>
    %dma_wait3A_462 = arith.constant 0 : i32
    %dma_wait3A_463 = arith.constant 0 : i32
    %dma_wait3A_464 = tpu.memref_slice %arg5[%dma_wait3A_456, %dma_wait3A_457, %dma_wait3A_458, %dma_wait3A_462, %dma_wait3A_463] : memref<200x8x32x8x128xf32, #tpu.memory_space<hbm>> -> memref<1x1x1x8x128xf32, #tpu.memory_space<hbm>>
    %dma_wait3A_465 = tpu.memref_squeeze %dma_wait3A_464 : memref<1x1x1x8x128xf32, #tpu.memory_space<hbm>> -> memref<8x128xf32, #tpu.memory_space<hbm>>
    %dma_wait3A_466 = arith.constant 0 : i32
    %dma_wait3A_467 = arith.constant 0 : i32
    %dma_wait3A_468 = tpu.memref_slice %arg5[%dma_wait3A_456, %dma_wait3A_457, %dma_wait3A_458, %dma_wait3A_466, %dma_wait3A_467] : memref<200x8x32x8x128xf32, #tpu.memory_space<hbm>> -> memref<1x1x1x8x128xf32, #tpu.memory_space<hbm>>
    %dma_wait3A_469 = tpu.memref_squeeze %dma_wait3A_468 : memref<1x1x1x8x128xf32, #tpu.memory_space<hbm>> -> memref<8x128xf32, #tpu.memory_space<hbm>>
    %dma_wait3A_470 = arith.constant 0 : i32
    %dma_wait3A_471 = arith.constant 0 : i32
    %dma_wait3A_472 = tpu.memref_slice %arg15[%dma_wait3A_470, %dma_wait3A_471] : memref<64x129xf32, #tpu.memory_space<vmem>> -> memref<8x128xf32, #tpu.memory_space<vmem>>
    tpu.wait_dma2 semaphore(%arg23 : memref<!tpu.dma_semaphore, #tpu.memory_space<semaphore_mem>>) src(%dma_wait3A_472 : memref<8x128xf32, #tpu.memory_space<vmem>>) dst(%dma_wait3A_469 : memref<8x128xf32, #tpu.memory_space<hbm>>)
    %dma_wait3A_473 = arith.constant 0 : i32
    %dma_wait3A_474 = arith.constant 2 : i32
    %dma_wait3A_475 = arith.constant 0 : i32
    %dma_wait3A_476 = arith.constant 0 : i32
    %dma_wait3A_477 = arith.constant 0 : i32
    %dma_wait3A_478 = tpu.memref_slice %arg15[%dma_wait3A_476, %dma_wait3A_477] : memref<64x129xf32, #tpu.memory_space<vmem>> -> memref<8x128xf32, #tpu.memory_space<vmem>>
    %dma_wait3A_479 = arith.constant 0 : i32
    %dma_wait3A_480 = arith.constant 0 : i32
    %dma_wait3A_481 = tpu.memref_slice %arg5[%dma_wait3A_473, %dma_wait3A_474, %dma_wait3A_475, %dma_wait3A_479, %dma_wait3A_480] : memref<200x8x32x8x128xf32, #tpu.memory_space<hbm>> -> memref<1x1x1x8x128xf32, #tpu.memory_space<hbm>>
    %dma_wait3A_482 = tpu.memref_squeeze %dma_wait3A_481 : memref<1x1x1x8x128xf32, #tpu.memory_space<hbm>> -> memref<8x128xf32, #tpu.memory_space<hbm>>
    %dma_wait3A_483 = arith.constant 0 : i32
    %dma_wait3A_484 = arith.constant 0 : i32
    %dma_wait3A_485 = tpu.memref_slice %arg5[%dma_wait3A_473, %dma_wait3A_474, %dma_wait3A_475, %dma_wait3A_483, %dma_wait3A_484] : memref<200x8x32x8x128xf32, #tpu.memory_space<hbm>> -> memref<1x1x1x8x128xf32, #tpu.memory_space<hbm>>
    %dma_wait3A_486 = tpu.memref_squeeze %dma_wait3A_485 : memref<1x1x1x8x128xf32, #tpu.memory_space<hbm>> -> memref<8x128xf32, #tpu.memory_space<hbm>>
    %dma_wait3A_487 = arith.constant 0 : i32
    %dma_wait3A_488 = arith.constant 0 : i32
    %dma_wait3A_489 = tpu.memref_slice %arg15[%dma_wait3A_487, %dma_wait3A_488] : memref<64x129xf32, #tpu.memory_space<vmem>> -> memref<8x128xf32, #tpu.memory_space<vmem>>
    tpu.wait_dma2 semaphore(%arg23 : memref<!tpu.dma_semaphore, #tpu.memory_space<semaphore_mem>>) src(%dma_wait3A_489 : memref<8x128xf32, #tpu.memory_space<vmem>>) dst(%dma_wait3A_486 : memref<8x128xf32, #tpu.memory_space<hbm>>)
    %dma_wait3A_490 = arith.constant 0 : i32
    %dma_wait3A_491 = arith.constant 3 : i32
    %dma_wait3A_492 = arith.constant 0 : i32
    %dma_wait3A_493 = arith.constant 0 : i32
    %dma_wait3A_494 = arith.constant 0 : i32
    %dma_wait3A_495 = tpu.memref_slice %arg15[%dma_wait3A_493, %dma_wait3A_494] : memref<64x129xf32, #tpu.memory_space<vmem>> -> memref<8x128xf32, #tpu.memory_space<vmem>>
    %dma_wait3A_496 = arith.constant 0 : i32
    %dma_wait3A_497 = arith.constant 0 : i32
    %dma_wait3A_498 = tpu.memref_slice %arg5[%dma_wait3A_490, %dma_wait3A_491, %dma_wait3A_492, %dma_wait3A_496, %dma_wait3A_497] : memref<200x8x32x8x128xf32, #tpu.memory_space<hbm>> -> memref<1x1x1x8x128xf32, #tpu.memory_space<hbm>>
    %dma_wait3A_499 = tpu.memref_squeeze %dma_wait3A_498 : memref<1x1x1x8x128xf32, #tpu.memory_space<hbm>> -> memref<8x128xf32, #tpu.memory_space<hbm>>
    %dma_wait3A_500 = arith.constant 0 : i32
    %dma_wait3A_501 = arith.constant 0 : i32
    %dma_wait3A_502 = tpu.memref_slice %arg5[%dma_wait3A_490, %dma_wait3A_491, %dma_wait3A_492, %dma_wait3A_500, %dma_wait3A_501] : memref<200x8x32x8x128xf32, #tpu.memory_space<hbm>> -> memref<1x1x1x8x128xf32, #tpu.memory_space<hbm>>
    %dma_wait3A_503 = tpu.memref_squeeze %dma_wait3A_502 : memref<1x1x1x8x128xf32, #tpu.memory_space<hbm>> -> memref<8x128xf32, #tpu.memory_space<hbm>>
    %dma_wait3A_504 = arith.constant 0 : i32
    %dma_wait3A_505 = arith.constant 0 : i32
    %dma_wait3A_506 = tpu.memref_slice %arg15[%dma_wait3A_504, %dma_wait3A_505] : memref<64x129xf32, #tpu.memory_space<vmem>> -> memref<8x128xf32, #tpu.memory_space<vmem>>
    tpu.wait_dma2 semaphore(%arg23 : memref<!tpu.dma_semaphore, #tpu.memory_space<semaphore_mem>>) src(%dma_wait3A_506 : memref<8x128xf32, #tpu.memory_space<vmem>>) dst(%dma_wait3A_503 : memref<8x128xf32, #tpu.memory_space<hbm>>)
    %dma_wait3A_507 = arith.constant 0 : i32
    %dma_wait3A_508 = arith.constant 4 : i32
    %dma_wait3A_509 = arith.constant 0 : i32
    %dma_wait3A_510 = arith.constant 0 : i32
    %dma_wait3A_511 = arith.constant 0 : i32
    %dma_wait3A_512 = tpu.memref_slice %arg15[%dma_wait3A_510, %dma_wait3A_511] : memref<64x129xf32, #tpu.memory_space<vmem>> -> memref<8x128xf32, #tpu.memory_space<vmem>>
    %dma_wait3A_513 = arith.constant 0 : i32
    %dma_wait3A_514 = arith.constant 0 : i32
    %dma_wait3A_515 = tpu.memref_slice %arg5[%dma_wait3A_507, %dma_wait3A_508, %dma_wait3A_509, %dma_wait3A_513, %dma_wait3A_514] : memref<200x8x32x8x128xf32, #tpu.memory_space<hbm>> -> memref<1x1x1x8x128xf32, #tpu.memory_space<hbm>>
    %dma_wait3A_516 = tpu.memref_squeeze %dma_wait3A_515 : memref<1x1x1x8x128xf32, #tpu.memory_space<hbm>> -> memref<8x128xf32, #tpu.memory_space<hbm>>
    %dma_wait3A_517 = arith.constant 0 : i32
    %dma_wait3A_518 = arith.constant 0 : i32
    %dma_wait3A_519 = tpu.memref_slice %arg5[%dma_wait3A_507, %dma_wait3A_508, %dma_wait3A_509, %dma_wait3A_517, %dma_wait3A_518] : memref<200x8x32x8x128xf32, #tpu.memory_space<hbm>> -> memref<1x1x1x8x128xf32, #tpu.memory_space<hbm>>
    %dma_wait3A_520 = tpu.memref_squeeze %dma_wait3A_519 : memref<1x1x1x8x128xf32, #tpu.memory_space<hbm>> -> memref<8x128xf32, #tpu.memory_space<hbm>>
    %dma_wait3A_521 = arith.constant 0 : i32
    %dma_wait3A_522 = arith.constant 0 : i32
    %dma_wait3A_523 = tpu.memref_slice %arg15[%dma_wait3A_521, %dma_wait3A_522] : memref<64x129xf32, #tpu.memory_space<vmem>> -> memref<8x128xf32, #tpu.memory_space<vmem>>
    tpu.wait_dma2 semaphore(%arg23 : memref<!tpu.dma_semaphore, #tpu.memory_space<semaphore_mem>>) src(%dma_wait3A_523 : memref<8x128xf32, #tpu.memory_space<vmem>>) dst(%dma_wait3A_520 : memref<8x128xf32, #tpu.memory_space<hbm>>)
    %dma_wait3A_524 = arith.constant 0 : i32
    %dma_wait3A_525 = arith.constant 5 : i32
    %dma_wait3A_526 = arith.constant 0 : i32
    %dma_wait3A_527 = arith.constant 0 : i32
    %dma_wait3A_528 = arith.constant 0 : i32
    %dma_wait3A_529 = tpu.memref_slice %arg15[%dma_wait3A_527, %dma_wait3A_528] : memref<64x129xf32, #tpu.memory_space<vmem>> -> memref<8x128xf32, #tpu.memory_space<vmem>>
    %dma_wait3A_530 = arith.constant 0 : i32
    %dma_wait3A_531 = arith.constant 0 : i32
    %dma_wait3A_532 = tpu.memref_slice %arg5[%dma_wait3A_524, %dma_wait3A_525, %dma_wait3A_526, %dma_wait3A_530, %dma_wait3A_531] : memref<200x8x32x8x128xf32, #tpu.memory_space<hbm>> -> memref<1x1x1x8x128xf32, #tpu.memory_space<hbm>>
    %dma_wait3A_533 = tpu.memref_squeeze %dma_wait3A_532 : memref<1x1x1x8x128xf32, #tpu.memory_space<hbm>> -> memref<8x128xf32, #tpu.memory_space<hbm>>
    %dma_wait3A_534 = arith.constant 0 : i32
    %dma_wait3A_535 = arith.constant 0 : i32
    %dma_wait3A_536 = tpu.memref_slice %arg5[%dma_wait3A_524, %dma_wait3A_525, %dma_wait3A_526, %dma_wait3A_534, %dma_wait3A_535] : memref<200x8x32x8x128xf32, #tpu.memory_space<hbm>> -> memref<1x1x1x8x128xf32, #tpu.memory_space<hbm>>
    %dma_wait3A_537 = tpu.memref_squeeze %dma_wait3A_536 : memref<1x1x1x8x128xf32, #tpu.memory_space<hbm>> -> memref<8x128xf32, #tpu.memory_space<hbm>>
    %dma_wait3A_538 = arith.constant 0 : i32
    %dma_wait3A_539 = arith.constant 0 : i32
    %dma_wait3A_540 = tpu.memref_slice %arg15[%dma_wait3A_538, %dma_wait3A_539] : memref<64x129xf32, #tpu.memory_space<vmem>> -> memref<8x128xf32, #tpu.memory_space<vmem>>
    tpu.wait_dma2 semaphore(%arg23 : memref<!tpu.dma_semaphore, #tpu.memory_space<semaphore_mem>>) src(%dma_wait3A_540 : memref<8x128xf32, #tpu.memory_space<vmem>>) dst(%dma_wait3A_537 : memref<8x128xf32, #tpu.memory_space<hbm>>)
    %dma_wait3A_541 = arith.constant 0 : i32
    %dma_wait3A_542 = arith.constant 6 : i32
    %dma_wait3A_543 = arith.constant 0 : i32
    %dma_wait3A_544 = arith.constant 0 : i32
    %dma_wait3A_545 = arith.constant 0 : i32
    %dma_wait3A_546 = tpu.memref_slice %arg15[%dma_wait3A_544, %dma_wait3A_545] : memref<64x129xf32, #tpu.memory_space<vmem>> -> memref<8x128xf32, #tpu.memory_space<vmem>>
    %dma_wait3A_547 = arith.constant 0 : i32
    %dma_wait3A_548 = arith.constant 0 : i32
    %dma_wait3A_549 = tpu.memref_slice %arg5[%dma_wait3A_541, %dma_wait3A_542, %dma_wait3A_543, %dma_wait3A_547, %dma_wait3A_548] : memref<200x8x32x8x128xf32, #tpu.memory_space<hbm>> -> memref<1x1x1x8x128xf32, #tpu.memory_space<hbm>>
    %dma_wait3A_550 = tpu.memref_squeeze %dma_wait3A_549 : memref<1x1x1x8x128xf32, #tpu.memory_space<hbm>> -> memref<8x128xf32, #tpu.memory_space<hbm>>
    %dma_wait3A_551 = arith.constant 0 : i32
    %dma_wait3A_552 = arith.constant 0 : i32
    %dma_wait3A_553 = tpu.memref_slice %arg5[%dma_wait3A_541, %dma_wait3A_542, %dma_wait3A_543, %dma_wait3A_551, %dma_wait3A_552] : memref<200x8x32x8x128xf32, #tpu.memory_space<hbm>> -> memref<1x1x1x8x128xf32, #tpu.memory_space<hbm>>
    %dma_wait3A_554 = tpu.memref_squeeze %dma_wait3A_553 : memref<1x1x1x8x128xf32, #tpu.memory_space<hbm>> -> memref<8x128xf32, #tpu.memory_space<hbm>>
    %dma_wait3A_555 = arith.constant 0 : i32
    %dma_wait3A_556 = arith.constant 0 : i32
    %dma_wait3A_557 = tpu.memref_slice %arg15[%dma_wait3A_555, %dma_wait3A_556] : memref<64x129xf32, #tpu.memory_space<vmem>> -> memref<8x128xf32, #tpu.memory_space<vmem>>
    tpu.wait_dma2 semaphore(%arg23 : memref<!tpu.dma_semaphore, #tpu.memory_space<semaphore_mem>>) src(%dma_wait3A_557 : memref<8x128xf32, #tpu.memory_space<vmem>>) dst(%dma_wait3A_554 : memref<8x128xf32, #tpu.memory_space<hbm>>)
    %dma_wait3A_558 = arith.constant 0 : i32
    %dma_wait3A_559 = arith.constant 7 : i32
    %dma_wait3A_560 = arith.constant 0 : i32
    %dma_wait3A_561 = arith.constant 0 : i32
    %dma_wait3A_562 = arith.constant 0 : i32
    %dma_wait3A_563 = tpu.memref_slice %arg15[%dma_wait3A_561, %dma_wait3A_562] : memref<64x129xf32, #tpu.memory_space<vmem>> -> memref<8x128xf32, #tpu.memory_space<vmem>>
    %dma_wait3A_564 = arith.constant 0 : i32
    %dma_wait3A_565 = arith.constant 0 : i32
    %dma_wait3A_566 = tpu.memref_slice %arg5[%dma_wait3A_558, %dma_wait3A_559, %dma_wait3A_560, %dma_wait3A_564, %dma_wait3A_565] : memref<200x8x32x8x128xf32, #tpu.memory_space<hbm>> -> memref<1x1x1x8x128xf32, #tpu.memory_space<hbm>>
    %dma_wait3A_567 = tpu.memref_squeeze %dma_wait3A_566 : memref<1x1x1x8x128xf32, #tpu.memory_space<hbm>> -> memref<8x128xf32, #tpu.memory_space<hbm>>
    %dma_wait3A_568 = arith.constant 0 : i32
    %dma_wait3A_569 = arith.constant 0 : i32
    %dma_wait3A_570 = tpu.memref_slice %arg5[%dma_wait3A_558, %dma_wait3A_559, %dma_wait3A_560, %dma_wait3A_568, %dma_wait3A_569] : memref<200x8x32x8x128xf32, #tpu.memory_space<hbm>> -> memref<1x1x1x8x128xf32, #tpu.memory_space<hbm>>
    %dma_wait3A_571 = tpu.memref_squeeze %dma_wait3A_570 : memref<1x1x1x8x128xf32, #tpu.memory_space<hbm>> -> memref<8x128xf32, #tpu.memory_space<hbm>>
    %dma_wait3A_572 = arith.constant 0 : i32
    %dma_wait3A_573 = arith.constant 0 : i32
    %dma_wait3A_574 = tpu.memref_slice %arg15[%dma_wait3A_572, %dma_wait3A_573] : memref<64x129xf32, #tpu.memory_space<vmem>> -> memref<8x128xf32, #tpu.memory_space<vmem>>
    tpu.wait_dma2 semaphore(%arg23 : memref<!tpu.dma_semaphore, #tpu.memory_space<semaphore_mem>>) src(%dma_wait3A_574 : memref<8x128xf32, #tpu.memory_space<vmem>>) dst(%dma_wait3A_571 : memref<8x128xf32, #tpu.memory_space<hbm>>)
    return
  }
}

</mosaic_0001>

<sc_bundles>
// kernel: _emb.3.cloned.1.call-start
scs
__scs_entry_jumppad:
0x0: {  	(pc) =	sbr.rel $0x88, $3  }
0x1: {  	(tag) =	ssettag $0x0;
	lr =	simm.s32 $0x1  }
0x2: {  	[smem:$0x3F9E] =	sst lr;
	_ =	strace $0xD0000000  }
0x3: {  	_ = 	snop  }
0x4: {  	_ = 	snop  }
0x5: {  	_ = 	snop  }
0x6: {  	_ = 	snop  }
0x7: {  	_ = 	snop  }
__scs_overlays_trampoline_lowered:
0x8: {  	[smem:$0x3FAD] =	sst s0  }
0x9: {  	[smem:$0x3FAE] =	sst s1  }
0xa: {  	[smem:$0x3FAF] =	sst s2  }
0xb: {  	[smem:$0x3FB0] =	sst s3  }
0xc: {  	[smem:$0x3FB1] =	sst s4  }
0xd: {  	[smem:$0x3FB2] =	sst s5  }
0xe: {  	[smem:$0x3FB3] =	sst s6  }
0xf: {  	[smem:$0x3FB4] =	sst s7  }
0x10: {  	[smem:$0x3FB5] =	sst s8  }
0x11: {  	[smem:$0x3FB6] =	sst s9;
	s0 =	simm.s32 @!p0 $0x0  }
0x12: {  	s1 =	sld [smem:$0x3F9C];
	s0 =	simm.s32 @p0 $0x1  }
0x13: {  	[smem:$0x3FB7] =	sst s0;
	s0 =	simm.s32 @!p1 $0x0  }
0x14: {  	s2 =	sld [smem:$0x3F9B];
	s0 =	simm.s32 @p1 $0x1  }
0x15: {  	[smem:$0x3FB8] =	sst s0;
	s0 =	simm.s32 @!p2 $0x0  }
0x16: {  	s3 =	sld [smem:$0x3FDB];
	s0 =	simm.s32 @p2 $0x1  }
0x17: {  	s4 =	simm.s32 $0x1BF5;
	[smem:$0x3FBA] =	sst s0  }
0x18: {  	s0 =	sld [smem:$0x3F9D];
	_ =	swait.ge [sflag:s4], $0x0  }
0x19: {  	s7 =	sld [smem:$0x3F9E]  }
0x1a: {  	s8 =	sadd.s32 $0xFFFFE003, lr  }
0x1b: {  	s9 =	sadd.s32 $0xFFFFFEF7, lr;
	s5 =	simm.s32 $0xFFFFFFFF;
	p2 =	slt.u32 s8, $0xFFFFF086  }
0x1c: {  	p1 =	slt.u32 s9, $0xF7A;
	s5 =	simm.s32 @!p2 $0x0  }
0x1d: {  	s5 =	simm.s32 @p1 $0x1;
	p0 =	seq.s32 s7, s2  }
0x1e: {  	s7 =	smul.u32 @!p0 $0xF7A, s2;
	p2 =	seq.s32 @!p0 s5, $0x0  }
0x1f: {  	s9 =	smul.u32 $0xF7A, s1;
	s8 =	simm.s32 @!p0 $0x1BF5;
	p2 =	por !p2, p0  }
0x20: {  	[sflag:s8] =	ssyncset.s32 @!p0 $0xFFFFF086;
	s6 =	sadd.s32 @!p0 s3, s7;
	s7 =	simm.s32 @!p0 $0x108  }
0x21: {  	s3 =	sadd.s32 s3, s9;
	s6 =	sadd.s32 @!p0 $0x88, s6;
	s7 =	simm.s32 @p2 $0x1082  }
0x22: {  	[simem:s7], [sflag:s8] =	dma.local @!p0 [hbm:s6], $0xF7A  }
0x23: {  	s9 =	sor.u32 $0xD0000000, s2;
	s6 =	simm.s32 $0x108;
	_ =	swait.ge @!p0 [sflag:s8], $0x0  }
0x24: {  	s3 =	sadd.s32 $0x88, s3;
	s6 =	simm.s32 @!p1 $0x1082;
	[sflag:s4] =	ssyncset.s32 $0xFFFFF086  }
0x25: {  	[simem:s6], [sflag:s4] =	dma.local [hbm:s3], $0xF7A  }
0x26: {  	[smem:$0x3F9E] =	sst s1;
	(tag) =	ssettag s2;
	_ =	strace s9  }
0x27: {  	s1 =	sld [smem:$0x3FAE]  }
0x28: {  	s2 =	sld [smem:$0x3FAF]  }
0x29: {  	s4 =	sld [smem:$0x3FB1]  }
0x2a: {  	p0 =	seq.s32 s5, $0x0;
	s5 =	sld [smem:$0x3FB2]  }
0x2b: {  	s6 =	sld [smem:$0x3FB3]  }
0x2c: {  	s7 =	sld [smem:$0x3FB4]  }
0x2d: {  	s3 =	simm.s32 $0x108;
	s8 =	sld [smem:$0x3FB5]  }
0x2e: {  	s3 =	simm.s32 @!p0 $0x1082;
	s9 =	sld [smem:$0x3FB6]  }
0x2f: {  	lr =	sadd.s32 s0, s3;
	s0 =	sld [smem:$0x3FAD]  }
0x30: {  	s3 =	sld [smem:$0x3FB0]  }
0x31: {  	[smem:$0x3FB9] =	sst s10  }
0x32: {  	s10 =	sld [smem:$0x3FB7];
	_ =	sdelay $0x3  }
0x33: {  	p0 =	seq.s32 s10, $0x1;
	s10 =	sld [smem:$0x3FB9];
	_ =	sdelay $0x3  }
0x34: {  	[smem:$0x3FB9] =	sst s10  }
0x35: {  	s10 =	sld [smem:$0x3FB8];
	_ =	sdelay $0x3  }
0x36: {  	p1 =	seq.s32 s10, $0x1;
	s10 =	sld [smem:$0x3FB9];
	_ =	sdelay $0x3  }
0x37: {  	[smem:$0x3FB9] =	sst s10  }
0x38: {  	s10 =	sld [smem:$0x3FBA]  }
0x39: {  	_ = 	snop;
	(pc) =	sbr.ind lr, $3  }
0x3a: {  	_ = 	snop  }
0x3b: {  	_ = 	snop  }
0x3c: {  	p2 =	seq.s32 s10, $0x1;
	s10 =	sld [smem:$0x3FB9]  }
0x3d: {  	_ =	shalt  }
0x3e: {  	_ =	shalt  }
0x3f: {  	_ =	shalt  }
0x40: {  	_ =	shalt  }
0x41: {  	_ =	shalt  }
0x42: {  	_ =	shalt  }
0x43: {  	_ =	shalt  }
0x44: {  	_ =	shalt  }
0x45: {  	_ =	shalt  }
0x46: {  	_ =	shalt  }
0x47: {  	_ =	shalt  }
0x48: {  	_ =	shalt  }
0x49: {  	_ =	shalt  }
0x4a: {  	_ =	shalt  }
0x4b: {  	_ =	shalt  }
0x4c: {  	_ =	shalt  }
0x4d: {  	_ =	shalt  }
0x4e: {  	_ =	shalt  }
0x4f: {  	_ =	shalt  }
0x50: {  	_ =	shalt  }
0x51: {  	_ =	shalt  }
0x52: {  	_ =	shalt  }
0x53: {  	_ =	shalt  }
0x54: {  	_ =	shalt  }
0x55: {  	_ =	shalt  }
0x56: {  	_ =	shalt  }
0x57: {  	_ =	shalt  }
0x58: {  	_ =	shalt  }
0x59: {  	_ =	shalt  }
0x5a: {  	_ =	shalt  }
0x5b: {  	_ =	shalt  }
0x5c: {  	_ =	shalt  }
0x5d: {  	_ =	shalt  }
0x5e: {  	_ =	shalt  }
0x5f: {  	_ =	shalt  }
0x60: {  	_ =	shalt  }
0x61: {  	_ =	shalt  }
0x62: {  	_ =	shalt  }
0x63: {  	_ =	shalt  }
0x64: {  	_ =	shalt  }
0x65: {  	_ =	shalt  }
0x66: {  	_ =	shalt  }
0x67: {  	_ =	shalt  }
0x68: {  	_ =	shalt  }
0x69: {  	_ =	shalt  }
0x6a: {  	_ =	shalt  }
0x6b: {  	_ =	shalt  }
0x6c: {  	_ =	shalt  }
0x6d: {  	_ =	shalt  }
0x6e: {  	_ =	shalt  }
0x6f: {  	_ =	shalt  }
0x70: {  	_ =	shalt  }
0x71: {  	_ =	shalt  }
0x72: {  	_ =	shalt  }
0x73: {  	_ =	shalt  }
0x74: {  	_ =	shalt  }
0x75: {  	_ =	shalt  }
0x76: {  	_ =	shalt  }
0x77: {  	_ =	shalt  }
0x78: {  	_ =	shalt  }
0x79: {  	_ =	shalt  }
0x7a: {  	_ =	shalt  }
0x7b: {  	_ =	shalt  }
0x7c: {  	_ =	shalt  }
0x7d: {  	_ =	shalt  }
0x7e: {  	_ =	shalt  }
0x7f: {  	_ =	shalt  }
0x80: {  	_ =	shalt  }
0x81: {  	_ =	shalt  }
0x82: {  	_ =	shalt  }
0x83: {  	_ =	shalt  }
0x84: {  	_ =	shalt  }
0x85: {  	_ =	shalt  }
0x86: {  	_ =	shalt  }
0x87: {  	_ =	shalt  }
.Lfunc_end0:
.L_simem_size_0:
called_computation_lowered:
.L_overlay_start_0:
0x88: {  	s2 =	sld [smem:$0x3FD9]  }
0x89: {  	s3 =	sld [smem:$0x3FFE];
	_ =	sdelay $0x1  }
0x8a: {  	s1 =	srdreg.scid  }
0x8b: {  	s0 =	sand.u32 $0x1, s1  }
0x8c: {  	s17 =	sshll.u32 s0, $0xA;
	s2 =	sadd.s32 s3, s2  }
0x8d: {  	s2 =	sadd.s32 s2, s17  }
0x8e: {  	[smem:$0x3FC5] =	sst s2  }
0x8f: {  	_ = 	snop  }
0x90: {  	s2 =	sld [smem:$0x3FC9]  }
0x91: {  	s18 =	sld [smem:$0x3FD0];
	(tm) =	ssettm $0x1  }
0x92: {  	s4 =	sld [smem:$0x3FFB];
	_ =	sdelay $0x3  }
0x93: {  	_ =	strace s4  }
0x94: {  	s4 =	sld [smem:$0x3FFC];
	_ =	sdelay $0x3  }
0x95: {  	_ =	strace s4  }
0x96: {  	s4 =	sld [smem:$0x3FFD];
	_ =	sdelay $0x3  }
0x97: {  	_ =	strace s4  }
0x98: {  	_ =	strace $0x8FFFFFFF  }
0x99: {  	s19 =	sld [smem:$0x3FDB];
	_ =	sdelay $0x1  }
0x9a: {  	s5 =	simm.s32 $_scs_section_size  }
0x9b: {  	s6 =	simm.s32 $_size__tile_overlayer_lowered;
	s7 =	simm.s32 $_tile_overlayer_lowered  }
0x9c: {  	s22 =	simm.s32 $0x1BFF;
	s21 =	sshll.u32 s7, $0x1;
	s4 =	sadd.s32 s5, s19  }
0x9d: {  	s8 =	simm.s32 $0x0;
	s20 =	sshll.u32 s6, $0x1;
	s6 =	sadd.s32 s21, s4  }
0x9e: {  	[timem:s8], [sflag:s22] =	dma.local [hbm:s6], s20  }
0x9f: {  	_ =	swait.ge [sflag:s22], s20  }
0xa0: {  	s5 =	ssub.s32 $0x0, s20;
	[sflag:s22] =	ssyncset.done $0x0  }
0xa1: {  	[sflag:s22] =	ssyncadd.s32 s5;
	_ =	sdelay $0x1  }
0xa2: {  	s23 =	simm.s32 $0x1B8B  }
0xa3: {  	_ =	swait.ge [sflag:s23], $0x1  }
0xa4: {  	[sflag:s23] =	ssyncset.done $0x0  }
0xa5: {  	s25 =	simm.s32 $0x1B8E;
	s24 =	sld [smem:$0x3FFE];
	[sflag:s23] =	ssyncadd.s32 $0xFFFFFFFF  }
0xa6: {  	s26 =	simm.s32 $execute0_lowered;
	[smem:$0x3FD2] =	sst s25  }
0xa7: {  	s6 =	sshll.u32 s26, $0x1;
	_ =	strace $0x80000046;
	[dreg:$0x1] =	wrdreg $0xFFFFFFFF  }
0xa8: {  	s28 =	simm.s32 $_size_execute0_lowered;
	s4 =	sadd.s32 s4, s6;
	[dreg:$0x0] =	wrdreg $0x0  }
0xa9: {  	s6 =	sshll.u32 s28, $0x1;
	[dreg:$0x2] =	wrdreg s4  }
0xaa: {  	[dreg:$0x3] =	wrdreg s6  }
0xab: {  	[dreg:$0x4] =	wrdreg $0xC0  }
0xac: {  	_ =	task [dreg:s8], $0x5FFFF  }
0xad: {  	[dreg:$0x1] =	wrdreg $0xFFFFFFFF  }
0xae: {  	[dreg:$0x0] =	wrdreg $0x60  }
0xaf: {  	[dreg:$0x2] =	wrdreg s2  }
0xb0: {  	[dreg:$0x3] =	wrdreg s24  }
0xb1: {  	[dreg:$0x4] =	wrdreg s18  }
0xb2: {  	[dreg:$0x5] =	wrdreg $0x9  }
0xb3: {  	_ =	task.clear_ibuf [dreg:s8], $0x6FFFF;
	_ =	strace $0x90000046  }
0xb4: {  	s29 =	simm.s32 $0x9;
	_ =	strace $0x80000048  }
0xb5: {  	_ =	swait.ge [sflag:s29], $0x1  }
0xb6: {  	[sflag:s29] =	ssyncadd.s32 $0xFFFFFFFF  }
0xb7: {  	_ =	strace $0x90000048  }
0xb8: {  	_ =	sfence  }
0xb9: {  	s30 =	sld [smem:$0x0];
	_ =	sdelay $0x2  }
0xba: {  	s31 =	sshll.u32 s1, $0xD;
	s1 =	sshrl.u32 s1, $0x2  }
0xbb: {  	s3 =	sand.u32 $0x4000, s31;
	s1 =	sadd.s32 s1, s30  }
0xbc: {  	s0 =	sor.u32 s3, s0;
	s1 =	sshll.u32 s1, $0x11  }
0xbd: {  	s0 =	sor.u32 s1, s0  }
0xbe: {  	s0 =	sadd.s32 $0x8F2B, s0  }
0xbf: {  	[sflag:s0] =	ssyncadd.remote.s32 $0x1  }
0xc0: {  	_ =	sfence.sel $0xFFFF  }
0xc1: {  	[dreg:$0x0] =	wrdreg $0xFFFFFFFF;
	(pc) =	sbr.abs _section_cstart, $3  }
0xc2: {  	[dreg:$0x1] =	wrdreg $0xFFFFFFFF  }
0xc3: {  	_ =	task.clear_ibuf [dreg:s8], $0x2FFFF;
	_ =	strace $0x9FFFFFFF  }
0xc4: {  	(tm) =	ssettm $0x7FFFFFFF  }
0xc5: {  	_ =	shalt  }
tec
execute0_lowered:
.L_overlay_start_1:
0x0: {  	(tag) =	ssettag $0x1  }
0x1: {  	s0 =	rddreg [dreg:$0x0]  }
0x2: {  	s2 =	rddreg [dreg:$0x1]  }
0x3: {  	s1 =	rddreg [dreg:$0x2];
	s3 =	simm.s32 $0x0  }
0x4: {  	s4 =	srdreg.scid;
	s6 =	stileid.u32;
	s20 =	simm.s32 $0x80  }
0x5: {  	s26 =	simm.s32 $0x1;
	s28 =	simm.s32 $0x11600;
	s18 =	simm.s32 $0x2  }
0x6: {  	s21 =	simm.s32 $0x6;
	s22 =	simm.s32 $0x13800;
	s16 =	simm.s32 $0x3  }
0x7: {  	s17 =	simm.s32 $0x7;
	s19 =	simm.s32 $0x15A00;
	s31 =	simm.s32 $0x4  }
0x8: {  	[smem:$0x7FF] =	sst s3;
	s5 =	sand.u32 $0x1, s4;
	s6 =	sshll.u32 s6, $0xB  }
0x9: {  	s4 =	sadd.s32 $0x1400, s2;
	s2 =	sadd.s32 $0x400, s2;
	s9 =	sadd.s32 $0x2000, s1  }
0xa: {  	s10 =	sadd.s32 $0x3000, s1;
	s11 =	sadd.s32 $0x4000, s1;
	s12 =	sadd.s32 $0x5000, s1  }
0xb: {  	s13 =	sadd.s32 $0x6000, s1;
	s14 =	sadd.s32 $0x7000, s1;
	s7 =	sshll.u32 s5, $0xA  }
0xc: {  	_ =	strace $0x80000047;
	s8 =	ssub.s32 $0x2, s5;
	s5 =	sor.u32 s7, s6  }
0xd: {  	v0 =	vlaneseq.u32;
	[dreg:$0x4] =	wrdreg s2;
	s29 =	sshrl.u32 s8, $0x1;
	s6 =	sshrl.u32 s5, $0x3  }
0xe: {  	v0 =	vmul.u32 $0x88, v0;
	s7 =	simm.s32 $0x0;
	s2 =	ssub.s32 s8, s29;
	s0 =	sadd.s32 s0, s6  }
0xf: {  	s8 =	sadd.s32 $0x1000, s1;
	s30 =	smax.u32 s2, $0x1;
	[dreg:$0x5] =	wrdreg s0  }
0x10: {  	v1 =	vadd.s32 $0x880, v0;
	v2 =	vadd.s32 $0x1100, v0;
	v3 =	vadd.s32 $0x1980, v0;
	s2 =	simm.s32 $0x17C00;
	[dreg:$0x6] =	wrdreg s30;
	s0 =	simm.s32 $0x8  }
.LBB2_1:
0x11: {  	[dreg:$0x7] =	wrdreg s7  }
0x12: {  	s6 =	rddreg [dreg:$0x5]  }
0x13: {  	s23 =	simm.s32 $0x400;
	s15 =	simm.s32 $0x8000;
	s24 =	simm.s32 $0x9  }
0x14: {  	[tilespmem:s3], [sflag:$0x9] =	stream.strided.gather [hbm4b:s6+s23], $0x6400, s15, s23, $0x38;
	[tilespmem:$0x19E00] =	vst v63  }
0x15: {  	_ =	swait.ge [sflag:s24], $0x6400  }
0x16: {  	[sflag:s24] =	ssyncset.done $0x0  }
0x17: {  	s29 =	simm.s32 $0x6400;
	s25 =	rddreg [dreg:$0x4];
	[sflag:s24] =	ssyncadd.s32 $0xFFFF9C00  }
0x18: {  	[tilespmem:s29], [sflag:$0x9] =	stream.linear.gather [hbm4b:s25+s3], $0x3200, $0x38;
	[tilespmem:$0x19E00] =	vst v63  }
0x19: {  	_ =	swait.ge [sflag:s24], $0x3200  }
0x1a: {  	[sflag:s24] =	ssyncset.done $0x0  }
0x1b: {  	s23 =	simm.s32 $0x9600;
	[sflag:s24] =	ssyncadd.s32 $0xFFFFCE00  }
0x1c: {  	[tilespmem:s23], [sflag:$0x1] =	stream.indirect.gather [hbm4b:s4+s20], $0x40, s3, s20, $0xb8;
	[tilespmem:$0x19E00] =	vst v63  }
0x1d: {  	s24 =	simm.s32 $0xB600  }
0x1e: {  	[tilespmem:s24], [sflag:$0x2] =	stream.indirect.gather [hbm4b:s4+s20], $0x40, s20, s20, $0xb8;
	[tilespmem:$0x19E00] =	vst v63  }
0x1f: {  	s30 =	simm.s32 $0x0;
	s25 =	simm.s32 $0x100;
	s29 =	simm.s32 $0xD600  }
0x20: {  	[tilespmem:s29], [sflag:$0x3] =	stream.indirect.gather [hbm4b:s4+s20], $0x40, s25, s20, $0xb8;
	[tilespmem:$0x19E00] =	vst v63  }
.LBB2_2:
0x21: {  	s23 =	sshllo.u32 s30, $0x2  }
0x22: {  	s7 =	sshll.u32 s30, $0x9;
	s6 =	sshll.u32 s23, $0x7  }
0x23: {  	s7 =	sand.u32 $0x7C00, s7;
	s6 =	sand.u32 $0x380, s6  }
0x24: {  	s24 =	simm.s32 $0xF600;
	s6 =	sor.u32 s6, s7  }
0x25: {  	[tilespmem:s24], [sflag:$0x4] =	stream.indirect.gather [hbm4b:s4+s20], $0x40, s6, s20, $0xb8;
	[tilespmem:$0x19E00] =	vst v63  }
0x26: {  	_ =	swait.ge [sflag:s26], $0x2000  }
0x27: {  	p0 =	seq.s32 s30, $0x0;
	[sflag:s26] =	ssyncset.done $0x0  }
0x28: {  	s6 =	simm.s32 @!p0 $0x5;
	[sflag:s26] =	ssyncadd.s32 $0xFFFFE000  }
0x29: {  	_ =	swait.ge @!p0 [sflag:s6], $0x400  }
0x2a: {  	[sflag:s6] =	ssyncset.done @!p0 $0x0  }
0x2b: {  	[sflag:s6] =	ssyncadd.s32 @!p0 $0xFFFFFC00  }
0x2c: {  	_ =	swait.ge @!p0 [sflag:s6], $0x400  }
0x2d: {  	[sflag:s6] =	ssyncset.done @!p0 $0x0  }
0x2e: {  	[sflag:s6] =	ssyncadd.s32 @!p0 $0xFFFFFC00  }
0x2f: {  	_ =	swait.ge @!p0 [sflag:s6], $0x400  }
0x30: {  	[sflag:s6] =	ssyncset.done @!p0 $0x0  }
0x31: {  	[sflag:s6] =	ssyncadd.s32 @!p0 $0xFFFFFC00  }
0x32: {  	_ =	swait.ge @!p0 [sflag:s6], $0x400  }
0x33: {  	[sflag:s6] =	ssyncset.done @!p0 $0x0  }
0x34: {  	[sflag:s6] =	ssyncadd.s32 @!p0 $0xFFFFFC00  }
0x35: {  	_ =	swait.ge @!p0 [sflag:s6], $0x400  }
0x36: {  	[sflag:s6] =	ssyncset.done @!p0 $0x0  }
0x37: {  	[sflag:s6] =	ssyncadd.s32 @!p0 $0xFFFFFC00  }
0x38: {  	_ =	swait.ge @!p0 [sflag:s6], $0x400  }
0x39: {  	[sflag:s6] =	ssyncset.done @!p0 $0x0  }
0x3a: {  	[sflag:s6] =	ssyncadd.s32 @!p0 $0xFFFFFC00  }
0x3b: {  	_ =	swait.ge @!p0 [sflag:s6], $0x400  }
0x3c: {  	[sflag:s6] =	ssyncset.done @!p0 $0x0  }
0x3d: {  	[sflag:s6] =	ssyncadd.s32 @!p0 $0xFFFFFC00  }
0x3e: {  	_ =	swait.ge @!p0 [sflag:s6], $0x400  }
0x3f: {  	s25 =	sshll.u32 s30, $0x8;
	[sflag:s6] =	ssyncset.done @!p0 $0x0  }
0x40: {  	s29 =	sand.u32 $0x3FFFFF00, s25;
	[sflag:s6] =	ssyncadd.s32 @!p0 $0xFFFFFC00  }
0x41: {  	v4 =	vld [tilespmem:s29+$0x6400]  }
0x42: {  	s15 =	simm.s32 $0x0;
	v5 =	vld [tilespmem:s29+$0x6410]  }
0x43: {  	v8 =	vmov s15;
	s25 =	simm.s32 $0x2;
	s15 =	simm.s32 $0x9;
	s24 =	simm.s32 $0x1;
	v6 =	vld [tilespmem:s29+$0x6420]  }
0x44: {  	v8 =	vand.u32 $0x7C, v8;
	v10 =	vmov s25;
	s25 =	simm.s32 $0x4;
	s7 =	simm.s32 $0x9780;
	v9 =	vmov s24;
	s24 =	simm.s32 $0xB;
	v7 =	vld [tilespmem:s29+$0x6430]  }
0x45: {  	v26 =	vmov s15;
	v14 =	vmov s25;
	v12 =	vmov s24;
	v13 =	vld [tilespmem:s7+$0x140]  }
0x46: {  	s25 =	simm.s32 $0x7;
	v25 =	vadd.s32 v0, v8;
	v18 =	vand.u32 $0x7E, v10;
	v20 =	vand.u32 $0xFF, v12;
	v17 =	vld [tilespmem:s7+$0xFFFFFE80]  }
0x47: {  	v61 =	vadd.s32 v2, v8;
	v21 =	vmov s25;
	v23 =	vadd.s32 v0, v20;
	v22 =	vld [tilespmem:s7+$0xFFFFFEC0]  }
0x48: {  	v28 =	vadd.s32 v0, v18;
	v14 =	vand.u32 $0xFC, v14;
	v19 =	vand.u32 $0x7D, v9;
	s29 =	simm.s32 $0x3;
	v9 =	vld [tilespmem:s7+$0xFFFFFF00]  }
0x49: {  	v32 =	vadd.s32 v0, v14;
	v27 =	vadd.s32 v0, v19;
	v10 =	vld [tilespmem:s7+$0xFFFFFF40];
	v11 =	vmov s29  }
0x4a: {  	v35 =	vadd.s32 v3, v14;
	s24 =	simm.s32 $0x6;
	v29 =	vld [tilespmem:s7+$0xFFFFFF80];
	v16 =	vand.u32 $0x7F, v11;
	v13 =	vadd.f32 v13, v4  }
0x4b: {  	v12 =	vmov s24;
	s29 =	simm.s32 $0x5;
	v30 =	vadd.s32 v0, v16;
	v17 =	vadd.f32 v17, v4  }
0x4c: {  	s24 =	simm.s32 $0xA;
	v12 =	vand.u32 $0xFE, v12;
	v31 =	vld [tilespmem:s7+$0xFFFFFFC0];
	v15 =	vmov s29;
	v22 =	vadd.f32 v22, v4;
	[tilespmem:v23+s28+$0x0] =	vst.idx.msk $0xffff, v13  }
0x4d: {  	v34 =	vmov s24;
	v33 =	vld [tilespmem:s7+$0x0];
	s29 =	simm.s32 $0x8;
	v11 =	vand.u32 $0xFD, v15;
	v9 =	vadd.f32 v9, v4;
	[tilespmem:v25+s28+$0x0] =	vst.idx.msk $0xffff, v17  }
0x4e: {  	v24 =	vmov s29;
	v10 =	vadd.f32 v10, v4;
	v23 =	vadd.s32 v0, v11;
	[tilespmem:v27+s28+$0x0] =	vst.idx.msk $0xffff, v22;
	v25 =	vld [tilespmem:s7+$0x150]  }
0x4f: {  	v15 =	vand.u32 $0xFC, v24;
	v22 =	vadd.s32 v0, v12;
	v27 =	vld [tilespmem:s7+$0x40];
	[tilespmem:v28+s28+$0x0] =	vst.idx.msk $0xffff, v9;
	v9 =	vadd.f32 v29, v4  }
0x50: {  	v17 =	vand.u32 $0xFF, v21;
	v21 =	vld [tilespmem:s7+$0x80];
	v28 =	vadd.s32 v1, v20;
	v13 =	vand.u32 $0xFD, v26;
	[tilespmem:v30+s28+$0x0] =	vst.idx.msk $0xffff, v10  }
0x51: {  	v24 =	vld [tilespmem:s7+$0xC0];
	v10 =	vadd.f32 v31, v4;
	v29 =	vadd.s32 v0, v17;
	[tilespmem:v32+s28+$0x0] =	vst.idx.msk $0xffff, v9;
	v9 =	vand.u32 $0xFE, v34  }
0x52: {  	v26 =	vld [tilespmem:s7+$0x100];
	v30 =	vadd.f32 v33, v4;
	v31 =	vadd.s32 v0, v15;
	v60 =	vadd.s32 v2, v9  }
0x53: {  	v55 =	vld [tilespmem:s7+$0xFFFFFED0];
	[tilespmem:v23+s28+$0x0] =	vst.idx.msk $0xffff, v10;
	v10 =	vadd.s32 v0, v13;
	v23 =	vadd.f32 v25, v5  }
0x54: {  	[tilespmem:v22+s28+$0x0] =	vst.idx.msk $0xffff, v30;
	v22 =	vadd.f32 v27, v4;
	v27 =	vadd.s32 v0, v9;
	v25 =	vld [tilespmem:s7+$0xFFFFFF10]  }
0x55: {  	v56 =	vld [tilespmem:s7+$0xFFFFFF50];
	v30 =	vadd.s32 v1, v19;
	v21 =	vadd.f32 v21, v4;
	[tilespmem:v28+s28+$0x0] =	vst.idx.msk $0xffff, v23  }
0x56: {  	[tilespmem:v29+s28+$0x0] =	vst.idx.msk $0xffff, v22;
	v22 =	vadd.f32 v24, v4;
	v23 =	vadd.s32 v1, v18;
	v24 =	vld [tilespmem:s7+$0x160]  }
0x57: {  	v29 =	vld [tilespmem:s7+$0xFFFFFF90];
	[tilespmem:v31+s28+$0x0] =	vst.idx.msk $0xffff, v21;
	v21 =	vadd.f32 v26, v4;
	v28 =	vadd.s32 v1, v16  }
0x58: {  	v26 =	vadd.f32 v55, v5;
	v31 =	vld [tilespmem:s7+$0xFFFFFFD0];
	[tilespmem:v10+s28+$0x0] =	vst.idx.msk $0xffff, v22;
	v10 =	vadd.s32 v2, v20  }
0x59: {  	v57 =	vld [tilespmem:s7+$0x10];
	[tilespmem:v27+s28+$0x0] =	vst.idx.msk $0xffff, v21;
	v22 =	vadd.f32 v25, v5;
	v25 =	vadd.s32 v1, v14  }
0x5a: {  	[tilespmem:v30+s28+$0x0] =	vst.idx.msk $0xffff, v26;
	v21 =	vadd.f32 v56, v5;
	v26 =	vadd.s32 v1, v11;
	v27 =	vld [tilespmem:s7+$0x50]  }
0x5b: {  	[tilespmem:v23+s28+$0x0] =	vst.idx.msk $0xffff, v22;
	v22 =	vadd.s32 v1, v12;
	v23 =	vld [tilespmem:s7+$0x90];
	v24 =	vadd.f32 v24, v6  }
0x5c: {  	[tilespmem:v28+s28+$0x0] =	vst.idx.msk $0xffff, v21;
	v21 =	vadd.f32 v29, v5;
	v28 =	vadd.s32 v1, v17;
	v29 =	vld [tilespmem:s7+$0xD0]  }
0x5d: {  	v58 =	vld [tilespmem:s7+$0x110];
	v30 =	vadd.f32 v31, v5;
	v31 =	vadd.s32 v1, v15;
	[tilespmem:v10+s28+$0x0] =	vst.idx.msk $0xffff, v24  }
0x5e: {  	[tilespmem:v25+s28+$0x0] =	vst.idx.msk $0xffff, v21;
	v10 =	vadd.f32 v57, v5;
	v21 =	vadd.s32 v1, v13;
	v24 =	vld [tilespmem:s7+$0x170]  }
0x5f: {  	[tilespmem:v26+s28+$0x0] =	vst.idx.msk $0xffff, v30;
	v26 =	vadd.f32 v27, v5;
	v27 =	vadd.s32 v1, v9;
	v25 =	vld [tilespmem:s7+$0xFFFFFE90]  }
0x60: {  	v20 =	vadd.s32 v3, v20;
	v30 =	vld [tilespmem:s7+$0xFFFFFEE0];
	[tilespmem:v22+s28+$0x0] =	vst.idx.msk $0xffff, v10;
	v10 =	vadd.f32 v23, v5  }
0x61: {  	v22 =	vadd.s32 v1, v8;
	v23 =	vld [tilespmem:s7+$0xFFFFFF20];
	[tilespmem:v28+s28+$0x0] =	vst.idx.msk $0xffff, v26;
	v26 =	vadd.f32 v29, v5  }
0x62: {  	v28 =	vadd.s32 v2, v19;
	v29 =	vld [tilespmem:s7+$0xFFFFFF60];
	[tilespmem:v31+s28+$0x0] =	vst.idx.msk $0xffff, v10;
	v10 =	vadd.f32 v58, v5  }
0x63: {  	v59 =	vld [tilespmem:s7+$0xFFFFFFA0];
	v31 =	vadd.s32 v2, v18;
	[tilespmem:v21+s28+$0x0] =	vst.idx.msk $0xffff, v26;
	v21 =	vadd.f32 v24, v7  }
0x64: {  	v26 =	vld [tilespmem:s7+$0xFFFFFFE0];
	v24 =	vadd.f32 v25, v5;
	v25 =	vadd.s32 v2, v16;
	[tilespmem:v27+s28+$0x0] =	vst.idx.msk $0xffff, v10  }
0x65: {  	v10 =	vadd.f32 v30, v6;
	v27 =	vadd.s32 v2, v14;
	v30 =	vld [tilespmem:s7+$0x20];
	[tilespmem:v20+s28+$0x0] =	vst.idx.msk $0xffff, v21  }
0x66: {  	[tilespmem:v22+s28+$0x0] =	vst.idx.msk $0xffff, v24;
	v20 =	vadd.f32 v23, v6;
	v21 =	vadd.s32 v2, v11;
	v22 =	vld [tilespmem:s7+$0x60]  }
0x67: {  	[tilespmem:v28+s28+$0x0] =	vst.idx.msk $0xffff, v10;
	v10 =	vadd.f32 v29, v6;
	v23 =	vadd.s32 v2, v12;
	v24 =	vld [tilespmem:s7+$0xA0]  }
0x68: {  	v28 =	vadd.s32 v2, v17;
	v29 =	vld [tilespmem:s7+$0xE0];
	[tilespmem:v31+s28+$0x0] =	vst.idx.msk $0xffff, v20;
	v20 =	vadd.f32 v59, v6  }
0x69: {  	[tilespmem:v25+s28+$0x0] =	vst.idx.msk $0xffff, v10;
	v10 =	vadd.f32 v26, v6;
	v25 =	vadd.s32 v2, v15;
	v26 =	vld [tilespmem:s7+$0x120]  }
0x6a: {  	v31 =	vld [tilespmem:s7+$0xFFFFFEA0];
	[tilespmem:v27+s28+$0x0] =	vst.idx.msk $0xffff, v20;
	v20 =	vadd.f32 v30, v6;
	v27 =	vadd.s32 v2, v13  }
0x6b: {  	v19 =	vadd.s32 v3, v19;
	v30 =	vld [tilespmem:s7+$0xFFFFFEF0];
	[tilespmem:v21+s28+$0x0] =	vst.idx.msk $0xffff, v10;
	v21 =	vadd.f32 v22, v6  }
0x6c: {  	v18 =	vadd.s32 v3, v18;
	v62 =	vld [tilespmem:s7+$0xFFFFFF30];
	v22 =	vadd.f32 v24, v6;
	[tilespmem:v23+s28+$0x0] =	vst.idx.msk $0xffff, v20  }
0x6d: {  	v17 =	vadd.s32 v3, v17;
	v24 =	vld [tilespmem:s7+$0xFFFFFF70];
	v23 =	vadd.f32 v29, v6;
	[tilespmem:v28+s28+$0x0] =	vst.idx.msk $0xffff, v21  }
0x6e: {  	s15 =	simm.s32 $0xC;
	v13 =	vadd.s32 v3, v13;
	v28 =	vld [tilespmem:s7+$0xFFFFFFB0];
	[tilespmem:v25+s28+$0x0] =	vst.idx.msk $0xffff, v22;
	v25 =	vadd.f32 v26, v6  }
0x6f: {  	v10 =	vmov s15;
	v29 =	vadd.s32 v3, v16;
	v26 =	vadd.f32 v31, v6;
	v31 =	vld [tilespmem:s7+$0xFFFFFFF0];
	[tilespmem:v27+s28+$0x0] =	vst.idx.msk $0xffff, v23  }
0x70: {  	s25 =	simm.s32 $0xD;
	v10 =	vand.u32 $0x7C, v10;
	v16 =	vadd.s32 v3, v11;
	v36 =	vld [tilespmem:s7+$0x30];
	v27 =	vadd.f32 v30, v7;
	[tilespmem:v60+s28+$0x0] =	vst.idx.msk $0xffff, v25  }
0x71: {  	s29 =	simm.s32 $0xE;
	v20 =	vmov s25;
	s25 =	simm.s32 $0x10;
	v11 =	vadd.s32 v3, v12;
	[tilespmem:v61+s28+$0x0] =	vst.idx.msk $0xffff, v26;
	v26 =	vadd.f32 v62, v7;
	v25 =	vld [tilespmem:s7+$0x70]  }
0x72: {  	s24 =	simm.s32 $0xF;
	v21 =	vmov s29;
	v14 =	vmov s25;
	s29 =	simm.s32 $0x11;
	v12 =	vld [tilespmem:s7+$0xB0];
	[tilespmem:v19+s28+$0x0] =	vst.idx.msk $0xffff, v27;
	v19 =	vadd.f32 v24, v7  }
0x73: {  	v22 =	vmov s24;
	s24 =	simm.s32 $0x12;
	v23 =	vmov s29;
	[tilespmem:v18+s28+$0x0] =	vst.idx.msk $0xffff, v26;
	v63 =	vadd.f32 v28, v7;
	v26 =	vld [tilespmem:s7+$0xF0]  }
0x74: {  	s6 =	sshll.u32 s30, $0x2;
	s25 =	simm.s32 $0x13;
	s29 =	simm.s32 $0x14;
	v24 =	vmov s24;
	v27 =	vadd.s32 v3, v15;
	v28 =	vld [tilespmem:s7+$0x130];
	[tilespmem:v29+s28+$0x0] =	vst.idx.msk $0xffff, v19;
	v30 =	vadd.f32 v31, v7  }
0x75: {  	s24 =	simm.s32 $0x18;
	v18 =	vmov s25;
	s25 =	simm.s32 $0x17;
	v19 =	vmov s29;
	v29 =	vld [tilespmem:s7+$0xFFFFFEB0];
	v31 =	vadd.f32 v36, v7;
	s7 =	simm.s32 $0x9A80;
	[tilespmem:v35+s28+$0x0] =	vst.idx.msk $0xffff, v63  }
.LBB2_3:
0x76: {  	p1 =	slt.u32 s24, $0x6C;
	v15 =	vmov s25;
	v32 =	vld [tilespmem:s7+$0x140];
	[tilespmem:v16+s28+$0x0] =	vst.idx.msk $0xffff, v30;
	v16 =	vadd.f32 v25, v7;
	v9 =	vadd.s32 v3, v9  }
0x77: {  	s25 =	sadd.s32 $0x9, s15;
	v30 =	vld [tilespmem:s7+$0xFFFFFE80];
	v25 =	vand.u32 $0xFF, v15;
	v15 =	vadd.s32 v3, v8;
	[tilespmem:v11+s28+$0x0] =	vst.idx.msk $0xffff, v31;
	v11 =	vadd.f32 v12, v7  }
0x78: {  	v31 =	vmov s25;
	v8 =	vmovc v10;
	v12 =	vld [tilespmem:s7+$0xFFFFFEC0];
	v33 =	vadd.s32 v0, v25;
	[tilespmem:v17+s28+$0x0] =	vst.idx.msk $0xffff, v16;
	v26 =	vadd.f32 v26, v7  }
0x79: {  	v10 =	vadd.s32 v0, v8;
	v17 =	vand.u32 $0x7D, v20;
	v20 =	vld [tilespmem:s7+$0xFFFFFF00];
	[tilespmem:v27+s28+$0x0] =	vst.idx.msk $0xffff, v11;
	v11 =	vadd.f32 v28, v7  }
0x7a: {  	v16 =	vand.u32 $0x7E, v21;
	v27 =	vadd.s32 v0, v17;
	v21 =	vld [tilespmem:s7+$0xFFFFFF40];
	v28 =	vadd.f32 v29, v7;
	[tilespmem:v13+s28+$0x0] =	vst.idx.msk $0xffff, v26  }
0x7b: {  	v26 =	vadd.s32 v0, v16;
	v13 =	vand.u32 $0x7F, v22;
	v22 =	vld [tilespmem:s7+$0xFFFFFF80];
	v29 =	vadd.f32 v32, v4;
	[tilespmem:v9+s28+$0x0] =	vst.idx.msk $0xffff, v11  }
0x7c: {  	v14 =	vand.u32 $0xFC, v14;
	v9 =	vadd.f32 v30, v4;
	v30 =	vadd.s32 v0, v13;
	v32 =	vld [tilespmem:s7+$0xFFFFFFC0];
	[tilespmem:v15+s28+$0x0] =	vst.idx.msk $0xffff, v28  }
0x7d: {  	v11 =	vand.u32 $0xFD, v23;
	v28 =	vadd.s32 v0, v14;
	v15 =	vadd.f32 v12, v4;
	v23 =	vld [tilespmem:s7+$0x0];
	[tilespmem:v33+s28+$0x0] =	vst.idx.msk $0xffff, v29  }
0x7e: {  	s25 =	sadd.s32 $0xA, s15;
	s15 =	smov.u32 s24;
	v12 =	vand.u32 $0xFE, v24;
	[tilespmem:v10+s28+$0x0] =	vst.idx.msk $0xffff, v9;
	v9 =	vadd.f32 v20, v4;
	v10 =	vadd.s32 v0, v11;
	v20 =	vld [tilespmem:s7+$0x150]  }
0x7f: {  	[tilespmem:v27+s28+$0x0] =	vst.idx.msk $0xffff, v15;
	v15 =	vadd.f32 v21, v4;
	v21 =	vadd.s32 v0, v12;
	v24 =	vld [tilespmem:s7+$0x40];
	v27 =	vmov s25  }
0x80: {  	v18 =	vand.u32 $0xFF, v18;
	[tilespmem:v26+s28+$0x0] =	vst.idx.msk $0xffff, v9;
	v9 =	vadd.f32 v22, v4;
	v22 =	vld [tilespmem:s7+$0x80];
	v26 =	vadd.s32 v1, v25  }
0x81: {  	v19 =	vand.u32 $0xFC, v19;
	[tilespmem:v30+s28+$0x0] =	vst.idx.msk $0xffff, v15;
	v29 =	vadd.f32 v32, v4;
	v30 =	vadd.s32 v0, v18;
	v32 =	vld [tilespmem:s7+$0xC0]  }
0x82: {  	v15 =	vand.u32 $0xFD, v31;
	[tilespmem:v28+s28+$0x0] =	vst.idx.msk $0xffff, v9;
	v23 =	vadd.f32 v23, v4;
	v28 =	vadd.s32 v0, v19;
	v31 =	vld [tilespmem:s7+$0x100]  }
0x83: {  	v9 =	vand.u32 $0xFE, v27;
	v33 =	vld [tilespmem:s7+$0xFFFFFED0];
	[tilespmem:v10+s28+$0x0] =	vst.idx.msk $0xffff, v29;
	v10 =	vadd.s32 v0, v15;
	v20 =	vadd.f32 v20, v5  }
0x84: {  	v27 =	vld [tilespmem:s7+$0xFFFFFF10];
	[tilespmem:v21+s28+$0x0] =	vst.idx.msk $0xffff, v23;
	v21 =	vadd.f32 v24, v4;
	v23 =	vadd.s32 v0, v9  }
0x85: {  	v24 =	vadd.s32 v1, v17;
	v29 =	vld [tilespmem:s7+$0xFFFFFF50];
	v22 =	vadd.f32 v22, v4;
	[tilespmem:v26+s28+$0x0] =	vst.idx.msk $0xffff, v20  }
0x86: {  	v20 =	vadd.s32 v1, v16;
	[tilespmem:v30+s28+$0x0] =	vst.idx.msk $0xffff, v21;
	v21 =	vadd.f32 v32, v4;
	v26 =	vld [tilespmem:s7+$0x160]  }
0x87: {  	v30 =	vadd.s32 v1, v13;
	v32 =	vld [tilespmem:s7+$0xFFFFFF90];
	[tilespmem:v28+s28+$0x0] =	vst.idx.msk $0xffff, v22;
	v22 =	vadd.f32 v31, v4  }
0x88: {  	v28 =	vadd.f32 v33, v5;
	v31 =	vld [tilespmem:s7+$0xFFFFFFD0];
	[tilespmem:v10+s28+$0x0] =	vst.idx.msk $0xffff, v21;
	v10 =	vadd.s32 v2, v25  }
0x89: {  	v21 =	vadd.f32 v27, v5;
	v27 =	vadd.s32 v1, v14;
	v33 =	vld [tilespmem:s7+$0x10];
	[tilespmem:v23+s28+$0x0] =	vst.idx.msk $0xffff, v22  }
0x8a: {  	v23 =	vadd.s32 v1, v11;
	[tilespmem:v24+s28+$0x0] =	vst.idx.msk $0xffff, v28;
	v22 =	vadd.f32 v29, v5;
	v24 =	vld [tilespmem:s7+$0x50]  }
0x8b: {  	[tilespmem:v20+s28+$0x0] =	vst.idx.msk $0xffff, v21;
	v20 =	vadd.s32 v1, v12;
	v21 =	vld [tilespmem:s7+$0x90];
	v26 =	vadd.f32 v26, v6  }
0x8c: {  	v28 =	vadd.s32 v1, v18;
	[tilespmem:v30+s28+$0x0] =	vst.idx.msk $0xffff, v22;
	v22 =	vadd.f32 v32, v5;
	v29 =	vld [tilespmem:s7+$0xD0]  }
0x8d: {  	v30 =	vadd.f32 v31, v5;
	v31 =	vadd.s32 v1, v19;
	v32 =	vld [tilespmem:s7+$0x110];
	[tilespmem:v10+s28+$0x0] =	vst.idx.msk $0xffff, v26  }
0x8e: {  	[tilespmem:v27+s28+$0x0] =	vst.idx.msk $0xffff, v22;
	v10 =	vadd.f32 v33, v5;
	v22 =	vadd.s32 v1, v15;
	v26 =	vld [tilespmem:s7+$0x170]  }
0x8f: {  	v27 =	vld [tilespmem:s7+$0xFFFFFE90];
	[tilespmem:v23+s28+$0x0] =	vst.idx.msk $0xffff, v30;
	v23 =	vadd.f32 v24, v5;
	v24 =	vadd.s32 v1, v9  }
0x90: {  	v30 =	vld [tilespmem:s7+$0xFFFFFEE0];
	[tilespmem:v20+s28+$0x0] =	vst.idx.msk $0xffff, v10;
	v10 =	vadd.f32 v21, v5;
	v20 =	vadd.s32 v3, v25  }
0x91: {  	v21 =	vadd.s32 v1, v8;
	v25 =	vld [tilespmem:s7+$0xFFFFFF20];
	[tilespmem:v28+s28+$0x0] =	vst.idx.msk $0xffff, v23;
	v23 =	vadd.f32 v29, v5  }
0x92: {  	v28 =	vadd.s32 v2, v17;
	v29 =	vld [tilespmem:s7+$0xFFFFFF60];
	[tilespmem:v31+s28+$0x0] =	vst.idx.msk $0xffff, v10;
	v10 =	vadd.f32 v32, v5  }
0x93: {  	v31 =	vadd.s32 v2, v16;
	v32 =	vld [tilespmem:s7+$0xFFFFFFA0];
	[tilespmem:v22+s28+$0x0] =	vst.idx.msk $0xffff, v23;
	v22 =	vadd.f32 v26, v7  }
0x94: {  	v26 =	vadd.s32 v2, v13;
	v23 =	vadd.f32 v27, v5;
	v27 =	vld [tilespmem:s7+$0xFFFFFFE0];
	[tilespmem:v24+s28+$0x0] =	vst.idx.msk $0xffff, v10  }
0x95: {  	v24 =	vadd.s32 v2, v14;
	v10 =	vadd.f32 v30, v6;
	v30 =	vld [tilespmem:s7+$0x20];
	[tilespmem:v20+s28+$0x0] =	vst.idx.msk $0xffff, v22  }
0x96: {  	[tilespmem:v21+s28+$0x0] =	vst.idx.msk $0xffff, v23;
	v20 =	vadd.f32 v25, v6;
	v21 =	vadd.s32 v2, v11;
	v22 =	vld [tilespmem:s7+$0x60]  }
0x97: {  	v23 =	vadd.s32 v2, v12;
	[tilespmem:v28+s28+$0x0] =	vst.idx.msk $0xffff, v10;
	v10 =	vadd.f32 v29, v6;
	v25 =	vld [tilespmem:s7+$0xA0]  }
0x98: {  	v28 =	vadd.s32 v2, v18;
	[tilespmem:v31+s28+$0x0] =	vst.idx.msk $0xffff, v20;
	v20 =	vadd.f32 v32, v6;
	v29 =	vld [tilespmem:s7+$0xE0]  }
0x99: {  	[tilespmem:v26+s28+$0x0] =	vst.idx.msk $0xffff, v10;
	v10 =	vadd.f32 v27, v6;
	v26 =	vadd.s32 v2, v19;
	v27 =	vld [tilespmem:s7+$0x120]  }
0x9a: {  	v31 =	vld [tilespmem:s7+$0xFFFFFEA0];
	[tilespmem:v24+s28+$0x0] =	vst.idx.msk $0xffff, v20;
	v20 =	vadd.f32 v30, v6;
	v24 =	vadd.s32 v2, v15  }
0x9b: {  	v32 =	vadd.s32 v2, v9;
	v30 =	vld [tilespmem:s7+$0xFFFFFEF0];
	[tilespmem:v21+s28+$0x0] =	vst.idx.msk $0xffff, v10;
	v21 =	vadd.f32 v22, v6  }
0x9c: {  	v33 =	vadd.s32 v2, v8;
	v10 =	vmov s24;
	v34 =	vld [tilespmem:s7+$0xFFFFFF30];
	[tilespmem:v23+s28+$0x0] =	vst.idx.msk $0xffff, v20;
	v22 =	vadd.f32 v25, v6  }
0x9d: {  	s25 =	sadd.s32 $0x1, s24;
	v17 =	vadd.s32 v3, v17;
	v10 =	vand.u32 $0x7C, v10;
	v35 =	vld [tilespmem:s7+$0xFFFFFF70];
	[tilespmem:v28+s28+$0x0] =	vst.idx.msk $0xffff, v21;
	v23 =	vadd.f32 v29, v6  }
0x9e: {  	v20 =	vmov s25;
	s25 =	sadd.s32 $0x2, s24;
	v28 =	vadd.s32 v3, v16;
	v29 =	vld [tilespmem:s7+$0xFFFFFFB0];
	[tilespmem:v26+s28+$0x0] =	vst.idx.msk $0xffff, v22;
	v16 =	vadd.f32 v27, v6  }
0x9f: {  	v13 =	vadd.s32 v3, v13;
	v21 =	vmov s25;
	s25 =	sadd.s32 $0x3, s24;
	v25 =	vadd.f32 v31, v6;
	v27 =	vld [tilespmem:s7+$0xFFFFFFF0];
	[tilespmem:v24+s28+$0x0] =	vst.idx.msk $0xffff, v23  }
0xa0: {  	v22 =	vmov s25;
	s25 =	sadd.s32 $0x4, s24;
	v31 =	vadd.s32 v3, v14;
	v24 =	vadd.f32 v30, v7;
	v36 =	vld [tilespmem:s7+$0x30];
	[tilespmem:v32+s28+$0x0] =	vst.idx.msk $0xffff, v16  }
.Ltmp0:
0xa1: {  	v14 =	vmov s25;
	s25 =	sadd.s32 $0x5, s24;
	v16 =	vadd.s32 v3, v11;
	[tilespmem:v33+s28+$0x0] =	vst.idx.msk $0xffff, v25;
	v26 =	vadd.f32 v34, v7;
	v25 =	vld [tilespmem:s7+$0x70];
	(pc) =	sbr.rel @p1 .LBB2_3-.Ltmp0, $4  }
0xa2: {  	v23 =	vmov s25;
	s25 =	sadd.s32 $0x6, s24;
	v11 =	vadd.s32 v3, v12;
	[tilespmem:v17+s28+$0x0] =	vst.idx.msk $0xffff, v24;
	v30 =	vadd.f32 v35, v7;
	v12 =	vld [tilespmem:s7+$0xB0]  }
0xa3: {  	v24 =	vmov s25;
	s25 =	sadd.s32 $0x7, s24;
	v17 =	vadd.s32 v3, v18;
	[tilespmem:v28+s28+$0x0] =	vst.idx.msk $0xffff, v26;
	v32 =	vadd.f32 v29, v7;
	v26 =	vld [tilespmem:s7+$0xF0]  }
0xa4: {  	v18 =	vmov s25;
	s25 =	sadd.s32 $0x8, s24;
	[tilespmem:v13+s28+$0x0] =	vst.idx.msk $0xffff, v30;
	v30 =	vadd.f32 v27, v7;
	v27 =	vadd.s32 v3, v19;
	v28 =	vld [tilespmem:s7+$0x130]  }
0xa5: {  	s24 =	sadd.s32 $0xC, s24;
	v19 =	vmov s25;
	s25 =	sadd.s32 $0xB, s15;
	v13 =	vadd.s32 v3, v15;
	v29 =	vld [tilespmem:s7+$0xFFFFFEB0];
	[tilespmem:v31+s28+$0x0] =	vst.idx.msk $0xffff, v32;
	v31 =	vadd.f32 v36, v7;
	s7 =	sadd.s32 $0x300, s7  }
0xa6: {  	_ =	sdelay $0x3  }
0xa7: {  	v15 =	vmov s25;
	[tilespmem:v16+s28+$0x0] =	vst.idx.msk $0xffff, v30  }
0xa8: {  	v32 =	vld [tilespmem:s7+$0x140];
	v47 =	vadd.f32 v25, v7;
	v48 =	vadd.s32 v3, v9;
	v50 =	vadd.s32 v3, v8  }
0xa9: {  	v49 =	vld [tilespmem:s7+$0xFFFFFE80];
	v54 =	vadd.s32 v0, v10;
	v33 =	vand.u32 $0xFF, v15;
	[tilespmem:v11+s28+$0x0] =	vst.idx.msk $0xffff, v31;
	v51 =	vadd.f32 v12, v7  }
0xaa: {  	v52 =	vld [tilespmem:s7+$0xFFFFFEC0];
	v8 =	vand.u32 $0x7D, v20;
	v35 =	vadd.s32 v0, v33;
	[tilespmem:v17+s28+$0x0] =	vst.idx.msk $0xffff, v47;
	v53 =	vadd.f32 v26, v7  }
0xab: {  	s24 =	sadd.s32 $0x9, s15;
	v55 =	vld [tilespmem:s7+$0xFFFFFF00];
	v9 =	vand.u32 $0x7E, v21;
	v16 =	vand.u32 $0xFC, v19;
	[tilespmem:v27+s28+$0x0] =	vst.idx.msk $0xffff, v51;
	v56 =	vadd.f32 v28, v7  }
0xac: {  	v57 =	vld [tilespmem:s7+$0xFFFFFF40];
	v34 =	vmov s24;
	v20 =	vadd.s32 v0, v8;
	v58 =	vadd.f32 v29, v7;
	[tilespmem:v13+s28+$0x0] =	vst.idx.msk $0xffff, v53  }
0xad: {  	v60 =	vld [tilespmem:s7+$0xFFFFFF80];
	v59 =	vadd.s32 v0, v9;
	v11 =	vand.u32 $0x7F, v22;
	v61 =	vadd.f32 v32, v4;
	[tilespmem:v48+s28+$0x0] =	vst.idx.msk $0xffff, v56  }
0xae: {  	v39 =	vld [tilespmem:s7+$0x0];
	v12 =	vand.u32 $0xFC, v14;
	v63 =	vadd.s32 v0, v11;
	v62 =	vadd.f32 v49, v4;
	[tilespmem:v50+s28+$0x0] =	vst.idx.msk $0xffff, v58  }
0xaf: {  	s29 =	sadd.s32 $0xA, s15;
	v14 =	vand.u32 $0xFE, v24;
	v38 =	vadd.s32 v0, v12;
	v47 =	vld [tilespmem:s7+$0x80];
	v37 =	vadd.f32 v52, v4;
	[tilespmem:v35+s28+$0x0] =	vst.idx.msk $0xffff, v61  }
0xb0: {  	v36 =	vld [tilespmem:s7+$0xFFFFFFC0];
	v46 =	vmov s29;
	v44 =	vadd.s32 v0, v14;
	v40 =	vadd.f32 v55, v4;
	[tilespmem:v54+s28+$0x0] =	vst.idx.msk $0xffff, v62  }
0xb1: {  	v51 =	vld [tilespmem:s7+$0xC0];
	v13 =	vand.u32 $0xFD, v23;
	v53 =	vadd.s32 v0, v16;
	v43 =	vadd.f32 v57, v4;
	[tilespmem:v20+s28+$0x0] =	vst.idx.msk $0xffff, v37  }
0xb2: {  	v45 =	vld [tilespmem:s7+$0x40];
	v17 =	vand.u32 $0xFD, v34;
	v41 =	vadd.s32 v0, v13;
	v22 =	vadd.f32 v60, v4;
	[tilespmem:v59+s28+$0x0] =	vst.idx.msk $0xffff, v40  }
0xb3: {  	v15 =	vand.u32 $0xFF, v18;
	v52 =	vadd.f32 v39, v4;
	v56 =	vadd.s32 v0, v17;
	[tilespmem:v63+s28+$0x0] =	vst.idx.msk $0xffff, v43;
	v54 =	vld [tilespmem:s7+$0x100]  }
0xb4: {  	v18 =	vand.u32 $0xFE, v46;
	v50 =	vadd.s32 v0, v15;
	[tilespmem:v38+s28+$0x0] =	vst.idx.msk $0xffff, v22;
	v27 =	vadd.f32 v47, v4;
	v42 =	vld [tilespmem:s7+$0x150]  }
0xb5: {  	v49 =	vadd.f32 v36, v4;
	[tilespmem:v44+s28+$0x0] =	vst.idx.msk $0xffff, v52;
	v59 =	vadd.s32 v0, v18;
	v55 =	vld [tilespmem:s7+$0xFFFFFED0]  }
0xb6: {  	v48 =	vadd.s32 v1, v33;
	v57 =	vld [tilespmem:s7+$0xFFFFFF10];
	v19 =	vadd.f32 v51, v4;
	[tilespmem:v53+s28+$0x0] =	vst.idx.msk $0xffff, v27  }
0xb7: {  	v60 =	vadd.s32 v1, v8;
	v58 =	vadd.f32 v45, v4;
	v61 =	vld [tilespmem:s7+$0xFFFFFF50];
	[tilespmem:v41+s28+$0x0] =	vst.idx.msk $0xffff, v49  }
0xb8: {  	v62 =	vadd.s32 v1, v9;
	v35 =	vld [tilespmem:s7+$0xFFFFFF90];
	[tilespmem:v56+s28+$0x0] =	vst.idx.msk $0xffff, v19;
	v36 =	vadd.f32 v54, v4  }
0xb9: {  	v34 =	vadd.s32 v1, v11;
	v47 =	vld [tilespmem:s7+$0x90];
	[tilespmem:v50+s28+$0x0] =	vst.idx.msk $0xffff, v58;
	v24 =	vadd.f32 v42, v5  }
0xba: {  	v41 =	vadd.s32 v1, v12;
	v38 =	vld [tilespmem:s7+$0xFFFFFFD0];
	v37 =	vadd.f32 v55, v5;
	[tilespmem:v59+s28+$0x0] =	vst.idx.msk $0xffff, v36  }
0xbb: {  	v51 =	vadd.s32 v1, v16;
	v50 =	vld [tilespmem:s7+$0xD0];
	v40 =	vadd.f32 v57, v5;
	[tilespmem:v48+s28+$0x0] =	vst.idx.msk $0xffff, v24  }
0xbc: {  	v44 =	vadd.s32 v1, v13;
	v45 =	vld [tilespmem:s7+$0x50];
	v43 =	vadd.f32 v61, v5;
	[tilespmem:v60+s28+$0x0] =	vst.idx.msk $0xffff, v37  }
0xbd: {  	v54 =	vadd.s32 v1, v17;
	v42 =	vld [tilespmem:s7+$0x10];
	[tilespmem:v62+s28+$0x0] =	vst.idx.msk $0xffff, v40;
	v48 =	vadd.f32 v35, v5  }
0xbe: {  	v49 =	vadd.s32 v1, v15;
	v56 =	vld [tilespmem:s7+$0xFFFFFE90];
	[tilespmem:v34+s28+$0x0] =	vst.idx.msk $0xffff, v43;
	v60 =	vadd.f32 v47, v5  }
0xbf: {  	v46 =	vadd.s32 v1, v14;
	v63 =	vld [tilespmem:s7+$0x160];
	v27 =	vadd.f32 v38, v5;
	[tilespmem:v41+s28+$0x0] =	vst.idx.msk $0xffff, v48  }
0xc0: {  	v62 =	vadd.s32 v1, v10;
	v59 =	vld [tilespmem:s7+$0xFFFFFEE0];
	v36 =	vadd.f32 v50, v5;
	[tilespmem:v51+s28+$0x0] =	vst.idx.msk $0xffff, v60  }
0xc1: {  	v39 =	vadd.s32 v2, v33;
	v52 =	vld [tilespmem:s7+$0x110];
	v57 =	vadd.f32 v45, v5;
	[tilespmem:v44+s28+$0x0] =	vst.idx.msk $0xffff, v27  }
0xc2: {  	v37 =	vadd.s32 v2, v8;
	v38 =	vld [tilespmem:s7+$0xFFFFFF60];
	v53 =	vadd.f32 v42, v5;
	[tilespmem:v54+s28+$0x0] =	vst.idx.msk $0xffff, v36  }
0xc3: {  	v58 =	vadd.s32 v1, v18;
	v43 =	vadd.f32 v56, v5;
	[tilespmem:v49+s28+$0x0] =	vst.idx.msk $0xffff, v57;
	v45 =	vld [tilespmem:s7+$0xFFFFFFE0]  }
0xc4: {  	v44 =	vadd.s32 v2, v11;
	[tilespmem:v46+s28+$0x0] =	vst.idx.msk $0xffff, v53;
	v51 =	vld [tilespmem:s7+$0x60];
	v20 =	vadd.f32 v63, v6  }
0xc5: {  	v50 =	vadd.s32 v2, v13;
	[tilespmem:v62+s28+$0x0] =	vst.idx.msk $0xffff, v43;
	v63 =	vld [tilespmem:s7+$0xFFFFFF20];
	v46 =	vadd.f32 v59, v6  }
0xc6: {  	v56 =	vadd.s32 v2, v15;
	v48 =	vld [tilespmem:s7+$0x20];
	[tilespmem:v39+s28+$0x0] =	vst.idx.msk $0xffff, v20;
	v39 =	vadd.f32 v52, v5  }
0xc7: {  	v40 =	vadd.s32 v2, v9;
	[tilespmem:v37+s28+$0x0] =	vst.idx.msk $0xffff, v46;
	v52 =	vadd.f32 v38, v6;
	v55 =	vld [tilespmem:s7+$0x170]  }
0xc8: {  	v41 =	vld [tilespmem:s7+$0xFFFFFFA0];
	v53 =	vadd.s32 v2, v14;
	[tilespmem:v58+s28+$0x0] =	vst.idx.msk $0xffff, v39;
	v58 =	vadd.f32 v45, v6  }
0xc9: {  	v61 =	vadd.s32 v3, v33;
	v54 =	vld [tilespmem:s7+$0xA0];
	[tilespmem:v44+s28+$0x0] =	vst.idx.msk $0xffff, v52;
	v37 =	vadd.f32 v51, v6  }
0xca: {  	v47 =	vadd.s32 v2, v12;
	v57 =	vld [tilespmem:s7+$0xE0];
	v49 =	vadd.f32 v63, v6;
	[tilespmem:v50+s28+$0x0] =	vst.idx.msk $0xffff, v58  }
0xcb: {  	v59 =	vadd.s32 v2, v16;
	v36 =	vld [tilespmem:s7+$0xFFFFFEF0];
	v62 =	vadd.f32 v48, v6;
	[tilespmem:v56+s28+$0x0] =	vst.idx.msk $0xffff, v37  }
0xcc: {  	v60 =	vld [tilespmem:s7+$0x120];
	v63 =	vadd.s32 v2, v17;
	[tilespmem:v40+s28+$0x0] =	vst.idx.msk $0xffff, v49;
	v42 =	vadd.f32 v55, v7  }
0xcd: {  	v8 =	vadd.s32 v3, v8;
	[tilespmem:v53+s28+$0x0] =	vst.idx.msk $0xffff, v62;
	v55 =	vadd.f32 v41, v6;
	v40 =	vld [tilespmem:s7+$0xFFFFFF30]  }
0xce: {  	v38 =	vadd.s32 v2, v18;
	v41 =	vadd.f32 v54, v6;
	v49 =	vld [tilespmem:s7+$0x30];
	[tilespmem:v61+s28+$0x0] =	vst.idx.msk $0xffff, v42  }
0xcf: {  	v9 =	vadd.s32 v3, v9;
	v43 =	vadd.f32 v57, v6;
	v61 =	vld [tilespmem:s7+$0xFFFFFEA0];
	[tilespmem:v47+s28+$0x0] =	vst.idx.msk $0xffff, v55  }
0xd0: {  	v14 =	vadd.s32 v3, v14;
	v48 =	vadd.f32 v36, v7;
	v42 =	vld [tilespmem:s7+$0xFFFFFF70];
	[tilespmem:v59+s28+$0x0] =	vst.idx.msk $0xffff, v41  }
0xd1: {  	v39 =	vadd.s32 v2, v10;
	v45 =	vadd.f32 v60, v6;
	[tilespmem:v63+s28+$0x0] =	vst.idx.msk $0xffff, v43;
	v44 =	vld [tilespmem:s7+$0xFFFFFFB0]  }
0xd2: {  	v11 =	vadd.s32 v3, v11;
	v47 =	vld [tilespmem:s7+$0xFFFFFFF0];
	[tilespmem:v8+s28+$0x0] =	vst.idx.msk $0xffff, v48;
	v50 =	vadd.f32 v40, v7  }
0xd3: {  	v12 =	vadd.s32 v3, v12;
	v52 =	vld [tilespmem:s7+$0xB0];
	[tilespmem:v38+s28+$0x0] =	vst.idx.msk $0xffff, v45;
	v57 =	vadd.f32 v49, v7  }
0xd4: {  	v13 =	vadd.s32 v3, v13;
	v51 =	vld [tilespmem:s7+$0x70];
	v46 =	vadd.f32 v61, v6;
	[tilespmem:v9+s28+$0x0] =	vst.idx.msk $0xffff, v50  }
0xd5: {  	v55 =	vadd.s32 v3, v16;
	v56 =	vld [tilespmem:s7+$0x130];
	v8 =	vadd.f32 v42, v7;
	[tilespmem:v14+s28+$0x0] =	vst.idx.msk $0xffff, v57  }
0xd6: {  	v15 =	vadd.s32 v3, v15;
	v54 =	vld [tilespmem:s7+$0xF0];
	v53 =	vadd.f32 v44, v7;
	[tilespmem:v39+s28+$0x0] =	vst.idx.msk $0xffff, v46  }
0xd7: {  	v59 =	vadd.s32 v3, v18;
	[tilespmem:v11+s28+$0x0] =	vst.idx.msk $0xffff, v8;
	v8 =	vadd.f32 v47, v7;
	v22 =	vld [tilespmem:s7+$0xFFFFFEB0]  }
0xd8: {  	v58 =	vadd.s32 v3, v17;
	v61 =	vadd.f32 v52, v7;
	[tilespmem:v12+s28+$0x0] =	vst.idx.msk $0xffff, v53  }
0xd9: {  	v60 =	vadd.s32 v3, v10;
	[tilespmem:v13+s28+$0x0] =	vst.idx.msk $0xffff, v8;
	v8 =	vadd.f32 v51, v7  }
0xda: {  	[tilespmem:v55+s28+$0x0] =	vst.idx.msk $0xffff, v61;
	v62 =	vadd.f32 v56, v7  }
0xdb: {  	[tilespmem:v15+s28+$0x0] =	vst.idx.msk $0xffff, v8;
	v8 =	vadd.f32 v54, v7  }
0xdc: {  	[tilespmem:v59+s28+$0x0] =	vst.idx.msk $0xffff, v62;
	v63 =	vadd.f32 v22, v7  }
0xdd: {  	[tilespmem:v58+s28+$0x0] =	vst.idx.msk $0xffff, v8  }
0xde: {  	s15 =	simm.s32 $0xB430;
	s7 =	simm.s32 $0x78;
	[tilespmem:v60+s28+$0x0] =	vst.idx.msk $0xffff, v63  }
.LBB2_5:
0xdf: {  	v8 =	vmov s7;
	v9 =	vld [tilespmem:s15+$0xFFFFFFD0]  }
0xe0: {  	v8 =	vand.u32 $0x7F, v8  }
0xe1: {  	v10 =	vadd.s32 v0, v8;
	_ =	sdelay $0x2  }
0xe2: {  	v9 =	vadd.f32 v9, v4;
	_ =	sdelay $0x1  }
0xe3: {  	[tilespmem:v10+s28+$0x0] =	vst.idx.msk $0xffff, v9  }
0xe4: {  	v9 =	vld [tilespmem:s15+$0xFFFFFFE0];
	_ =	sdelay $0x1  }
0xe5: {  	v62 =	vadd.s32 v1, v8;
	_ =	sdelay $0x2  }
0xe6: {  	v9 =	vadd.f32 v9, v5;
	_ =	sdelay $0x1  }
0xe7: {  	[tilespmem:v62+s28+$0x0] =	vst.idx.msk $0xffff, v9  }
0xe8: {  	v9 =	vld [tilespmem:s15+$0xFFFFFFF0];
	_ =	sdelay $0x1  }
0xe9: {  	v63 =	vadd.s32 v2, v8;
	_ =	sdelay $0x2  }
0xea: {  	v9 =	vadd.f32 v9, v6;
	_ =	sdelay $0x1  }
0xeb: {  	[tilespmem:v63+s28+$0x0] =	vst.idx.msk $0xffff, v9  }
0xec: {  	v9 =	vld [tilespmem:s15+$0x0];
	_ =	sdelay $0x1  }
0xed: {  	p1 =	sne.s32 s7, $0x7F;
	v8 =	vadd.s32 v3, v8  }
.Ltmp1:
0xee: {  	_ = 	snop;
	(pc) =	sbr.rel @p1 .LBB2_5-.Ltmp1, $3  }
0xef: {  	_ = 	snop  }
0xf0: {  	v9 =	vadd.f32 v9, v7;
	_ =	sdelay $0x1  }
0xf1: {  	s7 =	sadd.s32 $0x1, s7;
	s15 =	sadd.s32 $0x40, s15;
	[tilespmem:v8+s28+$0x0] =	vst.idx.msk $0xffff, v9  }
0xf2: {  	s7 =	sshll.u32 s30, $0x14  }
0xf3: {  	s7 =	sor.u32 s5, s7  }
0xf4: {  	s7 =	sshrl.u32 s7, $0x3  }
0xf5: {  	s15 =	sadd.s32 s1, s7  }
0xf6: {  	[hbm4b:s15+s3] =	stream.linear.scatter [tilespmem:s28], [sflag:$0x5], $0x80, $0x38;
	[tilespmem:$0x19E00] =	vst v63  }
0xf7: {  	s25 =	simm.s32 $0x11688;
	s24 =	sadd.s32 $0x10, s15  }
0xf8: {  	[hbm4b:s24+s3] =	stream.linear.scatter [tilespmem:s25], [sflag:$0x5], $0x80, $0x38;
	[tilespmem:$0x19E00] =	vst v63  }
0xf9: {  	s29 =	simm.s32 $0x11710;
	s25 =	sadd.s32 $0x20, s15  }
0xfa: {  	[hbm4b:s25+s3] =	stream.linear.scatter [tilespmem:s29], [sflag:$0x5], $0x80, $0x38;
	[tilespmem:$0x19E00] =	vst v63  }
0xfb: {  	s25 =	sadd.s32 $0x30, s15;
	s29 =	simm.s32 $0x11798  }
0xfc: {  	[hbm4b:s25+s3] =	stream.linear.scatter [tilespmem:s29], [sflag:$0x5], $0x80, $0x38;
	[tilespmem:$0x19E00] =	vst v63  }
0xfd: {  	s25 =	sadd.s32 $0x40, s15;
	s29 =	simm.s32 $0x11820  }
0xfe: {  	[hbm4b:s25+s3] =	stream.linear.scatter [tilespmem:s29], [sflag:$0x5], $0x80, $0x38;
	[tilespmem:$0x19E00] =	vst v63  }
0xff: {  	s25 =	sadd.s32 $0x50, s15;
	s29 =	simm.s32 $0x118A8  }
0x100: {  	[hbm4b:s25+s3] =	stream.linear.scatter [tilespmem:s29], [sflag:$0x5], $0x80, $0x38;
	[tilespmem:$0x19E00] =	vst v63  }
0x101: {  	s25 =	sadd.s32 $0x60, s15;
	s29 =	simm.s32 $0x11930  }
0x102: {  	[hbm4b:s25+s3] =	stream.linear.scatter [tilespmem:s29], [sflag:$0x5], $0x80, $0x38;
	[tilespmem:$0x19E00] =	vst v63  }
0x103: {  	s15 =	sadd.s32 $0x70, s15;
	s25 =	simm.s32 $0x119B8  }
0x104: {  	[hbm4b:s15+s3] =	stream.linear.scatter [tilespmem:s25], [sflag:$0x5], $0x80, $0x38;
	[tilespmem:$0x19E00] =	vst v63  }
0x105: {  	s29 =	simm.s32 $0x11A40;
	s15 =	sadd.s32 s7, s8  }
0x106: {  	[hbm4b:s15+s3] =	stream.linear.scatter [tilespmem:s29], [sflag:$0x5], $0x80, $0x38;
	[tilespmem:$0x19E00] =	vst v63  }
0x107: {  	s25 =	sadd.s32 $0x10, s15;
	s29 =	simm.s32 $0x11AC8  }
0x108: {  	[hbm4b:s25+s3] =	stream.linear.scatter [tilespmem:s29], [sflag:$0x5], $0x80, $0x38;
	[tilespmem:$0x19E00] =	vst v63  }
0x109: {  	s25 =	sadd.s32 $0x20, s15;
	s29 =	simm.s32 $0x11B50  }
0x10a: {  	[hbm4b:s25+s3] =	stream.linear.scatter [tilespmem:s29], [sflag:$0x5], $0x80, $0x38;
	[tilespmem:$0x19E00] =	vst v63  }
0x10b: {  	s25 =	sadd.s32 $0x30, s15;
	s29 =	simm.s32 $0x11BD8  }
0x10c: {  	[hbm4b:s25+s3] =	stream.linear.scatter [tilespmem:s29], [sflag:$0x5], $0x80, $0x38;
	[tilespmem:$0x19E00] =	vst v63  }
0x10d: {  	s25 =	sadd.s32 $0x40, s15;
	s29 =	simm.s32 $0x11C60  }
0x10e: {  	[hbm4b:s25+s3] =	stream.linear.scatter [tilespmem:s29], [sflag:$0x5], $0x80, $0x38;
	[tilespmem:$0x19E00] =	vst v63  }
0x10f: {  	s25 =	sadd.s32 $0x50, s15;
	s29 =	simm.s32 $0x11CE8  }
0x110: {  	[hbm4b:s25+s3] =	stream.linear.scatter [tilespmem:s29], [sflag:$0x5], $0x80, $0x38;
	[tilespmem:$0x19E00] =	vst v63  }
0x111: {  	s25 =	sadd.s32 $0x60, s15;
	s29 =	simm.s32 $0x11D70  }
0x112: {  	[hbm4b:s25+s3] =	stream.linear.scatter [tilespmem:s29], [sflag:$0x5], $0x80, $0x38;
	[tilespmem:$0x19E00] =	vst v63  }
0x113: {  	s15 =	sadd.s32 $0x70, s15;
	s25 =	simm.s32 $0x11DF8  }
0x114: {  	[hbm4b:s15+s3] =	stream.linear.scatter [tilespmem:s25], [sflag:$0x5], $0x80, $0x38;
	[tilespmem:$0x19E00] =	vst v63  }
0x115: {  	s29 =	simm.s32 $0x11E80;
	s15 =	sadd.s32 s7, s9  }
0x116: {  	[hbm4b:s15+s3] =	stream.linear.scatter [tilespmem:s29], [sflag:$0x5], $0x80, $0x38;
	[tilespmem:$0x19E00] =	vst v63  }
0x117: {  	s25 =	sadd.s32 $0x10, s15;
	s29 =	simm.s32 $0x11F08  }
0x118: {  	[hbm4b:s25+s3] =	stream.linear.scatter [tilespmem:s29], [sflag:$0x5], $0x80, $0x38;
	[tilespmem:$0x19E00] =	vst v63  }
0x119: {  	s25 =	sadd.s32 $0x20, s15;
	s29 =	simm.s32 $0x11F90  }
0x11a: {  	[hbm4b:s25+s3] =	stream.linear.scatter [tilespmem:s29], [sflag:$0x5], $0x80, $0x38;
	[tilespmem:$0x19E00] =	vst v63  }
0x11b: {  	s25 =	sadd.s32 $0x30, s15;
	s29 =	simm.s32 $0x12018  }
0x11c: {  	[hbm4b:s25+s3] =	stream.linear.scatter [tilespmem:s29], [sflag:$0x5], $0x80, $0x38;
	[tilespmem:$0x19E00] =	vst v63  }
0x11d: {  	s25 =	sadd.s32 $0x40, s15;
	s29 =	simm.s32 $0x120A0  }
0x11e: {  	[hbm4b:s25+s3] =	stream.linear.scatter [tilespmem:s29], [sflag:$0x5], $0x80, $0x38;
	[tilespmem:$0x19E00] =	vst v63  }
0x11f: {  	s25 =	sadd.s32 $0x50, s15;
	s29 =	simm.s32 $0x12128  }
0x120: {  	[hbm4b:s25+s3] =	stream.linear.scatter [tilespmem:s29], [sflag:$0x5], $0x80, $0x38;
	[tilespmem:$0x19E00] =	vst v63  }
0x121: {  	s25 =	sadd.s32 $0x60, s15;
	s29 =	simm.s32 $0x121B0  }
0x122: {  	[hbm4b:s25+s3] =	stream.linear.scatter [tilespmem:s29], [sflag:$0x5], $0x80, $0x38;
	[tilespmem:$0x19E00] =	vst v63  }
0x123: {  	s15 =	sadd.s32 $0x70, s15;
	s25 =	simm.s32 $0x12238  }
0x124: {  	[hbm4b:s15+s3] =	stream.linear.scatter [tilespmem:s25], [sflag:$0x5], $0x80, $0x38;
	[tilespmem:$0x19E00] =	vst v63  }
0x125: {  	s29 =	simm.s32 $0x122C0;
	s15 =	sadd.s32 s7, s10  }
0x126: {  	[hbm4b:s15+s3] =	stream.linear.scatter [tilespmem:s29], [sflag:$0x5], $0x80, $0x38;
	[tilespmem:$0x19E00] =	vst v63  }
0x127: {  	s25 =	sadd.s32 $0x10, s15;
	s29 =	simm.s32 $0x12348  }
0x128: {  	[hbm4b:s25+s3] =	stream.linear.scatter [tilespmem:s29], [sflag:$0x5], $0x80, $0x38;
	[tilespmem:$0x19E00] =	vst v63  }
0x129: {  	s25 =	sadd.s32 $0x20, s15;
	s29 =	simm.s32 $0x123D0  }
0x12a: {  	[hbm4b:s25+s3] =	stream.linear.scatter [tilespmem:s29], [sflag:$0x5], $0x80, $0x38;
	[tilespmem:$0x19E00] =	vst v63  }
0x12b: {  	s25 =	sadd.s32 $0x30, s15;
	s29 =	simm.s32 $0x12458  }
0x12c: {  	[hbm4b:s25+s3] =	stream.linear.scatter [tilespmem:s29], [sflag:$0x5], $0x80, $0x38;
	[tilespmem:$0x19E00] =	vst v63  }
0x12d: {  	s25 =	sadd.s32 $0x40, s15;
	s29 =	simm.s32 $0x124E0  }
0x12e: {  	[hbm4b:s25+s3] =	stream.linear.scatter [tilespmem:s29], [sflag:$0x5], $0x80, $0x38;
	[tilespmem:$0x19E00] =	vst v63  }
0x12f: {  	s25 =	sadd.s32 $0x50, s15;
	s29 =	simm.s32 $0x12568  }
0x130: {  	[hbm4b:s25+s3] =	stream.linear.scatter [tilespmem:s29], [sflag:$0x5], $0x80, $0x38;
	[tilespmem:$0x19E00] =	vst v63  }
0x131: {  	s25 =	sadd.s32 $0x60, s15;
	s29 =	simm.s32 $0x125F0  }
0x132: {  	[hbm4b:s25+s3] =	stream.linear.scatter [tilespmem:s29], [sflag:$0x5], $0x80, $0x38;
	[tilespmem:$0x19E00] =	vst v63  }
0x133: {  	s15 =	sadd.s32 $0x70, s15;
	s25 =	simm.s32 $0x12678  }
0x134: {  	[hbm4b:s15+s3] =	stream.linear.scatter [tilespmem:s25], [sflag:$0x5], $0x80, $0x38;
	[tilespmem:$0x19E00] =	vst v63  }
0x135: {  	s29 =	simm.s32 $0x12700;
	s15 =	sadd.s32 s7, s11  }
0x136: {  	[hbm4b:s15+s3] =	stream.linear.scatter [tilespmem:s29], [sflag:$0x5], $0x80, $0x38;
	[tilespmem:$0x19E00] =	vst v63  }
0x137: {  	s25 =	sadd.s32 $0x10, s15;
	s29 =	simm.s32 $0x12788  }
0x138: {  	[hbm4b:s25+s3] =	stream.linear.scatter [tilespmem:s29], [sflag:$0x5], $0x80, $0x38;
	[tilespmem:$0x19E00] =	vst v63  }
0x139: {  	s25 =	sadd.s32 $0x20, s15;
	s29 =	simm.s32 $0x12810  }
0x13a: {  	[hbm4b:s25+s3] =	stream.linear.scatter [tilespmem:s29], [sflag:$0x5], $0x80, $0x38;
	[tilespmem:$0x19E00] =	vst v63  }
0x13b: {  	s25 =	sadd.s32 $0x30, s15;
	s29 =	simm.s32 $0x12898  }
0x13c: {  	[hbm4b:s25+s3] =	stream.linear.scatter [tilespmem:s29], [sflag:$0x5], $0x80, $0x38;
	[tilespmem:$0x19E00] =	vst v63  }
0x13d: {  	s25 =	sadd.s32 $0x40, s15;
	s29 =	simm.s32 $0x12920  }
0x13e: {  	[hbm4b:s25+s3] =	stream.linear.scatter [tilespmem:s29], [sflag:$0x5], $0x80, $0x38;
	[tilespmem:$0x19E00] =	vst v63  }
0x13f: {  	s25 =	sadd.s32 $0x50, s15;
	s29 =	simm.s32 $0x129A8  }
0x140: {  	[hbm4b:s25+s3] =	stream.linear.scatter [tilespmem:s29], [sflag:$0x5], $0x80, $0x38;
	[tilespmem:$0x19E00] =	vst v63  }
0x141: {  	s25 =	sadd.s32 $0x60, s15;
	s29 =	simm.s32 $0x12A30  }
0x142: {  	[hbm4b:s25+s3] =	stream.linear.scatter [tilespmem:s29], [sflag:$0x5], $0x80, $0x38;
	[tilespmem:$0x19E00] =	vst v63  }
0x143: {  	s15 =	sadd.s32 $0x70, s15;
	s25 =	simm.s32 $0x12AB8  }
0x144: {  	[hbm4b:s15+s3] =	stream.linear.scatter [tilespmem:s25], [sflag:$0x5], $0x80, $0x38;
	[tilespmem:$0x19E00] =	vst v63  }
0x145: {  	s29 =	simm.s32 $0x12B40;
	s15 =	sadd.s32 s7, s12  }
0x146: {  	[hbm4b:s15+s3] =	stream.linear.scatter [tilespmem:s29], [sflag:$0x5], $0x80, $0x38;
	[tilespmem:$0x19E00] =	vst v63  }
0x147: {  	s25 =	sadd.s32 $0x10, s15;
	s29 =	simm.s32 $0x12BC8  }
0x148: {  	[hbm4b:s25+s3] =	stream.linear.scatter [tilespmem:s29], [sflag:$0x5], $0x80, $0x38;
	[tilespmem:$0x19E00] =	vst v63  }
0x149: {  	s25 =	sadd.s32 $0x20, s15;
	s29 =	simm.s32 $0x12C50  }
0x14a: {  	[hbm4b:s25+s3] =	stream.linear.scatter [tilespmem:s29], [sflag:$0x5], $0x80, $0x38;
	[tilespmem:$0x19E00] =	vst v63  }
0x14b: {  	s25 =	sadd.s32 $0x30, s15;
	s29 =	simm.s32 $0x12CD8  }
0x14c: {  	[hbm4b:s25+s3] =	stream.linear.scatter [tilespmem:s29], [sflag:$0x5], $0x80, $0x38;
	[tilespmem:$0x19E00] =	vst v63  }
0x14d: {  	s25 =	sadd.s32 $0x40, s15;
	s29 =	simm.s32 $0x12D60  }
0x14e: {  	[hbm4b:s25+s3] =	stream.linear.scatter [tilespmem:s29], [sflag:$0x5], $0x80, $0x38;
	[tilespmem:$0x19E00] =	vst v63  }
0x14f: {  	s25 =	sadd.s32 $0x50, s15;
	s29 =	simm.s32 $0x12DE8  }
0x150: {  	[hbm4b:s25+s3] =	stream.linear.scatter [tilespmem:s29], [sflag:$0x5], $0x80, $0x38;
	[tilespmem:$0x19E00] =	vst v63  }
0x151: {  	s25 =	sadd.s32 $0x60, s15;
	s29 =	simm.s32 $0x12E70  }
0x152: {  	[hbm4b:s25+s3] =	stream.linear.scatter [tilespmem:s29], [sflag:$0x5], $0x80, $0x38;
	[tilespmem:$0x19E00] =	vst v63  }
0x153: {  	s15 =	sadd.s32 $0x70, s15;
	s25 =	simm.s32 $0x12EF8  }
0x154: {  	[hbm4b:s15+s3] =	stream.linear.scatter [tilespmem:s25], [sflag:$0x5], $0x80, $0x38;
	[tilespmem:$0x19E00] =	vst v63  }
0x155: {  	s29 =	simm.s32 $0x12F80;
	s15 =	sadd.s32 s7, s13  }
0x156: {  	[hbm4b:s15+s3] =	stream.linear.scatter [tilespmem:s29], [sflag:$0x5], $0x80, $0x38;
	[tilespmem:$0x19E00] =	vst v63  }
0x157: {  	s25 =	sadd.s32 $0x10, s15;
	s29 =	simm.s32 $0x13008  }
0x158: {  	[hbm4b:s25+s3] =	stream.linear.scatter [tilespmem:s29], [sflag:$0x5], $0x80, $0x38;
	[tilespmem:$0x19E00] =	vst v63  }
0x159: {  	s25 =	sadd.s32 $0x20, s15;
	s29 =	simm.s32 $0x13090  }
0x15a: {  	[hbm4b:s25+s3] =	stream.linear.scatter [tilespmem:s29], [sflag:$0x5], $0x80, $0x38;
	[tilespmem:$0x19E00] =	vst v63  }
0x15b: {  	s25 =	sadd.s32 $0x30, s15;
	s29 =	simm.s32 $0x13118  }
0x15c: {  	[hbm4b:s25+s3] =	stream.linear.scatter [tilespmem:s29], [sflag:$0x5], $0x80, $0x38;
	[tilespmem:$0x19E00] =	vst v63  }
0x15d: {  	s25 =	sadd.s32 $0x40, s15;
	s29 =	simm.s32 $0x131A0  }
0x15e: {  	[hbm4b:s25+s3] =	stream.linear.scatter [tilespmem:s29], [sflag:$0x5], $0x80, $0x38;
	[tilespmem:$0x19E00] =	vst v63  }
0x15f: {  	s25 =	sadd.s32 $0x50, s15;
	s29 =	simm.s32 $0x13228  }
0x160: {  	[hbm4b:s25+s3] =	stream.linear.scatter [tilespmem:s29], [sflag:$0x5], $0x80, $0x38;
	[tilespmem:$0x19E00] =	vst v63  }
0x161: {  	s25 =	sadd.s32 $0x60, s15;
	s29 =	simm.s32 $0x132B0  }
0x162: {  	[hbm4b:s25+s3] =	stream.linear.scatter [tilespmem:s29], [sflag:$0x5], $0x80, $0x38;
	[tilespmem:$0x19E00] =	vst v63  }
0x163: {  	s15 =	sadd.s32 $0x70, s15;
	s29 =	simm.s32 $0x13338  }
0x164: {  	[hbm4b:s15+s3] =	stream.linear.scatter [tilespmem:s29], [sflag:$0x5], $0x80, $0x38;
	[tilespmem:$0x19E00] =	vst v63  }
0x165: {  	s24 =	simm.s32 $0x133C0;
	s7 =	sadd.s32 s7, s14  }
0x166: {  	[hbm4b:s7+s3] =	stream.linear.scatter [tilespmem:s24], [sflag:$0x5], $0x80, $0x38;
	[tilespmem:$0x19E00] =	vst v63  }
0x167: {  	s25 =	sadd.s32 $0x10, s7;
	s29 =	simm.s32 $0x13448  }
0x168: {  	[hbm4b:s25+s3] =	stream.linear.scatter [tilespmem:s29], [sflag:$0x5], $0x80, $0x38;
	[tilespmem:$0x19E00] =	vst v63  }
0x169: {  	s25 =	sadd.s32 $0x20, s7;
	s29 =	simm.s32 $0x134D0  }
0x16a: {  	[hbm4b:s25+s3] =	stream.linear.scatter [tilespmem:s29], [sflag:$0x5], $0x80, $0x38;
	[tilespmem:$0x19E00] =	vst v63  }
0x16b: {  	s25 =	sadd.s32 $0x30, s7;
	s29 =	simm.s32 $0x13558  }
0x16c: {  	[hbm4b:s25+s3] =	stream.linear.scatter [tilespmem:s29], [sflag:$0x5], $0x80, $0x38;
	[tilespmem:$0x19E00] =	vst v63  }
0x16d: {  	s25 =	sadd.s32 $0x40, s7;
	s29 =	simm.s32 $0x135E0  }
0x16e: {  	[hbm4b:s25+s3] =	stream.linear.scatter [tilespmem:s29], [sflag:$0x5], $0x80, $0x38;
	[tilespmem:$0x19E00] =	vst v63  }
0x16f: {  	p1 =	sne.s32 s30, $0x31;
	s25 =	sadd.s32 $0x50, s7;
	s29 =	simm.s32 $0x13668  }
0x170: {  	[hbm4b:s25+s3] =	stream.linear.scatter [tilespmem:s29], [sflag:$0x5], $0x80, $0x38;
	[tilespmem:$0x19E00] =	vst v63  }
.Ltmp2:
0x171: {  	_ = 	snop;
	(pc) =	sbr.rel @p1 .LBB2_8-.Ltmp2, $4  }
0x172: {  	s24 =	sadd.s32 $0x60, s7;
	s25 =	simm.s32 $0x136F0  }
0x173: {  	[hbm4b:s24+s3] =	stream.linear.scatter [tilespmem:s25], [sflag:$0x5], $0x80, $0x38;
	[tilespmem:$0x19E00] =	vst v63  }
0x174: {  	s7 =	sadd.s32 $0x70, s7;
	s29 =	simm.s32 $0x13778  }
0x175: {  	[hbm4b:s7+s3] =	stream.linear.scatter [tilespmem:s29], [sflag:$0x5], $0x80, $0x38;
	[tilespmem:$0x19E00] =	vst v63  }
.Ltmp3:
0x176: {  	(pc) =	sbr.rel .LBB2_9-.Ltmp3, $4  }
0x177: {  	_ = 	snop  }
0x178: {  	_ =	swait.ge [sflag:s18], $0x2000  }
0x179: {  	[sflag:s18] =	ssyncset.done $0x0  }
0x17a: {  	[sflag:s18] =	ssyncadd.s32 $0xFFFFE000  }
.LBB2_8:
0x17b: {  	s7 =	sshll.u32 s6, $0x7  }
0x17c: {  	s7 =	sadd.s32 $0x200, s7  }
.Ltmp4:
0x17d: {  	s15 =	simm.s32 $0x9600;
	s7 =	sand.u32 $0xFE00, s7;
	(pc) =	sbr.rel @p0 .LBB2_10-.Ltmp4, $4  }
0x17e: {  	[tilespmem:s15], [sflag:$0x1] =	stream.indirect.gather [hbm4b:s4+s20], $0x40, s7, s20, $0xb8;
	[tilespmem:$0x19E00] =	vst v63  }
0x17f: {  	_ =	swait.ge [sflag:s18], $0x2000  }
0x180: {  	[sflag:s18] =	ssyncset.done $0x0  }
0x181: {  	[sflag:s18] =	ssyncadd.s32 $0xFFFFE000  }
.LBB2_9:
0x182: {  	_ =	swait.ge [sflag:s21], $0x400  }
0x183: {  	[sflag:s21] =	ssyncset.done $0x0  }
0x184: {  	[sflag:s21] =	ssyncadd.s32 $0xFFFFFC00  }
0x185: {  	_ =	swait.ge [sflag:s21], $0x400  }
0x186: {  	[sflag:s21] =	ssyncset.done $0x0  }
0x187: {  	[sflag:s21] =	ssyncadd.s32 $0xFFFFFC00  }
0x188: {  	_ =	swait.ge [sflag:s21], $0x400  }
0x189: {  	[sflag:s21] =	ssyncset.done $0x0  }
0x18a: {  	[sflag:s21] =	ssyncadd.s32 $0xFFFFFC00  }
0x18b: {  	_ =	swait.ge [sflag:s21], $0x400  }
0x18c: {  	[sflag:s21] =	ssyncset.done $0x0  }
0x18d: {  	[sflag:s21] =	ssyncadd.s32 $0xFFFFFC00  }
0x18e: {  	_ =	swait.ge [sflag:s21], $0x400  }
0x18f: {  	[sflag:s21] =	ssyncset.done $0x0  }
0x190: {  	[sflag:s21] =	ssyncadd.s32 $0xFFFFFC00  }
0x191: {  	_ =	swait.ge [sflag:s21], $0x400  }
0x192: {  	[sflag:s21] =	ssyncset.done $0x0  }
0x193: {  	[sflag:s21] =	ssyncadd.s32 $0xFFFFFC00  }
0x194: {  	_ =	swait.ge [sflag:s21], $0x400  }
0x195: {  	[sflag:s21] =	ssyncset.done $0x0  }
0x196: {  	[sflag:s21] =	ssyncadd.s32 $0xFFFFFC00  }
0x197: {  	_ =	swait.ge [sflag:s21], $0x400  }
0x198: {  	[sflag:s21] =	ssyncset.done $0x0  }
0x199: {  	[sflag:s21] =	ssyncadd.s32 $0xFFFFFC00  }
.LBB2_10:
0x19a: {  	s7 =	sor.u32 $0x1, s6  }
0x19b: {  	s15 =	sshll.u32 s7, $0x6  }
0x19c: {  	s24 =	sand.u32 $0x3FFFFFC0, s15  }
0x19d: {  	v4 =	vld [tilespmem:s24+$0x6400]  }
0x19e: {  	s25 =	simm.s32 $0x0;
	s29 =	simm.s32 $0xB;
	v5 =	vld [tilespmem:s24+$0x6410]  }
0x19f: {  	v8 =	vmov s25;
	s25 =	simm.s32 $0x1;
	v12 =	vmov s29;
	v6 =	vld [tilespmem:s24+$0x6420]  }
0x1a0: {  	s15 =	simm.s32 $0xB780;
	v8 =	vand.u32 $0x7C, v8;
	v9 =	vmov s25;
	s25 =	simm.s32 $0x3;
	v20 =	vand.u32 $0xFF, v12;
	v7 =	vld [tilespmem:s24+$0x6430]  }
0x1a1: {  	s24 =	simm.s32 $0x2;
	v11 =	vmov s25;
	v13 =	vld [tilespmem:s15+$0x140];
	v23 =	vadd.s32 v0, v20;
	v25 =	vadd.s32 v0, v8  }
0x1a2: {  	s25 =	simm.s32 $0x5;
	v17 =	vld [tilespmem:s15+$0xFFFFFE80];
	v19 =	vand.u32 $0x7D, v9;
	v61 =	vadd.s32 v2, v8;
	v10 =	vmov s24  }
0x1a3: {  	v22 =	vld [tilespmem:s15+$0xFFFFFEC0];
	s24 =	simm.s32 $0x4;
	v16 =	vmov s25;
	s25 =	simm.s32 $0x7;
	v27 =	vadd.s32 v0, v19;
	v15 =	vand.u32 $0x7F, v11  }
0x1a4: {  	v9 =	vld [tilespmem:s15+$0xFFFFFF00];
	v14 =	vmov s24;
	s24 =	simm.s32 $0x6;
	v21 =	vmov s25;
	v18 =	vand.u32 $0x7E, v10  }
0x1a5: {  	v10 =	vld [tilespmem:s15+$0xFFFFFF40];
	v30 =	vadd.s32 v0, v15;
	v11 =	vand.u32 $0xFD, v16;
	v12 =	vmov s24  }
0x1a6: {  	v29 =	vld [tilespmem:s15+$0xFFFFFF80];
	s25 =	simm.s32 $0x8;
	v28 =	vadd.s32 v0, v18;
	v14 =	vand.u32 $0xFC, v14;
	v13 =	vadd.f32 v13, v4  }
0x1a7: {  	v31 =	vld [tilespmem:s15+$0xFFFFFFC0];
	v24 =	vmov s25;
	v32 =	vadd.s32 v0, v14;
	v17 =	vadd.f32 v17, v4  }
0x1a8: {  	v33 =	vld [tilespmem:s15+$0x0];
	v16 =	vand.u32 $0xFF, v21;
	v35 =	vadd.s32 v3, v14;
	v22 =	vadd.f32 v22, v4;
	[tilespmem:v23+s22+$0x0] =	vst.idx.msk $0xffff, v13  }
0x1a9: {  	s25 =	simm.s32 $0x9;
	v12 =	vand.u32 $0xFE, v12;
	v9 =	vadd.f32 v9, v4;
	[tilespmem:v25+s22+$0x0] =	vst.idx.msk $0xffff, v17;
	v23 =	vadd.s32 v0, v11;
	v25 =	vld [tilespmem:s15+$0x150]  }
0x1aa: {  	v26 =	vmov s25;
	s25 =	simm.s32 $0xA;
	[tilespmem:v27+s22+$0x0] =	vst.idx.msk $0xffff, v22;
	v10 =	vadd.f32 v10, v4;
	v22 =	vadd.s32 v0, v12;
	v27 =	vld [tilespmem:s15+$0x40]  }
0x1ab: {  	v21 =	vld [tilespmem:s15+$0x80];
	v34 =	vmov s25;
	[tilespmem:v28+s22+$0x0] =	vst.idx.msk $0xffff, v9;
	v9 =	vadd.f32 v29, v4;
	v28 =	vadd.s32 v1, v20  }
0x1ac: {  	v17 =	vand.u32 $0xFC, v24;
	v24 =	vld [tilespmem:s15+$0xC0];
	v29 =	vadd.s32 v0, v16;
	[tilespmem:v30+s22+$0x0] =	vst.idx.msk $0xffff, v10;
	v10 =	vadd.f32 v31, v4  }
0x1ad: {  	v13 =	vand.u32 $0xFD, v26;
	v26 =	vld [tilespmem:s15+$0x100];
	v30 =	vadd.f32 v33, v4;
	v31 =	vadd.s32 v0, v17;
	[tilespmem:v32+s22+$0x0] =	vst.idx.msk $0xffff, v9  }
0x1ae: {  	v55 =	vld [tilespmem:s15+$0xFFFFFED0];
	v9 =	vand.u32 $0xFE, v34;
	[tilespmem:v23+s22+$0x0] =	vst.idx.msk $0xffff, v10;
	v10 =	vadd.s32 v0, v13;
	v23 =	vadd.f32 v25, v5  }
0x1af: {  	[tilespmem:v22+s22+$0x0] =	vst.idx.msk $0xffff, v30;
	v22 =	vadd.f32 v27, v4;
	v27 =	vadd.s32 v0, v9;
	v25 =	vld [tilespmem:s15+$0xFFFFFF10]  }
0x1b0: {  	v21 =	vadd.f32 v21, v4;
	v56 =	vld [tilespmem:s15+$0xFFFFFF50];
	v30 =	vadd.s32 v1, v19;
	[tilespmem:v28+s22+$0x0] =	vst.idx.msk $0xffff, v23  }
0x1b1: {  	[tilespmem:v29+s22+$0x0] =	vst.idx.msk $0xffff, v22;
	v22 =	vadd.f32 v24, v4;
	v23 =	vadd.s32 v1, v18;
	v24 =	vld [tilespmem:s15+$0x160]  }
0x1b2: {  	v29 =	vld [tilespmem:s15+$0xFFFFFF90];
	[tilespmem:v31+s22+$0x0] =	vst.idx.msk $0xffff, v21;
	v21 =	vadd.f32 v26, v4;
	v28 =	vadd.s32 v1, v15  }
0x1b3: {  	v26 =	vadd.f32 v55, v5;
	v31 =	vld [tilespmem:s15+$0xFFFFFFD0];
	[tilespmem:v10+s22+$0x0] =	vst.idx.msk $0xffff, v22;
	v10 =	vadd.s32 v2, v20  }
0x1b4: {  	v57 =	vld [tilespmem:s15+$0x10];
	[tilespmem:v27+s22+$0x0] =	vst.idx.msk $0xffff, v21;
	v22 =	vadd.f32 v25, v5;
	v25 =	vadd.s32 v1, v14  }
0x1b5: {  	[tilespmem:v30+s22+$0x0] =	vst.idx.msk $0xffff, v26;
	v21 =	vadd.f32 v56, v5;
	v26 =	vadd.s32 v1, v11;
	v27 =	vld [tilespmem:s15+$0x50]  }
0x1b6: {  	[tilespmem:v23+s22+$0x0] =	vst.idx.msk $0xffff, v22;
	v22 =	vadd.s32 v1, v12;
	v23 =	vld [tilespmem:s15+$0x90];
	v24 =	vadd.f32 v24, v6  }
0x1b7: {  	[tilespmem:v28+s22+$0x0] =	vst.idx.msk $0xffff, v21;
	v21 =	vadd.f32 v29, v5;
	v28 =	vadd.s32 v1, v16;
	v29 =	vld [tilespmem:s15+$0xD0]  }
0x1b8: {  	v58 =	vld [tilespmem:s15+$0x110];
	v30 =	vadd.f32 v31, v5;
	v31 =	vadd.s32 v1, v17;
	[tilespmem:v10+s22+$0x0] =	vst.idx.msk $0xffff, v24  }
0x1b9: {  	[tilespmem:v25+s22+$0x0] =	vst.idx.msk $0xffff, v21;
	v10 =	vadd.f32 v57, v5;
	v21 =	vadd.s32 v1, v13;
	v24 =	vld [tilespmem:s15+$0x170]  }
0x1ba: {  	[tilespmem:v26+s22+$0x0] =	vst.idx.msk $0xffff, v30;
	v26 =	vadd.f32 v27, v5;
	v27 =	vadd.s32 v1, v9;
	v25 =	vld [tilespmem:s15+$0xFFFFFE90]  }
0x1bb: {  	v20 =	vadd.s32 v3, v20;
	v30 =	vld [tilespmem:s15+$0xFFFFFEE0];
	[tilespmem:v22+s22+$0x0] =	vst.idx.msk $0xffff, v10;
	v10 =	vadd.f32 v23, v5  }
0x1bc: {  	v22 =	vadd.s32 v1, v8;
	v23 =	vld [tilespmem:s15+$0xFFFFFF20];
	[tilespmem:v28+s22+$0x0] =	vst.idx.msk $0xffff, v26;
	v26 =	vadd.f32 v29, v5  }
0x1bd: {  	v28 =	vadd.s32 v2, v19;
	v29 =	vld [tilespmem:s15+$0xFFFFFF60];
	[tilespmem:v31+s22+$0x0] =	vst.idx.msk $0xffff, v10;
	v10 =	vadd.f32 v58, v5  }
0x1be: {  	v59 =	vld [tilespmem:s15+$0xFFFFFFA0];
	v31 =	vadd.s32 v2, v18;
	[tilespmem:v21+s22+$0x0] =	vst.idx.msk $0xffff, v26;
	v21 =	vadd.f32 v24, v7  }
0x1bf: {  	v26 =	vld [tilespmem:s15+$0xFFFFFFE0];
	v24 =	vadd.f32 v25, v5;
	v25 =	vadd.s32 v2, v15;
	[tilespmem:v27+s22+$0x0] =	vst.idx.msk $0xffff, v10  }
0x1c0: {  	v10 =	vadd.f32 v30, v6;
	v27 =	vadd.s32 v2, v14;
	v30 =	vld [tilespmem:s15+$0x20];
	[tilespmem:v20+s22+$0x0] =	vst.idx.msk $0xffff, v21  }
0x1c1: {  	[tilespmem:v22+s22+$0x0] =	vst.idx.msk $0xffff, v24;
	v20 =	vadd.f32 v23, v6;
	v21 =	vadd.s32 v2, v11;
	v22 =	vld [tilespmem:s15+$0x60]  }
0x1c2: {  	[tilespmem:v28+s22+$0x0] =	vst.idx.msk $0xffff, v10;
	v10 =	vadd.f32 v29, v6;
	v23 =	vadd.s32 v2, v12;
	v24 =	vld [tilespmem:s15+$0xA0]  }
0x1c3: {  	v28 =	vadd.s32 v2, v16;
	v29 =	vld [tilespmem:s15+$0xE0];
	[tilespmem:v31+s22+$0x0] =	vst.idx.msk $0xffff, v20;
	v20 =	vadd.f32 v59, v6  }
0x1c4: {  	[tilespmem:v25+s22+$0x0] =	vst.idx.msk $0xffff, v10;
	v10 =	vadd.f32 v26, v6;
	v25 =	vadd.s32 v2, v17;
	v26 =	vld [tilespmem:s15+$0x120]  }
0x1c5: {  	v31 =	vld [tilespmem:s15+$0xFFFFFEA0];
	[tilespmem:v27+s22+$0x0] =	vst.idx.msk $0xffff, v20;
	v20 =	vadd.f32 v30, v6;
	v27 =	vadd.s32 v2, v13  }
0x1c6: {  	v60 =	vadd.s32 v2, v9;
	v30 =	vld [tilespmem:s15+$0xFFFFFEF0];
	[tilespmem:v21+s22+$0x0] =	vst.idx.msk $0xffff, v10;
	v21 =	vadd.f32 v22, v6  }
0x1c7: {  	v19 =	vadd.s32 v3, v19;
	v62 =	vld [tilespmem:s15+$0xFFFFFF30];
	v22 =	vadd.f32 v24, v6;
	[tilespmem:v23+s22+$0x0] =	vst.idx.msk $0xffff, v20  }
0x1c8: {  	s25 =	simm.s32 $0xD;
	v18 =	vadd.s32 v3, v18;
	v24 =	vld [tilespmem:s15+$0xFFFFFF70];
	v23 =	vadd.f32 v29, v6;
	[tilespmem:v28+s22+$0x0] =	vst.idx.msk $0xffff, v21  }
0x1c9: {  	v15 =	vadd.s32 v3, v15;
	v20 =	vmov s25;
	s25 =	simm.s32 $0xE;
	v28 =	vld [tilespmem:s15+$0xFFFFFFB0];
	[tilespmem:v25+s22+$0x0] =	vst.idx.msk $0xffff, v22;
	v25 =	vadd.f32 v26, v6  }
0x1ca: {  	v16 =	vadd.s32 v3, v16;
	v29 =	vld [tilespmem:s15+$0xFFFFFFF0];
	v21 =	vmov s25;
	s25 =	simm.s32 $0xF;
	v26 =	vadd.f32 v31, v6;
	[tilespmem:v27+s22+$0x0] =	vst.idx.msk $0xffff, v23  }
0x1cb: {  	v13 =	vadd.s32 v3, v13;
	v36 =	vld [tilespmem:s15+$0x30];
	v22 =	vmov s25;
	s25 =	simm.s32 $0x10;
	v27 =	vadd.f32 v30, v7;
	[tilespmem:v60+s22+$0x0] =	vst.idx.msk $0xffff, v25  }
0x1cc: {  	v14 =	vmov s25;
	s25 =	simm.s32 $0x11;
	v30 =	vadd.f32 v62, v7;
	[tilespmem:v61+s22+$0x0] =	vst.idx.msk $0xffff, v26;
	v25 =	vadd.s32 v3, v11;
	v26 =	vld [tilespmem:s15+$0x70]  }
0x1cd: {  	s24 =	simm.s32 $0xC;
	v23 =	vmov s25;
	s25 =	simm.s32 $0x12;
	v11 =	vadd.s32 v3, v12;
	v12 =	vld [tilespmem:s15+$0xB0];
	[tilespmem:v19+s22+$0x0] =	vst.idx.msk $0xffff, v27;
	v19 =	vadd.f32 v24, v7  }
0x1ce: {  	v10 =	vmov s24;
	v24 =	vmov s25;
	s25 =	simm.s32 $0x13;
	[tilespmem:v18+s22+$0x0] =	vst.idx.msk $0xffff, v30;
	v27 =	vld [tilespmem:s15+$0xF0];
	v63 =	vadd.f32 v28, v7  }
0x1cf: {  	v31 =	vadd.f32 v29, v7;
	v29 =	vld [tilespmem:s15+$0x130];
	v18 =	vmov s25;
	s25 =	simm.s32 $0x14;
	v28 =	vadd.s32 v3, v17;
	[tilespmem:v15+s22+$0x0] =	vst.idx.msk $0xffff, v19  }
0x1d0: {  	s29 =	simm.s32 $0x17;
	v10 =	vand.u32 $0x7C, v10;
	v30 =	vld [tilespmem:s15+$0xFFFFFEB0];
	s15 =	simm.s32 $0xBA80;
	v17 =	vadd.f32 v36, v7;
	v19 =	vmov s25;
	s25 =	simm.s32 $0x18;
	[tilespmem:v35+s22+$0x0] =	vst.idx.msk $0xffff, v63  }
.LBB2_11:
0x1d1: {  	p2 =	slt.u32 s25, $0x6C;
	v15 =	vmov s29;
	v32 =	vld [tilespmem:s15+$0x140];
	[tilespmem:v25+s22+$0x0] =	vst.idx.msk $0xffff, v31;
	v26 =	vadd.f32 v26, v7;
	v9 =	vadd.s32 v3, v9  }
0x1d2: {  	s29 =	sadd.s32 $0x9, s24;
	v31 =	vld [tilespmem:s15+$0xFFFFFE80];
	v25 =	vand.u32 $0xFF, v15;
	v15 =	vadd.s32 v3, v8;
	[tilespmem:v11+s22+$0x0] =	vst.idx.msk $0xffff, v17;
	v11 =	vadd.f32 v12, v7  }
0x1d3: {  	v33 =	vmov s29;
	v8 =	vmovc v10;
	v12 =	vld [tilespmem:s15+$0xFFFFFEC0];
	v34 =	vadd.s32 v0, v25;
	[tilespmem:v16+s22+$0x0] =	vst.idx.msk $0xffff, v26;
	v26 =	vadd.f32 v27, v7  }
0x1d4: {  	v17 =	vand.u32 $0x7D, v20;
	v10 =	vadd.s32 v0, v8;
	v20 =	vld [tilespmem:s15+$0xFFFFFF00];
	[tilespmem:v28+s22+$0x0] =	vst.idx.msk $0xffff, v11;
	v11 =	vadd.f32 v29, v7  }
0x1d5: {  	v27 =	vadd.s32 v0, v17;
	v16 =	vand.u32 $0x7E, v21;
	v21 =	vld [tilespmem:s15+$0xFFFFFF40];
	v28 =	vadd.f32 v30, v7;
	[tilespmem:v13+s22+$0x0] =	vst.idx.msk $0xffff, v26  }
0x1d6: {  	v26 =	vadd.s32 v0, v16;
	v13 =	vand.u32 $0x7F, v22;
	v22 =	vld [tilespmem:s15+$0xFFFFFF80];
	v29 =	vadd.f32 v32, v4;
	[tilespmem:v9+s22+$0x0] =	vst.idx.msk $0xffff, v11  }
0x1d7: {  	v14 =	vand.u32 $0xFC, v14;
	v30 =	vadd.s32 v0, v13;
	v9 =	vadd.f32 v31, v4;
	v31 =	vld [tilespmem:s15+$0xFFFFFFC0];
	[tilespmem:v15+s22+$0x0] =	vst.idx.msk $0xffff, v28  }
0x1d8: {  	v11 =	vand.u32 $0xFD, v23;
	v28 =	vadd.s32 v0, v14;
	v15 =	vadd.f32 v12, v4;
	v23 =	vld [tilespmem:s15+$0x0];
	[tilespmem:v34+s22+$0x0] =	vst.idx.msk $0xffff, v29  }
0x1d9: {  	s29 =	sadd.s32 $0xA, s24;
	s24 =	smov.u32 s25;
	v12 =	vand.u32 $0xFE, v24;
	[tilespmem:v10+s22+$0x0] =	vst.idx.msk $0xffff, v9;
	v9 =	vadd.f32 v20, v4;
	v10 =	vadd.s32 v0, v11;
	v20 =	vld [tilespmem:s15+$0x150]  }
0x1da: {  	[tilespmem:v27+s22+$0x0] =	vst.idx.msk $0xffff, v15;
	v15 =	vadd.f32 v21, v4;
	v21 =	vadd.s32 v0, v12;
	v24 =	vld [tilespmem:s15+$0x40];
	v27 =	vmov s29  }
0x1db: {  	v18 =	vand.u32 $0xFF, v18;
	[tilespmem:v26+s22+$0x0] =	vst.idx.msk $0xffff, v9;
	v9 =	vadd.f32 v22, v4;
	v22 =	vld [tilespmem:s15+$0x80];
	v26 =	vadd.s32 v1, v25  }
0x1dc: {  	v19 =	vand.u32 $0xFC, v19;
	[tilespmem:v30+s22+$0x0] =	vst.idx.msk $0xffff, v15;
	v29 =	vadd.f32 v31, v4;
	v30 =	vadd.s32 v0, v18;
	v31 =	vld [tilespmem:s15+$0xC0]  }
0x1dd: {  	v15 =	vand.u32 $0xFD, v33;
	[tilespmem:v28+s22+$0x0] =	vst.idx.msk $0xffff, v9;
	v23 =	vadd.f32 v23, v4;
	v28 =	vadd.s32 v0, v19;
	v32 =	vld [tilespmem:s15+$0x100]  }
0x1de: {  	v9 =	vand.u32 $0xFE, v27;
	v33 =	vld [tilespmem:s15+$0xFFFFFED0];
	[tilespmem:v10+s22+$0x0] =	vst.idx.msk $0xffff, v29;
	v10 =	vadd.s32 v0, v15;
	v20 =	vadd.f32 v20, v5  }
0x1df: {  	v27 =	vld [tilespmem:s15+$0xFFFFFF10];
	[tilespmem:v21+s22+$0x0] =	vst.idx.msk $0xffff, v23;
	v21 =	vadd.f32 v24, v4;
	v23 =	vadd.s32 v0, v9  }
0x1e0: {  	v24 =	vadd.s32 v1, v17;
	v29 =	vld [tilespmem:s15+$0xFFFFFF50];
	v22 =	vadd.f32 v22, v4;
	[tilespmem:v26+s22+$0x0] =	vst.idx.msk $0xffff, v20  }
0x1e1: {  	v20 =	vadd.s32 v1, v16;
	[tilespmem:v30+s22+$0x0] =	vst.idx.msk $0xffff, v21;
	v21 =	vadd.f32 v31, v4;
	v26 =	vld [tilespmem:s15+$0x160]  }
0x1e2: {  	v30 =	vadd.s32 v1, v13;
	v31 =	vld [tilespmem:s15+$0xFFFFFF90];
	[tilespmem:v28+s22+$0x0] =	vst.idx.msk $0xffff, v22;
	v22 =	vadd.f32 v32, v4  }
0x1e3: {  	v28 =	vadd.f32 v33, v5;
	v32 =	vld [tilespmem:s15+$0xFFFFFFD0];
	[tilespmem:v10+s22+$0x0] =	vst.idx.msk $0xffff, v21;
	v10 =	vadd.s32 v2, v25  }
0x1e4: {  	v21 =	vadd.f32 v27, v5;
	v27 =	vadd.s32 v1, v14;
	v33 =	vld [tilespmem:s15+$0x10];
	[tilespmem:v23+s22+$0x0] =	vst.idx.msk $0xffff, v22  }
0x1e5: {  	v23 =	vadd.s32 v1, v11;
	[tilespmem:v24+s22+$0x0] =	vst.idx.msk $0xffff, v28;
	v22 =	vadd.f32 v29, v5;
	v24 =	vld [tilespmem:s15+$0x50]  }
0x1e6: {  	[tilespmem:v20+s22+$0x0] =	vst.idx.msk $0xffff, v21;
	v20 =	vadd.s32 v1, v12;
	v21 =	vld [tilespmem:s15+$0x90];
	v26 =	vadd.f32 v26, v6  }
0x1e7: {  	v28 =	vadd.s32 v1, v18;
	[tilespmem:v30+s22+$0x0] =	vst.idx.msk $0xffff, v22;
	v22 =	vadd.f32 v31, v5;
	v29 =	vld [tilespmem:s15+$0xD0]  }
0x1e8: {  	v31 =	vadd.s32 v1, v19;
	v30 =	vadd.f32 v32, v5;
	v32 =	vld [tilespmem:s15+$0x110];
	[tilespmem:v10+s22+$0x0] =	vst.idx.msk $0xffff, v26  }
0x1e9: {  	[tilespmem:v27+s22+$0x0] =	vst.idx.msk $0xffff, v22;
	v10 =	vadd.f32 v33, v5;
	v22 =	vadd.s32 v1, v15;
	v26 =	vld [tilespmem:s15+$0x170]  }
0x1ea: {  	v27 =	vld [tilespmem:s15+$0xFFFFFE90];
	[tilespmem:v23+s22+$0x0] =	vst.idx.msk $0xffff, v30;
	v23 =	vadd.f32 v24, v5;
	v24 =	vadd.s32 v1, v9  }
0x1eb: {  	v30 =	vld [tilespmem:s15+$0xFFFFFEE0];
	[tilespmem:v20+s22+$0x0] =	vst.idx.msk $0xffff, v10;
	v10 =	vadd.f32 v21, v5;
	v20 =	vadd.s32 v3, v25  }
0x1ec: {  	v21 =	vadd.s32 v1, v8;
	v25 =	vld [tilespmem:s15+$0xFFFFFF20];
	[tilespmem:v28+s22+$0x0] =	vst.idx.msk $0xffff, v23;
	v23 =	vadd.f32 v29, v5  }
0x1ed: {  	v28 =	vadd.s32 v2, v17;
	v29 =	vld [tilespmem:s15+$0xFFFFFF60];
	[tilespmem:v31+s22+$0x0] =	vst.idx.msk $0xffff, v10;
	v10 =	vadd.f32 v32, v5  }
0x1ee: {  	v31 =	vadd.s32 v2, v16;
	v32 =	vld [tilespmem:s15+$0xFFFFFFA0];
	[tilespmem:v22+s22+$0x0] =	vst.idx.msk $0xffff, v23;
	v22 =	vadd.f32 v26, v7  }
0x1ef: {  	v26 =	vadd.s32 v2, v13;
	v23 =	vadd.f32 v27, v5;
	v27 =	vld [tilespmem:s15+$0xFFFFFFE0];
	[tilespmem:v24+s22+$0x0] =	vst.idx.msk $0xffff, v10  }
0x1f0: {  	v24 =	vadd.s32 v2, v14;
	v10 =	vadd.f32 v30, v6;
	v30 =	vld [tilespmem:s15+$0x20];
	[tilespmem:v20+s22+$0x0] =	vst.idx.msk $0xffff, v22  }
0x1f1: {  	[tilespmem:v21+s22+$0x0] =	vst.idx.msk $0xffff, v23;
	v20 =	vadd.f32 v25, v6;
	v21 =	vadd.s32 v2, v11;
	v22 =	vld [tilespmem:s15+$0x60]  }
0x1f2: {  	v23 =	vadd.s32 v2, v12;
	[tilespmem:v28+s22+$0x0] =	vst.idx.msk $0xffff, v10;
	v10 =	vadd.f32 v29, v6;
	v25 =	vld [tilespmem:s15+$0xA0]  }
0x1f3: {  	v28 =	vadd.s32 v2, v18;
	[tilespmem:v31+s22+$0x0] =	vst.idx.msk $0xffff, v20;
	v20 =	vadd.f32 v32, v6;
	v29 =	vld [tilespmem:s15+$0xE0]  }
0x1f4: {  	[tilespmem:v26+s22+$0x0] =	vst.idx.msk $0xffff, v10;
	v10 =	vadd.f32 v27, v6;
	v26 =	vadd.s32 v2, v19;
	v27 =	vld [tilespmem:s15+$0x120]  }
0x1f5: {  	v31 =	vld [tilespmem:s15+$0xFFFFFEA0];
	[tilespmem:v24+s22+$0x0] =	vst.idx.msk $0xffff, v20;
	v20 =	vadd.f32 v30, v6;
	v24 =	vadd.s32 v2, v15  }
0x1f6: {  	v32 =	vadd.s32 v2, v9;
	v30 =	vld [tilespmem:s15+$0xFFFFFEF0];
	[tilespmem:v21+s22+$0x0] =	vst.idx.msk $0xffff, v10;
	v21 =	vadd.f32 v22, v6  }
0x1f7: {  	v33 =	vadd.s32 v2, v8;
	v10 =	vmov s25;
	v34 =	vld [tilespmem:s15+$0xFFFFFF30];
	[tilespmem:v23+s22+$0x0] =	vst.idx.msk $0xffff, v20;
	v22 =	vadd.f32 v25, v6  }
0x1f8: {  	s29 =	sadd.s32 $0x1, s25;
	v17 =	vadd.s32 v3, v17;
	v10 =	vand.u32 $0x7C, v10;
	v35 =	vld [tilespmem:s15+$0xFFFFFF70];
	[tilespmem:v28+s22+$0x0] =	vst.idx.msk $0xffff, v21;
	v23 =	vadd.f32 v29, v6  }
0x1f9: {  	v16 =	vadd.s32 v3, v16;
	v20 =	vmov s29;
	s29 =	sadd.s32 $0x2, s25;
	v28 =	vld [tilespmem:s15+$0xFFFFFFB0];
	[tilespmem:v26+s22+$0x0] =	vst.idx.msk $0xffff, v22;
	v25 =	vadd.f32 v27, v6  }
0x1fa: {  	v13 =	vadd.s32 v3, v13;
	v21 =	vmov s29;
	s29 =	sadd.s32 $0x3, s25;
	v26 =	vadd.f32 v31, v6;
	v29 =	vld [tilespmem:s15+$0xFFFFFFF0];
	[tilespmem:v24+s22+$0x0] =	vst.idx.msk $0xffff, v23  }
0x1fb: {  	v36 =	vadd.s32 v3, v14;
	v22 =	vmov s29;
	s29 =	sadd.s32 $0x4, s25;
	v24 =	vadd.f32 v30, v7;
	v37 =	vld [tilespmem:s15+$0x30];
	[tilespmem:v32+s22+$0x0] =	vst.idx.msk $0xffff, v25  }
.Ltmp5:
0x1fc: {  	v14 =	vmov s29;
	s29 =	sadd.s32 $0x5, s25;
	v25 =	vadd.s32 v3, v11;
	[tilespmem:v33+s22+$0x0] =	vst.idx.msk $0xffff, v26;
	v27 =	vadd.f32 v34, v7;
	v26 =	vld [tilespmem:s15+$0x70];
	(pc) =	sbr.rel @p2 .LBB2_11-.Ltmp5, $4  }
0x1fd: {  	v23 =	vmov s29;
	s29 =	sadd.s32 $0x6, s25;
	v11 =	vadd.s32 v3, v12;
	[tilespmem:v17+s22+$0x0] =	vst.idx.msk $0xffff, v24;
	v17 =	vadd.f32 v35, v7;
	v12 =	vld [tilespmem:s15+$0xB0]  }
0x1fe: {  	v24 =	vmov s29;
	s29 =	sadd.s32 $0x7, s25;
	[tilespmem:v16+s22+$0x0] =	vst.idx.msk $0xffff, v27;
	v32 =	vadd.f32 v28, v7;
	v16 =	vadd.s32 v3, v18;
	v27 =	vld [tilespmem:s15+$0xF0]  }
0x1ff: {  	v18 =	vmov s29;
	s29 =	sadd.s32 $0x8, s25;
	v28 =	vadd.s32 v3, v19;
	[tilespmem:v13+s22+$0x0] =	vst.idx.msk $0xffff, v17;
	v31 =	vadd.f32 v29, v7;
	v29 =	vld [tilespmem:s15+$0x130]  }
0x200: {  	s25 =	sadd.s32 $0xC, s25;
	v19 =	vmov s29;
	s29 =	sadd.s32 $0xB, s24;
	v13 =	vadd.s32 v3, v15;
	v30 =	vld [tilespmem:s15+$0xFFFFFEB0];
	[tilespmem:v36+s22+$0x0] =	vst.idx.msk $0xffff, v32;
	v17 =	vadd.f32 v37, v7;
	s15 =	sadd.s32 $0x300, s15  }
0x201: {  	_ =	sdelay $0x3  }
0x202: {  	v15 =	vmov s29;
	[tilespmem:v25+s22+$0x0] =	vst.idx.msk $0xffff, v31  }
0x203: {  	v32 =	vld [tilespmem:s15+$0x140];
	v46 =	vadd.f32 v26, v7;
	v47 =	vadd.s32 v3, v9;
	v49 =	vadd.s32 v3, v8  }
0x204: {  	v48 =	vld [tilespmem:s15+$0xFFFFFE80];
	v53 =	vadd.s32 v0, v10;
	v33 =	vand.u32 $0xFF, v15;
	[tilespmem:v11+s22+$0x0] =	vst.idx.msk $0xffff, v17;
	v50 =	vadd.f32 v12, v7  }
0x205: {  	v51 =	vld [tilespmem:s15+$0xFFFFFEC0];
	v8 =	vand.u32 $0x7D, v20;
	v35 =	vadd.s32 v0, v33;
	[tilespmem:v16+s22+$0x0] =	vst.idx.msk $0xffff, v46;
	v52 =	vadd.f32 v27, v7  }
0x206: {  	s25 =	sadd.s32 $0x9, s24;
	v54 =	vld [tilespmem:s15+$0xFFFFFF00];
	v9 =	vand.u32 $0x7E, v21;
	v56 =	vadd.s32 v0, v8;
	[tilespmem:v28+s22+$0x0] =	vst.idx.msk $0xffff, v50;
	v55 =	vadd.f32 v29, v7  }
0x207: {  	v57 =	vld [tilespmem:s15+$0xFFFFFF40];
	v34 =	vmov s25;
	v59 =	vadd.s32 v0, v9;
	v58 =	vadd.f32 v30, v7;
	[tilespmem:v13+s22+$0x0] =	vst.idx.msk $0xffff, v52  }
0x208: {  	v60 =	vld [tilespmem:s15+$0xFFFFFF80];
	v11 =	vand.u32 $0x7F, v22;
	v12 =	vand.u32 $0xFC, v14;
	v61 =	vadd.f32 v32, v4;
	[tilespmem:v47+s22+$0x0] =	vst.idx.msk $0xffff, v55  }
0x209: {  	v39 =	vld [tilespmem:s15+$0x0];
	s29 =	sadd.s32 $0xA, s24;
	v14 =	vand.u32 $0xFE, v24;
	v63 =	vadd.s32 v0, v11;
	v62 =	vadd.f32 v48, v4;
	[tilespmem:v49+s22+$0x0] =	vst.idx.msk $0xffff, v58  }
0x20a: {  	v45 =	vmov s29;
	v38 =	vadd.s32 v0, v12;
	v46 =	vld [tilespmem:s15+$0x80];
	v37 =	vadd.f32 v51, v4;
	[tilespmem:v35+s22+$0x0] =	vst.idx.msk $0xffff, v61  }
0x20b: {  	v36 =	vld [tilespmem:s15+$0xFFFFFFC0];
	v43 =	vadd.s32 v0, v14;
	v16 =	vand.u32 $0xFC, v19;
	v40 =	vadd.f32 v54, v4;
	[tilespmem:v53+s22+$0x0] =	vst.idx.msk $0xffff, v62  }
0x20c: {  	v50 =	vld [tilespmem:s15+$0xC0];
	v13 =	vand.u32 $0xFD, v23;
	v52 =	vadd.s32 v0, v16;
	v21 =	vadd.f32 v57, v4;
	[tilespmem:v56+s22+$0x0] =	vst.idx.msk $0xffff, v37  }
0x20d: {  	v44 =	vld [tilespmem:s15+$0x40];
	v17 =	vand.u32 $0xFD, v34;
	v41 =	vadd.s32 v0, v13;
	v22 =	vadd.f32 v60, v4;
	[tilespmem:v59+s22+$0x0] =	vst.idx.msk $0xffff, v40  }
0x20e: {  	v15 =	vand.u32 $0xFF, v18;
	v51 =	vadd.f32 v39, v4;
	v55 =	vadd.s32 v0, v17;
	[tilespmem:v63+s22+$0x0] =	vst.idx.msk $0xffff, v21;
	v53 =	vld [tilespmem:s15+$0x100]  }
0x20f: {  	v18 =	vand.u32 $0xFE, v45;
	v49 =	vadd.s32 v0, v15;
	[tilespmem:v38+s22+$0x0] =	vst.idx.msk $0xffff, v22;
	v28 =	vadd.f32 v46, v4;
	v42 =	vld [tilespmem:s15+$0x150]  }
0x210: {  	v48 =	vadd.f32 v36, v4;
	v58 =	vadd.s32 v0, v18;
	[tilespmem:v43+s22+$0x0] =	vst.idx.msk $0xffff, v51;
	v54 =	vld [tilespmem:s15+$0xFFFFFED0]  }
0x211: {  	v47 =	vadd.s32 v1, v33;
	v56 =	vld [tilespmem:s15+$0xFFFFFF10];
	v19 =	vadd.f32 v50, v4;
	[tilespmem:v52+s22+$0x0] =	vst.idx.msk $0xffff, v28  }
0x212: {  	v57 =	vadd.f32 v44, v4;
	v59 =	vadd.s32 v1, v8;
	v60 =	vld [tilespmem:s15+$0xFFFFFF50];
	[tilespmem:v41+s22+$0x0] =	vst.idx.msk $0xffff, v48  }
0x213: {  	v61 =	vadd.s32 v1, v9;
	v34 =	vld [tilespmem:s15+$0xFFFFFF90];
	[tilespmem:v55+s22+$0x0] =	vst.idx.msk $0xffff, v19;
	v35 =	vadd.f32 v53, v4  }
0x214: {  	v63 =	vadd.s32 v1, v11;
	v41 =	vld [tilespmem:s15+$0x10];
	[tilespmem:v49+s22+$0x0] =	vst.idx.msk $0xffff, v57;
	v24 =	vadd.f32 v42, v5  }
0x215: {  	v40 =	vadd.s32 v1, v12;
	v46 =	vld [tilespmem:s15+$0x90];
	v36 =	vadd.f32 v54, v5;
	[tilespmem:v58+s22+$0x0] =	vst.idx.msk $0xffff, v35  }
0x216: {  	v45 =	vadd.s32 v1, v14;
	v37 =	vld [tilespmem:s15+$0xFFFFFFD0];
	v39 =	vadd.f32 v56, v5;
	[tilespmem:v47+s22+$0x0] =	vst.idx.msk $0xffff, v24  }
0x217: {  	v51 =	vadd.s32 v1, v16;
	v49 =	vld [tilespmem:s15+$0xD0];
	v42 =	vadd.f32 v60, v5;
	[tilespmem:v59+s22+$0x0] =	vst.idx.msk $0xffff, v36  }
0x218: {  	v43 =	vadd.s32 v1, v13;
	v44 =	vld [tilespmem:s15+$0x50];
	[tilespmem:v61+s22+$0x0] =	vst.idx.msk $0xffff, v39;
	v47 =	vadd.f32 v34, v5  }
0x219: {  	v54 =	vadd.s32 v1, v17;
	v56 =	vld [tilespmem:s15+$0xFFFFFE90];
	[tilespmem:v63+s22+$0x0] =	vst.idx.msk $0xffff, v42;
	v53 =	vadd.f32 v41, v5  }
0x21a: {  	v48 =	vadd.s32 v1, v15;
	v52 =	vld [tilespmem:s15+$0x110];
	v60 =	vadd.f32 v46, v5;
	[tilespmem:v40+s22+$0x0] =	vst.idx.msk $0xffff, v47  }
0x21b: {  	v62 =	vld [tilespmem:s15+$0x160];
	v50 =	vadd.f32 v37, v5;
	[tilespmem:v45+s22+$0x0] =	vst.idx.msk $0xffff, v53  }
0x21c: {  	v58 =	vadd.s32 v1, v18;
	v59 =	vld [tilespmem:s15+$0xFFFFFEE0];
	v36 =	vadd.f32 v49, v5;
	[tilespmem:v51+s22+$0x0] =	vst.idx.msk $0xffff, v60  }
0x21d: {  	v38 =	vadd.s32 v2, v33;
	v63 =	vld [tilespmem:s15+$0xFFFFFF20];
	v57 =	vadd.f32 v44, v5;
	[tilespmem:v43+s22+$0x0] =	vst.idx.msk $0xffff, v50  }
0x21e: {  	v37 =	vadd.s32 v2, v8;
	[tilespmem:v54+s22+$0x0] =	vst.idx.msk $0xffff, v36  }
0x21f: {  	v40 =	vadd.s32 v2, v9;
	[tilespmem:v48+s22+$0x0] =	vst.idx.msk $0xffff, v57;
	v45 =	vld [tilespmem:s15+$0xFFFFFFE0];
	v39 =	vadd.f32 v52, v5  }
0x220: {  	v43 =	vadd.f32 v56, v5;
	v51 =	vld [tilespmem:s15+$0x60];
	v21 =	vadd.f32 v62, v6;
	v62 =	vadd.s32 v1, v10  }
0x221: {  	v50 =	vadd.s32 v2, v13;
	v48 =	vld [tilespmem:s15+$0x20];
	v46 =	vadd.f32 v59, v6;
	[tilespmem:v58+s22+$0x0] =	vst.idx.msk $0xffff, v39  }
0x222: {  	v56 =	vadd.s32 v2, v15;
	v57 =	vld [tilespmem:s15+$0xE0];
	v49 =	vadd.f32 v63, v6;
	[tilespmem:v38+s22+$0x0] =	vst.idx.msk $0xffff, v21  }
0x223: {  	v53 =	vadd.s32 v2, v14;
	v38 =	vld [tilespmem:s15+$0xFFFFFF60];
	[tilespmem:v37+s22+$0x0] =	vst.idx.msk $0xffff, v46  }
0x224: {  	v63 =	vadd.s32 v2, v17;
	[tilespmem:v40+s22+$0x0] =	vst.idx.msk $0xffff, v49;
	v55 =	vld [tilespmem:s15+$0x170];
	v58 =	vadd.f32 v45, v6  }
0x225: {  	v44 =	vadd.s32 v2, v11;
	v41 =	vld [tilespmem:s15+$0xFFFFFFA0];
	v37 =	vadd.f32 v51, v6;
	[tilespmem:v62+s22+$0x0] =	vst.idx.msk $0xffff, v43  }
0x226: {  	v61 =	vadd.s32 v3, v33;
	v54 =	vld [tilespmem:s15+$0xA0];
	v62 =	vadd.f32 v48, v6;
	[tilespmem:v50+s22+$0x0] =	vst.idx.msk $0xffff, v58  }
0x227: {  	v47 =	vadd.s32 v2, v12;
	v36 =	vld [tilespmem:s15+$0xFFFFFEF0];
	v43 =	vadd.f32 v57, v6;
	[tilespmem:v56+s22+$0x0] =	vst.idx.msk $0xffff, v37  }
0x228: {  	v59 =	vadd.s32 v2, v16;
	v40 =	vld [tilespmem:s15+$0xFFFFFF30];
	v52 =	vadd.f32 v38, v6;
	[tilespmem:v53+s22+$0x0] =	vst.idx.msk $0xffff, v62  }
0x229: {  	v8 =	vadd.s32 v3, v8;
	v60 =	vld [tilespmem:s15+$0x120];
	[tilespmem:v63+s22+$0x0] =	vst.idx.msk $0xffff, v43;
	v42 =	vadd.f32 v55, v7  }
0x22a: {  	v9 =	vadd.s32 v3, v9;
	v55 =	vadd.f32 v41, v6;
	v49 =	vld [tilespmem:s15+$0x30];
	[tilespmem:v44+s22+$0x0] =	vst.idx.msk $0xffff, v52  }
0x22b: {  	v38 =	vadd.s32 v2, v18;
	v41 =	vadd.f32 v54, v6;
	[tilespmem:v61+s22+$0x0] =	vst.idx.msk $0xffff, v42;
	v61 =	vld [tilespmem:s15+$0xFFFFFEA0]  }
0x22c: {  	v14 =	vadd.s32 v3, v14;
	v48 =	vadd.f32 v36, v7;
	[tilespmem:v47+s22+$0x0] =	vst.idx.msk $0xffff, v55;
	v42 =	vld [tilespmem:s15+$0xFFFFFF70]  }
0x22d: {  	v39 =	vadd.s32 v2, v10;
	v50 =	vadd.f32 v40, v7;
	[tilespmem:v59+s22+$0x0] =	vst.idx.msk $0xffff, v41;
	v44 =	vld [tilespmem:s15+$0xFFFFFFB0]  }
0x22e: {  	v11 =	vadd.s32 v3, v11;
	v45 =	vadd.f32 v60, v6;
	v47 =	vld [tilespmem:s15+$0xFFFFFFF0];
	[tilespmem:v8+s22+$0x0] =	vst.idx.msk $0xffff, v48  }
0x22f: {  	v12 =	vadd.s32 v3, v12;
	[tilespmem:v9+s22+$0x0] =	vst.idx.msk $0xffff, v50;
	v52 =	vld [tilespmem:s15+$0xB0];
	v57 =	vadd.f32 v49, v7  }
0x230: {  	v13 =	vadd.s32 v3, v13;
	v51 =	vld [tilespmem:s15+$0x70];
	[tilespmem:v38+s22+$0x0] =	vst.idx.msk $0xffff, v45;
	v46 =	vadd.f32 v61, v6  }
0x231: {  	v55 =	vadd.s32 v3, v16;
	v56 =	vld [tilespmem:s15+$0x130];
	v8 =	vadd.f32 v42, v7;
	[tilespmem:v14+s22+$0x0] =	vst.idx.msk $0xffff, v57  }
0x232: {  	v15 =	vadd.s32 v3, v15;
	v54 =	vld [tilespmem:s15+$0xF0];
	v53 =	vadd.f32 v44, v7;
	[tilespmem:v39+s22+$0x0] =	vst.idx.msk $0xffff, v46  }
0x233: {  	v59 =	vadd.s32 v3, v18;
	[tilespmem:v11+s22+$0x0] =	vst.idx.msk $0xffff, v8;
	v8 =	vadd.f32 v47, v7;
	v22 =	vld [tilespmem:s15+$0xFFFFFEB0]  }
0x234: {  	v58 =	vadd.s32 v3, v17;
	v61 =	vadd.f32 v52, v7;
	[tilespmem:v12+s22+$0x0] =	vst.idx.msk $0xffff, v53  }
0x235: {  	v60 =	vadd.s32 v3, v10;
	[tilespmem:v13+s22+$0x0] =	vst.idx.msk $0xffff, v8;
	v8 =	vadd.f32 v51, v7  }
0x236: {  	[tilespmem:v55+s22+$0x0] =	vst.idx.msk $0xffff, v61;
	v62 =	vadd.f32 v56, v7  }
0x237: {  	[tilespmem:v15+s22+$0x0] =	vst.idx.msk $0xffff, v8;
	v8 =	vadd.f32 v54, v7  }
0x238: {  	[tilespmem:v59+s22+$0x0] =	vst.idx.msk $0xffff, v62;
	v63 =	vadd.f32 v22, v7  }
0x239: {  	[tilespmem:v58+s22+$0x0] =	vst.idx.msk $0xffff, v8  }
0x23a: {  	s24 =	simm.s32 $0xD430;
	s15 =	simm.s32 $0x78;
	[tilespmem:v60+s22+$0x0] =	vst.idx.msk $0xffff, v63  }
.LBB2_13:
0x23b: {  	v8 =	vmov s15;
	v9 =	vld [tilespmem:s24+$0xFFFFFFD0]  }
0x23c: {  	v8 =	vand.u32 $0x7F, v8  }
0x23d: {  	v10 =	vadd.s32 v0, v8;
	_ =	sdelay $0x2  }
0x23e: {  	v9 =	vadd.f32 v9, v4;
	_ =	sdelay $0x1  }
0x23f: {  	[tilespmem:v10+s22+$0x0] =	vst.idx.msk $0xffff, v9  }
0x240: {  	v9 =	vld [tilespmem:s24+$0xFFFFFFE0];
	_ =	sdelay $0x1  }
0x241: {  	v62 =	vadd.s32 v1, v8;
	_ =	sdelay $0x2  }
0x242: {  	v9 =	vadd.f32 v9, v5;
	_ =	sdelay $0x1  }
0x243: {  	[tilespmem:v62+s22+$0x0] =	vst.idx.msk $0xffff, v9  }
0x244: {  	v9 =	vld [tilespmem:s24+$0xFFFFFFF0];
	_ =	sdelay $0x1  }
0x245: {  	v63 =	vadd.s32 v2, v8;
	_ =	sdelay $0x2  }
0x246: {  	v9 =	vadd.f32 v9, v6;
	_ =	sdelay $0x1  }
0x247: {  	[tilespmem:v63+s22+$0x0] =	vst.idx.msk $0xffff, v9  }
0x248: {  	v9 =	vld [tilespmem:s24+$0x0];
	_ =	sdelay $0x1  }
0x249: {  	p2 =	sne.s32 s15, $0x7F;
	v8 =	vadd.s32 v3, v8  }
.Ltmp6:
0x24a: {  	_ = 	snop;
	(pc) =	sbr.rel @p2 .LBB2_13-.Ltmp6, $3  }
0x24b: {  	_ = 	snop  }
0x24c: {  	v9 =	vadd.f32 v9, v7;
	_ =	sdelay $0x1  }
0x24d: {  	s15 =	sadd.s32 $0x1, s15;
	s24 =	sadd.s32 $0x40, s24;
	[tilespmem:v8+s22+$0x0] =	vst.idx.msk $0xffff, v9  }
0x24e: {  	s7 =	sshll.u32 s7, $0x12  }
0x24f: {  	s7 =	sor.u32 s5, s7  }
0x250: {  	s7 =	sshrl.u32 s7, $0x3  }
0x251: {  	s15 =	sadd.s32 s1, s7  }
0x252: {  	[hbm4b:s15+s3] =	stream.linear.scatter [tilespmem:s22], [sflag:$0x6], $0x80, $0x38;
	[tilespmem:$0x19E00] =	vst v63  }
0x253: {  	s25 =	simm.s32 $0x13888;
	s24 =	sadd.s32 $0x10, s15  }
0x254: {  	[hbm4b:s24+s3] =	stream.linear.scatter [tilespmem:s25], [sflag:$0x6], $0x80, $0x38;
	[tilespmem:$0x19E00] =	vst v63  }
0x255: {  	s29 =	simm.s32 $0x13910;
	s25 =	sadd.s32 $0x20, s15  }
0x256: {  	[hbm4b:s25+s3] =	stream.linear.scatter [tilespmem:s29], [sflag:$0x6], $0x80, $0x38;
	[tilespmem:$0x19E00] =	vst v63  }
0x257: {  	s25 =	sadd.s32 $0x30, s15;
	s29 =	simm.s32 $0x13998  }
0x258: {  	[hbm4b:s25+s3] =	stream.linear.scatter [tilespmem:s29], [sflag:$0x6], $0x80, $0x38;
	[tilespmem:$0x19E00] =	vst v63  }
0x259: {  	s25 =	sadd.s32 $0x40, s15;
	s29 =	simm.s32 $0x13A20  }
0x25a: {  	[hbm4b:s25+s3] =	stream.linear.scatter [tilespmem:s29], [sflag:$0x6], $0x80, $0x38;
	[tilespmem:$0x19E00] =	vst v63  }
0x25b: {  	s25 =	sadd.s32 $0x50, s15;
	s29 =	simm.s32 $0x13AA8  }
0x25c: {  	[hbm4b:s25+s3] =	stream.linear.scatter [tilespmem:s29], [sflag:$0x6], $0x80, $0x38;
	[tilespmem:$0x19E00] =	vst v63  }
0x25d: {  	s25 =	sadd.s32 $0x60, s15;
	s29 =	simm.s32 $0x13B30  }
0x25e: {  	[hbm4b:s25+s3] =	stream.linear.scatter [tilespmem:s29], [sflag:$0x6], $0x80, $0x38;
	[tilespmem:$0x19E00] =	vst v63  }
0x25f: {  	s15 =	sadd.s32 $0x70, s15;
	s25 =	simm.s32 $0x13BB8  }
0x260: {  	[hbm4b:s15+s3] =	stream.linear.scatter [tilespmem:s25], [sflag:$0x6], $0x80, $0x38;
	[tilespmem:$0x19E00] =	vst v63  }
0x261: {  	s29 =	simm.s32 $0x13C40;
	s15 =	sadd.s32 s7, s8  }
0x262: {  	[hbm4b:s15+s3] =	stream.linear.scatter [tilespmem:s29], [sflag:$0x6], $0x80, $0x38;
	[tilespmem:$0x19E00] =	vst v63  }
0x263: {  	s25 =	sadd.s32 $0x10, s15;
	s29 =	simm.s32 $0x13CC8  }
0x264: {  	[hbm4b:s25+s3] =	stream.linear.scatter [tilespmem:s29], [sflag:$0x6], $0x80, $0x38;
	[tilespmem:$0x19E00] =	vst v63  }
0x265: {  	s25 =	sadd.s32 $0x20, s15;
	s29 =	simm.s32 $0x13D50  }
0x266: {  	[hbm4b:s25+s3] =	stream.linear.scatter [tilespmem:s29], [sflag:$0x6], $0x80, $0x38;
	[tilespmem:$0x19E00] =	vst v63  }
0x267: {  	s25 =	sadd.s32 $0x30, s15;
	s29 =	simm.s32 $0x13DD8  }
0x268: {  	[hbm4b:s25+s3] =	stream.linear.scatter [tilespmem:s29], [sflag:$0x6], $0x80, $0x38;
	[tilespmem:$0x19E00] =	vst v63  }
0x269: {  	s25 =	sadd.s32 $0x40, s15;
	s29 =	simm.s32 $0x13E60  }
0x26a: {  	[hbm4b:s25+s3] =	stream.linear.scatter [tilespmem:s29], [sflag:$0x6], $0x80, $0x38;
	[tilespmem:$0x19E00] =	vst v63  }
0x26b: {  	s25 =	sadd.s32 $0x50, s15;
	s29 =	simm.s32 $0x13EE8  }
0x26c: {  	[hbm4b:s25+s3] =	stream.linear.scatter [tilespmem:s29], [sflag:$0x6], $0x80, $0x38;
	[tilespmem:$0x19E00] =	vst v63  }
0x26d: {  	s25 =	sadd.s32 $0x60, s15;
	s29 =	simm.s32 $0x13F70  }
0x26e: {  	[hbm4b:s25+s3] =	stream.linear.scatter [tilespmem:s29], [sflag:$0x6], $0x80, $0x38;
	[tilespmem:$0x19E00] =	vst v63  }
0x26f: {  	s15 =	sadd.s32 $0x70, s15;
	s25 =	simm.s32 $0x13FF8  }
0x270: {  	[hbm4b:s15+s3] =	stream.linear.scatter [tilespmem:s25], [sflag:$0x6], $0x80, $0x38;
	[tilespmem:$0x19E00] =	vst v63  }
0x271: {  	s29 =	simm.s32 $0x14080;
	s15 =	sadd.s32 s7, s9  }
0x272: {  	[hbm4b:s15+s3] =	stream.linear.scatter [tilespmem:s29], [sflag:$0x6], $0x80, $0x38;
	[tilespmem:$0x19E00] =	vst v63  }
0x273: {  	s25 =	sadd.s32 $0x10, s15;
	s29 =	simm.s32 $0x14108  }
0x274: {  	[hbm4b:s25+s3] =	stream.linear.scatter [tilespmem:s29], [sflag:$0x6], $0x80, $0x38;
	[tilespmem:$0x19E00] =	vst v63  }
0x275: {  	s25 =	sadd.s32 $0x20, s15;
	s29 =	simm.s32 $0x14190  }
0x276: {  	[hbm4b:s25+s3] =	stream.linear.scatter [tilespmem:s29], [sflag:$0x6], $0x80, $0x38;
	[tilespmem:$0x19E00] =	vst v63  }
0x277: {  	s25 =	sadd.s32 $0x30, s15;
	s29 =	simm.s32 $0x14218  }
0x278: {  	[hbm4b:s25+s3] =	stream.linear.scatter [tilespmem:s29], [sflag:$0x6], $0x80, $0x38;
	[tilespmem:$0x19E00] =	vst v63  }
0x279: {  	s25 =	sadd.s32 $0x40, s15;
	s29 =	simm.s32 $0x142A0  }
0x27a: {  	[hbm4b:s25+s3] =	stream.linear.scatter [tilespmem:s29], [sflag:$0x6], $0x80, $0x38;
	[tilespmem:$0x19E00] =	vst v63  }
0x27b: {  	s25 =	sadd.s32 $0x50, s15;
	s29 =	simm.s32 $0x14328  }
0x27c: {  	[hbm4b:s25+s3] =	stream.linear.scatter [tilespmem:s29], [sflag:$0x6], $0x80, $0x38;
	[tilespmem:$0x19E00] =	vst v63  }
0x27d: {  	s25 =	sadd.s32 $0x60, s15;
	s29 =	simm.s32 $0x143B0  }
0x27e: {  	[hbm4b:s25+s3] =	stream.linear.scatter [tilespmem:s29], [sflag:$0x6], $0x80, $0x38;
	[tilespmem:$0x19E00] =	vst v63  }
0x27f: {  	s15 =	sadd.s32 $0x70, s15;
	s25 =	simm.s32 $0x14438  }
0x280: {  	[hbm4b:s15+s3] =	stream.linear.scatter [tilespmem:s25], [sflag:$0x6], $0x80, $0x38;
	[tilespmem:$0x19E00] =	vst v63  }
0x281: {  	s29 =	simm.s32 $0x144C0;
	s15 =	sadd.s32 s7, s10  }
0x282: {  	[hbm4b:s15+s3] =	stream.linear.scatter [tilespmem:s29], [sflag:$0x6], $0x80, $0x38;
	[tilespmem:$0x19E00] =	vst v63  }
0x283: {  	s25 =	sadd.s32 $0x10, s15;
	s29 =	simm.s32 $0x14548  }
0x284: {  	[hbm4b:s25+s3] =	stream.linear.scatter [tilespmem:s29], [sflag:$0x6], $0x80, $0x38;
	[tilespmem:$0x19E00] =	vst v63  }
0x285: {  	s25 =	sadd.s32 $0x20, s15;
	s29 =	simm.s32 $0x145D0  }
0x286: {  	[hbm4b:s25+s3] =	stream.linear.scatter [tilespmem:s29], [sflag:$0x6], $0x80, $0x38;
	[tilespmem:$0x19E00] =	vst v63  }
0x287: {  	s25 =	sadd.s32 $0x30, s15;
	s29 =	simm.s32 $0x14658  }
0x288: {  	[hbm4b:s25+s3] =	stream.linear.scatter [tilespmem:s29], [sflag:$0x6], $0x80, $0x38;
	[tilespmem:$0x19E00] =	vst v63  }
0x289: {  	s25 =	sadd.s32 $0x40, s15;
	s29 =	simm.s32 $0x146E0  }
0x28a: {  	[hbm4b:s25+s3] =	stream.linear.scatter [tilespmem:s29], [sflag:$0x6], $0x80, $0x38;
	[tilespmem:$0x19E00] =	vst v63  }
0x28b: {  	s25 =	sadd.s32 $0x50, s15;
	s29 =	simm.s32 $0x14768  }
0x28c: {  	[hbm4b:s25+s3] =	stream.linear.scatter [tilespmem:s29], [sflag:$0x6], $0x80, $0x38;
	[tilespmem:$0x19E00] =	vst v63  }
0x28d: {  	s25 =	sadd.s32 $0x60, s15;
	s29 =	simm.s32 $0x147F0  }
0x28e: {  	[hbm4b:s25+s3] =	stream.linear.scatter [tilespmem:s29], [sflag:$0x6], $0x80, $0x38;
	[tilespmem:$0x19E00] =	vst v63  }
0x28f: {  	s15 =	sadd.s32 $0x70, s15;
	s25 =	simm.s32 $0x14878  }
0x290: {  	[hbm4b:s15+s3] =	stream.linear.scatter [tilespmem:s25], [sflag:$0x6], $0x80, $0x38;
	[tilespmem:$0x19E00] =	vst v63  }
0x291: {  	s29 =	simm.s32 $0x14900;
	s15 =	sadd.s32 s7, s11  }
0x292: {  	[hbm4b:s15+s3] =	stream.linear.scatter [tilespmem:s29], [sflag:$0x6], $0x80, $0x38;
	[tilespmem:$0x19E00] =	vst v63  }
0x293: {  	s25 =	sadd.s32 $0x10, s15;
	s29 =	simm.s32 $0x14988  }
0x294: {  	[hbm4b:s25+s3] =	stream.linear.scatter [tilespmem:s29], [sflag:$0x6], $0x80, $0x38;
	[tilespmem:$0x19E00] =	vst v63  }
0x295: {  	s25 =	sadd.s32 $0x20, s15;
	s29 =	simm.s32 $0x14A10  }
0x296: {  	[hbm4b:s25+s3] =	stream.linear.scatter [tilespmem:s29], [sflag:$0x6], $0x80, $0x38;
	[tilespmem:$0x19E00] =	vst v63  }
0x297: {  	s25 =	sadd.s32 $0x30, s15;
	s29 =	simm.s32 $0x14A98  }
0x298: {  	[hbm4b:s25+s3] =	stream.linear.scatter [tilespmem:s29], [sflag:$0x6], $0x80, $0x38;
	[tilespmem:$0x19E00] =	vst v63  }
0x299: {  	s25 =	sadd.s32 $0x40, s15;
	s29 =	simm.s32 $0x14B20  }
0x29a: {  	[hbm4b:s25+s3] =	stream.linear.scatter [tilespmem:s29], [sflag:$0x6], $0x80, $0x38;
	[tilespmem:$0x19E00] =	vst v63  }
0x29b: {  	s25 =	sadd.s32 $0x50, s15;
	s29 =	simm.s32 $0x14BA8  }
0x29c: {  	[hbm4b:s25+s3] =	stream.linear.scatter [tilespmem:s29], [sflag:$0x6], $0x80, $0x38;
	[tilespmem:$0x19E00] =	vst v63  }
0x29d: {  	s25 =	sadd.s32 $0x60, s15;
	s29 =	simm.s32 $0x14C30  }
0x29e: {  	[hbm4b:s25+s3] =	stream.linear.scatter [tilespmem:s29], [sflag:$0x6], $0x80, $0x38;
	[tilespmem:$0x19E00] =	vst v63  }
0x29f: {  	s15 =	sadd.s32 $0x70, s15;
	s25 =	simm.s32 $0x14CB8  }
0x2a0: {  	[hbm4b:s15+s3] =	stream.linear.scatter [tilespmem:s25], [sflag:$0x6], $0x80, $0x38;
	[tilespmem:$0x19E00] =	vst v63  }
0x2a1: {  	s29 =	simm.s32 $0x14D40;
	s15 =	sadd.s32 s7, s12  }
0x2a2: {  	[hbm4b:s15+s3] =	stream.linear.scatter [tilespmem:s29], [sflag:$0x6], $0x80, $0x38;
	[tilespmem:$0x19E00] =	vst v63  }
0x2a3: {  	s25 =	sadd.s32 $0x10, s15;
	s29 =	simm.s32 $0x14DC8  }
0x2a4: {  	[hbm4b:s25+s3] =	stream.linear.scatter [tilespmem:s29], [sflag:$0x6], $0x80, $0x38;
	[tilespmem:$0x19E00] =	vst v63  }
0x2a5: {  	s25 =	sadd.s32 $0x20, s15;
	s29 =	simm.s32 $0x14E50  }
0x2a6: {  	[hbm4b:s25+s3] =	stream.linear.scatter [tilespmem:s29], [sflag:$0x6], $0x80, $0x38;
	[tilespmem:$0x19E00] =	vst v63  }
0x2a7: {  	s25 =	sadd.s32 $0x30, s15;
	s29 =	simm.s32 $0x14ED8  }
0x2a8: {  	[hbm4b:s25+s3] =	stream.linear.scatter [tilespmem:s29], [sflag:$0x6], $0x80, $0x38;
	[tilespmem:$0x19E00] =	vst v63  }
0x2a9: {  	s25 =	sadd.s32 $0x40, s15;
	s29 =	simm.s32 $0x14F60  }
0x2aa: {  	[hbm4b:s25+s3] =	stream.linear.scatter [tilespmem:s29], [sflag:$0x6], $0x80, $0x38;
	[tilespmem:$0x19E00] =	vst v63  }
0x2ab: {  	s25 =	sadd.s32 $0x50, s15;
	s29 =	simm.s32 $0x14FE8  }
0x2ac: {  	[hbm4b:s25+s3] =	stream.linear.scatter [tilespmem:s29], [sflag:$0x6], $0x80, $0x38;
	[tilespmem:$0x19E00] =	vst v63  }
0x2ad: {  	s25 =	sadd.s32 $0x60, s15;
	s29 =	simm.s32 $0x15070  }
0x2ae: {  	[hbm4b:s25+s3] =	stream.linear.scatter [tilespmem:s29], [sflag:$0x6], $0x80, $0x38;
	[tilespmem:$0x19E00] =	vst v63  }
0x2af: {  	s15 =	sadd.s32 $0x70, s15;
	s25 =	simm.s32 $0x150F8  }
0x2b0: {  	[hbm4b:s15+s3] =	stream.linear.scatter [tilespmem:s25], [sflag:$0x6], $0x80, $0x38;
	[tilespmem:$0x19E00] =	vst v63  }
0x2b1: {  	s29 =	simm.s32 $0x15180;
	s15 =	sadd.s32 s7, s13  }
0x2b2: {  	[hbm4b:s15+s3] =	stream.linear.scatter [tilespmem:s29], [sflag:$0x6], $0x80, $0x38;
	[tilespmem:$0x19E00] =	vst v63  }
0x2b3: {  	s25 =	sadd.s32 $0x10, s15;
	s29 =	simm.s32 $0x15208  }
0x2b4: {  	[hbm4b:s25+s3] =	stream.linear.scatter [tilespmem:s29], [sflag:$0x6], $0x80, $0x38;
	[tilespmem:$0x19E00] =	vst v63  }
0x2b5: {  	s25 =	sadd.s32 $0x20, s15;
	s29 =	simm.s32 $0x15290  }
0x2b6: {  	[hbm4b:s25+s3] =	stream.linear.scatter [tilespmem:s29], [sflag:$0x6], $0x80, $0x38;
	[tilespmem:$0x19E00] =	vst v63  }
0x2b7: {  	s25 =	sadd.s32 $0x30, s15;
	s29 =	simm.s32 $0x15318  }
0x2b8: {  	[hbm4b:s25+s3] =	stream.linear.scatter [tilespmem:s29], [sflag:$0x6], $0x80, $0x38;
	[tilespmem:$0x19E00] =	vst v63  }
0x2b9: {  	s25 =	sadd.s32 $0x40, s15;
	s29 =	simm.s32 $0x153A0  }
0x2ba: {  	[hbm4b:s25+s3] =	stream.linear.scatter [tilespmem:s29], [sflag:$0x6], $0x80, $0x38;
	[tilespmem:$0x19E00] =	vst v63  }
0x2bb: {  	s25 =	sadd.s32 $0x50, s15;
	s29 =	simm.s32 $0x15428  }
0x2bc: {  	[hbm4b:s25+s3] =	stream.linear.scatter [tilespmem:s29], [sflag:$0x6], $0x80, $0x38;
	[tilespmem:$0x19E00] =	vst v63  }
0x2bd: {  	s25 =	sadd.s32 $0x60, s15;
	s29 =	simm.s32 $0x154B0  }
0x2be: {  	[hbm4b:s25+s3] =	stream.linear.scatter [tilespmem:s29], [sflag:$0x6], $0x80, $0x38;
	[tilespmem:$0x19E00] =	vst v63  }
0x2bf: {  	s15 =	sadd.s32 $0x70, s15;
	s29 =	simm.s32 $0x15538  }
0x2c0: {  	[hbm4b:s15+s3] =	stream.linear.scatter [tilespmem:s29], [sflag:$0x6], $0x80, $0x38;
	[tilespmem:$0x19E00] =	vst v63  }
0x2c1: {  	s24 =	simm.s32 $0x155C0;
	s7 =	sadd.s32 s7, s14  }
0x2c2: {  	[hbm4b:s7+s3] =	stream.linear.scatter [tilespmem:s24], [sflag:$0x6], $0x80, $0x38;
	[tilespmem:$0x19E00] =	vst v63  }
0x2c3: {  	s25 =	sadd.s32 $0x10, s7;
	s29 =	simm.s32 $0x15648  }
0x2c4: {  	[hbm4b:s25+s3] =	stream.linear.scatter [tilespmem:s29], [sflag:$0x6], $0x80, $0x38;
	[tilespmem:$0x19E00] =	vst v63  }
0x2c5: {  	s25 =	sadd.s32 $0x20, s7;
	s29 =	simm.s32 $0x156D0  }
0x2c6: {  	[hbm4b:s25+s3] =	stream.linear.scatter [tilespmem:s29], [sflag:$0x6], $0x80, $0x38;
	[tilespmem:$0x19E00] =	vst v63  }
0x2c7: {  	s25 =	sadd.s32 $0x30, s7;
	s29 =	simm.s32 $0x15758  }
0x2c8: {  	[hbm4b:s25+s3] =	stream.linear.scatter [tilespmem:s29], [sflag:$0x6], $0x80, $0x38;
	[tilespmem:$0x19E00] =	vst v63  }
0x2c9: {  	s25 =	sadd.s32 $0x40, s7;
	s29 =	simm.s32 $0x157E0  }
0x2ca: {  	[hbm4b:s25+s3] =	stream.linear.scatter [tilespmem:s29], [sflag:$0x6], $0x80, $0x38;
	[tilespmem:$0x19E00] =	vst v63  }
0x2cb: {  	s25 =	sadd.s32 $0x50, s7;
	s29 =	simm.s32 $0x15868  }
0x2cc: {  	[hbm4b:s25+s3] =	stream.linear.scatter [tilespmem:s29], [sflag:$0x6], $0x80, $0x38;
	[tilespmem:$0x19E00] =	vst v63  }
.Ltmp7:
0x2cd: {  	_ = 	snop;
	(pc) =	sbr.rel @p1 .LBB2_16-.Ltmp7, $4  }
0x2ce: {  	s24 =	sadd.s32 $0x60, s7;
	s25 =	simm.s32 $0x158F0  }
0x2cf: {  	[hbm4b:s24+s3] =	stream.linear.scatter [tilespmem:s25], [sflag:$0x6], $0x80, $0x38;
	[tilespmem:$0x19E00] =	vst v63  }
0x2d0: {  	s7 =	sadd.s32 $0x70, s7;
	s29 =	simm.s32 $0x15978  }
0x2d1: {  	[hbm4b:s7+s3] =	stream.linear.scatter [tilespmem:s29], [sflag:$0x6], $0x80, $0x38;
	[tilespmem:$0x19E00] =	vst v63  }
.Ltmp8:
0x2d2: {  	(pc) =	sbr.rel .LBB2_17-.Ltmp8, $4  }
0x2d3: {  	_ = 	snop  }
0x2d4: {  	_ =	swait.ge [sflag:s16], $0x2000  }
0x2d5: {  	[sflag:s16] =	ssyncset.done $0x0  }
0x2d6: {  	[sflag:s16] =	ssyncadd.s32 $0xFFFFE000  }
.LBB2_16:
0x2d7: {  	s7 =	sshll.u32 s6, $0x7  }
0x2d8: {  	s7 =	sadd.s32 $0x280, s7  }
.Ltmp9:
0x2d9: {  	s15 =	simm.s32 $0xB600;
	s7 =	sand.u32 $0xFE80, s7;
	(pc) =	sbr.rel @p0 .LBB2_18-.Ltmp9, $4  }
0x2da: {  	[tilespmem:s15], [sflag:$0x2] =	stream.indirect.gather [hbm4b:s4+s20], $0x40, s7, s20, $0xb8;
	[tilespmem:$0x19E00] =	vst v63  }
0x2db: {  	_ =	swait.ge [sflag:s16], $0x2000  }
0x2dc: {  	[sflag:s16] =	ssyncset.done $0x0  }
0x2dd: {  	[sflag:s16] =	ssyncadd.s32 $0xFFFFE000  }
.LBB2_17:
0x2de: {  	_ =	swait.ge [sflag:s17], $0x400  }
0x2df: {  	[sflag:s17] =	ssyncset.done $0x0  }
0x2e0: {  	[sflag:s17] =	ssyncadd.s32 $0xFFFFFC00  }
0x2e1: {  	_ =	swait.ge [sflag:s17], $0x400  }
0x2e2: {  	[sflag:s17] =	ssyncset.done $0x0  }
0x2e3: {  	[sflag:s17] =	ssyncadd.s32 $0xFFFFFC00  }
0x2e4: {  	_ =	swait.ge [sflag:s17], $0x400  }
0x2e5: {  	[sflag:s17] =	ssyncset.done $0x0  }
0x2e6: {  	[sflag:s17] =	ssyncadd.s32 $0xFFFFFC00  }
0x2e7: {  	_ =	swait.ge [sflag:s17], $0x400  }
0x2e8: {  	[sflag:s17] =	ssyncset.done $0x0  }
0x2e9: {  	[sflag:s17] =	ssyncadd.s32 $0xFFFFFC00  }
0x2ea: {  	_ =	swait.ge [sflag:s17], $0x400  }
0x2eb: {  	[sflag:s17] =	ssyncset.done $0x0  }
0x2ec: {  	[sflag:s17] =	ssyncadd.s32 $0xFFFFFC00  }
0x2ed: {  	_ =	swait.ge [sflag:s17], $0x400  }
0x2ee: {  	[sflag:s17] =	ssyncset.done $0x0  }
0x2ef: {  	[sflag:s17] =	ssyncadd.s32 $0xFFFFFC00  }
0x2f0: {  	_ =	swait.ge [sflag:s17], $0x400  }
0x2f1: {  	[sflag:s17] =	ssyncset.done $0x0  }
0x2f2: {  	[sflag:s17] =	ssyncadd.s32 $0xFFFFFC00  }
0x2f3: {  	_ =	swait.ge [sflag:s17], $0x400  }
0x2f4: {  	[sflag:s17] =	ssyncset.done $0x0  }
0x2f5: {  	[sflag:s17] =	ssyncadd.s32 $0xFFFFFC00  }
.LBB2_18:
0x2f6: {  	s7 =	sor.u32 $0x2, s6  }
0x2f7: {  	s15 =	sshll.u32 s7, $0x6  }
0x2f8: {  	s24 =	sand.u32 $0x3FFFFFC0, s15  }
0x2f9: {  	v4 =	vld [tilespmem:s24+$0x6400]  }
0x2fa: {  	s25 =	simm.s32 $0x0;
	s29 =	simm.s32 $0xB;
	v5 =	vld [tilespmem:s24+$0x6410]  }
0x2fb: {  	v8 =	vmov s25;
	s25 =	simm.s32 $0x1;
	v12 =	vmov s29;
	v6 =	vld [tilespmem:s24+$0x6420]  }
0x2fc: {  	s15 =	simm.s32 $0xD780;
	v8 =	vand.u32 $0x7C, v8;
	v9 =	vmov s25;
	s25 =	simm.s32 $0x3;
	v20 =	vand.u32 $0xFF, v12;
	v7 =	vld [tilespmem:s24+$0x6430]  }
0x2fd: {  	s24 =	simm.s32 $0x2;
	v11 =	vmov s25;
	v13 =	vld [tilespmem:s15+$0x140];
	v23 =	vadd.s32 v0, v20;
	v25 =	vadd.s32 v0, v8  }
0x2fe: {  	s25 =	simm.s32 $0x5;
	v17 =	vld [tilespmem:s15+$0xFFFFFE80];
	v19 =	vand.u32 $0x7D, v9;
	v61 =	vadd.s32 v2, v8;
	v10 =	vmov s24  }
0x2ff: {  	v22 =	vld [tilespmem:s15+$0xFFFFFEC0];
	s24 =	simm.s32 $0x4;
	v16 =	vmov s25;
	s25 =	simm.s32 $0x7;
	v27 =	vadd.s32 v0, v19;
	v15 =	vand.u32 $0x7F, v11  }
0x300: {  	v9 =	vld [tilespmem:s15+$0xFFFFFF00];
	v14 =	vmov s24;
	s24 =	simm.s32 $0x6;
	v21 =	vmov s25;
	v18 =	vand.u32 $0x7E, v10  }
0x301: {  	v10 =	vld [tilespmem:s15+$0xFFFFFF40];
	v30 =	vadd.s32 v0, v15;
	v11 =	vand.u32 $0xFD, v16;
	v12 =	vmov s24  }
0x302: {  	v29 =	vld [tilespmem:s15+$0xFFFFFF80];
	s25 =	simm.s32 $0x8;
	v28 =	vadd.s32 v0, v18;
	v14 =	vand.u32 $0xFC, v14;
	v13 =	vadd.f32 v13, v4  }
0x303: {  	v31 =	vld [tilespmem:s15+$0xFFFFFFC0];
	v24 =	vmov s25;
	v32 =	vadd.s32 v0, v14;
	v17 =	vadd.f32 v17, v4  }
0x304: {  	v33 =	vld [tilespmem:s15+$0x0];
	v16 =	vand.u32 $0xFF, v21;
	v35 =	vadd.s32 v3, v14;
	v22 =	vadd.f32 v22, v4;
	[tilespmem:v23+s19+$0x0] =	vst.idx.msk $0xffff, v13  }
0x305: {  	s25 =	simm.s32 $0x9;
	v12 =	vand.u32 $0xFE, v12;
	v9 =	vadd.f32 v9, v4;
	[tilespmem:v25+s19+$0x0] =	vst.idx.msk $0xffff, v17;
	v23 =	vadd.s32 v0, v11;
	v25 =	vld [tilespmem:s15+$0x150]  }
0x306: {  	v26 =	vmov s25;
	s25 =	simm.s32 $0xA;
	[tilespmem:v27+s19+$0x0] =	vst.idx.msk $0xffff, v22;
	v10 =	vadd.f32 v10, v4;
	v22 =	vadd.s32 v0, v12;
	v27 =	vld [tilespmem:s15+$0x40]  }
0x307: {  	v21 =	vld [tilespmem:s15+$0x80];
	v34 =	vmov s25;
	[tilespmem:v28+s19+$0x0] =	vst.idx.msk $0xffff, v9;
	v9 =	vadd.f32 v29, v4;
	v28 =	vadd.s32 v1, v20  }
0x308: {  	v17 =	vand.u32 $0xFC, v24;
	v24 =	vld [tilespmem:s15+$0xC0];
	v29 =	vadd.s32 v0, v16;
	[tilespmem:v30+s19+$0x0] =	vst.idx.msk $0xffff, v10;
	v10 =	vadd.f32 v31, v4  }
0x309: {  	v13 =	vand.u32 $0xFD, v26;
	v26 =	vld [tilespmem:s15+$0x100];
	v30 =	vadd.f32 v33, v4;
	v31 =	vadd.s32 v0, v17;
	[tilespmem:v32+s19+$0x0] =	vst.idx.msk $0xffff, v9  }
0x30a: {  	v55 =	vld [tilespmem:s15+$0xFFFFFED0];
	v9 =	vand.u32 $0xFE, v34;
	[tilespmem:v23+s19+$0x0] =	vst.idx.msk $0xffff, v10;
	v10 =	vadd.s32 v0, v13;
	v23 =	vadd.f32 v25, v5  }
0x30b: {  	[tilespmem:v22+s19+$0x0] =	vst.idx.msk $0xffff, v30;
	v22 =	vadd.f32 v27, v4;
	v27 =	vadd.s32 v0, v9;
	v25 =	vld [tilespmem:s15+$0xFFFFFF10]  }
0x30c: {  	v21 =	vadd.f32 v21, v4;
	v56 =	vld [tilespmem:s15+$0xFFFFFF50];
	v30 =	vadd.s32 v1, v19;
	[tilespmem:v28+s19+$0x0] =	vst.idx.msk $0xffff, v23  }
0x30d: {  	[tilespmem:v29+s19+$0x0] =	vst.idx.msk $0xffff, v22;
	v22 =	vadd.f32 v24, v4;
	v23 =	vadd.s32 v1, v18;
	v24 =	vld [tilespmem:s15+$0x160]  }
0x30e: {  	v29 =	vld [tilespmem:s15+$0xFFFFFF90];
	[tilespmem:v31+s19+$0x0] =	vst.idx.msk $0xffff, v21;
	v21 =	vadd.f32 v26, v4;
	v28 =	vadd.s32 v1, v15  }
0x30f: {  	v26 =	vadd.f32 v55, v5;
	v31 =	vld [tilespmem:s15+$0xFFFFFFD0];
	[tilespmem:v10+s19+$0x0] =	vst.idx.msk $0xffff, v22;
	v10 =	vadd.s32 v2, v20  }
0x310: {  	v57 =	vld [tilespmem:s15+$0x10];
	[tilespmem:v27+s19+$0x0] =	vst.idx.msk $0xffff, v21;
	v22 =	vadd.f32 v25, v5;
	v25 =	vadd.s32 v1, v14  }
0x311: {  	[tilespmem:v30+s19+$0x0] =	vst.idx.msk $0xffff, v26;
	v21 =	vadd.f32 v56, v5;
	v26 =	vadd.s32 v1, v11;
	v27 =	vld [tilespmem:s15+$0x50]  }
0x312: {  	[tilespmem:v23+s19+$0x0] =	vst.idx.msk $0xffff, v22;
	v22 =	vadd.s32 v1, v12;
	v23 =	vld [tilespmem:s15+$0x90];
	v24 =	vadd.f32 v24, v6  }
0x313: {  	[tilespmem:v28+s19+$0x0] =	vst.idx.msk $0xffff, v21;
	v21 =	vadd.f32 v29, v5;
	v28 =	vadd.s32 v1, v16;
	v29 =	vld [tilespmem:s15+$0xD0]  }
0x314: {  	v58 =	vld [tilespmem:s15+$0x110];
	v30 =	vadd.f32 v31, v5;
	v31 =	vadd.s32 v1, v17;
	[tilespmem:v10+s19+$0x0] =	vst.idx.msk $0xffff, v24  }
0x315: {  	[tilespmem:v25+s19+$0x0] =	vst.idx.msk $0xffff, v21;
	v10 =	vadd.f32 v57, v5;
	v21 =	vadd.s32 v1, v13;
	v24 =	vld [tilespmem:s15+$0x170]  }
0x316: {  	[tilespmem:v26+s19+$0x0] =	vst.idx.msk $0xffff, v30;
	v26 =	vadd.f32 v27, v5;
	v27 =	vadd.s32 v1, v9;
	v25 =	vld [tilespmem:s15+$0xFFFFFE90]  }
0x317: {  	v20 =	vadd.s32 v3, v20;
	v30 =	vld [tilespmem:s15+$0xFFFFFEE0];
	[tilespmem:v22+s19+$0x0] =	vst.idx.msk $0xffff, v10;
	v10 =	vadd.f32 v23, v5  }
0x318: {  	v22 =	vadd.s32 v1, v8;
	v23 =	vld [tilespmem:s15+$0xFFFFFF20];
	[tilespmem:v28+s19+$0x0] =	vst.idx.msk $0xffff, v26;
	v26 =	vadd.f32 v29, v5  }
0x319: {  	v28 =	vadd.s32 v2, v19;
	v29 =	vld [tilespmem:s15+$0xFFFFFF60];
	[tilespmem:v31+s19+$0x0] =	vst.idx.msk $0xffff, v10;
	v10 =	vadd.f32 v58, v5  }
0x31a: {  	v59 =	vld [tilespmem:s15+$0xFFFFFFA0];
	v31 =	vadd.s32 v2, v18;
	[tilespmem:v21+s19+$0x0] =	vst.idx.msk $0xffff, v26;
	v21 =	vadd.f32 v24, v7  }
0x31b: {  	v26 =	vld [tilespmem:s15+$0xFFFFFFE0];
	v24 =	vadd.f32 v25, v5;
	v25 =	vadd.s32 v2, v15;
	[tilespmem:v27+s19+$0x0] =	vst.idx.msk $0xffff, v10  }
0x31c: {  	v10 =	vadd.f32 v30, v6;
	v27 =	vadd.s32 v2, v14;
	v30 =	vld [tilespmem:s15+$0x20];
	[tilespmem:v20+s19+$0x0] =	vst.idx.msk $0xffff, v21  }
0x31d: {  	[tilespmem:v22+s19+$0x0] =	vst.idx.msk $0xffff, v24;
	v20 =	vadd.f32 v23, v6;
	v21 =	vadd.s32 v2, v11;
	v22 =	vld [tilespmem:s15+$0x60]  }
0x31e: {  	[tilespmem:v28+s19+$0x0] =	vst.idx.msk $0xffff, v10;
	v10 =	vadd.f32 v29, v6;
	v23 =	vadd.s32 v2, v12;
	v24 =	vld [tilespmem:s15+$0xA0]  }
0x31f: {  	v28 =	vadd.s32 v2, v16;
	v29 =	vld [tilespmem:s15+$0xE0];
	[tilespmem:v31+s19+$0x0] =	vst.idx.msk $0xffff, v20;
	v20 =	vadd.f32 v59, v6  }
0x320: {  	[tilespmem:v25+s19+$0x0] =	vst.idx.msk $0xffff, v10;
	v10 =	vadd.f32 v26, v6;
	v25 =	vadd.s32 v2, v17;
	v26 =	vld [tilespmem:s15+$0x120]  }
0x321: {  	v31 =	vld [tilespmem:s15+$0xFFFFFEA0];
	[tilespmem:v27+s19+$0x0] =	vst.idx.msk $0xffff, v20;
	v20 =	vadd.f32 v30, v6;
	v27 =	vadd.s32 v2, v13  }
0x322: {  	v60 =	vadd.s32 v2, v9;
	v30 =	vld [tilespmem:s15+$0xFFFFFEF0];
	[tilespmem:v21+s19+$0x0] =	vst.idx.msk $0xffff, v10;
	v21 =	vadd.f32 v22, v6  }
0x323: {  	v19 =	vadd.s32 v3, v19;
	v62 =	vld [tilespmem:s15+$0xFFFFFF30];
	v22 =	vadd.f32 v24, v6;
	[tilespmem:v23+s19+$0x0] =	vst.idx.msk $0xffff, v20  }
0x324: {  	s25 =	simm.s32 $0xD;
	v18 =	vadd.s32 v3, v18;
	v24 =	vld [tilespmem:s15+$0xFFFFFF70];
	v23 =	vadd.f32 v29, v6;
	[tilespmem:v28+s19+$0x0] =	vst.idx.msk $0xffff, v21  }
0x325: {  	v15 =	vadd.s32 v3, v15;
	v20 =	vmov s25;
	s25 =	simm.s32 $0xE;
	v28 =	vld [tilespmem:s15+$0xFFFFFFB0];
	[tilespmem:v25+s19+$0x0] =	vst.idx.msk $0xffff, v22;
	v25 =	vadd.f32 v26, v6  }
0x326: {  	v16 =	vadd.s32 v3, v16;
	v29 =	vld [tilespmem:s15+$0xFFFFFFF0];
	v21 =	vmov s25;
	s25 =	simm.s32 $0xF;
	v26 =	vadd.f32 v31, v6;
	[tilespmem:v27+s19+$0x0] =	vst.idx.msk $0xffff, v23  }
0x327: {  	v13 =	vadd.s32 v3, v13;
	v36 =	vld [tilespmem:s15+$0x30];
	v22 =	vmov s25;
	s25 =	simm.s32 $0x10;
	v27 =	vadd.f32 v30, v7;
	[tilespmem:v60+s19+$0x0] =	vst.idx.msk $0xffff, v25  }
0x328: {  	v14 =	vmov s25;
	s25 =	simm.s32 $0x11;
	v30 =	vadd.f32 v62, v7;
	[tilespmem:v61+s19+$0x0] =	vst.idx.msk $0xffff, v26;
	v25 =	vadd.s32 v3, v11;
	v26 =	vld [tilespmem:s15+$0x70]  }
0x329: {  	s24 =	simm.s32 $0xC;
	v23 =	vmov s25;
	s25 =	simm.s32 $0x12;
	v11 =	vadd.s32 v3, v12;
	v12 =	vld [tilespmem:s15+$0xB0];
	[tilespmem:v19+s19+$0x0] =	vst.idx.msk $0xffff, v27;
	v19 =	vadd.f32 v24, v7  }
0x32a: {  	v10 =	vmov s24;
	v24 =	vmov s25;
	s25 =	simm.s32 $0x13;
	[tilespmem:v18+s19+$0x0] =	vst.idx.msk $0xffff, v30;
	v27 =	vld [tilespmem:s15+$0xF0];
	v63 =	vadd.f32 v28, v7  }
0x32b: {  	v31 =	vadd.f32 v29, v7;
	v29 =	vld [tilespmem:s15+$0x130];
	v18 =	vmov s25;
	s25 =	simm.s32 $0x14;
	v28 =	vadd.s32 v3, v17;
	[tilespmem:v15+s19+$0x0] =	vst.idx.msk $0xffff, v19  }
0x32c: {  	s29 =	simm.s32 $0x17;
	v10 =	vand.u32 $0x7C, v10;
	v30 =	vld [tilespmem:s15+$0xFFFFFEB0];
	s15 =	simm.s32 $0xDA80;
	v17 =	vadd.f32 v36, v7;
	v19 =	vmov s25;
	s25 =	simm.s32 $0x18;
	[tilespmem:v35+s19+$0x0] =	vst.idx.msk $0xffff, v63  }
.LBB2_19:
0x32d: {  	p2 =	slt.u32 s25, $0x6C;
	v15 =	vmov s29;
	v32 =	vld [tilespmem:s15+$0x140];
	[tilespmem:v25+s19+$0x0] =	vst.idx.msk $0xffff, v31;
	v26 =	vadd.f32 v26, v7;
	v9 =	vadd.s32 v3, v9  }
0x32e: {  	s29 =	sadd.s32 $0x9, s24;
	v31 =	vld [tilespmem:s15+$0xFFFFFE80];
	v25 =	vand.u32 $0xFF, v15;
	v15 =	vadd.s32 v3, v8;
	[tilespmem:v11+s19+$0x0] =	vst.idx.msk $0xffff, v17;
	v11 =	vadd.f32 v12, v7  }
0x32f: {  	v33 =	vmov s29;
	v8 =	vmovc v10;
	v12 =	vld [tilespmem:s15+$0xFFFFFEC0];
	v34 =	vadd.s32 v0, v25;
	[tilespmem:v16+s19+$0x0] =	vst.idx.msk $0xffff, v26;
	v26 =	vadd.f32 v27, v7  }
0x330: {  	v17 =	vand.u32 $0x7D, v20;
	v10 =	vadd.s32 v0, v8;
	v20 =	vld [tilespmem:s15+$0xFFFFFF00];
	[tilespmem:v28+s19+$0x0] =	vst.idx.msk $0xffff, v11;
	v11 =	vadd.f32 v29, v7  }
0x331: {  	v27 =	vadd.s32 v0, v17;
	v16 =	vand.u32 $0x7E, v21;
	v21 =	vld [tilespmem:s15+$0xFFFFFF40];
	v28 =	vadd.f32 v30, v7;
	[tilespmem:v13+s19+$0x0] =	vst.idx.msk $0xffff, v26  }
0x332: {  	v26 =	vadd.s32 v0, v16;
	v13 =	vand.u32 $0x7F, v22;
	v22 =	vld [tilespmem:s15+$0xFFFFFF80];
	v29 =	vadd.f32 v32, v4;
	[tilespmem:v9+s19+$0x0] =	vst.idx.msk $0xffff, v11  }
0x333: {  	v14 =	vand.u32 $0xFC, v14;
	v30 =	vadd.s32 v0, v13;
	v9 =	vadd.f32 v31, v4;
	v31 =	vld [tilespmem:s15+$0xFFFFFFC0];
	[tilespmem:v15+s19+$0x0] =	vst.idx.msk $0xffff, v28  }
0x334: {  	v11 =	vand.u32 $0xFD, v23;
	v28 =	vadd.s32 v0, v14;
	v15 =	vadd.f32 v12, v4;
	v23 =	vld [tilespmem:s15+$0x0];
	[tilespmem:v34+s19+$0x0] =	vst.idx.msk $0xffff, v29  }
0x335: {  	s29 =	sadd.s32 $0xA, s24;
	s24 =	smov.u32 s25;
	v12 =	vand.u32 $0xFE, v24;
	[tilespmem:v10+s19+$0x0] =	vst.idx.msk $0xffff, v9;
	v9 =	vadd.f32 v20, v4;
	v10 =	vadd.s32 v0, v11;
	v20 =	vld [tilespmem:s15+$0x150]  }
0x336: {  	[tilespmem:v27+s19+$0x0] =	vst.idx.msk $0xffff, v15;
	v15 =	vadd.f32 v21, v4;
	v21 =	vadd.s32 v0, v12;
	v24 =	vld [tilespmem:s15+$0x40];
	v27 =	vmov s29  }
0x337: {  	v18 =	vand.u32 $0xFF, v18;
	[tilespmem:v26+s19+$0x0] =	vst.idx.msk $0xffff, v9;
	v9 =	vadd.f32 v22, v4;
	v22 =	vld [tilespmem:s15+$0x80];
	v26 =	vadd.s32 v1, v25  }
0x338: {  	v19 =	vand.u32 $0xFC, v19;
	[tilespmem:v30+s19+$0x0] =	vst.idx.msk $0xffff, v15;
	v29 =	vadd.f32 v31, v4;
	v30 =	vadd.s32 v0, v18;
	v31 =	vld [tilespmem:s15+$0xC0]  }
0x339: {  	v15 =	vand.u32 $0xFD, v33;
	[tilespmem:v28+s19+$0x0] =	vst.idx.msk $0xffff, v9;
	v23 =	vadd.f32 v23, v4;
	v28 =	vadd.s32 v0, v19;
	v32 =	vld [tilespmem:s15+$0x100]  }
0x33a: {  	v9 =	vand.u32 $0xFE, v27;
	v33 =	vld [tilespmem:s15+$0xFFFFFED0];
	[tilespmem:v10+s19+$0x0] =	vst.idx.msk $0xffff, v29;
	v10 =	vadd.s32 v0, v15;
	v20 =	vadd.f32 v20, v5  }
0x33b: {  	v27 =	vld [tilespmem:s15+$0xFFFFFF10];
	[tilespmem:v21+s19+$0x0] =	vst.idx.msk $0xffff, v23;
	v21 =	vadd.f32 v24, v4;
	v23 =	vadd.s32 v0, v9  }
0x33c: {  	v24 =	vadd.s32 v1, v17;
	v29 =	vld [tilespmem:s15+$0xFFFFFF50];
	v22 =	vadd.f32 v22, v4;
	[tilespmem:v26+s19+$0x0] =	vst.idx.msk $0xffff, v20  }
0x33d: {  	v20 =	vadd.s32 v1, v16;
	[tilespmem:v30+s19+$0x0] =	vst.idx.msk $0xffff, v21;
	v21 =	vadd.f32 v31, v4;
	v26 =	vld [tilespmem:s15+$0x160]  }
0x33e: {  	v30 =	vadd.s32 v1, v13;
	v31 =	vld [tilespmem:s15+$0xFFFFFF90];
	[tilespmem:v28+s19+$0x0] =	vst.idx.msk $0xffff, v22;
	v22 =	vadd.f32 v32, v4  }
0x33f: {  	v28 =	vadd.f32 v33, v5;
	v32 =	vld [tilespmem:s15+$0xFFFFFFD0];
	[tilespmem:v10+s19+$0x0] =	vst.idx.msk $0xffff, v21;
	v10 =	vadd.s32 v2, v25  }
0x340: {  	v21 =	vadd.f32 v27, v5;
	v27 =	vadd.s32 v1, v14;
	v33 =	vld [tilespmem:s15+$0x10];
	[tilespmem:v23+s19+$0x0] =	vst.idx.msk $0xffff, v22  }
0x341: {  	v23 =	vadd.s32 v1, v11;
	[tilespmem:v24+s19+$0x0] =	vst.idx.msk $0xffff, v28;
	v22 =	vadd.f32 v29, v5;
	v24 =	vld [tilespmem:s15+$0x50]  }
0x342: {  	[tilespmem:v20+s19+$0x0] =	vst.idx.msk $0xffff, v21;
	v20 =	vadd.s32 v1, v12;
	v21 =	vld [tilespmem:s15+$0x90];
	v26 =	vadd.f32 v26, v6  }
0x343: {  	v28 =	vadd.s32 v1, v18;
	[tilespmem:v30+s19+$0x0] =	vst.idx.msk $0xffff, v22;
	v22 =	vadd.f32 v31, v5;
	v29 =	vld [tilespmem:s15+$0xD0]  }
0x344: {  	v31 =	vadd.s32 v1, v19;
	v30 =	vadd.f32 v32, v5;
	v32 =	vld [tilespmem:s15+$0x110];
	[tilespmem:v10+s19+$0x0] =	vst.idx.msk $0xffff, v26  }
0x345: {  	[tilespmem:v27+s19+$0x0] =	vst.idx.msk $0xffff, v22;
	v10 =	vadd.f32 v33, v5;
	v22 =	vadd.s32 v1, v15;
	v26 =	vld [tilespmem:s15+$0x170]  }
0x346: {  	v27 =	vld [tilespmem:s15+$0xFFFFFE90];
	[tilespmem:v23+s19+$0x0] =	vst.idx.msk $0xffff, v30;
	v23 =	vadd.f32 v24, v5;
	v24 =	vadd.s32 v1, v9  }
0x347: {  	v30 =	vld [tilespmem:s15+$0xFFFFFEE0];
	[tilespmem:v20+s19+$0x0] =	vst.idx.msk $0xffff, v10;
	v10 =	vadd.f32 v21, v5;
	v20 =	vadd.s32 v3, v25  }
0x348: {  	v21 =	vadd.s32 v1, v8;
	v25 =	vld [tilespmem:s15+$0xFFFFFF20];
	[tilespmem:v28+s19+$0x0] =	vst.idx.msk $0xffff, v23;
	v23 =	vadd.f32 v29, v5  }
0x349: {  	v28 =	vadd.s32 v2, v17;
	v29 =	vld [tilespmem:s15+$0xFFFFFF60];
	[tilespmem:v31+s19+$0x0] =	vst.idx.msk $0xffff, v10;
	v10 =	vadd.f32 v32, v5  }
0x34a: {  	v31 =	vadd.s32 v2, v16;
	v32 =	vld [tilespmem:s15+$0xFFFFFFA0];
	[tilespmem:v22+s19+$0x0] =	vst.idx.msk $0xffff, v23;
	v22 =	vadd.f32 v26, v7  }
0x34b: {  	v26 =	vadd.s32 v2, v13;
	v23 =	vadd.f32 v27, v5;
	v27 =	vld [tilespmem:s15+$0xFFFFFFE0];
	[tilespmem:v24+s19+$0x0] =	vst.idx.msk $0xffff, v10  }
0x34c: {  	v24 =	vadd.s32 v2, v14;
	v10 =	vadd.f32 v30, v6;
	v30 =	vld [tilespmem:s15+$0x20];
	[tilespmem:v20+s19+$0x0] =	vst.idx.msk $0xffff, v22  }
0x34d: {  	[tilespmem:v21+s19+$0x0] =	vst.idx.msk $0xffff, v23;
	v20 =	vadd.f32 v25, v6;
	v21 =	vadd.s32 v2, v11;
	v22 =	vld [tilespmem:s15+$0x60]  }
0x34e: {  	v23 =	vadd.s32 v2, v12;
	[tilespmem:v28+s19+$0x0] =	vst.idx.msk $0xffff, v10;
	v10 =	vadd.f32 v29, v6;
	v25 =	vld [tilespmem:s15+$0xA0]  }
0x34f: {  	v28 =	vadd.s32 v2, v18;
	[tilespmem:v31+s19+$0x0] =	vst.idx.msk $0xffff, v20;
	v20 =	vadd.f32 v32, v6;
	v29 =	vld [tilespmem:s15+$0xE0]  }
0x350: {  	[tilespmem:v26+s19+$0x0] =	vst.idx.msk $0xffff, v10;
	v10 =	vadd.f32 v27, v6;
	v26 =	vadd.s32 v2, v19;
	v27 =	vld [tilespmem:s15+$0x120]  }
0x351: {  	v31 =	vld [tilespmem:s15+$0xFFFFFEA0];
	[tilespmem:v24+s19+$0x0] =	vst.idx.msk $0xffff, v20;
	v20 =	vadd.f32 v30, v6;
	v24 =	vadd.s32 v2, v15  }
0x352: {  	v32 =	vadd.s32 v2, v9;
	v30 =	vld [tilespmem:s15+$0xFFFFFEF0];
	[tilespmem:v21+s19+$0x0] =	vst.idx.msk $0xffff, v10;
	v21 =	vadd.f32 v22, v6  }
0x353: {  	v33 =	vadd.s32 v2, v8;
	v10 =	vmov s25;
	v34 =	vld [tilespmem:s15+$0xFFFFFF30];
	[tilespmem:v23+s19+$0x0] =	vst.idx.msk $0xffff, v20;
	v22 =	vadd.f32 v25, v6  }
0x354: {  	s29 =	sadd.s32 $0x1, s25;
	v17 =	vadd.s32 v3, v17;
	v10 =	vand.u32 $0x7C, v10;
	v35 =	vld [tilespmem:s15+$0xFFFFFF70];
	[tilespmem:v28+s19+$0x0] =	vst.idx.msk $0xffff, v21;
	v23 =	vadd.f32 v29, v6  }
0x355: {  	v16 =	vadd.s32 v3, v16;
	v20 =	vmov s29;
	s29 =	sadd.s32 $0x2, s25;
	v28 =	vld [tilespmem:s15+$0xFFFFFFB0];
	[tilespmem:v26+s19+$0x0] =	vst.idx.msk $0xffff, v22;
	v25 =	vadd.f32 v27, v6  }
0x356: {  	v13 =	vadd.s32 v3, v13;
	v21 =	vmov s29;
	s29 =	sadd.s32 $0x3, s25;
	v26 =	vadd.f32 v31, v6;
	v29 =	vld [tilespmem:s15+$0xFFFFFFF0];
	[tilespmem:v24+s19+$0x0] =	vst.idx.msk $0xffff, v23  }
0x357: {  	v36 =	vadd.s32 v3, v14;
	v22 =	vmov s29;
	s29 =	sadd.s32 $0x4, s25;
	v24 =	vadd.f32 v30, v7;
	v37 =	vld [tilespmem:s15+$0x30];
	[tilespmem:v32+s19+$0x0] =	vst.idx.msk $0xffff, v25  }
.Ltmp10:
0x358: {  	v14 =	vmov s29;
	s29 =	sadd.s32 $0x5, s25;
	v25 =	vadd.s32 v3, v11;
	[tilespmem:v33+s19+$0x0] =	vst.idx.msk $0xffff, v26;
	v27 =	vadd.f32 v34, v7;
	v26 =	vld [tilespmem:s15+$0x70];
	(pc) =	sbr.rel @p2 .LBB2_19-.Ltmp10, $4  }
0x359: {  	v23 =	vmov s29;
	s29 =	sadd.s32 $0x6, s25;
	v11 =	vadd.s32 v3, v12;
	[tilespmem:v17+s19+$0x0] =	vst.idx.msk $0xffff, v24;
	v17 =	vadd.f32 v35, v7;
	v12 =	vld [tilespmem:s15+$0xB0]  }
0x35a: {  	v24 =	vmov s29;
	s29 =	sadd.s32 $0x7, s25;
	[tilespmem:v16+s19+$0x0] =	vst.idx.msk $0xffff, v27;
	v32 =	vadd.f32 v28, v7;
	v16 =	vadd.s32 v3, v18;
	v27 =	vld [tilespmem:s15+$0xF0]  }
0x35b: {  	v18 =	vmov s29;
	s29 =	sadd.s32 $0x8, s25;
	v28 =	vadd.s32 v3, v19;
	[tilespmem:v13+s19+$0x0] =	vst.idx.msk $0xffff, v17;
	v31 =	vadd.f32 v29, v7;
	v29 =	vld [tilespmem:s15+$0x130]  }
0x35c: {  	s25 =	sadd.s32 $0xC, s25;
	v19 =	vmov s29;
	s29 =	sadd.s32 $0xB, s24;
	v13 =	vadd.s32 v3, v15;
	v30 =	vld [tilespmem:s15+$0xFFFFFEB0];
	[tilespmem:v36+s19+$0x0] =	vst.idx.msk $0xffff, v32;
	v17 =	vadd.f32 v37, v7;
	s15 =	sadd.s32 $0x300, s15  }
0x35d: {  	_ =	sdelay $0x3  }
0x35e: {  	v15 =	vmov s29;
	[tilespmem:v25+s19+$0x0] =	vst.idx.msk $0xffff, v31  }
0x35f: {  	v32 =	vld [tilespmem:s15+$0x140];
	v46 =	vadd.f32 v26, v7;
	v47 =	vadd.s32 v3, v9;
	v49 =	vadd.s32 v3, v8  }
0x360: {  	v48 =	vld [tilespmem:s15+$0xFFFFFE80];
	v53 =	vadd.s32 v0, v10;
	v33 =	vand.u32 $0xFF, v15;
	[tilespmem:v11+s19+$0x0] =	vst.idx.msk $0xffff, v17;
	v50 =	vadd.f32 v12, v7  }
0x361: {  	v51 =	vld [tilespmem:s15+$0xFFFFFEC0];
	v8 =	vand.u32 $0x7D, v20;
	v35 =	vadd.s32 v0, v33;
	[tilespmem:v16+s19+$0x0] =	vst.idx.msk $0xffff, v46;
	v52 =	vadd.f32 v27, v7  }
0x362: {  	s25 =	sadd.s32 $0x9, s24;
	v54 =	vld [tilespmem:s15+$0xFFFFFF00];
	v9 =	vand.u32 $0x7E, v21;
	v56 =	vadd.s32 v0, v8;
	[tilespmem:v28+s19+$0x0] =	vst.idx.msk $0xffff, v50;
	v55 =	vadd.f32 v29, v7  }
0x363: {  	v57 =	vld [tilespmem:s15+$0xFFFFFF40];
	v34 =	vmov s25;
	v59 =	vadd.s32 v0, v9;
	v58 =	vadd.f32 v30, v7;
	[tilespmem:v13+s19+$0x0] =	vst.idx.msk $0xffff, v52  }
0x364: {  	v60 =	vld [tilespmem:s15+$0xFFFFFF80];
	v11 =	vand.u32 $0x7F, v22;
	v12 =	vand.u32 $0xFC, v14;
	v61 =	vadd.f32 v32, v4;
	[tilespmem:v47+s19+$0x0] =	vst.idx.msk $0xffff, v55  }
0x365: {  	v39 =	vld [tilespmem:s15+$0x0];
	s29 =	sadd.s32 $0xA, s24;
	v14 =	vand.u32 $0xFE, v24;
	v63 =	vadd.s32 v0, v11;
	v62 =	vadd.f32 v48, v4;
	[tilespmem:v49+s19+$0x0] =	vst.idx.msk $0xffff, v58  }
0x366: {  	v45 =	vmov s29;
	v38 =	vadd.s32 v0, v12;
	v46 =	vld [tilespmem:s15+$0x80];
	v37 =	vadd.f32 v51, v4;
	[tilespmem:v35+s19+$0x0] =	vst.idx.msk $0xffff, v61  }
0x367: {  	v36 =	vld [tilespmem:s15+$0xFFFFFFC0];
	v43 =	vadd.s32 v0, v14;
	v16 =	vand.u32 $0xFC, v19;
	v40 =	vadd.f32 v54, v4;
	[tilespmem:v53+s19+$0x0] =	vst.idx.msk $0xffff, v62  }
0x368: {  	v50 =	vld [tilespmem:s15+$0xC0];
	v13 =	vand.u32 $0xFD, v23;
	v52 =	vadd.s32 v0, v16;
	v21 =	vadd.f32 v57, v4;
	[tilespmem:v56+s19+$0x0] =	vst.idx.msk $0xffff, v37  }
0x369: {  	v44 =	vld [tilespmem:s15+$0x40];
	v17 =	vand.u32 $0xFD, v34;
	v41 =	vadd.s32 v0, v13;
	v22 =	vadd.f32 v60, v4;
	[tilespmem:v59+s19+$0x0] =	vst.idx.msk $0xffff, v40  }
0x36a: {  	v15 =	vand.u32 $0xFF, v18;
	v51 =	vadd.f32 v39, v4;
	v55 =	vadd.s32 v0, v17;
	[tilespmem:v63+s19+$0x0] =	vst.idx.msk $0xffff, v21;
	v53 =	vld [tilespmem:s15+$0x100]  }
0x36b: {  	v18 =	vand.u32 $0xFE, v45;
	v49 =	vadd.s32 v0, v15;
	[tilespmem:v38+s19+$0x0] =	vst.idx.msk $0xffff, v22;
	v28 =	vadd.f32 v46, v4;
	v42 =	vld [tilespmem:s15+$0x150]  }
0x36c: {  	v48 =	vadd.f32 v36, v4;
	v58 =	vadd.s32 v0, v18;
	[tilespmem:v43+s19+$0x0] =	vst.idx.msk $0xffff, v51;
	v54 =	vld [tilespmem:s15+$0xFFFFFED0]  }
0x36d: {  	v47 =	vadd.s32 v1, v33;
	v56 =	vld [tilespmem:s15+$0xFFFFFF10];
	v19 =	vadd.f32 v50, v4;
	[tilespmem:v52+s19+$0x0] =	vst.idx.msk $0xffff, v28  }
0x36e: {  	v57 =	vadd.f32 v44, v4;
	v59 =	vadd.s32 v1, v8;
	v60 =	vld [tilespmem:s15+$0xFFFFFF50];
	[tilespmem:v41+s19+$0x0] =	vst.idx.msk $0xffff, v48  }
0x36f: {  	v61 =	vadd.s32 v1, v9;
	v34 =	vld [tilespmem:s15+$0xFFFFFF90];
	[tilespmem:v55+s19+$0x0] =	vst.idx.msk $0xffff, v19;
	v35 =	vadd.f32 v53, v4  }
0x370: {  	v63 =	vadd.s32 v1, v11;
	v41 =	vld [tilespmem:s15+$0x10];
	[tilespmem:v49+s19+$0x0] =	vst.idx.msk $0xffff, v57;
	v24 =	vadd.f32 v42, v5  }
0x371: {  	v40 =	vadd.s32 v1, v12;
	v46 =	vld [tilespmem:s15+$0x90];
	v36 =	vadd.f32 v54, v5;
	[tilespmem:v58+s19+$0x0] =	vst.idx.msk $0xffff, v35  }
0x372: {  	v45 =	vadd.s32 v1, v14;
	v37 =	vld [tilespmem:s15+$0xFFFFFFD0];
	v39 =	vadd.f32 v56, v5;
	[tilespmem:v47+s19+$0x0] =	vst.idx.msk $0xffff, v24  }
0x373: {  	v51 =	vadd.s32 v1, v16;
	v49 =	vld [tilespmem:s15+$0xD0];
	v42 =	vadd.f32 v60, v5;
	[tilespmem:v59+s19+$0x0] =	vst.idx.msk $0xffff, v36  }
0x374: {  	v43 =	vadd.s32 v1, v13;
	v44 =	vld [tilespmem:s15+$0x50];
	[tilespmem:v61+s19+$0x0] =	vst.idx.msk $0xffff, v39;
	v47 =	vadd.f32 v34, v5  }
0x375: {  	v54 =	vadd.s32 v1, v17;
	v56 =	vld [tilespmem:s15+$0xFFFFFE90];
	[tilespmem:v63+s19+$0x0] =	vst.idx.msk $0xffff, v42;
	v53 =	vadd.f32 v41, v5  }
0x376: {  	v48 =	vadd.s32 v1, v15;
	v52 =	vld [tilespmem:s15+$0x110];
	v60 =	vadd.f32 v46, v5;
	[tilespmem:v40+s19+$0x0] =	vst.idx.msk $0xffff, v47  }
0x377: {  	v62 =	vld [tilespmem:s15+$0x160];
	v50 =	vadd.f32 v37, v5;
	[tilespmem:v45+s19+$0x0] =	vst.idx.msk $0xffff, v53  }
0x378: {  	v58 =	vadd.s32 v1, v18;
	v59 =	vld [tilespmem:s15+$0xFFFFFEE0];
	v36 =	vadd.f32 v49, v5;
	[tilespmem:v51+s19+$0x0] =	vst.idx.msk $0xffff, v60  }
0x379: {  	v38 =	vadd.s32 v2, v33;
	v63 =	vld [tilespmem:s15+$0xFFFFFF20];
	v57 =	vadd.f32 v44, v5;
	[tilespmem:v43+s19+$0x0] =	vst.idx.msk $0xffff, v50  }
0x37a: {  	v37 =	vadd.s32 v2, v8;
	[tilespmem:v54+s19+$0x0] =	vst.idx.msk $0xffff, v36  }
0x37b: {  	v40 =	vadd.s32 v2, v9;
	[tilespmem:v48+s19+$0x0] =	vst.idx.msk $0xffff, v57;
	v45 =	vld [tilespmem:s15+$0xFFFFFFE0];
	v39 =	vadd.f32 v52, v5  }
0x37c: {  	v43 =	vadd.f32 v56, v5;
	v51 =	vld [tilespmem:s15+$0x60];
	v21 =	vadd.f32 v62, v6;
	v62 =	vadd.s32 v1, v10  }
0x37d: {  	v50 =	vadd.s32 v2, v13;
	v48 =	vld [tilespmem:s15+$0x20];
	v46 =	vadd.f32 v59, v6;
	[tilespmem:v58+s19+$0x0] =	vst.idx.msk $0xffff, v39  }
0x37e: {  	v56 =	vadd.s32 v2, v15;
	v57 =	vld [tilespmem:s15+$0xE0];
	v49 =	vadd.f32 v63, v6;
	[tilespmem:v38+s19+$0x0] =	vst.idx.msk $0xffff, v21  }
0x37f: {  	v53 =	vadd.s32 v2, v14;
	v38 =	vld [tilespmem:s15+$0xFFFFFF60];
	[tilespmem:v37+s19+$0x0] =	vst.idx.msk $0xffff, v46  }
0x380: {  	v63 =	vadd.s32 v2, v17;
	[tilespmem:v40+s19+$0x0] =	vst.idx.msk $0xffff, v49;
	v55 =	vld [tilespmem:s15+$0x170];
	v58 =	vadd.f32 v45, v6  }
0x381: {  	v44 =	vadd.s32 v2, v11;
	v41 =	vld [tilespmem:s15+$0xFFFFFFA0];
	v37 =	vadd.f32 v51, v6;
	[tilespmem:v62+s19+$0x0] =	vst.idx.msk $0xffff, v43  }
0x382: {  	v61 =	vadd.s32 v3, v33;
	v54 =	vld [tilespmem:s15+$0xA0];
	v62 =	vadd.f32 v48, v6;
	[tilespmem:v50+s19+$0x0] =	vst.idx.msk $0xffff, v58  }
0x383: {  	v47 =	vadd.s32 v2, v12;
	v36 =	vld [tilespmem:s15+$0xFFFFFEF0];
	v43 =	vadd.f32 v57, v6;
	[tilespmem:v56+s19+$0x0] =	vst.idx.msk $0xffff, v37  }
0x384: {  	v59 =	vadd.s32 v2, v16;
	v40 =	vld [tilespmem:s15+$0xFFFFFF30];
	v52 =	vadd.f32 v38, v6;
	[tilespmem:v53+s19+$0x0] =	vst.idx.msk $0xffff, v62  }
0x385: {  	v8 =	vadd.s32 v3, v8;
	v60 =	vld [tilespmem:s15+$0x120];
	[tilespmem:v63+s19+$0x0] =	vst.idx.msk $0xffff, v43;
	v42 =	vadd.f32 v55, v7  }
0x386: {  	v9 =	vadd.s32 v3, v9;
	v55 =	vadd.f32 v41, v6;
	v49 =	vld [tilespmem:s15+$0x30];
	[tilespmem:v44+s19+$0x0] =	vst.idx.msk $0xffff, v52  }
0x387: {  	v38 =	vadd.s32 v2, v18;
	v41 =	vadd.f32 v54, v6;
	[tilespmem:v61+s19+$0x0] =	vst.idx.msk $0xffff, v42;
	v61 =	vld [tilespmem:s15+$0xFFFFFEA0]  }
0x388: {  	v14 =	vadd.s32 v3, v14;
	v48 =	vadd.f32 v36, v7;
	[tilespmem:v47+s19+$0x0] =	vst.idx.msk $0xffff, v55;
	v42 =	vld [tilespmem:s15+$0xFFFFFF70]  }
0x389: {  	v39 =	vadd.s32 v2, v10;
	v50 =	vadd.f32 v40, v7;
	[tilespmem:v59+s19+$0x0] =	vst.idx.msk $0xffff, v41;
	v44 =	vld [tilespmem:s15+$0xFFFFFFB0]  }
0x38a: {  	v11 =	vadd.s32 v3, v11;
	v45 =	vadd.f32 v60, v6;
	v47 =	vld [tilespmem:s15+$0xFFFFFFF0];
	[tilespmem:v8+s19+$0x0] =	vst.idx.msk $0xffff, v48  }
0x38b: {  	v12 =	vadd.s32 v3, v12;
	[tilespmem:v9+s19+$0x0] =	vst.idx.msk $0xffff, v50;
	v52 =	vld [tilespmem:s15+$0xB0];
	v57 =	vadd.f32 v49, v7  }
0x38c: {  	v13 =	vadd.s32 v3, v13;
	v51 =	vld [tilespmem:s15+$0x70];
	[tilespmem:v38+s19+$0x0] =	vst.idx.msk $0xffff, v45;
	v46 =	vadd.f32 v61, v6  }
0x38d: {  	v55 =	vadd.s32 v3, v16;
	v56 =	vld [tilespmem:s15+$0x130];
	v8 =	vadd.f32 v42, v7;
	[tilespmem:v14+s19+$0x0] =	vst.idx.msk $0xffff, v57  }
0x38e: {  	v15 =	vadd.s32 v3, v15;
	v54 =	vld [tilespmem:s15+$0xF0];
	v53 =	vadd.f32 v44, v7;
	[tilespmem:v39+s19+$0x0] =	vst.idx.msk $0xffff, v46  }
0x38f: {  	v59 =	vadd.s32 v3, v18;
	[tilespmem:v11+s19+$0x0] =	vst.idx.msk $0xffff, v8;
	v8 =	vadd.f32 v47, v7;
	v22 =	vld [tilespmem:s15+$0xFFFFFEB0]  }
0x390: {  	v58 =	vadd.s32 v3, v17;
	v61 =	vadd.f32 v52, v7;
	[tilespmem:v12+s19+$0x0] =	vst.idx.msk $0xffff, v53  }
0x391: {  	v60 =	vadd.s32 v3, v10;
	[tilespmem:v13+s19+$0x0] =	vst.idx.msk $0xffff, v8;
	v8 =	vadd.f32 v51, v7  }
0x392: {  	[tilespmem:v55+s19+$0x0] =	vst.idx.msk $0xffff, v61;
	v62 =	vadd.f32 v56, v7  }
0x393: {  	[tilespmem:v15+s19+$0x0] =	vst.idx.msk $0xffff, v8;
	v8 =	vadd.f32 v54, v7  }
0x394: {  	[tilespmem:v59+s19+$0x0] =	vst.idx.msk $0xffff, v62;
	v63 =	vadd.f32 v22, v7  }
0x395: {  	[tilespmem:v58+s19+$0x0] =	vst.idx.msk $0xffff, v8  }
0x396: {  	s24 =	simm.s32 $0xF430;
	s15 =	simm.s32 $0x78;
	[tilespmem:v60+s19+$0x0] =	vst.idx.msk $0xffff, v63  }
.LBB2_21:
0x397: {  	v8 =	vmov s15;
	v9 =	vld [tilespmem:s24+$0xFFFFFFD0]  }
0x398: {  	v8 =	vand.u32 $0x7F, v8  }
0x399: {  	v10 =	vadd.s32 v0, v8;
	_ =	sdelay $0x2  }
0x39a: {  	v9 =	vadd.f32 v9, v4;
	_ =	sdelay $0x1  }
0x39b: {  	[tilespmem:v10+s19+$0x0] =	vst.idx.msk $0xffff, v9  }
0x39c: {  	v9 =	vld [tilespmem:s24+$0xFFFFFFE0];
	_ =	sdelay $0x1  }
0x39d: {  	v62 =	vadd.s32 v1, v8;
	_ =	sdelay $0x2  }
0x39e: {  	v9 =	vadd.f32 v9, v5;
	_ =	sdelay $0x1  }
0x39f: {  	[tilespmem:v62+s19+$0x0] =	vst.idx.msk $0xffff, v9  }
0x3a0: {  	v9 =	vld [tilespmem:s24+$0xFFFFFFF0];
	_ =	sdelay $0x1  }
0x3a1: {  	v63 =	vadd.s32 v2, v8;
	_ =	sdelay $0x2  }
0x3a2: {  	v9 =	vadd.f32 v9, v6;
	_ =	sdelay $0x1  }
0x3a3: {  	[tilespmem:v63+s19+$0x0] =	vst.idx.msk $0xffff, v9  }
0x3a4: {  	v9 =	vld [tilespmem:s24+$0x0];
	_ =	sdelay $0x1  }
0x3a5: {  	p2 =	sne.s32 s15, $0x7F;
	v8 =	vadd.s32 v3, v8  }
.Ltmp11:
0x3a6: {  	_ = 	snop;
	(pc) =	sbr.rel @p2 .LBB2_21-.Ltmp11, $3  }
0x3a7: {  	_ = 	snop  }
0x3a8: {  	v9 =	vadd.f32 v9, v7;
	_ =	sdelay $0x1  }
0x3a9: {  	s15 =	sadd.s32 $0x1, s15;
	s24 =	sadd.s32 $0x40, s24;
	[tilespmem:v8+s19+$0x0] =	vst.idx.msk $0xffff, v9  }
0x3aa: {  	s7 =	sshll.u32 s7, $0x12  }
0x3ab: {  	s7 =	sor.u32 s5, s7  }
0x3ac: {  	s7 =	sshrl.u32 s7, $0x3  }
0x3ad: {  	s15 =	sadd.s32 s1, s7  }
0x3ae: {  	[hbm4b:s15+s3] =	stream.linear.scatter [tilespmem:s19], [sflag:$0x7], $0x80, $0x38;
	[tilespmem:$0x19E00] =	vst v63  }
0x3af: {  	s25 =	simm.s32 $0x15A88;
	s24 =	sadd.s32 $0x10, s15  }
0x3b0: {  	[hbm4b:s24+s3] =	stream.linear.scatter [tilespmem:s25], [sflag:$0x7], $0x80, $0x38;
	[tilespmem:$0x19E00] =	vst v63  }
0x3b1: {  	s29 =	simm.s32 $0x15B10;
	s25 =	sadd.s32 $0x20, s15  }
0x3b2: {  	[hbm4b:s25+s3] =	stream.linear.scatter [tilespmem:s29], [sflag:$0x7], $0x80, $0x38;
	[tilespmem:$0x19E00] =	vst v63  }
0x3b3: {  	s25 =	sadd.s32 $0x30, s15;
	s29 =	simm.s32 $0x15B98  }
0x3b4: {  	[hbm4b:s25+s3] =	stream.linear.scatter [tilespmem:s29], [sflag:$0x7], $0x80, $0x38;
	[tilespmem:$0x19E00] =	vst v63  }
0x3b5: {  	s25 =	sadd.s32 $0x40, s15;
	s29 =	simm.s32 $0x15C20  }
0x3b6: {  	[hbm4b:s25+s3] =	stream.linear.scatter [tilespmem:s29], [sflag:$0x7], $0x80, $0x38;
	[tilespmem:$0x19E00] =	vst v63  }
0x3b7: {  	s25 =	sadd.s32 $0x50, s15;
	s29 =	simm.s32 $0x15CA8  }
0x3b8: {  	[hbm4b:s25+s3] =	stream.linear.scatter [tilespmem:s29], [sflag:$0x7], $0x80, $0x38;
	[tilespmem:$0x19E00] =	vst v63  }
0x3b9: {  	s25 =	sadd.s32 $0x60, s15;
	s29 =	simm.s32 $0x15D30  }
0x3ba: {  	[hbm4b:s25+s3] =	stream.linear.scatter [tilespmem:s29], [sflag:$0x7], $0x80, $0x38;
	[tilespmem:$0x19E00] =	vst v63  }
0x3bb: {  	s15 =	sadd.s32 $0x70, s15;
	s25 =	simm.s32 $0x15DB8  }
0x3bc: {  	[hbm4b:s15+s3] =	stream.linear.scatter [tilespmem:s25], [sflag:$0x7], $0x80, $0x38;
	[tilespmem:$0x19E00] =	vst v63  }
0x3bd: {  	s29 =	simm.s32 $0x15E40;
	s15 =	sadd.s32 s7, s8  }
0x3be: {  	[hbm4b:s15+s3] =	stream.linear.scatter [tilespmem:s29], [sflag:$0x7], $0x80, $0x38;
	[tilespmem:$0x19E00] =	vst v63  }
0x3bf: {  	s25 =	sadd.s32 $0x10, s15;
	s29 =	simm.s32 $0x15EC8  }
0x3c0: {  	[hbm4b:s25+s3] =	stream.linear.scatter [tilespmem:s29], [sflag:$0x7], $0x80, $0x38;
	[tilespmem:$0x19E00] =	vst v63  }
0x3c1: {  	s25 =	sadd.s32 $0x20, s15;
	s29 =	simm.s32 $0x15F50  }
0x3c2: {  	[hbm4b:s25+s3] =	stream.linear.scatter [tilespmem:s29], [sflag:$0x7], $0x80, $0x38;
	[tilespmem:$0x19E00] =	vst v63  }
0x3c3: {  	s25 =	sadd.s32 $0x30, s15;
	s29 =	simm.s32 $0x15FD8  }
0x3c4: {  	[hbm4b:s25+s3] =	stream.linear.scatter [tilespmem:s29], [sflag:$0x7], $0x80, $0x38;
	[tilespmem:$0x19E00] =	vst v63  }
0x3c5: {  	s25 =	sadd.s32 $0x40, s15;
	s29 =	simm.s32 $0x16060  }
0x3c6: {  	[hbm4b:s25+s3] =	stream.linear.scatter [tilespmem:s29], [sflag:$0x7], $0x80, $0x38;
	[tilespmem:$0x19E00] =	vst v63  }
0x3c7: {  	s25 =	sadd.s32 $0x50, s15;
	s29 =	simm.s32 $0x160E8  }
0x3c8: {  	[hbm4b:s25+s3] =	stream.linear.scatter [tilespmem:s29], [sflag:$0x7], $0x80, $0x38;
	[tilespmem:$0x19E00] =	vst v63  }
0x3c9: {  	s25 =	sadd.s32 $0x60, s15;
	s29 =	simm.s32 $0x16170  }
0x3ca: {  	[hbm4b:s25+s3] =	stream.linear.scatter [tilespmem:s29], [sflag:$0x7], $0x80, $0x38;
	[tilespmem:$0x19E00] =	vst v63  }
0x3cb: {  	s15 =	sadd.s32 $0x70, s15;
	s25 =	simm.s32 $0x161F8  }
0x3cc: {  	[hbm4b:s15+s3] =	stream.linear.scatter [tilespmem:s25], [sflag:$0x7], $0x80, $0x38;
	[tilespmem:$0x19E00] =	vst v63  }
0x3cd: {  	s29 =	simm.s32 $0x16280;
	s15 =	sadd.s32 s7, s9  }
0x3ce: {  	[hbm4b:s15+s3] =	stream.linear.scatter [tilespmem:s29], [sflag:$0x7], $0x80, $0x38;
	[tilespmem:$0x19E00] =	vst v63  }
0x3cf: {  	s25 =	sadd.s32 $0x10, s15;
	s29 =	simm.s32 $0x16308  }
0x3d0: {  	[hbm4b:s25+s3] =	stream.linear.scatter [tilespmem:s29], [sflag:$0x7], $0x80, $0x38;
	[tilespmem:$0x19E00] =	vst v63  }
0x3d1: {  	s25 =	sadd.s32 $0x20, s15;
	s29 =	simm.s32 $0x16390  }
0x3d2: {  	[hbm4b:s25+s3] =	stream.linear.scatter [tilespmem:s29], [sflag:$0x7], $0x80, $0x38;
	[tilespmem:$0x19E00] =	vst v63  }
0x3d3: {  	s25 =	sadd.s32 $0x30, s15;
	s29 =	simm.s32 $0x16418  }
0x3d4: {  	[hbm4b:s25+s3] =	stream.linear.scatter [tilespmem:s29], [sflag:$0x7], $0x80, $0x38;
	[tilespmem:$0x19E00] =	vst v63  }
0x3d5: {  	s25 =	sadd.s32 $0x40, s15;
	s29 =	simm.s32 $0x164A0  }
0x3d6: {  	[hbm4b:s25+s3] =	stream.linear.scatter [tilespmem:s29], [sflag:$0x7], $0x80, $0x38;
	[tilespmem:$0x19E00] =	vst v63  }
0x3d7: {  	s25 =	sadd.s32 $0x50, s15;
	s29 =	simm.s32 $0x16528  }
0x3d8: {  	[hbm4b:s25+s3] =	stream.linear.scatter [tilespmem:s29], [sflag:$0x7], $0x80, $0x38;
	[tilespmem:$0x19E00] =	vst v63  }
0x3d9: {  	s25 =	sadd.s32 $0x60, s15;
	s29 =	simm.s32 $0x165B0  }
0x3da: {  	[hbm4b:s25+s3] =	stream.linear.scatter [tilespmem:s29], [sflag:$0x7], $0x80, $0x38;
	[tilespmem:$0x19E00] =	vst v63  }
0x3db: {  	s15 =	sadd.s32 $0x70, s15;
	s25 =	simm.s32 $0x16638  }
0x3dc: {  	[hbm4b:s15+s3] =	stream.linear.scatter [tilespmem:s25], [sflag:$0x7], $0x80, $0x38;
	[tilespmem:$0x19E00] =	vst v63  }
0x3dd: {  	s29 =	simm.s32 $0x166C0;
	s15 =	sadd.s32 s7, s10  }
0x3de: {  	[hbm4b:s15+s3] =	stream.linear.scatter [tilespmem:s29], [sflag:$0x7], $0x80, $0x38;
	[tilespmem:$0x19E00] =	vst v63  }
0x3df: {  	s25 =	sadd.s32 $0x10, s15;
	s29 =	simm.s32 $0x16748  }
0x3e0: {  	[hbm4b:s25+s3] =	stream.linear.scatter [tilespmem:s29], [sflag:$0x7], $0x80, $0x38;
	[tilespmem:$0x19E00] =	vst v63  }
0x3e1: {  	s25 =	sadd.s32 $0x20, s15;
	s29 =	simm.s32 $0x167D0  }
0x3e2: {  	[hbm4b:s25+s3] =	stream.linear.scatter [tilespmem:s29], [sflag:$0x7], $0x80, $0x38;
	[tilespmem:$0x19E00] =	vst v63  }
0x3e3: {  	s25 =	sadd.s32 $0x30, s15;
	s29 =	simm.s32 $0x16858  }
0x3e4: {  	[hbm4b:s25+s3] =	stream.linear.scatter [tilespmem:s29], [sflag:$0x7], $0x80, $0x38;
	[tilespmem:$0x19E00] =	vst v63  }
0x3e5: {  	s25 =	sadd.s32 $0x40, s15;
	s29 =	simm.s32 $0x168E0  }
0x3e6: {  	[hbm4b:s25+s3] =	stream.linear.scatter [tilespmem:s29], [sflag:$0x7], $0x80, $0x38;
	[tilespmem:$0x19E00] =	vst v63  }
0x3e7: {  	s25 =	sadd.s32 $0x50, s15;
	s29 =	simm.s32 $0x16968  }
0x3e8: {  	[hbm4b:s25+s3] =	stream.linear.scatter [tilespmem:s29], [sflag:$0x7], $0x80, $0x38;
	[tilespmem:$0x19E00] =	vst v63  }
0x3e9: {  	s25 =	sadd.s32 $0x60, s15;
	s29 =	simm.s32 $0x169F0  }
0x3ea: {  	[hbm4b:s25+s3] =	stream.linear.scatter [tilespmem:s29], [sflag:$0x7], $0x80, $0x38;
	[tilespmem:$0x19E00] =	vst v63  }
0x3eb: {  	s15 =	sadd.s32 $0x70, s15;
	s25 =	simm.s32 $0x16A78  }
0x3ec: {  	[hbm4b:s15+s3] =	stream.linear.scatter [tilespmem:s25], [sflag:$0x7], $0x80, $0x38;
	[tilespmem:$0x19E00] =	vst v63  }
0x3ed: {  	s29 =	simm.s32 $0x16B00;
	s15 =	sadd.s32 s7, s11  }
0x3ee: {  	[hbm4b:s15+s3] =	stream.linear.scatter [tilespmem:s29], [sflag:$0x7], $0x80, $0x38;
	[tilespmem:$0x19E00] =	vst v63  }
0x3ef: {  	s25 =	sadd.s32 $0x10, s15;
	s29 =	simm.s32 $0x16B88  }
0x3f0: {  	[hbm4b:s25+s3] =	stream.linear.scatter [tilespmem:s29], [sflag:$0x7], $0x80, $0x38;
	[tilespmem:$0x19E00] =	vst v63  }
0x3f1: {  	s25 =	sadd.s32 $0x20, s15;
	s29 =	simm.s32 $0x16C10  }
0x3f2: {  	[hbm4b:s25+s3] =	stream.linear.scatter [tilespmem:s29], [sflag:$0x7], $0x80, $0x38;
	[tilespmem:$0x19E00] =	vst v63  }
0x3f3: {  	s25 =	sadd.s32 $0x30, s15;
	s29 =	simm.s32 $0x16C98  }
0x3f4: {  	[hbm4b:s25+s3] =	stream.linear.scatter [tilespmem:s29], [sflag:$0x7], $0x80, $0x38;
	[tilespmem:$0x19E00] =	vst v63  }
0x3f5: {  	s25 =	sadd.s32 $0x40, s15;
	s29 =	simm.s32 $0x16D20  }
0x3f6: {  	[hbm4b:s25+s3] =	stream.linear.scatter [tilespmem:s29], [sflag:$0x7], $0x80, $0x38;
	[tilespmem:$0x19E00] =	vst v63  }
0x3f7: {  	s25 =	sadd.s32 $0x50, s15;
	s29 =	simm.s32 $0x16DA8  }
0x3f8: {  	[hbm4b:s25+s3] =	stream.linear.scatter [tilespmem:s29], [sflag:$0x7], $0x80, $0x38;
	[tilespmem:$0x19E00] =	vst v63  }
0x3f9: {  	s25 =	sadd.s32 $0x60, s15;
	s29 =	simm.s32 $0x16E30  }
0x3fa: {  	[hbm4b:s25+s3] =	stream.linear.scatter [tilespmem:s29], [sflag:$0x7], $0x80, $0x38;
	[tilespmem:$0x19E00] =	vst v63  }
0x3fb: {  	s15 =	sadd.s32 $0x70, s15;
	s25 =	simm.s32 $0x16EB8  }
0x3fc: {  	[hbm4b:s15+s3] =	stream.linear.scatter [tilespmem:s25], [sflag:$0x7], $0x80, $0x38;
	[tilespmem:$0x19E00] =	vst v63  }
0x3fd: {  	s29 =	simm.s32 $0x16F40;
	s15 =	sadd.s32 s7, s12  }
0x3fe: {  	[hbm4b:s15+s3] =	stream.linear.scatter [tilespmem:s29], [sflag:$0x7], $0x80, $0x38;
	[tilespmem:$0x19E00] =	vst v63  }
0x3ff: {  	s25 =	sadd.s32 $0x10, s15;
	s29 =	simm.s32 $0x16FC8  }
0x400: {  	[hbm4b:s25+s3] =	stream.linear.scatter [tilespmem:s29], [sflag:$0x7], $0x80, $0x38;
	[tilespmem:$0x19E00] =	vst v63  }
0x401: {  	s25 =	sadd.s32 $0x20, s15;
	s29 =	simm.s32 $0x17050  }
0x402: {  	[hbm4b:s25+s3] =	stream.linear.scatter [tilespmem:s29], [sflag:$0x7], $0x80, $0x38;
	[tilespmem:$0x19E00] =	vst v63  }
0x403: {  	s25 =	sadd.s32 $0x30, s15;
	s29 =	simm.s32 $0x170D8  }
0x404: {  	[hbm4b:s25+s3] =	stream.linear.scatter [tilespmem:s29], [sflag:$0x7], $0x80, $0x38;
	[tilespmem:$0x19E00] =	vst v63  }
0x405: {  	s25 =	sadd.s32 $0x40, s15;
	s29 =	simm.s32 $0x17160  }
0x406: {  	[hbm4b:s25+s3] =	stream.linear.scatter [tilespmem:s29], [sflag:$0x7], $0x80, $0x38;
	[tilespmem:$0x19E00] =	vst v63  }
0x407: {  	s25 =	sadd.s32 $0x50, s15;
	s29 =	simm.s32 $0x171E8  }
0x408: {  	[hbm4b:s25+s3] =	stream.linear.scatter [tilespmem:s29], [sflag:$0x7], $0x80, $0x38;
	[tilespmem:$0x19E00] =	vst v63  }
0x409: {  	s25 =	sadd.s32 $0x60, s15;
	s29 =	simm.s32 $0x17270  }
0x40a: {  	[hbm4b:s25+s3] =	stream.linear.scatter [tilespmem:s29], [sflag:$0x7], $0x80, $0x38;
	[tilespmem:$0x19E00] =	vst v63  }
0x40b: {  	s15 =	sadd.s32 $0x70, s15;
	s25 =	simm.s32 $0x172F8  }
0x40c: {  	[hbm4b:s15+s3] =	stream.linear.scatter [tilespmem:s25], [sflag:$0x7], $0x80, $0x38;
	[tilespmem:$0x19E00] =	vst v63  }
0x40d: {  	s29 =	simm.s32 $0x17380;
	s15 =	sadd.s32 s7, s13  }
0x40e: {  	[hbm4b:s15+s3] =	stream.linear.scatter [tilespmem:s29], [sflag:$0x7], $0x80, $0x38;
	[tilespmem:$0x19E00] =	vst v63  }
0x40f: {  	s25 =	sadd.s32 $0x10, s15;
	s29 =	simm.s32 $0x17408  }
0x410: {  	[hbm4b:s25+s3] =	stream.linear.scatter [tilespmem:s29], [sflag:$0x7], $0x80, $0x38;
	[tilespmem:$0x19E00] =	vst v63  }
0x411: {  	s25 =	sadd.s32 $0x20, s15;
	s29 =	simm.s32 $0x17490  }
0x412: {  	[hbm4b:s25+s3] =	stream.linear.scatter [tilespmem:s29], [sflag:$0x7], $0x80, $0x38;
	[tilespmem:$0x19E00] =	vst v63  }
0x413: {  	s25 =	sadd.s32 $0x30, s15;
	s29 =	simm.s32 $0x17518  }
0x414: {  	[hbm4b:s25+s3] =	stream.linear.scatter [tilespmem:s29], [sflag:$0x7], $0x80, $0x38;
	[tilespmem:$0x19E00] =	vst v63  }
0x415: {  	s25 =	sadd.s32 $0x40, s15;
	s29 =	simm.s32 $0x175A0  }
0x416: {  	[hbm4b:s25+s3] =	stream.linear.scatter [tilespmem:s29], [sflag:$0x7], $0x80, $0x38;
	[tilespmem:$0x19E00] =	vst v63  }
0x417: {  	s25 =	sadd.s32 $0x50, s15;
	s29 =	simm.s32 $0x17628  }
0x418: {  	[hbm4b:s25+s3] =	stream.linear.scatter [tilespmem:s29], [sflag:$0x7], $0x80, $0x38;
	[tilespmem:$0x19E00] =	vst v63  }
0x419: {  	s25 =	sadd.s32 $0x60, s15;
	s29 =	simm.s32 $0x176B0  }
0x41a: {  	[hbm4b:s25+s3] =	stream.linear.scatter [tilespmem:s29], [sflag:$0x7], $0x80, $0x38;
	[tilespmem:$0x19E00] =	vst v63  }
0x41b: {  	s15 =	sadd.s32 $0x70, s15;
	s29 =	simm.s32 $0x17738  }
0x41c: {  	[hbm4b:s15+s3] =	stream.linear.scatter [tilespmem:s29], [sflag:$0x7], $0x80, $0x38;
	[tilespmem:$0x19E00] =	vst v63  }
0x41d: {  	s24 =	simm.s32 $0x177C0;
	s7 =	sadd.s32 s7, s14  }
0x41e: {  	[hbm4b:s7+s3] =	stream.linear.scatter [tilespmem:s24], [sflag:$0x7], $0x80, $0x38;
	[tilespmem:$0x19E00] =	vst v63  }
0x41f: {  	s25 =	sadd.s32 $0x10, s7;
	s29 =	simm.s32 $0x17848  }
0x420: {  	[hbm4b:s25+s3] =	stream.linear.scatter [tilespmem:s29], [sflag:$0x7], $0x80, $0x38;
	[tilespmem:$0x19E00] =	vst v63  }
0x421: {  	s25 =	sadd.s32 $0x20, s7;
	s29 =	simm.s32 $0x178D0  }
0x422: {  	[hbm4b:s25+s3] =	stream.linear.scatter [tilespmem:s29], [sflag:$0x7], $0x80, $0x38;
	[tilespmem:$0x19E00] =	vst v63  }
0x423: {  	s25 =	sadd.s32 $0x30, s7;
	s29 =	simm.s32 $0x17958  }
0x424: {  	[hbm4b:s25+s3] =	stream.linear.scatter [tilespmem:s29], [sflag:$0x7], $0x80, $0x38;
	[tilespmem:$0x19E00] =	vst v63  }
0x425: {  	s25 =	sadd.s32 $0x40, s7;
	s29 =	simm.s32 $0x179E0  }
0x426: {  	[hbm4b:s25+s3] =	stream.linear.scatter [tilespmem:s29], [sflag:$0x7], $0x80, $0x38;
	[tilespmem:$0x19E00] =	vst v63  }
0x427: {  	s25 =	sadd.s32 $0x50, s7;
	s29 =	simm.s32 $0x17A68  }
0x428: {  	[hbm4b:s25+s3] =	stream.linear.scatter [tilespmem:s29], [sflag:$0x7], $0x80, $0x38;
	[tilespmem:$0x19E00] =	vst v63  }
.Ltmp12:
0x429: {  	_ = 	snop;
	(pc) =	sbr.rel @p1 .LBB2_24-.Ltmp12, $4  }
0x42a: {  	s24 =	sadd.s32 $0x60, s7;
	s25 =	simm.s32 $0x17AF0  }
0x42b: {  	[hbm4b:s24+s3] =	stream.linear.scatter [tilespmem:s25], [sflag:$0x7], $0x80, $0x38;
	[tilespmem:$0x19E00] =	vst v63  }
0x42c: {  	s7 =	sadd.s32 $0x70, s7;
	s29 =	simm.s32 $0x17B78  }
0x42d: {  	[hbm4b:s7+s3] =	stream.linear.scatter [tilespmem:s29], [sflag:$0x7], $0x80, $0x38;
	[tilespmem:$0x19E00] =	vst v63  }
.Ltmp13:
0x42e: {  	(pc) =	sbr.rel .LBB2_25-.Ltmp13, $4  }
0x42f: {  	_ = 	snop  }
0x430: {  	_ =	swait.ge [sflag:s31], $0x2000  }
0x431: {  	[sflag:s31] =	ssyncset.done $0x0  }
0x432: {  	[sflag:s31] =	ssyncadd.s32 $0xFFFFE000  }
.LBB2_24:
0x433: {  	s6 =	sshll.u32 s6, $0x7  }
0x434: {  	s6 =	sadd.s32 $0x300, s6  }
.Ltmp14:
0x435: {  	s7 =	simm.s32 $0xD600;
	s6 =	sand.u32 $0xFF00, s6;
	(pc) =	sbr.rel @p0 .LBB2_26-.Ltmp14, $4  }
0x436: {  	[tilespmem:s7], [sflag:$0x3] =	stream.indirect.gather [hbm4b:s4+s20], $0x40, s6, s20, $0xb8;
	[tilespmem:$0x19E00] =	vst v63  }
0x437: {  	_ =	swait.ge [sflag:s31], $0x2000  }
0x438: {  	[sflag:s31] =	ssyncset.done $0x0  }
0x439: {  	[sflag:s31] =	ssyncadd.s32 $0xFFFFE000  }
.LBB2_25:
0x43a: {  	_ =	swait.ge [sflag:s0], $0x400  }
0x43b: {  	[sflag:s0] =	ssyncset.done $0x0  }
0x43c: {  	[sflag:s0] =	ssyncadd.s32 $0xFFFFFC00  }
0x43d: {  	_ =	swait.ge [sflag:s0], $0x400  }
0x43e: {  	[sflag:s0] =	ssyncset.done $0x0  }
0x43f: {  	[sflag:s0] =	ssyncadd.s32 $0xFFFFFC00  }
0x440: {  	_ =	swait.ge [sflag:s0], $0x400  }
0x441: {  	[sflag:s0] =	ssyncset.done $0x0  }
0x442: {  	[sflag:s0] =	ssyncadd.s32 $0xFFFFFC00  }
0x443: {  	_ =	swait.ge [sflag:s0], $0x400  }
0x444: {  	[sflag:s0] =	ssyncset.done $0x0  }
0x445: {  	[sflag:s0] =	ssyncadd.s32 $0xFFFFFC00  }
0x446: {  	_ =	swait.ge [sflag:s0], $0x400  }
0x447: {  	[sflag:s0] =	ssyncset.done $0x0  }
0x448: {  	[sflag:s0] =	ssyncadd.s32 $0xFFFFFC00  }
0x449: {  	_ =	swait.ge [sflag:s0], $0x400  }
0x44a: {  	[sflag:s0] =	ssyncset.done $0x0  }
0x44b: {  	[sflag:s0] =	ssyncadd.s32 $0xFFFFFC00  }
0x44c: {  	_ =	swait.ge [sflag:s0], $0x400  }
0x44d: {  	[sflag:s0] =	ssyncset.done $0x0  }
0x44e: {  	[sflag:s0] =	ssyncadd.s32 $0xFFFFFC00  }
0x44f: {  	_ =	swait.ge [sflag:s0], $0x400  }
0x450: {  	[sflag:s0] =	ssyncset.done $0x0  }
0x451: {  	[sflag:s0] =	ssyncadd.s32 $0xFFFFFC00  }
.LBB2_26:
0x452: {  	s6 =	sshll.u32 s23, $0x6  }
0x453: {  	s7 =	sand.u32 $0x3FFFFFC0, s6  }
0x454: {  	v4 =	vld [tilespmem:s7+$0x6400]  }
0x455: {  	v5 =	vld [tilespmem:s7+$0x6410]  }
0x456: {  	s15 =	simm.s32 $0x0;
	s24 =	simm.s32 $0x1;
	s25 =	simm.s32 $0x2;
	v6 =	vld [tilespmem:s7+$0x6420]  }
0x457: {  	s29 =	simm.s32 $0x3;
	s6 =	simm.s32 $0xF780;
	v8 =	vmov s15;
	v9 =	vmov s24;
	s24 =	simm.s32 $0xB;
	v10 =	vmov s25;
	v7 =	vld [tilespmem:s7+$0x6430]  }
0x458: {  	v11 =	vmov s29;
	s25 =	simm.s32 $0x4;
	s29 =	simm.s32 $0x5;
	v8 =	vand.u32 $0x7C, v8;
	v12 =	vmov s24;
	v13 =	vld [tilespmem:s6+$0x140]  }
0x459: {  	s15 =	simm.s32 $0x9;
	v14 =	vmov s25;
	v16 =	vmov s29;
	v17 =	vld [tilespmem:s6+$0xFFFFFE80];
	v20 =	vand.u32 $0xFF, v12  }
0x45a: {  	v22 =	vld [tilespmem:s6+$0xFFFFFEC0];
	v19 =	vand.u32 $0x7D, v9;
	v26 =	vmov s15;
	v23 =	vadd.s32 v0, v20  }
0x45b: {  	s24 =	simm.s32 $0x6;
	s25 =	simm.s32 $0x7;
	v9 =	vld [tilespmem:s6+$0xFFFFFF00];
	v18 =	vand.u32 $0x7E, v10;
	v15 =	vand.u32 $0x7F, v11;
	v25 =	vadd.s32 v0, v8  }
0x45c: {  	v10 =	vld [tilespmem:s6+$0xFFFFFF40];
	v12 =	vmov s24;
	v21 =	vmov s25;
	v27 =	vadd.s32 v0, v19  }
0x45d: {  	v29 =	vld [tilespmem:s6+$0xFFFFFF80];
	v28 =	vadd.s32 v0, v18;
	v30 =	vadd.s32 v0, v15;
	v13 =	vadd.f32 v13, v4  }
0x45e: {  	v31 =	vld [tilespmem:s6+$0xFFFFFFC0];
	v14 =	vand.u32 $0xFC, v14;
	v61 =	vadd.s32 v2, v8;
	v17 =	vadd.f32 v17, v4  }
0x45f: {  	v33 =	vld [tilespmem:s6+$0x0];
	v11 =	vand.u32 $0xFD, v16;
	v32 =	vadd.s32 v0, v14;
	v22 =	vadd.f32 v22, v4;
	[tilespmem:v23+s2+$0x0] =	vst.idx.msk $0xffff, v13  }
0x460: {  	v16 =	vand.u32 $0xFF, v21;
	v21 =	vld [tilespmem:s6+$0x80];
	v35 =	vadd.s32 v3, v14;
	v9 =	vadd.f32 v9, v4;
	[tilespmem:v25+s2+$0x0] =	vst.idx.msk $0xffff, v17  }
0x461: {  	s29 =	simm.s32 $0x8;
	v12 =	vand.u32 $0xFE, v12;
	v10 =	vadd.f32 v10, v4;
	v23 =	vadd.s32 v0, v11;
	[tilespmem:v27+s2+$0x0] =	vst.idx.msk $0xffff, v22;
	v25 =	vld [tilespmem:s6+$0x150]  }
0x462: {  	v24 =	vmov s29;
	s24 =	simm.s32 $0xA;
	v22 =	vadd.s32 v0, v12;
	v27 =	vld [tilespmem:s6+$0x40];
	[tilespmem:v28+s2+$0x0] =	vst.idx.msk $0xffff, v9;
	v9 =	vadd.f32 v29, v4  }
0x463: {  	v34 =	vmov s24;
	v28 =	vadd.s32 v1, v20;
	[tilespmem:v30+s2+$0x0] =	vst.idx.msk $0xffff, v10;
	v10 =	vadd.f32 v31, v4  }
0x464: {  	v29 =	vadd.s32 v0, v16;
	v17 =	vand.u32 $0xFC, v24;
	v24 =	vld [tilespmem:s6+$0xC0];
	v30 =	vadd.f32 v33, v4  }
0x465: {  	v13 =	vand.u32 $0xFD, v26;
	v26 =	vld [tilespmem:s6+$0x100];
	v21 =	vadd.f32 v21, v4;
	v31 =	vadd.s32 v0, v17;
	[tilespmem:v32+s2+$0x0] =	vst.idx.msk $0xffff, v9  }
0x466: {  	v55 =	vld [tilespmem:s6+$0xFFFFFED0];
	v9 =	vand.u32 $0xFE, v34;
	[tilespmem:v23+s2+$0x0] =	vst.idx.msk $0xffff, v10;
	v10 =	vadd.s32 v0, v13;
	v23 =	vadd.f32 v25, v5  }
0x467: {  	[tilespmem:v22+s2+$0x0] =	vst.idx.msk $0xffff, v30;
	v22 =	vadd.f32 v27, v4;
	v27 =	vadd.s32 v0, v9;
	v25 =	vld [tilespmem:s6+$0xFFFFFF10]  }
0x468: {  	v56 =	vld [tilespmem:s6+$0xFFFFFF50];
	v60 =	vadd.s32 v2, v9;
	v30 =	vadd.s32 v1, v19;
	[tilespmem:v28+s2+$0x0] =	vst.idx.msk $0xffff, v23  }
0x469: {  	[tilespmem:v29+s2+$0x0] =	vst.idx.msk $0xffff, v22;
	v22 =	vadd.f32 v24, v4;
	v23 =	vadd.s32 v1, v18;
	v24 =	vld [tilespmem:s6+$0x160]  }
0x46a: {  	[tilespmem:v31+s2+$0x0] =	vst.idx.msk $0xffff, v21;
	v21 =	vadd.f32 v26, v4;
	v29 =	vld [tilespmem:s6+$0xFFFFFF90];
	v28 =	vadd.s32 v1, v15  }
0x46b: {  	v26 =	vadd.f32 v55, v5;
	v31 =	vld [tilespmem:s6+$0xFFFFFFD0];
	[tilespmem:v10+s2+$0x0] =	vst.idx.msk $0xffff, v22;
	v10 =	vadd.s32 v2, v20  }
0x46c: {  	v57 =	vld [tilespmem:s6+$0x10];
	[tilespmem:v27+s2+$0x0] =	vst.idx.msk $0xffff, v21;
	v22 =	vadd.f32 v25, v5;
	v25 =	vadd.s32 v1, v14  }
0x46d: {  	[tilespmem:v30+s2+$0x0] =	vst.idx.msk $0xffff, v26;
	v21 =	vadd.f32 v56, v5;
	v26 =	vadd.s32 v1, v11;
	v27 =	vld [tilespmem:s6+$0x50]  }
0x46e: {  	[tilespmem:v23+s2+$0x0] =	vst.idx.msk $0xffff, v22;
	v22 =	vadd.s32 v1, v12;
	v23 =	vld [tilespmem:s6+$0x90];
	v24 =	vadd.f32 v24, v6  }
0x46f: {  	[tilespmem:v28+s2+$0x0] =	vst.idx.msk $0xffff, v21;
	v21 =	vadd.f32 v29, v5;
	v28 =	vadd.s32 v1, v16;
	v29 =	vld [tilespmem:s6+$0xD0]  }
0x470: {  	v30 =	vadd.f32 v31, v5;
	v31 =	vadd.s32 v1, v17;
	v58 =	vld [tilespmem:s6+$0x110];
	[tilespmem:v10+s2+$0x0] =	vst.idx.msk $0xffff, v24  }
0x471: {  	[tilespmem:v25+s2+$0x0] =	vst.idx.msk $0xffff, v21;
	v10 =	vadd.f32 v57, v5;
	v21 =	vadd.s32 v1, v13;
	v24 =	vld [tilespmem:s6+$0x170]  }
0x472: {  	[tilespmem:v26+s2+$0x0] =	vst.idx.msk $0xffff, v30;
	v26 =	vadd.f32 v27, v5;
	v27 =	vadd.s32 v1, v9;
	v25 =	vld [tilespmem:s6+$0xFFFFFE90]  }
0x473: {  	v20 =	vadd.s32 v3, v20;
	v30 =	vld [tilespmem:s6+$0xFFFFFEE0];
	[tilespmem:v22+s2+$0x0] =	vst.idx.msk $0xffff, v10;
	v10 =	vadd.f32 v23, v5  }
0x474: {  	v22 =	vadd.s32 v1, v8;
	v23 =	vld [tilespmem:s6+$0xFFFFFF20];
	[tilespmem:v28+s2+$0x0] =	vst.idx.msk $0xffff, v26;
	v26 =	vadd.f32 v29, v5  }
0x475: {  	v28 =	vadd.s32 v2, v19;
	v29 =	vld [tilespmem:s6+$0xFFFFFF60];
	[tilespmem:v31+s2+$0x0] =	vst.idx.msk $0xffff, v10;
	v10 =	vadd.f32 v58, v5  }
0x476: {  	v59 =	vld [tilespmem:s6+$0xFFFFFFA0];
	v31 =	vadd.s32 v2, v18;
	[tilespmem:v21+s2+$0x0] =	vst.idx.msk $0xffff, v26;
	v21 =	vadd.f32 v24, v7  }
0x477: {  	v26 =	vld [tilespmem:s6+$0xFFFFFFE0];
	v24 =	vadd.f32 v25, v5;
	v25 =	vadd.s32 v2, v15;
	[tilespmem:v27+s2+$0x0] =	vst.idx.msk $0xffff, v10  }
0x478: {  	v10 =	vadd.f32 v30, v6;
	v27 =	vadd.s32 v2, v14;
	v30 =	vld [tilespmem:s6+$0x20];
	[tilespmem:v20+s2+$0x0] =	vst.idx.msk $0xffff, v21  }
0x479: {  	[tilespmem:v22+s2+$0x0] =	vst.idx.msk $0xffff, v24;
	v20 =	vadd.f32 v23, v6;
	v21 =	vadd.s32 v2, v11;
	v22 =	vld [tilespmem:s6+$0x60]  }
0x47a: {  	[tilespmem:v28+s2+$0x0] =	vst.idx.msk $0xffff, v10;
	v10 =	vadd.f32 v29, v6;
	v23 =	vadd.s32 v2, v12;
	v24 =	vld [tilespmem:s6+$0xA0]  }
0x47b: {  	v28 =	vadd.s32 v2, v16;
	v29 =	vld [tilespmem:s6+$0xE0];
	[tilespmem:v31+s2+$0x0] =	vst.idx.msk $0xffff, v20;
	v20 =	vadd.f32 v59, v6  }
0x47c: {  	[tilespmem:v25+s2+$0x0] =	vst.idx.msk $0xffff, v10;
	v10 =	vadd.f32 v26, v6;
	v25 =	vadd.s32 v2, v17;
	v26 =	vld [tilespmem:s6+$0x120]  }
0x47d: {  	v31 =	vld [tilespmem:s6+$0xFFFFFEA0];
	[tilespmem:v27+s2+$0x0] =	vst.idx.msk $0xffff, v20;
	v20 =	vadd.f32 v30, v6;
	v27 =	vadd.s32 v2, v13  }
0x47e: {  	v19 =	vadd.s32 v3, v19;
	v30 =	vld [tilespmem:s6+$0xFFFFFEF0];
	[tilespmem:v21+s2+$0x0] =	vst.idx.msk $0xffff, v10;
	v21 =	vadd.f32 v22, v6  }
0x47f: {  	v18 =	vadd.s32 v3, v18;
	v62 =	vld [tilespmem:s6+$0xFFFFFF30];
	v22 =	vadd.f32 v24, v6;
	[tilespmem:v23+s2+$0x0] =	vst.idx.msk $0xffff, v20  }
0x480: {  	v15 =	vadd.s32 v3, v15;
	v24 =	vld [tilespmem:s6+$0xFFFFFF70];
	v23 =	vadd.f32 v29, v6;
	[tilespmem:v28+s2+$0x0] =	vst.idx.msk $0xffff, v21  }
0x481: {  	s7 =	simm.s32 $0xC;
	v16 =	vadd.s32 v3, v16;
	v28 =	vld [tilespmem:s6+$0xFFFFFFB0];
	[tilespmem:v25+s2+$0x0] =	vst.idx.msk $0xffff, v22;
	v25 =	vadd.f32 v26, v6  }
0x482: {  	s25 =	simm.s32 $0xD;
	v13 =	vadd.s32 v3, v13;
	v10 =	vmov s7;
	v29 =	vld [tilespmem:s6+$0xFFFFFFF0];
	v26 =	vadd.f32 v31, v6;
	[tilespmem:v27+s2+$0x0] =	vst.idx.msk $0xffff, v23  }
0x483: {  	s29 =	simm.s32 $0xE;
	v10 =	vand.u32 $0x7C, v10;
	v20 =	vmov s25;
	v36 =	vld [tilespmem:s6+$0x30];
	v27 =	vadd.f32 v30, v7;
	[tilespmem:v60+s2+$0x0] =	vst.idx.msk $0xffff, v25  }
0x484: {  	s25 =	simm.s32 $0x10;
	v21 =	vmov s29;
	v30 =	vadd.f32 v62, v7;
	[tilespmem:v61+s2+$0x0] =	vst.idx.msk $0xffff, v26;
	v25 =	vadd.s32 v3, v11;
	v26 =	vld [tilespmem:s6+$0x70]  }
0x485: {  	s24 =	simm.s32 $0xF;
	v14 =	vmov s25;
	s29 =	simm.s32 $0x11;
	v11 =	vadd.s32 v3, v12;
	v12 =	vld [tilespmem:s6+$0xB0];
	[tilespmem:v19+s2+$0x0] =	vst.idx.msk $0xffff, v27;
	v19 =	vadd.f32 v24, v7  }
0x486: {  	v22 =	vmov s24;
	s24 =	simm.s32 $0x12;
	v23 =	vmov s29;
	[tilespmem:v18+s2+$0x0] =	vst.idx.msk $0xffff, v30;
	v27 =	vld [tilespmem:s6+$0xF0];
	v63 =	vadd.f32 v28, v7  }
0x487: {  	s25 =	simm.s32 $0x13;
	s29 =	simm.s32 $0x14;
	v24 =	vmov s24;
	v31 =	vadd.f32 v29, v7;
	v29 =	vld [tilespmem:s6+$0x130];
	v28 =	vadd.s32 v3, v17;
	[tilespmem:v15+s2+$0x0] =	vst.idx.msk $0xffff, v19  }
0x488: {  	s15 =	simm.s32 $0x18;
	v18 =	vmov s25;
	s24 =	simm.s32 $0x17;
	v30 =	vld [tilespmem:s6+$0xFFFFFEB0];
	s6 =	simm.s32 $0xFA80;
	v17 =	vadd.f32 v36, v7;
	v19 =	vmov s29;
	[tilespmem:v35+s2+$0x0] =	vst.idx.msk $0xffff, v63  }
.LBB2_27:
0x489: {  	p0 =	slt.u32 s15, $0x6C;
	v15 =	vmov s24;
	v32 =	vld [tilespmem:s6+$0x140];
	[tilespmem:v25+s2+$0x0] =	vst.idx.msk $0xffff, v31;
	v26 =	vadd.f32 v26, v7;
	v9 =	vadd.s32 v3, v9  }
0x48a: {  	s24 =	sadd.s32 $0x9, s7;
	v31 =	vld [tilespmem:s6+$0xFFFFFE80];
	v25 =	vand.u32 $0xFF, v15;
	v15 =	vadd.s32 v3, v8;
	[tilespmem:v11+s2+$0x0] =	vst.idx.msk $0xffff, v17;
	v11 =	vadd.f32 v12, v7  }
0x48b: {  	v33 =	vmov s24;
	v8 =	vmovc v10;
	v12 =	vld [tilespmem:s6+$0xFFFFFEC0];
	v34 =	vadd.s32 v0, v25;
	[tilespmem:v16+s2+$0x0] =	vst.idx.msk $0xffff, v26;
	v26 =	vadd.f32 v27, v7  }
0x48c: {  	v17 =	vand.u32 $0x7D, v20;
	v10 =	vadd.s32 v0, v8;
	v20 =	vld [tilespmem:s6+$0xFFFFFF00];
	[tilespmem:v28+s2+$0x0] =	vst.idx.msk $0xffff, v11;
	v11 =	vadd.f32 v29, v7  }
0x48d: {  	v27 =	vadd.s32 v0, v17;
	v16 =	vand.u32 $0x7E, v21;
	v21 =	vld [tilespmem:s6+$0xFFFFFF40];
	v28 =	vadd.f32 v30, v7;
	[tilespmem:v13+s2+$0x0] =	vst.idx.msk $0xffff, v26  }
0x48e: {  	v26 =	vadd.s32 v0, v16;
	v13 =	vand.u32 $0x7F, v22;
	v22 =	vld [tilespmem:s6+$0xFFFFFF80];
	v29 =	vadd.f32 v32, v4;
	[tilespmem:v9+s2+$0x0] =	vst.idx.msk $0xffff, v11  }
0x48f: {  	v14 =	vand.u32 $0xFC, v14;
	v30 =	vadd.s32 v0, v13;
	v9 =	vadd.f32 v31, v4;
	v31 =	vld [tilespmem:s6+$0xFFFFFFC0];
	[tilespmem:v15+s2+$0x0] =	vst.idx.msk $0xffff, v28  }
0x490: {  	v11 =	vand.u32 $0xFD, v23;
	v28 =	vadd.s32 v0, v14;
	v15 =	vadd.f32 v12, v4;
	v23 =	vld [tilespmem:s6+$0x0];
	[tilespmem:v34+s2+$0x0] =	vst.idx.msk $0xffff, v29  }
0x491: {  	s24 =	sadd.s32 $0xA, s7;
	s7 =	smov.u32 s15;
	v12 =	vand.u32 $0xFE, v24;
	[tilespmem:v10+s2+$0x0] =	vst.idx.msk $0xffff, v9;
	v9 =	vadd.f32 v20, v4;
	v10 =	vadd.s32 v0, v11;
	v20 =	vld [tilespmem:s6+$0x150]  }
0x492: {  	[tilespmem:v27+s2+$0x0] =	vst.idx.msk $0xffff, v15;
	v15 =	vadd.f32 v21, v4;
	v21 =	vadd.s32 v0, v12;
	v24 =	vld [tilespmem:s6+$0x40];
	v27 =	vmov s24  }
0x493: {  	v18 =	vand.u32 $0xFF, v18;
	[tilespmem:v26+s2+$0x0] =	vst.idx.msk $0xffff, v9;
	v9 =	vadd.f32 v22, v4;
	v22 =	vld [tilespmem:s6+$0x80];
	v26 =	vadd.s32 v1, v25  }
0x494: {  	v19 =	vand.u32 $0xFC, v19;
	[tilespmem:v30+s2+$0x0] =	vst.idx.msk $0xffff, v15;
	v29 =	vadd.f32 v31, v4;
	v30 =	vadd.s32 v0, v18;
	v31 =	vld [tilespmem:s6+$0xC0]  }
0x495: {  	v15 =	vand.u32 $0xFD, v33;
	[tilespmem:v28+s2+$0x0] =	vst.idx.msk $0xffff, v9;
	v23 =	vadd.f32 v23, v4;
	v28 =	vadd.s32 v0, v19;
	v32 =	vld [tilespmem:s6+$0x100]  }
0x496: {  	v9 =	vand.u32 $0xFE, v27;
	v33 =	vld [tilespmem:s6+$0xFFFFFED0];
	[tilespmem:v10+s2+$0x0] =	vst.idx.msk $0xffff, v29;
	v10 =	vadd.s32 v0, v15;
	v20 =	vadd.f32 v20, v5  }
0x497: {  	v27 =	vld [tilespmem:s6+$0xFFFFFF10];
	[tilespmem:v21+s2+$0x0] =	vst.idx.msk $0xffff, v23;
	v21 =	vadd.f32 v24, v4;
	v23 =	vadd.s32 v0, v9  }
0x498: {  	v24 =	vadd.s32 v1, v17;
	v29 =	vld [tilespmem:s6+$0xFFFFFF50];
	v22 =	vadd.f32 v22, v4;
	[tilespmem:v26+s2+$0x0] =	vst.idx.msk $0xffff, v20  }
0x499: {  	v20 =	vadd.s32 v1, v16;
	[tilespmem:v30+s2+$0x0] =	vst.idx.msk $0xffff, v21;
	v21 =	vadd.f32 v31, v4;
	v26 =	vld [tilespmem:s6+$0x160]  }
0x49a: {  	v30 =	vadd.s32 v1, v13;
	v31 =	vld [tilespmem:s6+$0xFFFFFF90];
	[tilespmem:v28+s2+$0x0] =	vst.idx.msk $0xffff, v22;
	v22 =	vadd.f32 v32, v4  }
0x49b: {  	v28 =	vadd.f32 v33, v5;
	v32 =	vld [tilespmem:s6+$0xFFFFFFD0];
	[tilespmem:v10+s2+$0x0] =	vst.idx.msk $0xffff, v21;
	v10 =	vadd.s32 v2, v25  }
0x49c: {  	v21 =	vadd.f32 v27, v5;
	v27 =	vadd.s32 v1, v14;
	v33 =	vld [tilespmem:s6+$0x10];
	[tilespmem:v23+s2+$0x0] =	vst.idx.msk $0xffff, v22  }
0x49d: {  	v23 =	vadd.s32 v1, v11;
	[tilespmem:v24+s2+$0x0] =	vst.idx.msk $0xffff, v28;
	v22 =	vadd.f32 v29, v5;
	v24 =	vld [tilespmem:s6+$0x50]  }
0x49e: {  	[tilespmem:v20+s2+$0x0] =	vst.idx.msk $0xffff, v21;
	v20 =	vadd.s32 v1, v12;
	v21 =	vld [tilespmem:s6+$0x90];
	v26 =	vadd.f32 v26, v6  }
0x49f: {  	v28 =	vadd.s32 v1, v18;
	[tilespmem:v30+s2+$0x0] =	vst.idx.msk $0xffff, v22;
	v22 =	vadd.f32 v31, v5;
	v29 =	vld [tilespmem:s6+$0xD0]  }
0x4a0: {  	v31 =	vadd.s32 v1, v19;
	v30 =	vadd.f32 v32, v5;
	v32 =	vld [tilespmem:s6+$0x110];
	[tilespmem:v10+s2+$0x0] =	vst.idx.msk $0xffff, v26  }
0x4a1: {  	[tilespmem:v27+s2+$0x0] =	vst.idx.msk $0xffff, v22;
	v10 =	vadd.f32 v33, v5;
	v22 =	vadd.s32 v1, v15;
	v26 =	vld [tilespmem:s6+$0x170]  }
0x4a2: {  	v27 =	vld [tilespmem:s6+$0xFFFFFE90];
	[tilespmem:v23+s2+$0x0] =	vst.idx.msk $0xffff, v30;
	v23 =	vadd.f32 v24, v5;
	v24 =	vadd.s32 v1, v9  }
0x4a3: {  	v30 =	vld [tilespmem:s6+$0xFFFFFEE0];
	[tilespmem:v20+s2+$0x0] =	vst.idx.msk $0xffff, v10;
	v10 =	vadd.f32 v21, v5;
	v20 =	vadd.s32 v3, v25  }
0x4a4: {  	v21 =	vadd.s32 v1, v8;
	v25 =	vld [tilespmem:s6+$0xFFFFFF20];
	[tilespmem:v28+s2+$0x0] =	vst.idx.msk $0xffff, v23;
	v23 =	vadd.f32 v29, v5  }
0x4a5: {  	v28 =	vadd.s32 v2, v17;
	v29 =	vld [tilespmem:s6+$0xFFFFFF60];
	[tilespmem:v31+s2+$0x0] =	vst.idx.msk $0xffff, v10;
	v10 =	vadd.f32 v32, v5  }
0x4a6: {  	v31 =	vadd.s32 v2, v16;
	v32 =	vld [tilespmem:s6+$0xFFFFFFA0];
	[tilespmem:v22+s2+$0x0] =	vst.idx.msk $0xffff, v23;
	v22 =	vadd.f32 v26, v7  }
0x4a7: {  	v26 =	vadd.s32 v2, v13;
	v23 =	vadd.f32 v27, v5;
	v27 =	vld [tilespmem:s6+$0xFFFFFFE0];
	[tilespmem:v24+s2+$0x0] =	vst.idx.msk $0xffff, v10  }
0x4a8: {  	v24 =	vadd.s32 v2, v14;
	v10 =	vadd.f32 v30, v6;
	v30 =	vld [tilespmem:s6+$0x20];
	[tilespmem:v20+s2+$0x0] =	vst.idx.msk $0xffff, v22  }
0x4a9: {  	[tilespmem:v21+s2+$0x0] =	vst.idx.msk $0xffff, v23;
	v20 =	vadd.f32 v25, v6;
	v21 =	vadd.s32 v2, v11;
	v22 =	vld [tilespmem:s6+$0x60]  }
0x4aa: {  	v23 =	vadd.s32 v2, v12;
	[tilespmem:v28+s2+$0x0] =	vst.idx.msk $0xffff, v10;
	v10 =	vadd.f32 v29, v6;
	v25 =	vld [tilespmem:s6+$0xA0]  }
0x4ab: {  	v28 =	vadd.s32 v2, v18;
	[tilespmem:v31+s2+$0x0] =	vst.idx.msk $0xffff, v20;
	v20 =	vadd.f32 v32, v6;
	v29 =	vld [tilespmem:s6+$0xE0]  }
0x4ac: {  	[tilespmem:v26+s2+$0x0] =	vst.idx.msk $0xffff, v10;
	v10 =	vadd.f32 v27, v6;
	v26 =	vadd.s32 v2, v19;
	v27 =	vld [tilespmem:s6+$0x120]  }
0x4ad: {  	v31 =	vld [tilespmem:s6+$0xFFFFFEA0];
	[tilespmem:v24+s2+$0x0] =	vst.idx.msk $0xffff, v20;
	v20 =	vadd.f32 v30, v6;
	v24 =	vadd.s32 v2, v15  }
0x4ae: {  	v32 =	vadd.s32 v2, v9;
	v30 =	vld [tilespmem:s6+$0xFFFFFEF0];
	[tilespmem:v21+s2+$0x0] =	vst.idx.msk $0xffff, v10;
	v21 =	vadd.f32 v22, v6  }
0x4af: {  	v33 =	vadd.s32 v2, v8;
	v10 =	vmov s15;
	v34 =	vld [tilespmem:s6+$0xFFFFFF30];
	[tilespmem:v23+s2+$0x0] =	vst.idx.msk $0xffff, v20;
	v22 =	vadd.f32 v25, v6  }
0x4b0: {  	s24 =	sadd.s32 $0x1, s15;
	v17 =	vadd.s32 v3, v17;
	v10 =	vand.u32 $0x7C, v10;
	v35 =	vld [tilespmem:s6+$0xFFFFFF70];
	[tilespmem:v28+s2+$0x0] =	vst.idx.msk $0xffff, v21;
	v23 =	vadd.f32 v29, v6  }
0x4b1: {  	v16 =	vadd.s32 v3, v16;
	v20 =	vmov s24;
	s24 =	sadd.s32 $0x2, s15;
	v28 =	vld [tilespmem:s6+$0xFFFFFFB0];
	[tilespmem:v26+s2+$0x0] =	vst.idx.msk $0xffff, v22;
	v25 =	vadd.f32 v27, v6  }
0x4b2: {  	v13 =	vadd.s32 v3, v13;
	v21 =	vmov s24;
	s24 =	sadd.s32 $0x3, s15;
	v26 =	vadd.f32 v31, v6;
	v29 =	vld [tilespmem:s6+$0xFFFFFFF0];
	[tilespmem:v24+s2+$0x0] =	vst.idx.msk $0xffff, v23  }
0x4b3: {  	v36 =	vadd.s32 v3, v14;
	v22 =	vmov s24;
	s24 =	sadd.s32 $0x4, s15;
	v24 =	vadd.f32 v30, v7;
	v37 =	vld [tilespmem:s6+$0x30];
	[tilespmem:v32+s2+$0x0] =	vst.idx.msk $0xffff, v25  }
.Ltmp15:
0x4b4: {  	v14 =	vmov s24;
	s24 =	sadd.s32 $0x5, s15;
	v25 =	vadd.s32 v3, v11;
	[tilespmem:v33+s2+$0x0] =	vst.idx.msk $0xffff, v26;
	v27 =	vadd.f32 v34, v7;
	v26 =	vld [tilespmem:s6+$0x70];
	(pc) =	sbr.rel @p0 .LBB2_27-.Ltmp15, $4  }
0x4b5: {  	v23 =	vmov s24;
	s24 =	sadd.s32 $0x6, s15;
	v11 =	vadd.s32 v3, v12;
	[tilespmem:v17+s2+$0x0] =	vst.idx.msk $0xffff, v24;
	v17 =	vadd.f32 v35, v7;
	v12 =	vld [tilespmem:s6+$0xB0]  }
0x4b6: {  	v24 =	vmov s24;
	s24 =	sadd.s32 $0x7, s15;
	[tilespmem:v16+s2+$0x0] =	vst.idx.msk $0xffff, v27;
	v32 =	vadd.f32 v28, v7;
	v16 =	vadd.s32 v3, v18;
	v27 =	vld [tilespmem:s6+$0xF0]  }
0x4b7: {  	v18 =	vmov s24;
	s24 =	sadd.s32 $0x8, s15;
	v28 =	vadd.s32 v3, v19;
	[tilespmem:v13+s2+$0x0] =	vst.idx.msk $0xffff, v17;
	v31 =	vadd.f32 v29, v7;
	v29 =	vld [tilespmem:s6+$0x130]  }
0x4b8: {  	s15 =	sadd.s32 $0xC, s15;
	v19 =	vmov s24;
	s24 =	sadd.s32 $0xB, s7;
	v13 =	vadd.s32 v3, v15;
	v30 =	vld [tilespmem:s6+$0xFFFFFEB0];
	[tilespmem:v36+s2+$0x0] =	vst.idx.msk $0xffff, v32;
	v17 =	vadd.f32 v37, v7;
	s6 =	sadd.s32 $0x300, s6  }
0x4b9: {  	_ =	sdelay $0x3  }
0x4ba: {  	v15 =	vmov s24;
	[tilespmem:v25+s2+$0x0] =	vst.idx.msk $0xffff, v31  }
0x4bb: {  	v32 =	vld [tilespmem:s6+$0x140];
	v46 =	vadd.f32 v26, v7;
	v47 =	vadd.s32 v3, v9;
	v49 =	vadd.s32 v3, v8  }
0x4bc: {  	v48 =	vld [tilespmem:s6+$0xFFFFFE80];
	v53 =	vadd.s32 v0, v10;
	v33 =	vand.u32 $0xFF, v15;
	[tilespmem:v11+s2+$0x0] =	vst.idx.msk $0xffff, v17;
	v50 =	vadd.f32 v12, v7  }
0x4bd: {  	v51 =	vld [tilespmem:s6+$0xFFFFFEC0];
	v8 =	vand.u32 $0x7D, v20;
	v35 =	vadd.s32 v0, v33;
	[tilespmem:v16+s2+$0x0] =	vst.idx.msk $0xffff, v46;
	v52 =	vadd.f32 v27, v7  }
0x4be: {  	s15 =	sadd.s32 $0x9, s7;
	v54 =	vld [tilespmem:s6+$0xFFFFFF00];
	v9 =	vand.u32 $0x7E, v21;
	v56 =	vadd.s32 v0, v8;
	[tilespmem:v28+s2+$0x0] =	vst.idx.msk $0xffff, v50;
	v55 =	vadd.f32 v29, v7  }
0x4bf: {  	v57 =	vld [tilespmem:s6+$0xFFFFFF40];
	v34 =	vmov s15;
	v59 =	vadd.s32 v0, v9;
	v58 =	vadd.f32 v30, v7;
	[tilespmem:v13+s2+$0x0] =	vst.idx.msk $0xffff, v52  }
0x4c0: {  	v60 =	vld [tilespmem:s6+$0xFFFFFF80];
	v11 =	vand.u32 $0x7F, v22;
	v12 =	vand.u32 $0xFC, v14;
	v61 =	vadd.f32 v32, v4;
	[tilespmem:v47+s2+$0x0] =	vst.idx.msk $0xffff, v55  }
0x4c1: {  	v39 =	vld [tilespmem:s6+$0x0];
	s29 =	sadd.s32 $0xA, s7;
	v14 =	vand.u32 $0xFE, v24;
	v63 =	vadd.s32 v0, v11;
	v62 =	vadd.f32 v48, v4;
	[tilespmem:v49+s2+$0x0] =	vst.idx.msk $0xffff, v58  }
0x4c2: {  	v45 =	vmov s29;
	v38 =	vadd.s32 v0, v12;
	v46 =	vld [tilespmem:s6+$0x80];
	v37 =	vadd.f32 v51, v4;
	[tilespmem:v35+s2+$0x0] =	vst.idx.msk $0xffff, v61  }
0x4c3: {  	v36 =	vld [tilespmem:s6+$0xFFFFFFC0];
	v43 =	vadd.s32 v0, v14;
	v16 =	vand.u32 $0xFC, v19;
	v40 =	vadd.f32 v54, v4;
	[tilespmem:v53+s2+$0x0] =	vst.idx.msk $0xffff, v62  }
0x4c4: {  	v50 =	vld [tilespmem:s6+$0xC0];
	v13 =	vand.u32 $0xFD, v23;
	v52 =	vadd.s32 v0, v16;
	v21 =	vadd.f32 v57, v4;
	[tilespmem:v56+s2+$0x0] =	vst.idx.msk $0xffff, v37  }
0x4c5: {  	v44 =	vld [tilespmem:s6+$0x40];
	v17 =	vand.u32 $0xFD, v34;
	v41 =	vadd.s32 v0, v13;
	v22 =	vadd.f32 v60, v4;
	[tilespmem:v59+s2+$0x0] =	vst.idx.msk $0xffff, v40  }
0x4c6: {  	v15 =	vand.u32 $0xFF, v18;
	v51 =	vadd.f32 v39, v4;
	v55 =	vadd.s32 v0, v17;
	[tilespmem:v63+s2+$0x0] =	vst.idx.msk $0xffff, v21;
	v53 =	vld [tilespmem:s6+$0x100]  }
0x4c7: {  	v18 =	vand.u32 $0xFE, v45;
	v49 =	vadd.s32 v0, v15;
	[tilespmem:v38+s2+$0x0] =	vst.idx.msk $0xffff, v22;
	v28 =	vadd.f32 v46, v4;
	v42 =	vld [tilespmem:s6+$0x150]  }
0x4c8: {  	v48 =	vadd.f32 v36, v4;
	v58 =	vadd.s32 v0, v18;
	[tilespmem:v43+s2+$0x0] =	vst.idx.msk $0xffff, v51;
	v54 =	vld [tilespmem:s6+$0xFFFFFED0]  }
0x4c9: {  	v47 =	vadd.s32 v1, v33;
	v56 =	vld [tilespmem:s6+$0xFFFFFF10];
	v19 =	vadd.f32 v50, v4;
	[tilespmem:v52+s2+$0x0] =	vst.idx.msk $0xffff, v28  }
0x4ca: {  	v57 =	vadd.f32 v44, v4;
	v59 =	vadd.s32 v1, v8;
	v60 =	vld [tilespmem:s6+$0xFFFFFF50];
	[tilespmem:v41+s2+$0x0] =	vst.idx.msk $0xffff, v48  }
0x4cb: {  	v61 =	vadd.s32 v1, v9;
	v34 =	vld [tilespmem:s6+$0xFFFFFF90];
	[tilespmem:v55+s2+$0x0] =	vst.idx.msk $0xffff, v19;
	v35 =	vadd.f32 v53, v4  }
0x4cc: {  	v63 =	vadd.s32 v1, v11;
	v41 =	vld [tilespmem:s6+$0x10];
	[tilespmem:v49+s2+$0x0] =	vst.idx.msk $0xffff, v57;
	v24 =	vadd.f32 v42, v5  }
0x4cd: {  	v40 =	vadd.s32 v1, v12;
	v46 =	vld [tilespmem:s6+$0x90];
	v36 =	vadd.f32 v54, v5;
	[tilespmem:v58+s2+$0x0] =	vst.idx.msk $0xffff, v35  }
0x4ce: {  	v45 =	vadd.s32 v1, v14;
	v37 =	vld [tilespmem:s6+$0xFFFFFFD0];
	v39 =	vadd.f32 v56, v5;
	[tilespmem:v47+s2+$0x0] =	vst.idx.msk $0xffff, v24  }
0x4cf: {  	v51 =	vadd.s32 v1, v16;
	v49 =	vld [tilespmem:s6+$0xD0];
	v42 =	vadd.f32 v60, v5;
	[tilespmem:v59+s2+$0x0] =	vst.idx.msk $0xffff, v36  }
0x4d0: {  	v43 =	vadd.s32 v1, v13;
	v44 =	vld [tilespmem:s6+$0x50];
	[tilespmem:v61+s2+$0x0] =	vst.idx.msk $0xffff, v39;
	v47 =	vadd.f32 v34, v5  }
0x4d1: {  	v54 =	vadd.s32 v1, v17;
	v56 =	vld [tilespmem:s6+$0xFFFFFE90];
	[tilespmem:v63+s2+$0x0] =	vst.idx.msk $0xffff, v42;
	v53 =	vadd.f32 v41, v5  }
0x4d2: {  	v48 =	vadd.s32 v1, v15;
	v52 =	vld [tilespmem:s6+$0x110];
	v60 =	vadd.f32 v46, v5;
	[tilespmem:v40+s2+$0x0] =	vst.idx.msk $0xffff, v47  }
0x4d3: {  	v62 =	vld [tilespmem:s6+$0x160];
	v50 =	vadd.f32 v37, v5;
	[tilespmem:v45+s2+$0x0] =	vst.idx.msk $0xffff, v53  }
0x4d4: {  	v58 =	vadd.s32 v1, v18;
	v59 =	vld [tilespmem:s6+$0xFFFFFEE0];
	v36 =	vadd.f32 v49, v5;
	[tilespmem:v51+s2+$0x0] =	vst.idx.msk $0xffff, v60  }
0x4d5: {  	v38 =	vadd.s32 v2, v33;
	v63 =	vld [tilespmem:s6+$0xFFFFFF20];
	v57 =	vadd.f32 v44, v5;
	[tilespmem:v43+s2+$0x0] =	vst.idx.msk $0xffff, v50  }
0x4d6: {  	v37 =	vadd.s32 v2, v8;
	[tilespmem:v54+s2+$0x0] =	vst.idx.msk $0xffff, v36  }
0x4d7: {  	v40 =	vadd.s32 v2, v9;
	[tilespmem:v48+s2+$0x0] =	vst.idx.msk $0xffff, v57;
	v45 =	vld [tilespmem:s6+$0xFFFFFFE0];
	v39 =	vadd.f32 v52, v5  }
0x4d8: {  	v43 =	vadd.f32 v56, v5;
	v51 =	vld [tilespmem:s6+$0x60];
	v21 =	vadd.f32 v62, v6;
	v62 =	vadd.s32 v1, v10  }
0x4d9: {  	v50 =	vadd.s32 v2, v13;
	v48 =	vld [tilespmem:s6+$0x20];
	v46 =	vadd.f32 v59, v6;
	[tilespmem:v58+s2+$0x0] =	vst.idx.msk $0xffff, v39  }
0x4da: {  	v56 =	vadd.s32 v2, v15;
	v57 =	vld [tilespmem:s6+$0xE0];
	v49 =	vadd.f32 v63, v6;
	[tilespmem:v38+s2+$0x0] =	vst.idx.msk $0xffff, v21  }
0x4db: {  	v53 =	vadd.s32 v2, v14;
	v38 =	vld [tilespmem:s6+$0xFFFFFF60];
	[tilespmem:v37+s2+$0x0] =	vst.idx.msk $0xffff, v46  }
0x4dc: {  	v63 =	vadd.s32 v2, v17;
	[tilespmem:v40+s2+$0x0] =	vst.idx.msk $0xffff, v49;
	v55 =	vld [tilespmem:s6+$0x170];
	v58 =	vadd.f32 v45, v6  }
0x4dd: {  	v44 =	vadd.s32 v2, v11;
	v41 =	vld [tilespmem:s6+$0xFFFFFFA0];
	v37 =	vadd.f32 v51, v6;
	[tilespmem:v62+s2+$0x0] =	vst.idx.msk $0xffff, v43  }
0x4de: {  	v61 =	vadd.s32 v3, v33;
	v54 =	vld [tilespmem:s6+$0xA0];
	v62 =	vadd.f32 v48, v6;
	[tilespmem:v50+s2+$0x0] =	vst.idx.msk $0xffff, v58  }
0x4df: {  	v47 =	vadd.s32 v2, v12;
	v36 =	vld [tilespmem:s6+$0xFFFFFEF0];
	v43 =	vadd.f32 v57, v6;
	[tilespmem:v56+s2+$0x0] =	vst.idx.msk $0xffff, v37  }
0x4e0: {  	v59 =	vadd.s32 v2, v16;
	v40 =	vld [tilespmem:s6+$0xFFFFFF30];
	v52 =	vadd.f32 v38, v6;
	[tilespmem:v53+s2+$0x0] =	vst.idx.msk $0xffff, v62  }
0x4e1: {  	v8 =	vadd.s32 v3, v8;
	v60 =	vld [tilespmem:s6+$0x120];
	[tilespmem:v63+s2+$0x0] =	vst.idx.msk $0xffff, v43;
	v42 =	vadd.f32 v55, v7  }
0x4e2: {  	v9 =	vadd.s32 v3, v9;
	v55 =	vadd.f32 v41, v6;
	v49 =	vld [tilespmem:s6+$0x30];
	[tilespmem:v44+s2+$0x0] =	vst.idx.msk $0xffff, v52  }
0x4e3: {  	v38 =	vadd.s32 v2, v18;
	v41 =	vadd.f32 v54, v6;
	[tilespmem:v61+s2+$0x0] =	vst.idx.msk $0xffff, v42;
	v61 =	vld [tilespmem:s6+$0xFFFFFEA0]  }
0x4e4: {  	v14 =	vadd.s32 v3, v14;
	v48 =	vadd.f32 v36, v7;
	[tilespmem:v47+s2+$0x0] =	vst.idx.msk $0xffff, v55;
	v42 =	vld [tilespmem:s6+$0xFFFFFF70]  }
0x4e5: {  	v39 =	vadd.s32 v2, v10;
	v50 =	vadd.f32 v40, v7;
	[tilespmem:v59+s2+$0x0] =	vst.idx.msk $0xffff, v41;
	v44 =	vld [tilespmem:s6+$0xFFFFFFB0]  }
0x4e6: {  	v11 =	vadd.s32 v3, v11;
	v45 =	vadd.f32 v60, v6;
	v47 =	vld [tilespmem:s6+$0xFFFFFFF0];
	[tilespmem:v8+s2+$0x0] =	vst.idx.msk $0xffff, v48  }
0x4e7: {  	v12 =	vadd.s32 v3, v12;
	[tilespmem:v9+s2+$0x0] =	vst.idx.msk $0xffff, v50;
	v52 =	vld [tilespmem:s6+$0xB0];
	v57 =	vadd.f32 v49, v7  }
0x4e8: {  	v13 =	vadd.s32 v3, v13;
	v51 =	vld [tilespmem:s6+$0x70];
	[tilespmem:v38+s2+$0x0] =	vst.idx.msk $0xffff, v45;
	v46 =	vadd.f32 v61, v6  }
0x4e9: {  	v55 =	vadd.s32 v3, v16;
	v56 =	vld [tilespmem:s6+$0x130];
	v8 =	vadd.f32 v42, v7;
	[tilespmem:v14+s2+$0x0] =	vst.idx.msk $0xffff, v57  }
0x4ea: {  	v15 =	vadd.s32 v3, v15;
	v54 =	vld [tilespmem:s6+$0xF0];
	v53 =	vadd.f32 v44, v7;
	[tilespmem:v39+s2+$0x0] =	vst.idx.msk $0xffff, v46  }
0x4eb: {  	v59 =	vadd.s32 v3, v18;
	[tilespmem:v11+s2+$0x0] =	vst.idx.msk $0xffff, v8;
	v8 =	vadd.f32 v47, v7;
	v22 =	vld [tilespmem:s6+$0xFFFFFEB0]  }
0x4ec: {  	v58 =	vadd.s32 v3, v17;
	v61 =	vadd.f32 v52, v7;
	[tilespmem:v12+s2+$0x0] =	vst.idx.msk $0xffff, v53  }
0x4ed: {  	v60 =	vadd.s32 v3, v10;
	[tilespmem:v13+s2+$0x0] =	vst.idx.msk $0xffff, v8;
	v8 =	vadd.f32 v51, v7  }
0x4ee: {  	[tilespmem:v55+s2+$0x0] =	vst.idx.msk $0xffff, v61;
	v62 =	vadd.f32 v56, v7  }
0x4ef: {  	[tilespmem:v15+s2+$0x0] =	vst.idx.msk $0xffff, v8;
	v8 =	vadd.f32 v54, v7  }
0x4f0: {  	[tilespmem:v59+s2+$0x0] =	vst.idx.msk $0xffff, v62;
	v63 =	vadd.f32 v22, v7  }
0x4f1: {  	[tilespmem:v58+s2+$0x0] =	vst.idx.msk $0xffff, v8  }
0x4f2: {  	s7 =	simm.s32 $0x11430;
	s6 =	simm.s32 $0x78;
	[tilespmem:v60+s2+$0x0] =	vst.idx.msk $0xffff, v63  }
.LBB2_29:
0x4f3: {  	v8 =	vmov s6;
	v9 =	vld [tilespmem:s7+$0xFFFFFFD0]  }
0x4f4: {  	v8 =	vand.u32 $0x7F, v8  }
0x4f5: {  	v10 =	vadd.s32 v0, v8;
	_ =	sdelay $0x2  }
0x4f6: {  	v9 =	vadd.f32 v9, v4;
	_ =	sdelay $0x1  }
0x4f7: {  	[tilespmem:v10+s2+$0x0] =	vst.idx.msk $0xffff, v9  }
0x4f8: {  	v9 =	vld [tilespmem:s7+$0xFFFFFFE0];
	_ =	sdelay $0x1  }
0x4f9: {  	v62 =	vadd.s32 v1, v8;
	_ =	sdelay $0x2  }
0x4fa: {  	v9 =	vadd.f32 v9, v5;
	_ =	sdelay $0x1  }
0x4fb: {  	[tilespmem:v62+s2+$0x0] =	vst.idx.msk $0xffff, v9  }
0x4fc: {  	v9 =	vld [tilespmem:s7+$0xFFFFFFF0];
	_ =	sdelay $0x1  }
0x4fd: {  	v63 =	vadd.s32 v2, v8;
	_ =	sdelay $0x2  }
0x4fe: {  	v9 =	vadd.f32 v9, v6;
	_ =	sdelay $0x1  }
0x4ff: {  	[tilespmem:v63+s2+$0x0] =	vst.idx.msk $0xffff, v9  }
0x500: {  	v9 =	vld [tilespmem:s7+$0x0];
	_ =	sdelay $0x1  }
0x501: {  	p0 =	sne.s32 s6, $0x7F;
	v8 =	vadd.s32 v3, v8  }
.Ltmp16:
0x502: {  	_ = 	snop;
	(pc) =	sbr.rel @p0 .LBB2_29-.Ltmp16, $3  }
0x503: {  	_ = 	snop  }
0x504: {  	v9 =	vadd.f32 v9, v7;
	_ =	sdelay $0x1  }
0x505: {  	s6 =	sadd.s32 $0x1, s6;
	s7 =	sadd.s32 $0x40, s7;
	[tilespmem:v8+s2+$0x0] =	vst.idx.msk $0xffff, v9  }
0x506: {  	s6 =	sshll.u32 s23, $0x12  }
0x507: {  	s6 =	sor.u32 s5, s6  }
0x508: {  	s6 =	sshrl.u32 s6, $0x3  }
0x509: {  	s7 =	sadd.s32 s1, s6  }
0x50a: {  	[hbm4b:s7+s3] =	stream.linear.scatter [tilespmem:s2], [sflag:$0x8], $0x80, $0x38;
	[tilespmem:$0x19E00] =	vst v63  }
0x50b: {  	s29 =	simm.s32 $0x17C88;
	s15 =	sadd.s32 $0x10, s7  }
0x50c: {  	[hbm4b:s15+s3] =	stream.linear.scatter [tilespmem:s29], [sflag:$0x8], $0x80, $0x38;
	[tilespmem:$0x19E00] =	vst v63  }
0x50d: {  	s24 =	simm.s32 $0x17D10;
	s23 =	sadd.s32 $0x20, s7  }
0x50e: {  	[hbm4b:s23+s3] =	stream.linear.scatter [tilespmem:s24], [sflag:$0x8], $0x80, $0x38;
	[tilespmem:$0x19E00] =	vst v63  }
0x50f: {  	s25 =	sadd.s32 $0x30, s7;
	s29 =	simm.s32 $0x17D98  }
0x510: {  	[hbm4b:s25+s3] =	stream.linear.scatter [tilespmem:s29], [sflag:$0x8], $0x80, $0x38;
	[tilespmem:$0x19E00] =	vst v63  }
0x511: {  	s23 =	sadd.s32 $0x40, s7;
	s24 =	simm.s32 $0x17E20  }
0x512: {  	[hbm4b:s23+s3] =	stream.linear.scatter [tilespmem:s24], [sflag:$0x8], $0x80, $0x38;
	[tilespmem:$0x19E00] =	vst v63  }
0x513: {  	s25 =	sadd.s32 $0x50, s7;
	s29 =	simm.s32 $0x17EA8  }
0x514: {  	[hbm4b:s25+s3] =	stream.linear.scatter [tilespmem:s29], [sflag:$0x8], $0x80, $0x38;
	[tilespmem:$0x19E00] =	vst v63  }
0x515: {  	s23 =	sadd.s32 $0x60, s7;
	s24 =	simm.s32 $0x17F30  }
0x516: {  	[hbm4b:s23+s3] =	stream.linear.scatter [tilespmem:s24], [sflag:$0x8], $0x80, $0x38;
	[tilespmem:$0x19E00] =	vst v63  }
0x517: {  	s7 =	sadd.s32 $0x70, s7;
	s25 =	simm.s32 $0x17FB8  }
0x518: {  	[hbm4b:s7+s3] =	stream.linear.scatter [tilespmem:s25], [sflag:$0x8], $0x80, $0x38;
	[tilespmem:$0x19E00] =	vst v63  }
0x519: {  	s29 =	simm.s32 $0x18040;
	s7 =	sadd.s32 s6, s8  }
0x51a: {  	[hbm4b:s7+s3] =	stream.linear.scatter [tilespmem:s29], [sflag:$0x8], $0x80, $0x38;
	[tilespmem:$0x19E00] =	vst v63  }
0x51b: {  	s24 =	simm.s32 $0x180C8;
	s23 =	sadd.s32 $0x10, s7  }
0x51c: {  	[hbm4b:s23+s3] =	stream.linear.scatter [tilespmem:s24], [sflag:$0x8], $0x80, $0x38;
	[tilespmem:$0x19E00] =	vst v63  }
0x51d: {  	s25 =	sadd.s32 $0x20, s7;
	s29 =	simm.s32 $0x18150  }
0x51e: {  	[hbm4b:s25+s3] =	stream.linear.scatter [tilespmem:s29], [sflag:$0x8], $0x80, $0x38;
	[tilespmem:$0x19E00] =	vst v63  }
0x51f: {  	s23 =	sadd.s32 $0x30, s7;
	s24 =	simm.s32 $0x181D8  }
0x520: {  	[hbm4b:s23+s3] =	stream.linear.scatter [tilespmem:s24], [sflag:$0x8], $0x80, $0x38;
	[tilespmem:$0x19E00] =	vst v63  }
0x521: {  	s25 =	sadd.s32 $0x40, s7;
	s29 =	simm.s32 $0x18260  }
0x522: {  	[hbm4b:s25+s3] =	stream.linear.scatter [tilespmem:s29], [sflag:$0x8], $0x80, $0x38;
	[tilespmem:$0x19E00] =	vst v63  }
0x523: {  	s23 =	sadd.s32 $0x50, s7;
	s24 =	simm.s32 $0x182E8  }
0x524: {  	[hbm4b:s23+s3] =	stream.linear.scatter [tilespmem:s24], [sflag:$0x8], $0x80, $0x38;
	[tilespmem:$0x19E00] =	vst v63  }
0x525: {  	s25 =	sadd.s32 $0x60, s7;
	s29 =	simm.s32 $0x18370  }
0x526: {  	[hbm4b:s25+s3] =	stream.linear.scatter [tilespmem:s29], [sflag:$0x8], $0x80, $0x38;
	[tilespmem:$0x19E00] =	vst v63  }
0x527: {  	s7 =	sadd.s32 $0x70, s7;
	s23 =	simm.s32 $0x183F8  }
0x528: {  	[hbm4b:s7+s3] =	stream.linear.scatter [tilespmem:s23], [sflag:$0x8], $0x80, $0x38;
	[tilespmem:$0x19E00] =	vst v63  }
0x529: {  	s24 =	simm.s32 $0x18480;
	s7 =	sadd.s32 s6, s9  }
0x52a: {  	[hbm4b:s7+s3] =	stream.linear.scatter [tilespmem:s24], [sflag:$0x8], $0x80, $0x38;
	[tilespmem:$0x19E00] =	vst v63  }
0x52b: {  	s29 =	simm.s32 $0x18508;
	s25 =	sadd.s32 $0x10, s7  }
0x52c: {  	[hbm4b:s25+s3] =	stream.linear.scatter [tilespmem:s29], [sflag:$0x8], $0x80, $0x38;
	[tilespmem:$0x19E00] =	vst v63  }
0x52d: {  	s23 =	sadd.s32 $0x20, s7;
	s24 =	simm.s32 $0x18590  }
0x52e: {  	[hbm4b:s23+s3] =	stream.linear.scatter [tilespmem:s24], [sflag:$0x8], $0x80, $0x38;
	[tilespmem:$0x19E00] =	vst v63  }
0x52f: {  	s25 =	sadd.s32 $0x30, s7;
	s29 =	simm.s32 $0x18618  }
0x530: {  	[hbm4b:s25+s3] =	stream.linear.scatter [tilespmem:s29], [sflag:$0x8], $0x80, $0x38;
	[tilespmem:$0x19E00] =	vst v63  }
0x531: {  	s23 =	sadd.s32 $0x40, s7;
	s24 =	simm.s32 $0x186A0  }
0x532: {  	[hbm4b:s23+s3] =	stream.linear.scatter [tilespmem:s24], [sflag:$0x8], $0x80, $0x38;
	[tilespmem:$0x19E00] =	vst v63  }
0x533: {  	s25 =	sadd.s32 $0x50, s7;
	s29 =	simm.s32 $0x18728  }
0x534: {  	[hbm4b:s25+s3] =	stream.linear.scatter [tilespmem:s29], [sflag:$0x8], $0x80, $0x38;
	[tilespmem:$0x19E00] =	vst v63  }
0x535: {  	s23 =	sadd.s32 $0x60, s7;
	s24 =	simm.s32 $0x187B0  }
0x536: {  	[hbm4b:s23+s3] =	stream.linear.scatter [tilespmem:s24], [sflag:$0x8], $0x80, $0x38;
	[tilespmem:$0x19E00] =	vst v63  }
0x537: {  	s7 =	sadd.s32 $0x70, s7;
	s25 =	simm.s32 $0x18838  }
0x538: {  	[hbm4b:s7+s3] =	stream.linear.scatter [tilespmem:s25], [sflag:$0x8], $0x80, $0x38;
	[tilespmem:$0x19E00] =	vst v63  }
0x539: {  	s29 =	simm.s32 $0x188C0;
	s7 =	sadd.s32 s6, s10  }
0x53a: {  	[hbm4b:s7+s3] =	stream.linear.scatter [tilespmem:s29], [sflag:$0x8], $0x80, $0x38;
	[tilespmem:$0x19E00] =	vst v63  }
0x53b: {  	s24 =	simm.s32 $0x18948;
	s23 =	sadd.s32 $0x10, s7  }
0x53c: {  	[hbm4b:s23+s3] =	stream.linear.scatter [tilespmem:s24], [sflag:$0x8], $0x80, $0x38;
	[tilespmem:$0x19E00] =	vst v63  }
0x53d: {  	s25 =	sadd.s32 $0x20, s7;
	s29 =	simm.s32 $0x189D0  }
0x53e: {  	[hbm4b:s25+s3] =	stream.linear.scatter [tilespmem:s29], [sflag:$0x8], $0x80, $0x38;
	[tilespmem:$0x19E00] =	vst v63  }
0x53f: {  	s23 =	sadd.s32 $0x30, s7;
	s24 =	simm.s32 $0x18A58  }
0x540: {  	[hbm4b:s23+s3] =	stream.linear.scatter [tilespmem:s24], [sflag:$0x8], $0x80, $0x38;
	[tilespmem:$0x19E00] =	vst v63  }
0x541: {  	s25 =	sadd.s32 $0x40, s7;
	s29 =	simm.s32 $0x18AE0  }
0x542: {  	[hbm4b:s25+s3] =	stream.linear.scatter [tilespmem:s29], [sflag:$0x8], $0x80, $0x38;
	[tilespmem:$0x19E00] =	vst v63  }
0x543: {  	s23 =	sadd.s32 $0x50, s7;
	s24 =	simm.s32 $0x18B68  }
0x544: {  	[hbm4b:s23+s3] =	stream.linear.scatter [tilespmem:s24], [sflag:$0x8], $0x80, $0x38;
	[tilespmem:$0x19E00] =	vst v63  }
0x545: {  	s25 =	sadd.s32 $0x60, s7;
	s29 =	simm.s32 $0x18BF0  }
0x546: {  	[hbm4b:s25+s3] =	stream.linear.scatter [tilespmem:s29], [sflag:$0x8], $0x80, $0x38;
	[tilespmem:$0x19E00] =	vst v63  }
0x547: {  	s7 =	sadd.s32 $0x70, s7;
	s23 =	simm.s32 $0x18C78  }
0x548: {  	[hbm4b:s7+s3] =	stream.linear.scatter [tilespmem:s23], [sflag:$0x8], $0x80, $0x38;
	[tilespmem:$0x19E00] =	vst v63  }
0x549: {  	s24 =	simm.s32 $0x18D00;
	s7 =	sadd.s32 s6, s11  }
0x54a: {  	[hbm4b:s7+s3] =	stream.linear.scatter [tilespmem:s24], [sflag:$0x8], $0x80, $0x38;
	[tilespmem:$0x19E00] =	vst v63  }
0x54b: {  	s29 =	simm.s32 $0x18D88;
	s25 =	sadd.s32 $0x10, s7  }
0x54c: {  	[hbm4b:s25+s3] =	stream.linear.scatter [tilespmem:s29], [sflag:$0x8], $0x80, $0x38;
	[tilespmem:$0x19E00] =	vst v63  }
0x54d: {  	s23 =	sadd.s32 $0x20, s7;
	s24 =	simm.s32 $0x18E10  }
0x54e: {  	[hbm4b:s23+s3] =	stream.linear.scatter [tilespmem:s24], [sflag:$0x8], $0x80, $0x38;
	[tilespmem:$0x19E00] =	vst v63  }
0x54f: {  	s25 =	sadd.s32 $0x30, s7;
	s29 =	simm.s32 $0x18E98  }
0x550: {  	[hbm4b:s25+s3] =	stream.linear.scatter [tilespmem:s29], [sflag:$0x8], $0x80, $0x38;
	[tilespmem:$0x19E00] =	vst v63  }
0x551: {  	s23 =	sadd.s32 $0x40, s7;
	s24 =	simm.s32 $0x18F20  }
0x552: {  	[hbm4b:s23+s3] =	stream.linear.scatter [tilespmem:s24], [sflag:$0x8], $0x80, $0x38;
	[tilespmem:$0x19E00] =	vst v63  }
0x553: {  	s25 =	sadd.s32 $0x50, s7;
	s29 =	simm.s32 $0x18FA8  }
0x554: {  	[hbm4b:s25+s3] =	stream.linear.scatter [tilespmem:s29], [sflag:$0x8], $0x80, $0x38;
	[tilespmem:$0x19E00] =	vst v63  }
0x555: {  	s23 =	sadd.s32 $0x60, s7;
	s24 =	simm.s32 $0x19030  }
0x556: {  	[hbm4b:s23+s3] =	stream.linear.scatter [tilespmem:s24], [sflag:$0x8], $0x80, $0x38;
	[tilespmem:$0x19E00] =	vst v63  }
0x557: {  	s7 =	sadd.s32 $0x70, s7;
	s25 =	simm.s32 $0x190B8  }
0x558: {  	[hbm4b:s7+s3] =	stream.linear.scatter [tilespmem:s25], [sflag:$0x8], $0x80, $0x38;
	[tilespmem:$0x19E00] =	vst v63  }
0x559: {  	s29 =	simm.s32 $0x19140;
	s7 =	sadd.s32 s6, s12  }
0x55a: {  	[hbm4b:s7+s3] =	stream.linear.scatter [tilespmem:s29], [sflag:$0x8], $0x80, $0x38;
	[tilespmem:$0x19E00] =	vst v63  }
0x55b: {  	s24 =	simm.s32 $0x191C8;
	s23 =	sadd.s32 $0x10, s7  }
0x55c: {  	[hbm4b:s23+s3] =	stream.linear.scatter [tilespmem:s24], [sflag:$0x8], $0x80, $0x38;
	[tilespmem:$0x19E00] =	vst v63  }
0x55d: {  	s25 =	sadd.s32 $0x20, s7;
	s29 =	simm.s32 $0x19250  }
0x55e: {  	[hbm4b:s25+s3] =	stream.linear.scatter [tilespmem:s29], [sflag:$0x8], $0x80, $0x38;
	[tilespmem:$0x19E00] =	vst v63  }
0x55f: {  	s23 =	sadd.s32 $0x30, s7;
	s24 =	simm.s32 $0x192D8  }
0x560: {  	[hbm4b:s23+s3] =	stream.linear.scatter [tilespmem:s24], [sflag:$0x8], $0x80, $0x38;
	[tilespmem:$0x19E00] =	vst v63  }
0x561: {  	s25 =	sadd.s32 $0x40, s7;
	s29 =	simm.s32 $0x19360  }
0x562: {  	[hbm4b:s25+s3] =	stream.linear.scatter [tilespmem:s29], [sflag:$0x8], $0x80, $0x38;
	[tilespmem:$0x19E00] =	vst v63  }
0x563: {  	s23 =	sadd.s32 $0x50, s7;
	s24 =	simm.s32 $0x193E8  }
0x564: {  	[hbm4b:s23+s3] =	stream.linear.scatter [tilespmem:s24], [sflag:$0x8], $0x80, $0x38;
	[tilespmem:$0x19E00] =	vst v63  }
0x565: {  	s25 =	sadd.s32 $0x60, s7;
	s29 =	simm.s32 $0x19470  }
0x566: {  	[hbm4b:s25+s3] =	stream.linear.scatter [tilespmem:s29], [sflag:$0x8], $0x80, $0x38;
	[tilespmem:$0x19E00] =	vst v63  }
0x567: {  	s7 =	sadd.s32 $0x70, s7;
	s23 =	simm.s32 $0x194F8  }
0x568: {  	[hbm4b:s7+s3] =	stream.linear.scatter [tilespmem:s23], [sflag:$0x8], $0x80, $0x38;
	[tilespmem:$0x19E00] =	vst v63  }
0x569: {  	s24 =	simm.s32 $0x19580;
	s7 =	sadd.s32 s6, s13  }
0x56a: {  	[hbm4b:s7+s3] =	stream.linear.scatter [tilespmem:s24], [sflag:$0x8], $0x80, $0x38;
	[tilespmem:$0x19E00] =	vst v63  }
0x56b: {  	s29 =	simm.s32 $0x19608;
	s25 =	sadd.s32 $0x10, s7  }
0x56c: {  	[hbm4b:s25+s3] =	stream.linear.scatter [tilespmem:s29], [sflag:$0x8], $0x80, $0x38;
	[tilespmem:$0x19E00] =	vst v63  }
0x56d: {  	s23 =	sadd.s32 $0x20, s7;
	s24 =	simm.s32 $0x19690  }
0x56e: {  	[hbm4b:s23+s3] =	stream.linear.scatter [tilespmem:s24], [sflag:$0x8], $0x80, $0x38;
	[tilespmem:$0x19E00] =	vst v63  }
0x56f: {  	s25 =	sadd.s32 $0x30, s7;
	s29 =	simm.s32 $0x19718  }
0x570: {  	[hbm4b:s25+s3] =	stream.linear.scatter [tilespmem:s29], [sflag:$0x8], $0x80, $0x38;
	[tilespmem:$0x19E00] =	vst v63  }
0x571: {  	s23 =	sadd.s32 $0x40, s7;
	s24 =	simm.s32 $0x197A0  }
0x572: {  	[hbm4b:s23+s3] =	stream.linear.scatter [tilespmem:s24], [sflag:$0x8], $0x80, $0x38;
	[tilespmem:$0x19E00] =	vst v63  }
0x573: {  	s25 =	sadd.s32 $0x50, s7;
	s29 =	simm.s32 $0x19828  }
0x574: {  	[hbm4b:s25+s3] =	stream.linear.scatter [tilespmem:s29], [sflag:$0x8], $0x80, $0x38;
	[tilespmem:$0x19E00] =	vst v63  }
0x575: {  	s24 =	sadd.s32 $0x60, s7;
	s25 =	simm.s32 $0x198B0  }
0x576: {  	[hbm4b:s24+s3] =	stream.linear.scatter [tilespmem:s25], [sflag:$0x8], $0x80, $0x38;
	[tilespmem:$0x19E00] =	vst v63  }
0x577: {  	s7 =	sadd.s32 $0x70, s7;
	s29 =	simm.s32 $0x19938  }
0x578: {  	[hbm4b:s7+s3] =	stream.linear.scatter [tilespmem:s29], [sflag:$0x8], $0x80, $0x38;
	[tilespmem:$0x19E00] =	vst v63  }
0x579: {  	s15 =	simm.s32 $0x199C0;
	s6 =	sadd.s32 s6, s14  }
0x57a: {  	[hbm4b:s6+s3] =	stream.linear.scatter [tilespmem:s15], [sflag:$0x8], $0x80, $0x38;
	[tilespmem:$0x19E00] =	vst v63  }
0x57b: {  	s23 =	sadd.s32 $0x10, s6;
	s24 =	simm.s32 $0x19A48  }
0x57c: {  	[hbm4b:s23+s3] =	stream.linear.scatter [tilespmem:s24], [sflag:$0x8], $0x80, $0x38;
	[tilespmem:$0x19E00] =	vst v63  }
0x57d: {  	s25 =	sadd.s32 $0x20, s6;
	s29 =	simm.s32 $0x19AD0  }
0x57e: {  	[hbm4b:s25+s3] =	stream.linear.scatter [tilespmem:s29], [sflag:$0x8], $0x80, $0x38;
	[tilespmem:$0x19E00] =	vst v63  }
0x57f: {  	s23 =	sadd.s32 $0x30, s6;
	s24 =	simm.s32 $0x19B58  }
0x580: {  	[hbm4b:s23+s3] =	stream.linear.scatter [tilespmem:s24], [sflag:$0x8], $0x80, $0x38;
	[tilespmem:$0x19E00] =	vst v63  }
0x581: {  	s30 =	sadd.s32 $0x1, s30;
	s25 =	sadd.s32 $0x40, s6;
	s29 =	simm.s32 $0x19BE0  }
0x582: {  	[hbm4b:s25+s3] =	stream.linear.scatter [tilespmem:s29], [sflag:$0x8], $0x80, $0x38;
	[tilespmem:$0x19E00] =	vst v63  }
0x583: {  	p0 =	sne.s32 s30, $0x32;
	s15 =	sadd.s32 $0x50, s6;
	s23 =	simm.s32 $0x19C68  }
0x584: {  	[hbm4b:s15+s3] =	stream.linear.scatter [tilespmem:s23], [sflag:$0x8], $0x80, $0x38;
	[tilespmem:$0x19E00] =	vst v63  }
.Ltmp17:
0x585: {  	_ = 	snop;
	(pc) =	sbr.rel @p0 .LBB2_2-.Ltmp17, $4  }
0x586: {  	s24 =	sadd.s32 $0x60, s6;
	s25 =	simm.s32 $0x19CF0  }
0x587: {  	[hbm4b:s24+s3] =	stream.linear.scatter [tilespmem:s25], [sflag:$0x8], $0x80, $0x38;
	[tilespmem:$0x19E00] =	vst v63  }
0x588: {  	s6 =	sadd.s32 $0x70, s6;
	s29 =	simm.s32 $0x19D78  }
0x589: {  	[hbm4b:s6+s3] =	stream.linear.scatter [tilespmem:s29], [sflag:$0x8], $0x80, $0x38;
	[tilespmem:$0x19E00] =	vst v63  }
0x58a: {  	s6 =	simm.s32 $0x5  }
0x58b: {  	_ =	swait.ge [sflag:s6], $0x400  }
0x58c: {  	[sflag:s6] =	ssyncset.done $0x0  }
0x58d: {  	[sflag:s6] =	ssyncadd.s32 $0xFFFFFC00  }
0x58e: {  	_ =	swait.ge [sflag:s6], $0x400  }
0x58f: {  	[sflag:s6] =	ssyncset.done $0x0  }
0x590: {  	[sflag:s6] =	ssyncadd.s32 $0xFFFFFC00  }
0x591: {  	_ =	swait.ge [sflag:s6], $0x400  }
0x592: {  	[sflag:s6] =	ssyncset.done $0x0  }
0x593: {  	[sflag:s6] =	ssyncadd.s32 $0xFFFFFC00  }
0x594: {  	_ =	swait.ge [sflag:s6], $0x400  }
0x595: {  	[sflag:s6] =	ssyncset.done $0x0  }
0x596: {  	[sflag:s6] =	ssyncadd.s32 $0xFFFFFC00  }
0x597: {  	_ =	swait.ge [sflag:s6], $0x400  }
0x598: {  	[sflag:s6] =	ssyncset.done $0x0  }
0x599: {  	[sflag:s6] =	ssyncadd.s32 $0xFFFFFC00  }
0x59a: {  	_ =	swait.ge [sflag:s6], $0x400  }
0x59b: {  	[sflag:s6] =	ssyncset.done $0x0  }
0x59c: {  	[sflag:s6] =	ssyncadd.s32 $0xFFFFFC00  }
0x59d: {  	_ =	swait.ge [sflag:s6], $0x400  }
0x59e: {  	[sflag:s6] =	ssyncset.done $0x0  }
0x59f: {  	[sflag:s6] =	ssyncadd.s32 $0xFFFFFC00  }
0x5a0: {  	_ =	swait.ge [sflag:s6], $0x400  }
0x5a1: {  	[sflag:s6] =	ssyncset.done $0x0  }
0x5a2: {  	[sflag:s6] =	ssyncadd.s32 $0xFFFFFC00  }
0x5a3: {  	_ =	swait.ge [sflag:s21], $0x400  }
0x5a4: {  	[sflag:s21] =	ssyncset.done $0x0  }
0x5a5: {  	[sflag:s21] =	ssyncadd.s32 $0xFFFFFC00  }
0x5a6: {  	_ =	swait.ge [sflag:s21], $0x400  }
0x5a7: {  	[sflag:s21] =	ssyncset.done $0x0  }
0x5a8: {  	[sflag:s21] =	ssyncadd.s32 $0xFFFFFC00  }
0x5a9: {  	_ =	swait.ge [sflag:s21], $0x400  }
0x5aa: {  	[sflag:s21] =	ssyncset.done $0x0  }
0x5ab: {  	[sflag:s21] =	ssyncadd.s32 $0xFFFFFC00  }
0x5ac: {  	_ =	swait.ge [sflag:s21], $0x400  }
0x5ad: {  	[sflag:s21] =	ssyncset.done $0x0  }
0x5ae: {  	[sflag:s21] =	ssyncadd.s32 $0xFFFFFC00  }
0x5af: {  	_ =	swait.ge [sflag:s21], $0x400  }
0x5b0: {  	[sflag:s21] =	ssyncset.done $0x0  }
0x5b1: {  	[sflag:s21] =	ssyncadd.s32 $0xFFFFFC00  }
0x5b2: {  	_ =	swait.ge [sflag:s21], $0x400  }
0x5b3: {  	[sflag:s21] =	ssyncset.done $0x0  }
0x5b4: {  	[sflag:s21] =	ssyncadd.s32 $0xFFFFFC00  }
0x5b5: {  	_ =	swait.ge [sflag:s21], $0x400  }
0x5b6: {  	[sflag:s21] =	ssyncset.done $0x0  }
0x5b7: {  	[sflag:s21] =	ssyncadd.s32 $0xFFFFFC00  }
0x5b8: {  	_ =	swait.ge [sflag:s21], $0x400  }
0x5b9: {  	[sflag:s21] =	ssyncset.done $0x0  }
0x5ba: {  	[sflag:s21] =	ssyncadd.s32 $0xFFFFFC00  }
0x5bb: {  	_ =	swait.ge [sflag:s17], $0x400  }
0x5bc: {  	[sflag:s17] =	ssyncset.done $0x0  }
0x5bd: {  	[sflag:s17] =	ssyncadd.s32 $0xFFFFFC00  }
0x5be: {  	_ =	swait.ge [sflag:s17], $0x400  }
0x5bf: {  	[sflag:s17] =	ssyncset.done $0x0  }
0x5c0: {  	[sflag:s17] =	ssyncadd.s32 $0xFFFFFC00  }
0x5c1: {  	_ =	swait.ge [sflag:s17], $0x400  }
0x5c2: {  	[sflag:s17] =	ssyncset.done $0x0  }
0x5c3: {  	[sflag:s17] =	ssyncadd.s32 $0xFFFFFC00  }
0x5c4: {  	_ =	swait.ge [sflag:s17], $0x400  }
0x5c5: {  	[sflag:s17] =	ssyncset.done $0x0  }
0x5c6: {  	[sflag:s17] =	ssyncadd.s32 $0xFFFFFC00  }
0x5c7: {  	_ =	swait.ge [sflag:s17], $0x400  }
0x5c8: {  	[sflag:s17] =	ssyncset.done $0x0  }
0x5c9: {  	[sflag:s17] =	ssyncadd.s32 $0xFFFFFC00  }
0x5ca: {  	_ =	swait.ge [sflag:s17], $0x400  }
0x5cb: {  	[sflag:s17] =	ssyncset.done $0x0  }
0x5cc: {  	[sflag:s17] =	ssyncadd.s32 $0xFFFFFC00  }
0x5cd: {  	_ =	swait.ge [sflag:s17], $0x400  }
0x5ce: {  	[sflag:s17] =	ssyncset.done $0x0  }
0x5cf: {  	[sflag:s17] =	ssyncadd.s32 $0xFFFFFC00  }
0x5d0: {  	_ =	swait.ge [sflag:s17], $0x400  }
0x5d1: {  	[sflag:s17] =	ssyncset.done $0x0  }
0x5d2: {  	[sflag:s17] =	ssyncadd.s32 $0xFFFFFC00  }
0x5d3: {  	_ =	swait.ge [sflag:s0], $0x400  }
0x5d4: {  	[sflag:s0] =	ssyncset.done $0x0  }
0x5d5: {  	[sflag:s0] =	ssyncadd.s32 $0xFFFFFC00  }
0x5d6: {  	_ =	swait.ge [sflag:s0], $0x400  }
0x5d7: {  	[sflag:s0] =	ssyncset.done $0x0  }
0x5d8: {  	[sflag:s0] =	ssyncadd.s32 $0xFFFFFC00  }
0x5d9: {  	_ =	swait.ge [sflag:s0], $0x400  }
0x5da: {  	[sflag:s0] =	ssyncset.done $0x0  }
0x5db: {  	[sflag:s0] =	ssyncadd.s32 $0xFFFFFC00  }
0x5dc: {  	_ =	swait.ge [sflag:s0], $0x400  }
0x5dd: {  	[sflag:s0] =	ssyncset.done $0x0  }
0x5de: {  	[sflag:s0] =	ssyncadd.s32 $0xFFFFFC00  }
0x5df: {  	_ =	swait.ge [sflag:s0], $0x400  }
0x5e0: {  	[sflag:s0] =	ssyncset.done $0x0  }
0x5e1: {  	[sflag:s0] =	ssyncadd.s32 $0xFFFFFC00  }
0x5e2: {  	_ =	swait.ge [sflag:s0], $0x400  }
0x5e3: {  	[sflag:s0] =	ssyncset.done $0x0  }
0x5e4: {  	[sflag:s0] =	ssyncadd.s32 $0xFFFFFC00  }
0x5e5: {  	_ =	swait.ge [sflag:s0], $0x400  }
0x5e6: {  	[sflag:s0] =	ssyncset.done $0x0  }
0x5e7: {  	[sflag:s0] =	ssyncadd.s32 $0xFFFFFC00  }
0x5e8: {  	_ =	swait.ge [sflag:s0], $0x400  }
0x5e9: {  	s7 =	rddreg [dreg:$0x7]  }
0x5ea: {  	s30 =	rddreg [dreg:$0x6];
	s7 =	sadd.s32 $0x1, s7  }
0x5eb: {  	p0 =	sne.s32 s7, s30  }
.Ltmp18:
0x5ec: {  	_ = 	snop;
	(pc) =	sbr.rel @p0 .LBB2_1-.Ltmp18, $3  }
0x5ed: {  	_ =	sdelay $0x1  }
0x5ee: {  	[sflag:s0] =	ssyncset.done $0x0  }
0x5ef: {  	[sflag:s0] =	ssyncadd.s32 $0xFFFFFC00  }
0x5f0: {  	_ =	sfence.sel $0x180000  }
0x5f1: {  	[bflag:$0x0] =	sbarrier.arrive $0xFFFF  }
0x5f2: {  	_ =	strace $0x90000047  }
0x5f3: {  	s0 =	stileid.u32;
	[bflag:$0x2] =	sbarrier.arrive $0xFFFF  }
0x5f4: {  	p0 =	sne.s32 s0, $0x0;
	s0 =	rddreg [dreg:$0x3]  }
0x5f5: {  	s0 =	sadd.s32 @!p0 $0x100000, s0  }
0x5f6: {  	[sflag:s0] =	ssyncadd.tile.s32 @!p0 $0x1;
	_ =	shalt  }
.Lfunc_end2:
_tile_overlayer_lowered:
.L_overlay_start_2:
0x5f7: {  	(tag) =	ssettag $0x2  }
0x5f8: {  	s0 =	rddreg [dreg:$0x0];
	s2 =	stileid.u32  }
0x5f9: {  	s1 =	rddreg [dreg:$0x1];
	p0 =	sne.s32 s2, $0x0  }
0x5fa: {  	s3 =	rddreg [dreg:$0x2];
	[bflag:$0x3] =	sbarrier.arrive $0xFFFF;
	s2 =	simm.s32 @!p0 $0x1C09  }
0x5fb: {  	[timem:s3], [sflag:s2] =	dma.local @!p0 [hbm:s0], s1  }
0x5fc: {  	s0 =	simm.s32 @!p0 $0x9  }
0x5fd: {  	_ =	swait.ge @!p0 [sflag:s0], s1  }
0x5fe: {  	s1 =	ssub.s32 @!p0 $0x0, s1;
	[sflag:s0] =	ssyncset.done @!p0 $0x0  }
0x5ff: {  	[sflag:s0] =	ssyncadd.s32 @!p0 s1  }
0x600: {  	[bflag:$0x3] =	sbarrier.arrive $0xFFFF  }
0x601: {  	_ =	shalt  }

</sc_bundles>
